<compile_context>
chip_gen: v7x
topology: tpu7x:2x2x1
jax: 0.10.2.dev20260603
libtpu: 0.0.44.dev20260713+nightly
codegen_flags: <defaults>
</compile_context>

<pallas_src>
import functools

import jax
import jax.numpy as jnp
from jax import lax
from jax.experimental import pallas as pl
from jax.experimental.pallas import tpu as pltpu

N, E, D, H, C = 10000, 160000, 128, 6000, 1000
HP = 6144
CP = 1024
NCHUNK = CP // 128
EP = 163840
NPAD = 10240
BN_ROWS = 1000


def _t1_body(x_ref, wp_ref, bp_ref, xp_ref):
    acc = jnp.dot(x_ref[...], wp_ref[...], preferred_element_type=jnp.float32)
    xp_ref[...] = jnp.maximum(acc + bp_ref[0][None, :], 0.0)


def _t1(x, Wp, bp):
    return pl.pallas_call(
        _t1_body,
        grid=(N // BN_ROWS,),
        in_specs=[
            pl.BlockSpec((BN_ROWS, D), lambda i: (i, 0)),
            pl.BlockSpec((D, D), lambda i: (0, 0)),
            pl.BlockSpec((1, D), lambda i: (0, 0)),
        ],
        out_specs=pl.BlockSpec((BN_ROWS, D), lambda i: (i, 0)),
        out_shape=jax.ShapeDtypeStruct((N, D), jnp.float32),
    )(x, Wp, bp)


def _t2a_body(sums_ref, cnt_ref, agg_ref, invc_ref):
    s = sums_ref[0] + sums_ref[1]
    c = cnt_ref[0, :, 0] + cnt_ref[1, :, 0]
    inv = 1.0 / jnp.maximum(c, 1.0)
    agg_ref[...] = s * inv[:, None]
    invc_ref[...] = jnp.broadcast_to(inv[:, None], invc_ref.shape)


def _t2a(sums, cnt):
    return pl.pallas_call(
        _t2a_body,
        grid=(N // BN_ROWS,),
        in_specs=[
            pl.BlockSpec((2, BN_ROWS, D), lambda i: (0, i, 0)),
            pl.BlockSpec((2, BN_ROWS, 128), lambda i: (0, i, 0)),
        ],
        out_specs=[
            pl.BlockSpec((BN_ROWS, D), lambda i: (i, 0)),
            pl.BlockSpec((BN_ROWS, 8), lambda i: (i, 0)),
        ],
        out_shape=[
            jax.ShapeDtypeStruct((N, D), jnp.float32),
            jax.ShapeDtypeStruct((N, 8), jnp.float32),
        ],
    )(sums, cnt)


def _t2_body(agg_ref, x_ref, w1l_ref, w1r_ref, b1_ref,
             h_ref, colsum_ref, colsq_ref):
    i = pl.program_id(1)
    agg = agg_ref[...]
    hblk = (jnp.dot(agg, w1l_ref[...], preferred_element_type=jnp.float32)
            + jnp.dot(x_ref[...], w1r_ref[...], preferred_element_type=jnp.float32)
            + b1_ref[0][None, :])
    h_ref[...] = hblk.astype(jnp.bfloat16)

    @pl.when(i == 0)
    def _():
        colsum_ref[...] = jnp.zeros_like(colsum_ref)
        colsq_ref[...] = jnp.zeros_like(colsq_ref)

    ps = jnp.sum(hblk, axis=0)
    colsum_ref[...] += jnp.broadcast_to(ps[None, :], colsum_ref.shape)
    pq = jnp.sum(hblk * hblk, axis=0)
    colsq_ref[...] += jnp.broadcast_to(pq[None, :], colsq_ref.shape)


def _t2(agg, x, W1l_p, W1r_p, b1_p):
    BH = 512
    grid = (HP // BH, N // BN_ROWS)
    return pl.pallas_call(
        _t2_body,
        grid=grid,
        in_specs=[
            pl.BlockSpec((BN_ROWS, D), lambda j, i: (i, 0)),
            pl.BlockSpec((BN_ROWS, D), lambda j, i: (i, 0)),
            pl.BlockSpec((D, BH), lambda j, i: (0, j)),
            pl.BlockSpec((D, BH), lambda j, i: (0, j)),
            pl.BlockSpec((1, BH), lambda j, i: (0, j)),
        ],
        out_specs=[
            pl.BlockSpec((BN_ROWS, BH), lambda j, i: (i, j)),
            pl.BlockSpec((8, BH), lambda j, i: (0, j)),
            pl.BlockSpec((8, BH), lambda j, i: (0, j)),
        ],
        out_shape=[
            jax.ShapeDtypeStruct((N, HP), jnp.bfloat16),
            jax.ShapeDtypeStruct((8, HP), jnp.float32),
            jax.ShapeDtypeStruct((8, HP), jnp.float32),
        ],
    )(agg, x, W1l_p, W1r_p, b1_p)


def _t3_body(h_ref, colsum_ref, colsq_ref, gamma_ref, beta_ref,
             w2_ref, z_ref):
    k = pl.program_id(1)
    m = colsum_ref[0] * (1.0 / N)
    var = colsq_ref[0] * (1.0 / N) - m * m
    scale = gamma_ref[0] * lax.rsqrt(var + 1e-5)
    shift = beta_ref[0] - m * scale
    hf = h_ref[...].astype(jnp.float32)
    hn = jnp.maximum(hf * scale[None, :] + shift[None, :],
                     0.0).astype(jnp.bfloat16)

    bk, cp = w2_ref.shape
    rowi = lax.broadcasted_iota(jnp.int32, (bk, cp), 0) + k * bk
    coli = lax.broadcasted_iota(jnp.int32, (bk, cp), 1)
    valid = (rowi < H) & (coli < C)
    zero = jnp.zeros((), jnp.bfloat16)
    w2 = jnp.where(valid, w2_ref[...], zero)

    @pl.when(k == 0)
    def _():
        z_ref[...] = jnp.zeros_like(z_ref)

    z_ref[...] += jnp.dot(hn, w2, preferred_element_type=jnp.float32)


def _t3(h, colsum, colsq, gamma_p, beta_p, W2_b):
    BK = 768
    BN3 = 2000
    grid = (N // BN3, HP // BK)
    return pl.pallas_call(
        _t3_body,
        grid=grid,
        in_specs=[
            pl.BlockSpec((BN3, BK), lambda i, k: (i, k)),
            pl.BlockSpec((8, BK), lambda i, k: (0, k)),
            pl.BlockSpec((8, BK), lambda i, k: (0, k)),
            pl.BlockSpec((1, BK), lambda i, k: (0, k)),
            pl.BlockSpec((1, BK), lambda i, k: (0, k)),
            pl.BlockSpec((BK, CP), lambda i, k: (k, 0)),
        ],
        out_specs=pl.BlockSpec((BN3, CP), lambda i, k: (i, 0)),
        out_shape=jax.ShapeDtypeStruct((N, CP), jnp.float32),
    )(h, colsum, colsq, gamma_p, beta_p, W2_b)


def _t4_body(agg2_ref, invc_ref, hr_ref, b2_ref, out_ref):
    inv = invc_ref[:, 0]
    out_ref[...] = (agg2_ref[0] * inv[:, None] + b2_ref[0][None, :]
                    + hr_ref[...])


def _t4(agg2, invc, hr, b2_p):
    grid = (NCHUNK, N // BN_ROWS)
    return pl.pallas_call(
        _t4_body,
        grid=grid,
        in_specs=[
            pl.BlockSpec((1, BN_ROWS, 128), lambda j, i: (j, i, 0)),
            pl.BlockSpec((BN_ROWS, 8), lambda j, i: (i, 0)),
            pl.BlockSpec((BN_ROWS, 128), lambda j, i: (i, j)),
            pl.BlockSpec((1, 128), lambda j, i: (0, j)),
        ],
        out_specs=pl.BlockSpec((BN_ROWS, 128), lambda j, i: (i, j)),
        out_shape=jax.ShapeDtypeStruct((N, C), jnp.float32),
    )(agg2, invc, hr, b2_p)


from jax.experimental.pallas import tpu_sc as plsc

NCORE, NSUB = 2, 16
ROWS_A = (EP // 128) // (NCORE * NSUB)
ROWS_B = (EP // 128) // NSUB
SLICE = NPAD // NSUB
CC_PER_CORE = NCHUNK // NCORE


def _sc_mesh():
    return plsc.VectorSubcoreMesh(core_axis_name="c", subcore_axis_name="s")


def _gather_scatter(tbl, srcb, dstb, acc, rows, sem0, sem1, nb):
    pltpu.async_copy(tbl.at[srcb.at[0]], rows.at[0], sem0)

    def pair(p, carry):
        g = 2 * p
        pltpu.async_copy(tbl.at[srcb.at[g + 1]], rows.at[1], sem1)
        pltpu.make_async_copy(tbl.at[srcb.at[g]], rows.at[0], sem0).wait()
        pltpu.sync_copy(rows.at[0], acc.at[dstb.at[g]], add=True)

        @pl.when(p + 1 < nb // 2)
        def _():
            pltpu.async_copy(tbl.at[srcb.at[g + 2]], rows.at[0], sem0)

        pltpu.make_async_copy(tbl.at[srcb.at[g + 1]], rows.at[1],
                              sem1).wait()
        pltpu.sync_copy(rows.at[1], acc.at[dstb.at[g + 1]], add=True)
        return carry

    lax.fori_loop(0, nb // 2, pair, 0)


def _zero_acc(zhbm, acc, base, nrows):
    for r in range(nrows // 128):
        pltpu.sync_copy(zhbm, acc.at[pl.ds(base + r * 128, 128)])


def _cnt_sc(dst2d, zeros128, ones128):
    @functools.partial(
        pl.kernel,
        mesh=_sc_mesh(),
        out_type=jax.ShapeDtypeStruct((NCORE, NPAD, 128), jnp.float32),
        scratch_types=[
            pltpu.VMEM_SHARED((NPAD, 128), jnp.float32),
            pltpu.VMEM((ROWS_A, 128), jnp.int32),
            pltpu.VMEM((128, 128), jnp.float32),
            pltpu.SemaphoreType.DMA,
        ],
    )
    def k(dst_hbm, z128_hbm, o128_hbm, cnt_hbm, acc, dstb, ones, sem0):
        c = lax.axis_index("c")
        s = lax.axis_index("s")
        tid = c * NSUB + s
        pltpu.sync_copy(dst_hbm.at[pl.ds(tid * ROWS_A, ROWS_A)], dstb)
        base = s * SLICE
        _zero_acc(z128_hbm, acc, base, SLICE)
        pltpu.sync_copy(o128_hbm, ones)
        plsc.subcore_barrier()

        def fire(g, carry):
            pltpu.async_copy(ones, acc.at[dstb.at[g]], sem0, add=True)
            return carry

        lax.fori_loop(0, ROWS_A, fire, 0)

        def drain(g, carry):
            pltpu.make_async_copy(ones, acc.at[dstb.at[g]], sem0).wait()
            return carry

        lax.fori_loop(0, ROWS_A, drain, 0)
        plsc.subcore_barrier()
        pltpu.sync_copy(acc.at[pl.ds(base, SLICE)],
                        cnt_hbm.at[c, pl.ds(base, SLICE)])

    return k(dst2d, zeros128, ones128)


def _agg1_sc(xp, src2d, dst2d, zeros128):
    @functools.partial(
        pl.kernel,
        mesh=_sc_mesh(),
        out_type=jax.ShapeDtypeStruct((NCORE, NPAD, 128), jnp.float32),
        scratch_types=[
            pltpu.VMEM_SHARED((NPAD, 128), jnp.float32),
            pltpu.VMEM((ROWS_A, 128), jnp.int32),
            pltpu.VMEM((ROWS_A, 128), jnp.int32),
            pltpu.VMEM((2, 128, 128), jnp.float32),
            pltpu.SemaphoreType.DMA,
            pltpu.SemaphoreType.DMA,
        ],
    )
    def k(xp_hbm, src_hbm, dst_hbm, z128_hbm,
          sums_hbm, acc, srcb, dstb, rows, sem0, sem1):
        c = lax.axis_index("c")
        s = lax.axis_index("s")
        tid = c * NSUB + s
        pltpu.sync_copy(src_hbm.at[pl.ds(tid * ROWS_A, ROWS_A)], srcb)
        pltpu.sync_copy(dst_hbm.at[pl.ds(tid * ROWS_A, ROWS_A)], dstb)
        base = s * SLICE
        _zero_acc(z128_hbm, acc, base, SLICE)
        plsc.subcore_barrier()

        _gather_scatter(xp_hbm, srcb, dstb, acc, rows, sem0, sem1, ROWS_A)
        plsc.subcore_barrier()
        pltpu.sync_copy(acc.at[pl.ds(base, SLICE)],
                        sums_hbm.at[c, pl.ds(base, SLICE)])

    return k(xp, src2d, dst2d, zeros128)


def _agg2_sc(zflat, src8, dst2d, zeros128):
    @functools.partial(
        pl.kernel,
        mesh=_sc_mesh(),
        out_type=jax.ShapeDtypeStruct((NCHUNK, NPAD, 128), jnp.float32),
        scratch_types=[
            pltpu.VMEM_SHARED((NPAD, 128), jnp.float32),
            pltpu.VMEM((ROWS_B // 2, 128), jnp.int32),
            pltpu.VMEM((ROWS_B // 2, 128), jnp.int32),
            pltpu.VMEM((2, 128, 128), jnp.float32),
            pltpu.SemaphoreType.DMA,
            pltpu.SemaphoreType.DMA,
        ],
    )
    def k(z_hbm, src_hbm, dst_hbm, z128_hbm,
          sums_hbm, acc, srcb, dstb, rows, sem0, sem1):
        c = lax.axis_index("c")
        s = lax.axis_index("s")
        base = s * SLICE
        for cc in range(CC_PER_CORE):
            chunk = c * CC_PER_CORE + cc
            _zero_acc(z128_hbm, acc, base, SLICE)
            plsc.subcore_barrier()
            for hf in range(2):
                rowbase = s * ROWS_B + hf * (ROWS_B // 2)
                pltpu.sync_copy(
                    src_hbm.at[chunk, pl.ds(rowbase, ROWS_B // 2)], srcb)
                pltpu.sync_copy(
                    dst_hbm.at[pl.ds(rowbase, ROWS_B // 2)], dstb)
                _gather_scatter(z_hbm, srcb, dstb, acc, rows,
                                sem0, sem1, ROWS_B // 2)
            plsc.subcore_barrier()
            pltpu.sync_copy(acc.at[pl.ds(base, SLICE)],
                            sums_hbm.at[chunk, pl.ds(base, SLICE)])
            plsc.subcore_barrier()

    return k(zflat, src8, dst2d, zeros128)


def kernel(x, edge_index, W_proj, b_proj, W1_l, b1_l, W1_r, gamma, beta,
           W2_l, b2_l, W2_r):
    src, dst = edge_index[0], edge_index[1]

    W1l_p = jnp.pad(W1_l, ((0, 0), (0, HP - H)))
    W1r_p = jnp.pad(W1_r, ((0, 0), (0, HP - H)))
    b1_p = jnp.pad(b1_l, (0, HP - H)).reshape(1, HP)
    gamma_p = jnp.pad(gamma, (0, HP - H)).reshape(1, HP)
    beta_p = jnp.pad(beta, (0, HP - H)).reshape(1, HP)
    b2_p = jnp.pad(b2_l, (0, CP - C)).reshape(1, CP)
    bp = b_proj.reshape(1, D)

    pad = EP - E
    ar = jnp.arange(pad, dtype=jnp.int32)
    srcp = jnp.concatenate([src, (ar * 37) % N])
    dstp = jnp.concatenate([dst, N + (ar % (NPAD - N))])
    src2d = srcp.reshape(EP // 128, 128)
    dst2d = dstp.reshape(EP // 128, 128)
    src8 = (srcp[None, :] * NCHUNK
            + jnp.arange(NCHUNK, dtype=jnp.int32)[:, None]
            ).reshape(NCHUNK, EP // 128, 128)
    zeros128 = jnp.zeros((128, 128), jnp.float32)
    ones128 = jnp.ones((128, 128), jnp.float32)

    cnt1 = _cnt_sc(dst2d, zeros128, ones128)
    xp = _t1(x, W_proj, bp)

    sums1 = _agg1_sc(xp, src2d, dst2d, zeros128)

    agg1, invc = _t2a(sums1, cnt1)
    h, colsum, colsq = _t2(agg1, x, W1l_p, W1r_p, b1_p)
    z = _t3(h, colsum, colsq, gamma_p, beta_p,
            W2_l.astype(jnp.bfloat16))

    agg2 = _agg2_sc(z.reshape(N * NCHUNK, 128), src8, dst2d, zeros128)

    hr = _t3(h, colsum, colsq, gamma_p, beta_p,
             W2_r.astype(jnp.bfloat16))

    out = _t4(agg2, invc, hr, b2_p)
    return out

# --- scband reference (transcript-rebuilt; emitter-appended) ---
"""Pipeline reference for scband-net-59021440582147 (READ-ONLY COPY).

The authoritative reference and input builder live on the scoring server;
editing this copy changes nothing except your own understanding.
"""

import jax, jax.numpy as jnp
import numpy as np

N, E, D, H, C = 10000, 160000, 128, 6000, 1000

def setup_inputs(seed: int = 0):
    key = jax.random.key(seed)
    ks = jax.random.split(key, 8)
    def lin(k, fi, fo):
        return (jax.random.normal(k, (fi, fo), dtype=jnp.float32) / np.sqrt(fi)).astype(jnp.float32)
    x = jax.random.normal(ks[0], (N, D), dtype=jnp.float32)
    edge_index = jax.random.randint(ks[1], (2, E), 0, N, dtype=jnp.int32)
    W_proj = lin(ks[2], D, D)
    b_proj = jnp.zeros((D,), jnp.float32)
    W1_l = lin(ks[3], D, H)
    b1_l = jnp.zeros((H,), jnp.float32)
    W1_r = lin(ks[4], D, H)
    gamma = jnp.ones((H,), jnp.float32)
    beta = jnp.zeros((H,), jnp.float32)
    W2_l = lin(ks[5], H, C)
    b2_l = jnp.zeros((C,), jnp.float32)
    W2_r = lin(ks[6], H, C)
    return dict(x=x, edge_index=edge_index, W_proj=W_proj, b_proj=b_proj,
                W1_l=W1_l, b1_l=b1_l, W1_r=W1_r, gamma=gamma, beta=beta,
                W2_l=W2_l, b2_l=b2_l, W2_r=W2_r)

def _mean_aggr(feat, src, dst, num_nodes):
    msg = jnp.take(feat, src, axis=0)
    s = jax.ops.segment_sum(msg, dst, num_segments=num_nodes)
    cnt = jax.ops.segment_sum(jnp.ones((dst.shape[0],), jnp.float32), dst, num_segments=num_nodes)
    return s / jnp.maximum(cnt, 1.0)[:, None]

def reference(x, edge_index, W_proj, b_proj, W1_l, b1_l, W1_r, gamma, beta, W2_l, b2_l, W2_r):
    src, dst = edge_index[0], edge_index[1]
    n = x.shape[0]
    # SAGEConv(128 -> 6000, project=True): project+relu sources, mean-aggregate, lin_l + lin_r(root)
    xp = jax.nn.relu(x @ W_proj + b_proj)
    agg1 = _mean_aggr(xp, src, dst, n)
    h = agg1 @ W1_l + b1_l + x @ W1_r
    # BatchNorm (training-mode batch statistics over nodes)
    mu = jnp.mean(h, axis=0)
    var = jnp.var(h, axis=0)
    h = (h - mu) / jnp.sqrt(var + 1e-5) * gamma + beta
    h = jax.nn.relu(h)
    # SAGEConv(6000 -> 1000): mean aggregation commutes with the linear map,
    # so project first to keep the gathered edge tensor at width C instead of H
    z = h @ W2_l
    agg2 = _mean_aggr(z, src, dst, n)
    out = agg2 + b2_l + h @ W2_r
    return out

if __name__ == "__main__":
    import jax
    _d = setup_inputs()
    print(jax.jit(kernel)(*tuple(_d.values())))

</pallas_src>

<mosaic_0001>
#map = affine_map<(d0, d1) -> (0, 0)>
#map1 = affine_map<(d0, d1) -> (0, 0, 0)>
module attributes {stable_mosaic.version = 14 : i64} {
  func.func @k(%arg0: i32, %arg1: i32, %arg2: memref<1280x128xi32, #tpu.memory_space<hbm>>, %arg3: memref<128x128xf32, #tpu.memory_space<hbm>>, %arg4: memref<128x128xf32, #tpu.memory_space<hbm>>, %arg5: memref<2x10240x128xf32, #tpu.memory_space<hbm>>, %arg6: memref<10240x128xf32, #tpu.memory_space<vmem_shared>>, %arg7: memref<40x128xi32, #tpu.memory_space<vmem>>, %arg8: memref<128x128xf32, #tpu.memory_space<vmem>>, %arg9: memref<!tpu.dma_semaphore, #tpu.memory_space<semaphore_mem>>) attributes {dimension_semantics = [#tpu.dimension_semantics<core_parallel>, #tpu.dimension_semantics<subcore_parallel>], iteration_bounds = array<i64: 2, 16>, scalar_prefetch = 0 : i64, scratch_operands = 4 : i64, tpu.core_type = #tpu.core_type<sc_vector_subcore>, window_params = [{transform_indices = #map}, {transform_indices = #map}, {transform_indices = #map}, {transform_indices = #map1}]} {
    %mul3A = arith.constant 16 : i32
    %mul3A_0 = arith.muli %arg0, %mul3A : i32
    %add3A = arith.addi %mul3A_0, %arg1 : i32
    %mul3A_1 = arith.constant 40 : i32
    %mul3A_2 = arith.muli %add3A, %mul3A_1 : i32
    "tpu.region"() ({
      %run_scoped3A = tpu.sem_alloc : memref<!tpu.dma_semaphore, #tpu.memory_space<semaphore_mem>>
      %dma_start3A = arith.constant 0 : i32
      %dma_start3A_27 = tpu.memref_slice %arg2[%mul3A_2, %dma_start3A] : memref<1280x128xi32, #tpu.memory_space<hbm>> -> memref<40x128xi32, #tpu.memory_space<hbm>>
      %dma_start3A_28 = arith.constant 0 : i32
      %dma_start3A_29 = tpu.memref_slice %arg2[%mul3A_2, %dma_start3A_28] : memref<1280x128xi32, #tpu.memory_space<hbm>> -> memref<40x128xi32, #tpu.memory_space<hbm>>
      tpu.enqueue_dma source(%dma_start3A_29 : memref<40x128xi32, #tpu.memory_space<hbm>>) target(%arg7 : memref<40x128xi32, #tpu.memory_space<vmem>>) target_semaphore(%run_scoped3A : memref<!tpu.dma_semaphore, #tpu.memory_space<semaphore_mem>>)
      %dma_wait3A = arith.constant 0 : i32
      %dma_wait3A_30 = tpu.memref_slice %arg2[%mul3A_2, %dma_wait3A] : memref<1280x128xi32, #tpu.memory_space<hbm>> -> memref<40x128xi32, #tpu.memory_space<hbm>>
      %dma_wait3A_31 = arith.constant 0 : i32
      %dma_wait3A_32 = tpu.memref_slice %arg2[%mul3A_2, %dma_wait3A_31] : memref<1280x128xi32, #tpu.memory_space<hbm>> -> memref<40x128xi32, #tpu.memory_space<hbm>>
      tpu.wait_dma2 semaphore(%run_scoped3A : memref<!tpu.dma_semaphore, #tpu.memory_space<semaphore_mem>>) src(%dma_wait3A_32 : memref<40x128xi32, #tpu.memory_space<hbm>>) dst(%arg7 : memref<40x128xi32, #tpu.memory_space<vmem>>)
      tpu.yield
    }) : () -> ()
    %mul3A_3 = arith.constant 640 : i32
    %mul3A_4 = arith.muli %arg1, %mul3A_3 : i32
    %add3A_5 = arith.constant 0 : i32
    %add3A_6 = arith.addi %mul3A_4, %add3A_5 : i32
    "tpu.region"() ({
      %run_scoped3A = tpu.sem_alloc : memref<!tpu.dma_semaphore, #tpu.memory_space<semaphore_mem>>
      %dma_start3A = arith.constant 0 : i32
      %dma_start3A_27 = tpu.memref_slice %arg6[%add3A_6, %dma_start3A] : memref<10240x128xf32, #tpu.memory_space<vmem_shared>> -> memref<128x128xf32, #tpu.memory_space<vmem_shared>>
      tpu.enqueue_dma source(%arg3 : memref<128x128xf32, #tpu.memory_space<hbm>>) target(%dma_start3A_27 : memref<128x128xf32, #tpu.memory_space<vmem_shared>>) target_semaphore(%run_scoped3A : memref<!tpu.dma_semaphore, #tpu.memory_space<semaphore_mem>>)
      %dma_wait3A = arith.constant 0 : i32
      %dma_wait3A_28 = tpu.memref_slice %arg6[%add3A_6, %dma_wait3A] : memref<10240x128xf32, #tpu.memory_space<vmem_shared>> -> memref<128x128xf32, #tpu.memory_space<vmem_shared>>
      tpu.wait_dma2 semaphore(%run_scoped3A : memref<!tpu.dma_semaphore, #tpu.memory_space<semaphore_mem>>) src(%arg3 : memref<128x128xf32, #tpu.memory_space<hbm>>) dst(%dma_wait3A_28 : memref<128x128xf32, #tpu.memory_space<vmem_shared>>)
      tpu.yield
    }) : () -> ()
    %add3A_7 = arith.constant 128 : i32
    %add3A_8 = arith.addi %mul3A_4, %add3A_7 : i32
    "tpu.region"() ({
      %run_scoped3A = tpu.sem_alloc : memref<!tpu.dma_semaphore, #tpu.memory_space<semaphore_mem>>
      %dma_start3A = arith.constant 0 : i32
      %dma_start3A_27 = tpu.memref_slice %arg6[%add3A_8, %dma_start3A] : memref<10240x128xf32, #tpu.memory_space<vmem_shared>> -> memref<128x128xf32, #tpu.memory_space<vmem_shared>>
      tpu.enqueue_dma source(%arg3 : memref<128x128xf32, #tpu.memory_space<hbm>>) target(%dma_start3A_27 : memref<128x128xf32, #tpu.memory_space<vmem_shared>>) target_semaphore(%run_scoped3A : memref<!tpu.dma_semaphore, #tpu.memory_space<semaphore_mem>>)
      %dma_wait3A = arith.constant 0 : i32
      %dma_wait3A_28 = tpu.memref_slice %arg6[%add3A_8, %dma_wait3A] : memref<10240x128xf32, #tpu.memory_space<vmem_shared>> -> memref<128x128xf32, #tpu.memory_space<vmem_shared>>
      tpu.wait_dma2 semaphore(%run_scoped3A : memref<!tpu.dma_semaphore, #tpu.memory_space<semaphore_mem>>) src(%arg3 : memref<128x128xf32, #tpu.memory_space<hbm>>) dst(%dma_wait3A_28 : memref<128x128xf32, #tpu.memory_space<vmem_shared>>)
      tpu.yield
    }) : () -> ()
    %add3A_9 = arith.constant 256 : i32
    %add3A_10 = arith.addi %mul3A_4, %add3A_9 : i32
    "tpu.region"() ({
      %run_scoped3A = tpu.sem_alloc : memref<!tpu.dma_semaphore, #tpu.memory_space<semaphore_mem>>
      %dma_start3A = arith.constant 0 : i32
      %dma_start3A_27 = tpu.memref_slice %arg6[%add3A_10, %dma_start3A] : memref<10240x128xf32, #tpu.memory_space<vmem_shared>> -> memref<128x128xf32, #tpu.memory_space<vmem_shared>>
      tpu.enqueue_dma source(%arg3 : memref<128x128xf32, #tpu.memory_space<hbm>>) target(%dma_start3A_27 : memref<128x128xf32, #tpu.memory_space<vmem_shared>>) target_semaphore(%run_scoped3A : memref<!tpu.dma_semaphore, #tpu.memory_space<semaphore_mem>>)
      %dma_wait3A = arith.constant 0 : i32
      %dma_wait3A_28 = tpu.memref_slice %arg6[%add3A_10, %dma_wait3A] : memref<10240x128xf32, #tpu.memory_space<vmem_shared>> -> memref<128x128xf32, #tpu.memory_space<vmem_shared>>
      tpu.wait_dma2 semaphore(%run_scoped3A : memref<!tpu.dma_semaphore, #tpu.memory_space<semaphore_mem>>) src(%arg3 : memref<128x128xf32, #tpu.memory_space<hbm>>) dst(%dma_wait3A_28 : memref<128x128xf32, #tpu.memory_space<vmem_shared>>)
      tpu.yield
    }) : () -> ()
    %add3A_11 = arith.constant 384 : i32
    %add3A_12 = arith.addi %mul3A_4, %add3A_11 : i32
    "tpu.region"() ({
      %run_scoped3A = tpu.sem_alloc : memref<!tpu.dma_semaphore, #tpu.memory_space<semaphore_mem>>
      %dma_start3A = arith.constant 0 : i32
      %dma_start3A_27 = tpu.memref_slice %arg6[%add3A_12, %dma_start3A] : memref<10240x128xf32, #tpu.memory_space<vmem_shared>> -> memref<128x128xf32, #tpu.memory_space<vmem_shared>>
      tpu.enqueue_dma source(%arg3 : memref<128x128xf32, #tpu.memory_space<hbm>>) target(%dma_start3A_27 : memref<128x128xf32, #tpu.memory_space<vmem_shared>>) target_semaphore(%run_scoped3A : memref<!tpu.dma_semaphore, #tpu.memory_space<semaphore_mem>>)
      %dma_wait3A = arith.constant 0 : i32
      %dma_wait3A_28 = tpu.memref_slice %arg6[%add3A_12, %dma_wait3A] : memref<10240x128xf32, #tpu.memory_space<vmem_shared>> -> memref<128x128xf32, #tpu.memory_space<vmem_shared>>
      tpu.wait_dma2 semaphore(%run_scoped3A : memref<!tpu.dma_semaphore, #tpu.memory_space<semaphore_mem>>) src(%arg3 : memref<128x128xf32, #tpu.memory_space<hbm>>) dst(%dma_wait3A_28 : memref<128x128xf32, #tpu.memory_space<vmem_shared>>)
      tpu.yield
    }) : () -> ()
    %add3A_13 = arith.constant 512 : i32
    %add3A_14 = arith.addi %mul3A_4, %add3A_13 : i32
    "tpu.region"() ({
      %run_scoped3A = tpu.sem_alloc : memref<!tpu.dma_semaphore, #tpu.memory_space<semaphore_mem>>
      %dma_start3A = arith.constant 0 : i32
      %dma_start3A_27 = tpu.memref_slice %arg6[%add3A_14, %dma_start3A] : memref<10240x128xf32, #tpu.memory_space<vmem_shared>> -> memref<128x128xf32, #tpu.memory_space<vmem_shared>>
      tpu.enqueue_dma source(%arg3 : memref<128x128xf32, #tpu.memory_space<hbm>>) target(%dma_start3A_27 : memref<128x128xf32, #tpu.memory_space<vmem_shared>>) target_semaphore(%run_scoped3A : memref<!tpu.dma_semaphore, #tpu.memory_space<semaphore_mem>>)
      %dma_wait3A = arith.constant 0 : i32
      %dma_wait3A_28 = tpu.memref_slice %arg6[%add3A_14, %dma_wait3A] : memref<10240x128xf32, #tpu.memory_space<vmem_shared>> -> memref<128x128xf32, #tpu.memory_space<vmem_shared>>
      tpu.wait_dma2 semaphore(%run_scoped3A : memref<!tpu.dma_semaphore, #tpu.memory_space<semaphore_mem>>) src(%arg3 : memref<128x128xf32, #tpu.memory_space<hbm>>) dst(%dma_wait3A_28 : memref<128x128xf32, #tpu.memory_space<vmem_shared>>)
      tpu.yield
    }) : () -> ()
    "tpu.region"() ({
      %run_scoped3A = tpu.sem_alloc : memref<!tpu.dma_semaphore, #tpu.memory_space<semaphore_mem>>
      tpu.enqueue_dma source(%arg4 : memref<128x128xf32, #tpu.memory_space<hbm>>) target(%arg8 : memref<128x128xf32, #tpu.memory_space<vmem>>) target_semaphore(%run_scoped3A : memref<!tpu.dma_semaphore, #tpu.memory_space<semaphore_mem>>)
      tpu.wait_dma2 semaphore(%run_scoped3A : memref<!tpu.dma_semaphore, #tpu.memory_space<semaphore_mem>>) src(%arg4 : memref<128x128xf32, #tpu.memory_space<hbm>>) dst(%arg8 : memref<128x128xf32, #tpu.memory_space<vmem>>)
      tpu.yield
    }) : () -> ()
    %barrier3A = arith.constant 0 : index
    tpu.barrier barrier_id(%barrier3A)
    %scan3A = arith.constant 0 : i32
    %scan3A_15 = arith.constant 0 : i32
    %scan3A_16 = arith.constant 40 : i32
    %scan3A_17 = arith.addi %scan3A_15, %scan3A_16 : i32
    %scan3A_18 = arith.constant 1 : i32
    scf.for %scan3A_27 = %scan3A_15 to %scan3A_17 step %scan3A_18  : i32 {
      %dma_start3A = arith.constant 0 : i32
      %dma_start3A_28 = tpu.memref_slice %arg7[%scan3A_27, %dma_start3A] : memref<40x128xi32, #tpu.memory_space<vmem>> -> memref<1x128xi32, #tpu.memory_space<vmem>>
      %dma_start3A_29 = tpu.memref_squeeze %dma_start3A_28 : memref<1x128xi32, #tpu.memory_space<vmem>> -> memref<128xi32, #tpu.memory_space<vmem>>
      %dma_start3A_30 = arith.constant 0 : i32
      %dma_start3A_31 = arith.constant 0 : i32
      %dma_start3A_32 = tpu.memref_slice %arg6[%dma_start3A_30, %dma_start3A_31] : memref<10240x128xf32, #tpu.memory_space<vmem_shared>> -> memref<10240x128xf32, #tpu.memory_space<vmem_shared>>
      tpu.enqueue_indirect_dma source(%arg8 : memref<128x128xf32, #tpu.memory_space<vmem>>) target(%dma_start3A_32 : memref<10240x128xf32, #tpu.memory_space<vmem_shared>>) offsets(%dma_start3A_29 : memref<128xi32, #tpu.memory_space<vmem>>) semaphore(%arg9 : memref<!tpu.dma_semaphore, #tpu.memory_space<semaphore_mem>>) {add = true}
    }
    %scan3A_19 = arith.constant 40 : i32
    %scan3A_20 = arith.constant 0 : i32
    %scan3A_21 = arith.constant 0 : i32
    %scan3A_22 = arith.constant 40 : i32
    %scan3A_23 = arith.addi %scan3A_21, %scan3A_22 : i32
    %scan3A_24 = arith.constant 1 : i32
    scf.for %scan3A_27 = %scan3A_21 to %scan3A_23 step %scan3A_24  : i32 {
      %dma_wait3A = arith.constant 0 : i32
      %dma_wait3A_28 = tpu.memref_slice %arg7[%scan3A_27, %dma_wait3A] : memref<40x128xi32, #tpu.memory_space<vmem>> -> memref<1x128xi32, #tpu.memory_space<vmem>>
      %dma_wait3A_29 = tpu.memref_squeeze %dma_wait3A_28 : memref<1x128xi32, #tpu.memory_space<vmem>> -> memref<128xi32, #tpu.memory_space<vmem>>
      %dma_wait3A_30 = arith.constant 0 : i32
      %dma_wait3A_31 = arith.constant 0 : i32
      %dma_wait3A_32 = tpu.memref_slice %arg6[%dma_wait3A_30, %dma_wait3A_31] : memref<10240x128xf32, #tpu.memory_space<vmem_shared>> -> memref<10240x128xf32, #tpu.memory_space<vmem_shared>>
      tpu.wait_indirect_dma semaphore(%arg9 : memref<!tpu.dma_semaphore, #tpu.memory_space<semaphore_mem>>) src(%arg8 : memref<128x128xf32, #tpu.memory_space<vmem>>) dst(%dma_wait3A_32 : memref<10240x128xf32, #tpu.memory_space<vmem_shared>>)
    }
    %scan3A_25 = arith.constant 40 : i32
    %barrier3A_26 = arith.constant 0 : index
    tpu.barrier barrier_id(%barrier3A_26)
    "tpu.region"() ({
      %run_scoped3A = tpu.sem_alloc : memref<!tpu.dma_semaphore, #tpu.memory_space<semaphore_mem>>
      %dma_start3A = arith.constant 0 : i32
      %dma_start3A_27 = tpu.memref_slice %arg5[%arg0, %mul3A_4, %dma_start3A] : memref<2x10240x128xf32, #tpu.memory_space<hbm>> -> memref<1x640x128xf32, #tpu.memory_space<hbm>>
      %dma_start3A_28 = tpu.memref_squeeze %dma_start3A_27 : memref<1x640x128xf32, #tpu.memory_space<hbm>> -> memref<640x128xf32, #tpu.memory_space<hbm>>
      %dma_start3A_29 = arith.constant 0 : i32
      %dma_start3A_30 = tpu.memref_slice %arg6[%mul3A_4, %dma_start3A_29] : memref<10240x128xf32, #tpu.memory_space<vmem_shared>> -> memref<640x128xf32, #tpu.memory_space<vmem_shared>>
      tpu.enqueue_dma source(%dma_start3A_30 : memref<640x128xf32, #tpu.memory_space<vmem_shared>>) target(%dma_start3A_28 : memref<640x128xf32, #tpu.memory_space<hbm>>) target_semaphore(%run_scoped3A : memref<!tpu.dma_semaphore, #tpu.memory_space<semaphore_mem>>)
      %dma_wait3A = arith.constant 0 : i32
      %dma_wait3A_31 = tpu.memref_slice %arg5[%arg0, %mul3A_4, %dma_wait3A] : memref<2x10240x128xf32, #tpu.memory_space<hbm>> -> memref<1x640x128xf32, #tpu.memory_space<hbm>>
      %dma_wait3A_32 = tpu.memref_squeeze %dma_wait3A_31 : memref<1x640x128xf32, #tpu.memory_space<hbm>> -> memref<640x128xf32, #tpu.memory_space<hbm>>
      %dma_wait3A_33 = arith.constant 0 : i32
      %dma_wait3A_34 = tpu.memref_slice %arg6[%mul3A_4, %dma_wait3A_33] : memref<10240x128xf32, #tpu.memory_space<vmem_shared>> -> memref<640x128xf32, #tpu.memory_space<vmem_shared>>
      tpu.wait_dma2 semaphore(%run_scoped3A : memref<!tpu.dma_semaphore, #tpu.memory_space<semaphore_mem>>) src(%dma_wait3A_34 : memref<640x128xf32, #tpu.memory_space<vmem_shared>>) dst(%dma_wait3A_32 : memref<640x128xf32, #tpu.memory_space<hbm>>)
      tpu.yield
    }) : () -> ()
    return
  }
}

#map = affine_map<(d0, d1) -> (0, 0)>
#map1 = affine_map<(d0, d1) -> (0, 0, 0)>
module attributes {stable_mosaic.version = 14 : i64} {
  func.func @k(%arg0: i32, %arg1: i32, %arg2: memref<80000x128xf32, #tpu.memory_space<hbm>>, %arg3: memref<8x1280x128xi32, #tpu.memory_space<hbm>>, %arg4: memref<1280x128xi32, #tpu.memory_space<hbm>>, %arg5: memref<128x128xf32, #tpu.memory_space<hbm>>, %arg6: memref<8x10240x128xf32, #tpu.memory_space<hbm>>, %arg7: memref<10240x128xf32, #tpu.memory_space<vmem_shared>>, %arg8: memref<40x128xi32, #tpu.memory_space<vmem>>, %arg9: memref<40x128xi32, #tpu.memory_space<vmem>>, %arg10: memref<2x128x128xf32, #tpu.memory_space<vmem>>, %arg11: memref<!tpu.dma_semaphore, #tpu.memory_space<semaphore_mem>>, %arg12: memref<!tpu.dma_semaphore, #tpu.memory_space<semaphore_mem>>) attributes {dimension_semantics = [#tpu.dimension_semantics<core_parallel>, #tpu.dimension_semantics<subcore_parallel>], iteration_bounds = array<i64: 2, 16>, scalar_prefetch = 0 : i64, scratch_operands = 6 : i64, tpu.core_type = #tpu.core_type<sc_vector_subcore>, window_params = [{transform_indices = #map}, {transform_indices = #map1}, {transform_indices = #map}, {transform_indices = #map}, {transform_indices = #map1}]} {
    %mul3A = arith.constant 640 : i32
    %mul3A_0 = arith.muli %arg1, %mul3A : i32
    %mul3A_1 = arith.constant 4 : i32
    %mul3A_2 = arith.muli %arg0, %mul3A_1 : i32
    %add3A = arith.constant 0 : i32
    %add3A_3 = arith.addi %mul3A_2, %add3A : i32
    %add3A_4 = arith.constant 0 : i32
    %add3A_5 = arith.addi %mul3A_0, %add3A_4 : i32
    "tpu.region"() ({
      %run_scoped3A = tpu.sem_alloc : memref<!tpu.dma_semaphore, #tpu.memory_space<semaphore_mem>>
      %dma_start3A_241 = arith.constant 0 : i32
      %dma_start3A_242 = tpu.memref_slice %arg7[%add3A_5, %dma_start3A_241] : memref<10240x128xf32, #tpu.memory_space<vmem_shared>> -> memref<128x128xf32, #tpu.memory_space<vmem_shared>>
      tpu.enqueue_dma source(%arg5 : memref<128x128xf32, #tpu.memory_space<hbm>>) target(%dma_start3A_242 : memref<128x128xf32, #tpu.memory_space<vmem_shared>>) target_semaphore(%run_scoped3A : memref<!tpu.dma_semaphore, #tpu.memory_space<semaphore_mem>>)
      %dma_wait3A = arith.constant 0 : i32
      %dma_wait3A_243 = tpu.memref_slice %arg7[%add3A_5, %dma_wait3A] : memref<10240x128xf32, #tpu.memory_space<vmem_shared>> -> memref<128x128xf32, #tpu.memory_space<vmem_shared>>
      tpu.wait_dma2 semaphore(%run_scoped3A : memref<!tpu.dma_semaphore, #tpu.memory_space<semaphore_mem>>) src(%arg5 : memref<128x128xf32, #tpu.memory_space<hbm>>) dst(%dma_wait3A_243 : memref<128x128xf32, #tpu.memory_space<vmem_shared>>)
      tpu.yield
    }) : () -> ()
    %add3A_6 = arith.constant 128 : i32
    %add3A_7 = arith.addi %mul3A_0, %add3A_6 : i32
    "tpu.region"() ({
      %run_scoped3A = tpu.sem_alloc : memref<!tpu.dma_semaphore, #tpu.memory_space<semaphore_mem>>
      %dma_start3A_241 = arith.constant 0 : i32
      %dma_start3A_242 = tpu.memref_slice %arg7[%add3A_7, %dma_start3A_241] : memref<10240x128xf32, #tpu.memory_space<vmem_shared>> -> memref<128x128xf32, #tpu.memory_space<vmem_shared>>
      tpu.enqueue_dma source(%arg5 : memref<128x128xf32, #tpu.memory_space<hbm>>) target(%dma_start3A_242 : memref<128x128xf32, #tpu.memory_space<vmem_shared>>) target_semaphore(%run_scoped3A : memref<!tpu.dma_semaphore, #tpu.memory_space<semaphore_mem>>)
      %dma_wait3A = arith.constant 0 : i32
      %dma_wait3A_243 = tpu.memref_slice %arg7[%add3A_7, %dma_wait3A] : memref<10240x128xf32, #tpu.memory_space<vmem_shared>> -> memref<128x128xf32, #tpu.memory_space<vmem_shared>>
      tpu.wait_dma2 semaphore(%run_scoped3A : memref<!tpu.dma_semaphore, #tpu.memory_space<semaphore_mem>>) src(%arg5 : memref<128x128xf32, #tpu.memory_space<hbm>>) dst(%dma_wait3A_243 : memref<128x128xf32, #tpu.memory_space<vmem_shared>>)
      tpu.yield
    }) : () -> ()
    %add3A_8 = arith.constant 256 : i32
    %add3A_9 = arith.addi %mul3A_0, %add3A_8 : i32
    "tpu.region"() ({
      %run_scoped3A = tpu.sem_alloc : memref<!tpu.dma_semaphore, #tpu.memory_space<semaphore_mem>>
      %dma_start3A_241 = arith.constant 0 : i32
      %dma_start3A_242 = tpu.memref_slice %arg7[%add3A_9, %dma_start3A_241] : memref<10240x128xf32, #tpu.memory_space<vmem_shared>> -> memref<128x128xf32, #tpu.memory_space<vmem_shared>>
      tpu.enqueue_dma source(%arg5 : memref<128x128xf32, #tpu.memory_space<hbm>>) target(%dma_start3A_242 : memref<128x128xf32, #tpu.memory_space<vmem_shared>>) target_semaphore(%run_scoped3A : memref<!tpu.dma_semaphore, #tpu.memory_space<semaphore_mem>>)
      %dma_wait3A = arith.constant 0 : i32
      %dma_wait3A_243 = tpu.memref_slice %arg7[%add3A_9, %dma_wait3A] : memref<10240x128xf32, #tpu.memory_space<vmem_shared>> -> memref<128x128xf32, #tpu.memory_space<vmem_shared>>
      tpu.wait_dma2 semaphore(%run_scoped3A : memref<!tpu.dma_semaphore, #tpu.memory_space<semaphore_mem>>) src(%arg5 : memref<128x128xf32, #tpu.memory_space<hbm>>) dst(%dma_wait3A_243 : memref<128x128xf32, #tpu.memory_space<vmem_shared>>)
      tpu.yield
    }) : () -> ()
    %add3A_10 = arith.constant 384 : i32
    %add3A_11 = arith.addi %mul3A_0, %add3A_10 : i32
    "tpu.region"() ({
      %run_scoped3A = tpu.sem_alloc : memref<!tpu.dma_semaphore, #tpu.memory_space<semaphore_mem>>
      %dma_start3A_241 = arith.constant 0 : i32
      %dma_start3A_242 = tpu.memref_slice %arg7[%add3A_11, %dma_start3A_241] : memref<10240x128xf32, #tpu.memory_space<vmem_shared>> -> memref<128x128xf32, #tpu.memory_space<vmem_shared>>
      tpu.enqueue_dma source(%arg5 : memref<128x128xf32, #tpu.memory_space<hbm>>) target(%dma_start3A_242 : memref<128x128xf32, #tpu.memory_space<vmem_shared>>) target_semaphore(%run_scoped3A : memref<!tpu.dma_semaphore, #tpu.memory_space<semaphore_mem>>)
      %dma_wait3A = arith.constant 0 : i32
      %dma_wait3A_243 = tpu.memref_slice %arg7[%add3A_11, %dma_wait3A] : memref<10240x128xf32, #tpu.memory_space<vmem_shared>> -> memref<128x128xf32, #tpu.memory_space<vmem_shared>>
      tpu.wait_dma2 semaphore(%run_scoped3A : memref<!tpu.dma_semaphore, #tpu.memory_space<semaphore_mem>>) src(%arg5 : memref<128x128xf32, #tpu.memory_space<hbm>>) dst(%dma_wait3A_243 : memref<128x128xf32, #tpu.memory_space<vmem_shared>>)
      tpu.yield
    }) : () -> ()
    %add3A_12 = arith.constant 512 : i32
    %add3A_13 = arith.addi %mul3A_0, %add3A_12 : i32
    "tpu.region"() ({
      %run_scoped3A = tpu.sem_alloc : memref<!tpu.dma_semaphore, #tpu.memory_space<semaphore_mem>>
      %dma_start3A_241 = arith.constant 0 : i32
      %dma_start3A_242 = tpu.memref_slice %arg7[%add3A_13, %dma_start3A_241] : memref<10240x128xf32, #tpu.memory_space<vmem_shared>> -> memref<128x128xf32, #tpu.memory_space<vmem_shared>>
      tpu.enqueue_dma source(%arg5 : memref<128x128xf32, #tpu.memory_space<hbm>>) target(%dma_start3A_242 : memref<128x128xf32, #tpu.memory_space<vmem_shared>>) target_semaphore(%run_scoped3A : memref<!tpu.dma_semaphore, #tpu.memory_space<semaphore_mem>>)
      %dma_wait3A = arith.constant 0 : i32
      %dma_wait3A_243 = tpu.memref_slice %arg7[%add3A_13, %dma_wait3A] : memref<10240x128xf32, #tpu.memory_space<vmem_shared>> -> memref<128x128xf32, #tpu.memory_space<vmem_shared>>
      tpu.wait_dma2 semaphore(%run_scoped3A : memref<!tpu.dma_semaphore, #tpu.memory_space<semaphore_mem>>) src(%arg5 : memref<128x128xf32, #tpu.memory_space<hbm>>) dst(%dma_wait3A_243 : memref<128x128xf32, #tpu.memory_space<vmem_shared>>)
      tpu.yield
    }) : () -> ()
    %barrier3A = arith.constant 0 : index
    tpu.barrier barrier_id(%barrier3A)
    %mul3A_14 = arith.constant 80 : i32
    %mul3A_15 = arith.muli %arg1, %mul3A_14 : i32
    %add3A_16 = arith.constant 0 : i32
    %add3A_17 = arith.addi %mul3A_15, %add3A_16 : i32
    "tpu.region"() ({
      %run_scoped3A = tpu.sem_alloc : memref<!tpu.dma_semaphore, #tpu.memory_space<semaphore_mem>>
      %dma_start3A_241 = arith.constant 0 : i32
      %dma_start3A_242 = tpu.memref_slice %arg3[%add3A_3, %add3A_17, %dma_start3A_241] : memref<8x1280x128xi32, #tpu.memory_space<hbm>> -> memref<1x40x128xi32, #tpu.memory_space<hbm>>
      %dma_start3A_243 = tpu.memref_squeeze %dma_start3A_242 : memref<1x40x128xi32, #tpu.memory_space<hbm>> -> memref<40x128xi32, #tpu.memory_space<hbm>>
      %dma_start3A_244 = arith.constant 0 : i32
      %dma_start3A_245 = tpu.memref_slice %arg3[%add3A_3, %add3A_17, %dma_start3A_244] : memref<8x1280x128xi32, #tpu.memory_space<hbm>> -> memref<1x40x128xi32, #tpu.memory_space<hbm>>
      %dma_start3A_246 = tpu.memref_squeeze %dma_start3A_245 : memref<1x40x128xi32, #tpu.memory_space<hbm>> -> memref<40x128xi32, #tpu.memory_space<hbm>>
      tpu.enqueue_dma source(%dma_start3A_246 : memref<40x128xi32, #tpu.memory_space<hbm>>) target(%arg8 : memref<40x128xi32, #tpu.memory_space<vmem>>) target_semaphore(%run_scoped3A : memref<!tpu.dma_semaphore, #tpu.memory_space<semaphore_mem>>)
      %dma_wait3A = arith.constant 0 : i32
      %dma_wait3A_247 = tpu.memref_slice %arg3[%add3A_3, %add3A_17, %dma_wait3A] : memref<8x1280x128xi32, #tpu.memory_space<hbm>> -> memref<1x40x128xi32, #tpu.memory_space<hbm>>
      %dma_wait3A_248 = tpu.memref_squeeze %dma_wait3A_247 : memref<1x40x128xi32, #tpu.memory_space<hbm>> -> memref<40x128xi32, #tpu.memory_space<hbm>>
      %dma_wait3A_249 = arith.constant 0 : i32
      %dma_wait3A_250 = tpu.memref_slice %arg3[%add3A_3, %add3A_17, %dma_wait3A_249] : memref<8x1280x128xi32, #tpu.memory_space<hbm>> -> memref<1x40x128xi32, #tpu.memory_space<hbm>>
      %dma_wait3A_251 = tpu.memref_squeeze %dma_wait3A_250 : memref<1x40x128xi32, #tpu.memory_space<hbm>> -> memref<40x128xi32, #tpu.memory_space<hbm>>
      tpu.wait_dma2 semaphore(%run_scoped3A : memref<!tpu.dma_semaphore, #tpu.memory_space<semaphore_mem>>) src(%dma_wait3A_251 : memref<40x128xi32, #tpu.memory_space<hbm>>) dst(%arg8 : memref<40x128xi32, #tpu.memory_space<vmem>>)
      tpu.yield
    }) : () -> ()
    "tpu.region"() ({
      %run_scoped3A = tpu.sem_alloc : memref<!tpu.dma_semaphore, #tpu.memory_space<semaphore_mem>>
      %dma_start3A_241 = arith.constant 0 : i32
      %dma_start3A_242 = tpu.memref_slice %arg4[%add3A_17, %dma_start3A_241] : memref<1280x128xi32, #tpu.memory_space<hbm>> -> memref<40x128xi32, #tpu.memory_space<hbm>>
      %dma_start3A_243 = arith.constant 0 : i32
      %dma_start3A_244 = tpu.memref_slice %arg4[%add3A_17, %dma_start3A_243] : memref<1280x128xi32, #tpu.memory_space<hbm>> -> memref<40x128xi32, #tpu.memory_space<hbm>>
      tpu.enqueue_dma source(%dma_start3A_244 : memref<40x128xi32, #tpu.memory_space<hbm>>) target(%arg9 : memref<40x128xi32, #tpu.memory_space<vmem>>) target_semaphore(%run_scoped3A : memref<!tpu.dma_semaphore, #tpu.memory_space<semaphore_mem>>)
      %dma_wait3A = arith.constant 0 : i32
      %dma_wait3A_245 = tpu.memref_slice %arg4[%add3A_17, %dma_wait3A] : memref<1280x128xi32, #tpu.memory_space<hbm>> -> memref<40x128xi32, #tpu.memory_space<hbm>>
      %dma_wait3A_246 = arith.constant 0 : i32
      %dma_wait3A_247 = tpu.memref_slice %arg4[%add3A_17, %dma_wait3A_246] : memref<1280x128xi32, #tpu.memory_space<hbm>> -> memref<40x128xi32, #tpu.memory_space<hbm>>
      tpu.wait_dma2 semaphore(%run_scoped3A : memref<!tpu.dma_semaphore, #tpu.memory_space<semaphore_mem>>) src(%dma_wait3A_247 : memref<40x128xi32, #tpu.memory_space<hbm>>) dst(%arg9 : memref<40x128xi32, #tpu.memory_space<vmem>>)
      tpu.yield
    }) : () -> ()
    %dma_start3A = arith.constant 0 : i32
    %dma_start3A_18 = arith.constant 0 : i32
    %dma_start3A_19 = arith.constant 0 : i32
    %dma_start3A_20 = arith.constant 0 : i32
    %dma_start3A_21 = tpu.memref_slice %arg10[%dma_start3A_18, %dma_start3A_19, %dma_start3A_20] : memref<2x128x128xf32, #tpu.memory_space<vmem>> -> memref<1x128x128xf32, #tpu.memory_space<vmem>>
    %dma_start3A_22 = tpu.memref_squeeze %dma_start3A_21 : memref<1x128x128xf32, #tpu.memory_space<vmem>> -> memref<128x128xf32, #tpu.memory_space<vmem>>
    %dma_start3A_23 = arith.constant 0 : i32
    %dma_start3A_24 = tpu.memref_slice %arg8[%dma_start3A, %dma_start3A_23] : memref<40x128xi32, #tpu.memory_space<vmem>> -> memref<1x128xi32, #tpu.memory_space<vmem>>
    %dma_start3A_25 = tpu.memref_squeeze %dma_start3A_24 : memref<1x128xi32, #tpu.memory_space<vmem>> -> memref<128xi32, #tpu.memory_space<vmem>>
    %dma_start3A_26 = arith.constant 0 : i32
    %dma_start3A_27 = arith.constant 0 : i32
    %dma_start3A_28 = tpu.memref_slice %arg2[%dma_start3A_26, %dma_start3A_27] : memref<80000x128xf32, #tpu.memory_space<hbm>> -> memref<80000x128xf32, #tpu.memory_space<hbm>>
    tpu.enqueue_indirect_dma source(%dma_start3A_28 : memref<80000x128xf32, #tpu.memory_space<hbm>>) target(%dma_start3A_22 : memref<128x128xf32, #tpu.memory_space<vmem>>) offsets(%dma_start3A_25 : memref<128xi32, #tpu.memory_space<vmem>>) semaphore(%arg11 : memref<!tpu.dma_semaphore, #tpu.memory_space<semaphore_mem>>)
    %scan3A = arith.constant 0 : i32
    %scan3A_29 = arith.constant 0 : i32
    %scan3A_30 = arith.constant 20 : i32
    %scan3A_31 = arith.addi %scan3A_29, %scan3A_30 : i32
    %scan3A_32 = arith.constant 1 : i32
    scf.for %scan3A_241 = %scan3A_29 to %scan3A_31 step %scan3A_32  : i32 {
      %mul3A_242 = arith.constant 2 : i32
      %mul3A_243 = arith.muli %mul3A_242, %scan3A_241 : i32
      %add3A_244 = arith.constant 1 : i32
      %add3A_245 = arith.addi %mul3A_243, %add3A_244 : i32
      %dma_start3A_246 = arith.constant 1 : i32
      %dma_start3A_247 = arith.constant 0 : i32
      %dma_start3A_248 = arith.constant 0 : i32
      %dma_start3A_249 = tpu.memref_slice %arg10[%dma_start3A_246, %dma_start3A_247, %dma_start3A_248] : memref<2x128x128xf32, #tpu.memory_space<vmem>> -> memref<1x128x128xf32, #tpu.memory_space<vmem>>
      %dma_start3A_250 = tpu.memref_squeeze %dma_start3A_249 : memref<1x128x128xf32, #tpu.memory_space<vmem>> -> memref<128x128xf32, #tpu.memory_space<vmem>>
      %dma_start3A_251 = arith.constant 0 : i32
      %dma_start3A_252 = tpu.memref_slice %arg8[%add3A_245, %dma_start3A_251] : memref<40x128xi32, #tpu.memory_space<vmem>> -> memref<1x128xi32, #tpu.memory_space<vmem>>
      %dma_start3A_253 = tpu.memref_squeeze %dma_start3A_252 : memref<1x128xi32, #tpu.memory_space<vmem>> -> memref<128xi32, #tpu.memory_space<vmem>>
      %dma_start3A_254 = arith.constant 0 : i32
      %dma_start3A_255 = arith.constant 0 : i32
      %dma_start3A_256 = tpu.memref_slice %arg2[%dma_start3A_254, %dma_start3A_255] : memref<80000x128xf32, #tpu.memory_space<hbm>> -> memref<80000x128xf32, #tpu.memory_space<hbm>>
      tpu.enqueue_indirect_dma source(%dma_start3A_256 : memref<80000x128xf32, #tpu.memory_space<hbm>>) target(%dma_start3A_250 : memref<128x128xf32, #tpu.memory_space<vmem>>) offsets(%dma_start3A_253 : memref<128xi32, #tpu.memory_space<vmem>>) semaphore(%arg12 : memref<!tpu.dma_semaphore, #tpu.memory_space<semaphore_mem>>)
      %dma_wait3A = arith.constant 0 : i32
      %dma_wait3A_257 = arith.constant 0 : i32
      %dma_wait3A_258 = arith.constant 0 : i32
      %dma_wait3A_259 = tpu.memref_slice %arg10[%dma_wait3A, %dma_wait3A_257, %dma_wait3A_258] : memref<2x128x128xf32, #tpu.memory_space<vmem>> -> memref<1x128x128xf32, #tpu.memory_space<vmem>>
      %dma_wait3A_260 = tpu.memref_squeeze %dma_wait3A_259 : memref<1x128x128xf32, #tpu.memory_space<vmem>> -> memref<128x128xf32, #tpu.memory_space<vmem>>
      %dma_wait3A_261 = arith.constant 0 : i32
      %dma_wait3A_262 = tpu.memref_slice %arg8[%mul3A_243, %dma_wait3A_261] : memref<40x128xi32, #tpu.memory_space<vmem>> -> memref<1x128xi32, #tpu.memory_space<vmem>>
      %dma_wait3A_263 = tpu.memref_squeeze %dma_wait3A_262 : memref<1x128xi32, #tpu.memory_space<vmem>> -> memref<128xi32, #tpu.memory_space<vmem>>
      %dma_wait3A_264 = arith.constant 0 : i32
      %dma_wait3A_265 = arith.constant 0 : i32
      %dma_wait3A_266 = tpu.memref_slice %arg2[%dma_wait3A_264, %dma_wait3A_265] : memref<80000x128xf32, #tpu.memory_space<hbm>> -> memref<80000x128xf32, #tpu.memory_space<hbm>>
      tpu.wait_indirect_dma semaphore(%arg11 : memref<!tpu.dma_semaphore, #tpu.memory_space<semaphore_mem>>) src(%dma_wait3A_266 : memref<80000x128xf32, #tpu.memory_space<hbm>>) dst(%dma_wait3A_260 : memref<128x128xf32, #tpu.memory_space<vmem>>)
      %run_scoped3A = arith.constant 0 : i32
      "tpu.region"() ({
        %run_scoped3A_287 = tpu.sem_alloc : memref<!tpu.dma_semaphore, #tpu.memory_space<semaphore_mem>>
        %dma_start3A_288 = arith.constant 0 : i32
        %dma_start3A_289 = arith.constant 0 : i32
        %dma_start3A_290 = tpu.memref_slice %arg10[%run_scoped3A, %dma_start3A_288, %dma_start3A_289] : memref<2x128x128xf32, #tpu.memory_space<vmem>> -> memref<1x128x128xf32, #tpu.memory_space<vmem>>
        %dma_start3A_291 = tpu.memref_squeeze %dma_start3A_290 : memref<1x128x128xf32, #tpu.memory_space<vmem>> -> memref<128x128xf32, #tpu.memory_space<vmem>>
        %dma_start3A_292 = arith.constant 0 : i32
        %dma_start3A_293 = tpu.memref_slice %arg9[%mul3A_243, %dma_start3A_292] : memref<40x128xi32, #tpu.memory_space<vmem>> -> memref<1x128xi32, #tpu.memory_space<vmem>>
        %dma_start3A_294 = tpu.memref_squeeze %dma_start3A_293 : memref<1x128xi32, #tpu.memory_space<vmem>> -> memref<128xi32, #tpu.memory_space<vmem>>
        %dma_start3A_295 = arith.constant 0 : i32
        %dma_start3A_296 = arith.constant 0 : i32
        %dma_start3A_297 = tpu.memref_slice %arg7[%dma_start3A_295, %dma_start3A_296] : memref<10240x128xf32, #tpu.memory_space<vmem_shared>> -> memref<10240x128xf32, #tpu.memory_space<vmem_shared>>
        tpu.enqueue_indirect_dma source(%dma_start3A_291 : memref<128x128xf32, #tpu.memory_space<vmem>>) target(%dma_start3A_297 : memref<10240x128xf32, #tpu.memory_space<vmem_shared>>) offsets(%dma_start3A_294 : memref<128xi32, #tpu.memory_space<vmem>>) semaphore(%run_scoped3A_287 : memref<!tpu.dma_semaphore, #tpu.memory_space<semaphore_mem>>) {add = true}
        %dma_wait3A_298 = arith.constant 0 : i32
        %dma_wait3A_299 = arith.constant 0 : i32
        %dma_wait3A_300 = tpu.memref_slice %arg10[%run_scoped3A, %dma_wait3A_298, %dma_wait3A_299] : memref<2x128x128xf32, #tpu.memory_space<vmem>> -> memref<1x128x128xf32, #tpu.memory_space<vmem>>
        %dma_wait3A_301 = tpu.memref_squeeze %dma_wait3A_300 : memref<1x128x128xf32, #tpu.memory_space<vmem>> -> memref<128x128xf32, #tpu.memory_space<vmem>>
        %dma_wait3A_302 = arith.constant 0 : i32
        %dma_wait3A_303 = tpu.memref_slice %arg9[%mul3A_243, %dma_wait3A_302] : memref<40x128xi32, #tpu.memory_space<vmem>> -> memref<1x128xi32, #tpu.memory_space<vmem>>
        %dma_wait3A_304 = tpu.memref_squeeze %dma_wait3A_303 : memref<1x128xi32, #tpu.memory_space<vmem>> -> memref<128xi32, #tpu.memory_space<vmem>>
        %dma_wait3A_305 = arith.constant 0 : i32
        %dma_wait3A_306 = arith.constant 0 : i32
        %dma_wait3A_307 = tpu.memref_slice %arg7[%dma_wait3A_305, %dma_wait3A_306] : memref<10240x128xf32, #tpu.memory_space<vmem_shared>> -> memref<10240x128xf32, #tpu.memory_space<vmem_shared>>
        tpu.wait_indirect_dma semaphore(%run_scoped3A_287 : memref<!tpu.dma_semaphore, #tpu.memory_space<semaphore_mem>>) src(%dma_wait3A_301 : memref<128x128xf32, #tpu.memory_space<vmem>>) dst(%dma_wait3A_307 : memref<10240x128xf32, #tpu.memory_space<vmem_shared>>)
        tpu.yield
      }) : () -> ()
      %add3A_267 = arith.constant 1 : i32
      %add3A_268 = arith.addi %scan3A_241, %add3A_267 : i32
      %lt3A = arith.constant 20 : i32
      %lt3A_269 = arith.cmpi slt, %add3A_268, %lt3A : i32
      %convert_element_type3A = arith.extui %lt3A_269 : i1 to i32
      %cond3A = arith.constant 0 : i32
      %cond3A_270 = arith.cmpi ne, %convert_element_type3A, %cond3A : i32
      scf.if %cond3A_270 {
        %add3A_287 = arith.constant 2 : i32
        %add3A_288 = arith.addi %mul3A_243, %add3A_287 : i32
        %dma_start3A_289 = arith.constant 0 : i32
        %dma_start3A_290 = arith.constant 0 : i32
        %dma_start3A_291 = arith.constant 0 : i32
        %dma_start3A_292 = tpu.memref_slice %arg10[%dma_start3A_289, %dma_start3A_290, %dma_start3A_291] : memref<2x128x128xf32, #tpu.memory_space<vmem>> -> memref<1x128x128xf32, #tpu.memory_space<vmem>>
        %dma_start3A_293 = tpu.memref_squeeze %dma_start3A_292 : memref<1x128x128xf32, #tpu.memory_space<vmem>> -> memref<128x128xf32, #tpu.memory_space<vmem>>
        %dma_start3A_294 = arith.constant 0 : i32
        %dma_start3A_295 = tpu.memref_slice %arg8[%add3A_288, %dma_start3A_294] : memref<40x128xi32, #tpu.memory_space<vmem>> -> memref<1x128xi32, #tpu.memory_space<vmem>>
        %dma_start3A_296 = tpu.memref_squeeze %dma_start3A_295 : memref<1x128xi32, #tpu.memory_space<vmem>> -> memref<128xi32, #tpu.memory_space<vmem>>
        %dma_start3A_297 = arith.constant 0 : i32
        %dma_start3A_298 = arith.constant 0 : i32
        %dma_start3A_299 = tpu.memref_slice %arg2[%dma_start3A_297, %dma_start3A_298] : memref<80000x128xf32, #tpu.memory_space<hbm>> -> memref<80000x128xf32, #tpu.memory_space<hbm>>
        tpu.enqueue_indirect_dma source(%dma_start3A_299 : memref<80000x128xf32, #tpu.memory_space<hbm>>) target(%dma_start3A_293 : memref<128x128xf32, #tpu.memory_space<vmem>>) offsets(%dma_start3A_296 : memref<128xi32, #tpu.memory_space<vmem>>) semaphore(%arg11 : memref<!tpu.dma_semaphore, #tpu.memory_space<semaphore_mem>>)
      } else {
      }
      %add3A_271 = arith.constant 1 : i32
      %add3A_272 = arith.addi %mul3A_243, %add3A_271 : i32
      %dma_wait3A_273 = arith.constant 1 : i32
      %dma_wait3A_274 = arith.constant 0 : i32
      %dma_wait3A_275 = arith.constant 0 : i32
      %dma_wait3A_276 = tpu.memref_slice %arg10[%dma_wait3A_273, %dma_wait3A_274, %dma_wait3A_275] : memref<2x128x128xf32, #tpu.memory_space<vmem>> -> memref<1x128x128xf32, #tpu.memory_space<vmem>>
      %dma_wait3A_277 = tpu.memref_squeeze %dma_wait3A_276 : memref<1x128x128xf32, #tpu.memory_space<vmem>> -> memref<128x128xf32, #tpu.memory_space<vmem>>
      %dma_wait3A_278 = arith.constant 0 : i32
      %dma_wait3A_279 = tpu.memref_slice %arg8[%add3A_272, %dma_wait3A_278] : memref<40x128xi32, #tpu.memory_space<vmem>> -> memref<1x128xi32, #tpu.memory_space<vmem>>
      %dma_wait3A_280 = tpu.memref_squeeze %dma_wait3A_279 : memref<1x128xi32, #tpu.memory_space<vmem>> -> memref<128xi32, #tpu.memory_space<vmem>>
      %dma_wait3A_281 = arith.constant 0 : i32
      %dma_wait3A_282 = arith.constant 0 : i32
      %dma_wait3A_283 = tpu.memref_slice %arg2[%dma_wait3A_281, %dma_wait3A_282] : memref<80000x128xf32, #tpu.memory_space<hbm>> -> memref<80000x128xf32, #tpu.memory_space<hbm>>
      tpu.wait_indirect_dma semaphore(%arg12 : memref<!tpu.dma_semaphore, #tpu.memory_space<semaphore_mem>>) src(%dma_wait3A_283 : memref<80000x128xf32, #tpu.memory_space<hbm>>) dst(%dma_wait3A_277 : memref<128x128xf32, #tpu.memory_space<vmem>>)
      %add3A_284 = arith.constant 1 : i32
      %add3A_285 = arith.addi %mul3A_243, %add3A_284 : i32
      %run_scoped3A_286 = arith.constant 1 : i32
      "tpu.region"() ({
        %run_scoped3A_287 = tpu.sem_alloc : memref<!tpu.dma_semaphore, #tpu.memory_space<semaphore_mem>>
        %dma_start3A_288 = arith.constant 0 : i32
        %dma_start3A_289 = arith.constant 0 : i32
        %dma_start3A_290 = tpu.memref_slice %arg10[%run_scoped3A_286, %dma_start3A_288, %dma_start3A_289] : memref<2x128x128xf32, #tpu.memory_space<vmem>> -> memref<1x128x128xf32, #tpu.memory_space<vmem>>
        %dma_start3A_291 = tpu.memref_squeeze %dma_start3A_290 : memref<1x128x128xf32, #tpu.memory_space<vmem>> -> memref<128x128xf32, #tpu.memory_space<vmem>>
        %dma_start3A_292 = arith.constant 0 : i32
        %dma_start3A_293 = tpu.memref_slice %arg9[%add3A_285, %dma_start3A_292] : memref<40x128xi32, #tpu.memory_space<vmem>> -> memref<1x128xi32, #tpu.memory_space<vmem>>
        %dma_start3A_294 = tpu.memref_squeeze %dma_start3A_293 : memref<1x128xi32, #tpu.memory_space<vmem>> -> memref<128xi32, #tpu.memory_space<vmem>>
        %dma_start3A_295 = arith.constant 0 : i32
        %dma_start3A_296 = arith.constant 0 : i32
        %dma_start3A_297 = tpu.memref_slice %arg7[%dma_start3A_295, %dma_start3A_296] : memref<10240x128xf32, #tpu.memory_space<vmem_shared>> -> memref<10240x128xf32, #tpu.memory_space<vmem_shared>>
        tpu.enqueue_indirect_dma source(%dma_start3A_291 : memref<128x128xf32, #tpu.memory_space<vmem>>) target(%dma_start3A_297 : memref<10240x128xf32, #tpu.memory_space<vmem_shared>>) offsets(%dma_start3A_294 : memref<128xi32, #tpu.memory_space<vmem>>) semaphore(%run_scoped3A_287 : memref<!tpu.dma_semaphore, #tpu.memory_space<semaphore_mem>>) {add = true}
        %dma_wait3A_298 = arith.constant 0 : i32
        %dma_wait3A_299 = arith.constant 0 : i32
        %dma_wait3A_300 = tpu.memref_slice %arg10[%run_scoped3A_286, %dma_wait3A_298, %dma_wait3A_299] : memref<2x128x128xf32, #tpu.memory_space<vmem>> -> memref<1x128x128xf32, #tpu.memory_space<vmem>>
        %dma_wait3A_301 = tpu.memref_squeeze %dma_wait3A_300 : memref<1x128x128xf32, #tpu.memory_space<vmem>> -> memref<128x128xf32, #tpu.memory_space<vmem>>
        %dma_wait3A_302 = arith.constant 0 : i32
        %dma_wait3A_303 = tpu.memref_slice %arg9[%add3A_285, %dma_wait3A_302] : memref<40x128xi32, #tpu.memory_space<vmem>> -> memref<1x128xi32, #tpu.memory_space<vmem>>
        %dma_wait3A_304 = tpu.memref_squeeze %dma_wait3A_303 : memref<1x128xi32, #tpu.memory_space<vmem>> -> memref<128xi32, #tpu.memory_space<vmem>>
        %dma_wait3A_305 = arith.constant 0 : i32
        %dma_wait3A_306 = arith.constant 0 : i32
        %dma_wait3A_307 = tpu.memref_slice %arg7[%dma_wait3A_305, %dma_wait3A_306] : memref<10240x128xf32, #tpu.memory_space<vmem_shared>> -> memref<10240x128xf32, #tpu.memory_space<vmem_shared>>
        tpu.wait_indirect_dma semaphore(%run_scoped3A_287 : memref<!tpu.dma_semaphore, #tpu.memory_space<semaphore_mem>>) src(%dma_wait3A_301 : memref<128x128xf32, #tpu.memory_space<vmem>>) dst(%dma_wait3A_307 : memref<10240x128xf32, #tpu.memory_space<vmem_shared>>)
        tpu.yield
      }) : () -> ()
    }
    %scan3A_33 = arith.constant 20 : i32
    %mul3A_34 = arith.constant 80 : i32
    %mul3A_35 = arith.muli %arg1, %mul3A_34 : i32
    %add3A_36 = arith.constant 40 : i32
    %add3A_37 = arith.addi %mul3A_35, %add3A_36 : i32
    "tpu.region"() ({
      %run_scoped3A = tpu.sem_alloc : memref<!tpu.dma_semaphore, #tpu.memory_space<semaphore_mem>>
      %dma_start3A_241 = arith.constant 0 : i32
      %dma_start3A_242 = tpu.memref_slice %arg3[%add3A_3, %add3A_37, %dma_start3A_241] : memref<8x1280x128xi32, #tpu.memory_space<hbm>> -> memref<1x40x128xi32, #tpu.memory_space<hbm>>
      %dma_start3A_243 = tpu.memref_squeeze %dma_start3A_242 : memref<1x40x128xi32, #tpu.memory_space<hbm>> -> memref<40x128xi32, #tpu.memory_space<hbm>>
      %dma_start3A_244 = arith.constant 0 : i32
      %dma_start3A_245 = tpu.memref_slice %arg3[%add3A_3, %add3A_37, %dma_start3A_244] : memref<8x1280x128xi32, #tpu.memory_space<hbm>> -> memref<1x40x128xi32, #tpu.memory_space<hbm>>
      %dma_start3A_246 = tpu.memref_squeeze %dma_start3A_245 : memref<1x40x128xi32, #tpu.memory_space<hbm>> -> memref<40x128xi32, #tpu.memory_space<hbm>>
      tpu.enqueue_dma source(%dma_start3A_246 : memref<40x128xi32, #tpu.memory_space<hbm>>) target(%arg8 : memref<40x128xi32, #tpu.memory_space<vmem>>) target_semaphore(%run_scoped3A : memref<!tpu.dma_semaphore, #tpu.memory_space<semaphore_mem>>)
      %dma_wait3A = arith.constant 0 : i32
      %dma_wait3A_247 = tpu.memref_slice %arg3[%add3A_3, %add3A_37, %dma_wait3A] : memref<8x1280x128xi32, #tpu.memory_space<hbm>> -> memref<1x40x128xi32, #tpu.memory_space<hbm>>
      %dma_wait3A_248 = tpu.memref_squeeze %dma_wait3A_247 : memref<1x40x128xi32, #tpu.memory_space<hbm>> -> memref<40x128xi32, #tpu.memory_space<hbm>>
      %dma_wait3A_249 = arith.constant 0 : i32
      %dma_wait3A_250 = tpu.memref_slice %arg3[%add3A_3, %add3A_37, %dma_wait3A_249] : memref<8x1280x128xi32, #tpu.memory_space<hbm>> -> memref<1x40x128xi32, #tpu.memory_space<hbm>>
      %dma_wait3A_251 = tpu.memref_squeeze %dma_wait3A_250 : memref<1x40x128xi32, #tpu.memory_space<hbm>> -> memref<40x128xi32, #tpu.memory_space<hbm>>
      tpu.wait_dma2 semaphore(%run_scoped3A : memref<!tpu.dma_semaphore, #tpu.memory_space<semaphore_mem>>) src(%dma_wait3A_251 : memref<40x128xi32, #tpu.memory_space<hbm>>) dst(%arg8 : memref<40x128xi32, #tpu.memory_space<vmem>>)
      tpu.yield
    }) : () -> ()
    "tpu.region"() ({
      %run_scoped3A = tpu.sem_alloc : memref<!tpu.dma_semaphore, #tpu.memory_space<semaphore_mem>>
      %dma_start3A_241 = arith.constant 0 : i32
      %dma_start3A_242 = tpu.memref_slice %arg4[%add3A_37, %dma_start3A_241] : memref<1280x128xi32, #tpu.memory_space<hbm>> -> memref<40x128xi32, #tpu.memory_space<hbm>>
      %dma_start3A_243 = arith.constant 0 : i32
      %dma_start3A_244 = tpu.memref_slice %arg4[%add3A_37, %dma_start3A_243] : memref<1280x128xi32, #tpu.memory_space<hbm>> -> memref<40x128xi32, #tpu.memory_space<hbm>>
      tpu.enqueue_dma source(%dma_start3A_244 : memref<40x128xi32, #tpu.memory_space<hbm>>) target(%arg9 : memref<40x128xi32, #tpu.memory_space<vmem>>) target_semaphore(%run_scoped3A : memref<!tpu.dma_semaphore, #tpu.memory_space<semaphore_mem>>)
      %dma_wait3A = arith.constant 0 : i32
      %dma_wait3A_245 = tpu.memref_slice %arg4[%add3A_37, %dma_wait3A] : memref<1280x128xi32, #tpu.memory_space<hbm>> -> memref<40x128xi32, #tpu.memory_space<hbm>>
      %dma_wait3A_246 = arith.constant 0 : i32
      %dma_wait3A_247 = tpu.memref_slice %arg4[%add3A_37, %dma_wait3A_246] : memref<1280x128xi32, #tpu.memory_space<hbm>> -> memref<40x128xi32, #tpu.memory_space<hbm>>
      tpu.wait_dma2 semaphore(%run_scoped3A : memref<!tpu.dma_semaphore, #tpu.memory_space<semaphore_mem>>) src(%dma_wait3A_247 : memref<40x128xi32, #tpu.memory_space<hbm>>) dst(%arg9 : memref<40x128xi32, #tpu.memory_space<vmem>>)
      tpu.yield
    }) : () -> ()
    %dma_start3A_38 = arith.constant 0 : i32
    %dma_start3A_39 = arith.constant 0 : i32
    %dma_start3A_40 = arith.constant 0 : i32
    %dma_start3A_41 = arith.constant 0 : i32
    %dma_start3A_42 = tpu.memref_slice %arg10[%dma_start3A_39, %dma_start3A_40, %dma_start3A_41] : memref<2x128x128xf32, #tpu.memory_space<vmem>> -> memref<1x128x128xf32, #tpu.memory_space<vmem>>
    %dma_start3A_43 = tpu.memref_squeeze %dma_start3A_42 : memref<1x128x128xf32, #tpu.memory_space<vmem>> -> memref<128x128xf32, #tpu.memory_space<vmem>>
    %dma_start3A_44 = arith.constant 0 : i32
    %dma_start3A_45 = tpu.memref_slice %arg8[%dma_start3A_38, %dma_start3A_44] : memref<40x128xi32, #tpu.memory_space<vmem>> -> memref<1x128xi32, #tpu.memory_space<vmem>>
    %dma_start3A_46 = tpu.memref_squeeze %dma_start3A_45 : memref<1x128xi32, #tpu.memory_space<vmem>> -> memref<128xi32, #tpu.memory_space<vmem>>
    %dma_start3A_47 = arith.constant 0 : i32
    %dma_start3A_48 = arith.constant 0 : i32
    %dma_start3A_49 = tpu.memref_slice %arg2[%dma_start3A_47, %dma_start3A_48] : memref<80000x128xf32, #tpu.memory_space<hbm>> -> memref<80000x128xf32, #tpu.memory_space<hbm>>
    tpu.enqueue_indirect_dma source(%dma_start3A_49 : memref<80000x128xf32, #tpu.memory_space<hbm>>) target(%dma_start3A_43 : memref<128x128xf32, #tpu.memory_space<vmem>>) offsets(%dma_start3A_46 : memref<128xi32, #tpu.memory_space<vmem>>) semaphore(%arg11 : memref<!tpu.dma_semaphore, #tpu.memory_space<semaphore_mem>>)
    %scan3A_50 = arith.constant 0 : i32
    %scan3A_51 = arith.constant 0 : i32
    %scan3A_52 = arith.constant 20 : i32
    %scan3A_53 = arith.addi %scan3A_51, %scan3A_52 : i32
    %scan3A_54 = arith.constant 1 : i32
    scf.for %scan3A_241 = %scan3A_51 to %scan3A_53 step %scan3A_54  : i32 {
      %mul3A_242 = arith.constant 2 : i32
      %mul3A_243 = arith.muli %mul3A_242, %scan3A_241 : i32
      %add3A_244 = arith.constant 1 : i32
      %add3A_245 = arith.addi %mul3A_243, %add3A_244 : i32
      %dma_start3A_246 = arith.constant 1 : i32
      %dma_start3A_247 = arith.constant 0 : i32
      %dma_start3A_248 = arith.constant 0 : i32
      %dma_start3A_249 = tpu.memref_slice %arg10[%dma_start3A_246, %dma_start3A_247, %dma_start3A_248] : memref<2x128x128xf32, #tpu.memory_space<vmem>> -> memref<1x128x128xf32, #tpu.memory_space<vmem>>
      %dma_start3A_250 = tpu.memref_squeeze %dma_start3A_249 : memref<1x128x128xf32, #tpu.memory_space<vmem>> -> memref<128x128xf32, #tpu.memory_space<vmem>>
      %dma_start3A_251 = arith.constant 0 : i32
      %dma_start3A_252 = tpu.memref_slice %arg8[%add3A_245, %dma_start3A_251] : memref<40x128xi32, #tpu.memory_space<vmem>> -> memref<1x128xi32, #tpu.memory_space<vmem>>
      %dma_start3A_253 = tpu.memref_squeeze %dma_start3A_252 : memref<1x128xi32, #tpu.memory_space<vmem>> -> memref<128xi32, #tpu.memory_space<vmem>>
      %dma_start3A_254 = arith.constant 0 : i32
      %dma_start3A_255 = arith.constant 0 : i32
      %dma_start3A_256 = tpu.memref_slice %arg2[%dma_start3A_254, %dma_start3A_255] : memref<80000x128xf32, #tpu.memory_space<hbm>> -> memref<80000x128xf32, #tpu.memory_space<hbm>>
      tpu.enqueue_indirect_dma source(%dma_start3A_256 : memref<80000x128xf32, #tpu.memory_space<hbm>>) target(%dma_start3A_250 : memref<128x128xf32, #tpu.memory_space<vmem>>) offsets(%dma_start3A_253 : memref<128xi32, #tpu.memory_space<vmem>>) semaphore(%arg12 : memref<!tpu.dma_semaphore, #tpu.memory_space<semaphore_mem>>)
      %dma_wait3A = arith.constant 0 : i32
      %dma_wait3A_257 = arith.constant 0 : i32
      %dma_wait3A_258 = arith.constant 0 : i32
      %dma_wait3A_259 = tpu.memref_slice %arg10[%dma_wait3A, %dma_wait3A_257, %dma_wait3A_258] : memref<2x128x128xf32, #tpu.memory_space<vmem>> -> memref<1x128x128xf32, #tpu.memory_space<vmem>>
      %dma_wait3A_260 = tpu.memref_squeeze %dma_wait3A_259 : memref<1x128x128xf32, #tpu.memory_space<vmem>> -> memref<128x128xf32, #tpu.memory_space<vmem>>
      %dma_wait3A_261 = arith.constant 0 : i32
      %dma_wait3A_262 = tpu.memref_slice %arg8[%mul3A_243, %dma_wait3A_261] : memref<40x128xi32, #tpu.memory_space<vmem>> -> memref<1x128xi32, #tpu.memory_space<vmem>>
      %dma_wait3A_263 = tpu.memref_squeeze %dma_wait3A_262 : memref<1x128xi32, #tpu.memory_space<vmem>> -> memref<128xi32, #tpu.memory_space<vmem>>
      %dma_wait3A_264 = arith.constant 0 : i32
      %dma_wait3A_265 = arith.constant 0 : i32
      %dma_wait3A_266 = tpu.memref_slice %arg2[%dma_wait3A_264, %dma_wait3A_265] : memref<80000x128xf32, #tpu.memory_space<hbm>> -> memref<80000x128xf32, #tpu.memory_space<hbm>>
      tpu.wait_indirect_dma semaphore(%arg11 : memref<!tpu.dma_semaphore, #tpu.memory_space<semaphore_mem>>) src(%dma_wait3A_266 : memref<80000x128xf32, #tpu.memory_space<hbm>>) dst(%dma_wait3A_260 : memref<128x128xf32, #tpu.memory_space<vmem>>)
      %run_scoped3A = arith.constant 0 : i32
      "tpu.region"() ({
        %run_scoped3A_287 = tpu.sem_alloc : memref<!tpu.dma_semaphore, #tpu.memory_space<semaphore_mem>>
        %dma_start3A_288 = arith.constant 0 : i32
        %dma_start3A_289 = arith.constant 0 : i32
        %dma_start3A_290 = tpu.memref_slice %arg10[%run_scoped3A, %dma_start3A_288, %dma_start3A_289] : memref<2x128x128xf32, #tpu.memory_space<vmem>> -> memref<1x128x128xf32, #tpu.memory_space<vmem>>
        %dma_start3A_291 = tpu.memref_squeeze %dma_start3A_290 : memref<1x128x128xf32, #tpu.memory_space<vmem>> -> memref<128x128xf32, #tpu.memory_space<vmem>>
        %dma_start3A_292 = arith.constant 0 : i32
        %dma_start3A_293 = tpu.memref_slice %arg9[%mul3A_243, %dma_start3A_292] : memref<40x128xi32, #tpu.memory_space<vmem>> -> memref<1x128xi32, #tpu.memory_space<vmem>>
        %dma_start3A_294 = tpu.memref_squeeze %dma_start3A_293 : memref<1x128xi32, #tpu.memory_space<vmem>> -> memref<128xi32, #tpu.memory_space<vmem>>
        %dma_start3A_295 = arith.constant 0 : i32
        %dma_start3A_296 = arith.constant 0 : i32
        %dma_start3A_297 = tpu.memref_slice %arg7[%dma_start3A_295, %dma_start3A_296] : memref<10240x128xf32, #tpu.memory_space<vmem_shared>> -> memref<10240x128xf32, #tpu.memory_space<vmem_shared>>
        tpu.enqueue_indirect_dma source(%dma_start3A_291 : memref<128x128xf32, #tpu.memory_space<vmem>>) target(%dma_start3A_297 : memref<10240x128xf32, #tpu.memory_space<vmem_shared>>) offsets(%dma_start3A_294 : memref<128xi32, #tpu.memory_space<vmem>>) semaphore(%run_scoped3A_287 : memref<!tpu.dma_semaphore, #tpu.memory_space<semaphore_mem>>) {add = true}
        %dma_wait3A_298 = arith.constant 0 : i32
        %dma_wait3A_299 = arith.constant 0 : i32
        %dma_wait3A_300 = tpu.memref_slice %arg10[%run_scoped3A, %dma_wait3A_298, %dma_wait3A_299] : memref<2x128x128xf32, #tpu.memory_space<vmem>> -> memref<1x128x128xf32, #tpu.memory_space<vmem>>
        %dma_wait3A_301 = tpu.memref_squeeze %dma_wait3A_300 : memref<1x128x128xf32, #tpu.memory_space<vmem>> -> memref<128x128xf32, #tpu.memory_space<vmem>>
        %dma_wait3A_302 = arith.constant 0 : i32
        %dma_wait3A_303 = tpu.memref_slice %arg9[%mul3A_243, %dma_wait3A_302] : memref<40x128xi32, #tpu.memory_space<vmem>> -> memref<1x128xi32, #tpu.memory_space<vmem>>
        %dma_wait3A_304 = tpu.memref_squeeze %dma_wait3A_303 : memref<1x128xi32, #tpu.memory_space<vmem>> -> memref<128xi32, #tpu.memory_space<vmem>>
        %dma_wait3A_305 = arith.constant 0 : i32
        %dma_wait3A_306 = arith.constant 0 : i32
        %dma_wait3A_307 = tpu.memref_slice %arg7[%dma_wait3A_305, %dma_wait3A_306] : memref<10240x128xf32, #tpu.memory_space<vmem_shared>> -> memref<10240x128xf32, #tpu.memory_space<vmem_shared>>
        tpu.wait_indirect_dma semaphore(%run_scoped3A_287 : memref<!tpu.dma_semaphore, #tpu.memory_space<semaphore_mem>>) src(%dma_wait3A_301 : memref<128x128xf32, #tpu.memory_space<vmem>>) dst(%dma_wait3A_307 : memref<10240x128xf32, #tpu.memory_space<vmem_shared>>)
        tpu.yield
      }) : () -> ()
      %add3A_267 = arith.constant 1 : i32
      %add3A_268 = arith.addi %scan3A_241, %add3A_267 : i32
      %lt3A = arith.constant 20 : i32
      %lt3A_269 = arith.cmpi slt, %add3A_268, %lt3A : i32
      %convert_element_type3A = arith.extui %lt3A_269 : i1 to i32
      %cond3A = arith.constant 0 : i32
      %cond3A_270 = arith.cmpi ne, %convert_element_type3A, %cond3A : i32
      scf.if %cond3A_270 {
        %add3A_287 = arith.constant 2 : i32
        %add3A_288 = arith.addi %mul3A_243, %add3A_287 : i32
        %dma_start3A_289 = arith.constant 0 : i32
        %dma_start3A_290 = arith.constant 0 : i32
        %dma_start3A_291 = arith.constant 0 : i32
        %dma_start3A_292 = tpu.memref_slice %arg10[%dma_start3A_289, %dma_start3A_290, %dma_start3A_291] : memref<2x128x128xf32, #tpu.memory_space<vmem>> -> memref<1x128x128xf32, #tpu.memory_space<vmem>>
        %dma_start3A_293 = tpu.memref_squeeze %dma_start3A_292 : memref<1x128x128xf32, #tpu.memory_space<vmem>> -> memref<128x128xf32, #tpu.memory_space<vmem>>
        %dma_start3A_294 = arith.constant 0 : i32
        %dma_start3A_295 = tpu.memref_slice %arg8[%add3A_288, %dma_start3A_294] : memref<40x128xi32, #tpu.memory_space<vmem>> -> memref<1x128xi32, #tpu.memory_space<vmem>>
        %dma_start3A_296 = tpu.memref_squeeze %dma_start3A_295 : memref<1x128xi32, #tpu.memory_space<vmem>> -> memref<128xi32, #tpu.memory_space<vmem>>
        %dma_start3A_297 = arith.constant 0 : i32
        %dma_start3A_298 = arith.constant 0 : i32
        %dma_start3A_299 = tpu.memref_slice %arg2[%dma_start3A_297, %dma_start3A_298] : memref<80000x128xf32, #tpu.memory_space<hbm>> -> memref<80000x128xf32, #tpu.memory_space<hbm>>
        tpu.enqueue_indirect_dma source(%dma_start3A_299 : memref<80000x128xf32, #tpu.memory_space<hbm>>) target(%dma_start3A_293 : memref<128x128xf32, #tpu.memory_space<vmem>>) offsets(%dma_start3A_296 : memref<128xi32, #tpu.memory_space<vmem>>) semaphore(%arg11 : memref<!tpu.dma_semaphore, #tpu.memory_space<semaphore_mem>>)
      } else {
      }
      %add3A_271 = arith.constant 1 : i32
      %add3A_272 = arith.addi %mul3A_243, %add3A_271 : i32
      %dma_wait3A_273 = arith.constant 1 : i32
      %dma_wait3A_274 = arith.constant 0 : i32
      %dma_wait3A_275 = arith.constant 0 : i32
      %dma_wait3A_276 = tpu.memref_slice %arg10[%dma_wait3A_273, %dma_wait3A_274, %dma_wait3A_275] : memref<2x128x128xf32, #tpu.memory_space<vmem>> -> memref<1x128x128xf32, #tpu.memory_space<vmem>>
      %dma_wait3A_277 = tpu.memref_squeeze %dma_wait3A_276 : memref<1x128x128xf32, #tpu.memory_space<vmem>> -> memref<128x128xf32, #tpu.memory_space<vmem>>
      %dma_wait3A_278 = arith.constant 0 : i32
      %dma_wait3A_279 = tpu.memref_slice %arg8[%add3A_272, %dma_wait3A_278] : memref<40x128xi32, #tpu.memory_space<vmem>> -> memref<1x128xi32, #tpu.memory_space<vmem>>
      %dma_wait3A_280 = tpu.memref_squeeze %dma_wait3A_279 : memref<1x128xi32, #tpu.memory_space<vmem>> -> memref<128xi32, #tpu.memory_space<vmem>>
      %dma_wait3A_281 = arith.constant 0 : i32
      %dma_wait3A_282 = arith.constant 0 : i32
      %dma_wait3A_283 = tpu.memref_slice %arg2[%dma_wait3A_281, %dma_wait3A_282] : memref<80000x128xf32, #tpu.memory_space<hbm>> -> memref<80000x128xf32, #tpu.memory_space<hbm>>
      tpu.wait_indirect_dma semaphore(%arg12 : memref<!tpu.dma_semaphore, #tpu.memory_space<semaphore_mem>>) src(%dma_wait3A_283 : memref<80000x128xf32, #tpu.memory_space<hbm>>) dst(%dma_wait3A_277 : memref<128x128xf32, #tpu.memory_space<vmem>>)
      %add3A_284 = arith.constant 1 : i32
      %add3A_285 = arith.addi %mul3A_243, %add3A_284 : i32
      %run_scoped3A_286 = arith.constant 1 : i32
      "tpu.region"() ({
        %run_scoped3A_287 = tpu.sem_alloc : memref<!tpu.dma_semaphore, #tpu.memory_space<semaphore_mem>>
        %dma_start3A_288 = arith.constant 0 : i32
        %dma_start3A_289 = arith.constant 0 : i32
        %dma_start3A_290 = tpu.memref_slice %arg10[%run_scoped3A_286, %dma_start3A_288, %dma_start3A_289] : memref<2x128x128xf32, #tpu.memory_space<vmem>> -> memref<1x128x128xf32, #tpu.memory_space<vmem>>
        %dma_start3A_291 = tpu.memref_squeeze %dma_start3A_290 : memref<1x128x128xf32, #tpu.memory_space<vmem>> -> memref<128x128xf32, #tpu.memory_space<vmem>>
        %dma_start3A_292 = arith.constant 0 : i32
        %dma_start3A_293 = tpu.memref_slice %arg9[%add3A_285, %dma_start3A_292] : memref<40x128xi32, #tpu.memory_space<vmem>> -> memref<1x128xi32, #tpu.memory_space<vmem>>
        %dma_start3A_294 = tpu.memref_squeeze %dma_start3A_293 : memref<1x128xi32, #tpu.memory_space<vmem>> -> memref<128xi32, #tpu.memory_space<vmem>>
        %dma_start3A_295 = arith.constant 0 : i32
        %dma_start3A_296 = arith.constant 0 : i32
        %dma_start3A_297 = tpu.memref_slice %arg7[%dma_start3A_295, %dma_start3A_296] : memref<10240x128xf32, #tpu.memory_space<vmem_shared>> -> memref<10240x128xf32, #tpu.memory_space<vmem_shared>>
        tpu.enqueue_indirect_dma source(%dma_start3A_291 : memref<128x128xf32, #tpu.memory_space<vmem>>) target(%dma_start3A_297 : memref<10240x128xf32, #tpu.memory_space<vmem_shared>>) offsets(%dma_start3A_294 : memref<128xi32, #tpu.memory_space<vmem>>) semaphore(%run_scoped3A_287 : memref<!tpu.dma_semaphore, #tpu.memory_space<semaphore_mem>>) {add = true}
        %dma_wait3A_298 = arith.constant 0 : i32
        %dma_wait3A_299 = arith.constant 0 : i32
        %dma_wait3A_300 = tpu.memref_slice %arg10[%run_scoped3A_286, %dma_wait3A_298, %dma_wait3A_299] : memref<2x128x128xf32, #tpu.memory_space<vmem>> -> memref<1x128x128xf32, #tpu.memory_space<vmem>>
        %dma_wait3A_301 = tpu.memref_squeeze %dma_wait3A_300 : memref<1x128x128xf32, #tpu.memory_space<vmem>> -> memref<128x128xf32, #tpu.memory_space<vmem>>
        %dma_wait3A_302 = arith.constant 0 : i32
        %dma_wait3A_303 = tpu.memref_slice %arg9[%add3A_285, %dma_wait3A_302] : memref<40x128xi32, #tpu.memory_space<vmem>> -> memref<1x128xi32, #tpu.memory_space<vmem>>
        %dma_wait3A_304 = tpu.memref_squeeze %dma_wait3A_303 : memref<1x128xi32, #tpu.memory_space<vmem>> -> memref<128xi32, #tpu.memory_space<vmem>>
        %dma_wait3A_305 = arith.constant 0 : i32
        %dma_wait3A_306 = arith.constant 0 : i32
        %dma_wait3A_307 = tpu.memref_slice %arg7[%dma_wait3A_305, %dma_wait3A_306] : memref<10240x128xf32, #tpu.memory_space<vmem_shared>> -> memref<10240x128xf32, #tpu.memory_space<vmem_shared>>
        tpu.wait_indirect_dma semaphore(%run_scoped3A_287 : memref<!tpu.dma_semaphore, #tpu.memory_space<semaphore_mem>>) src(%dma_wait3A_301 : memref<128x128xf32, #tpu.memory_space<vmem>>) dst(%dma_wait3A_307 : memref<10240x128xf32, #tpu.memory_space<vmem_shared>>)
        tpu.yield
      }) : () -> ()
    }
    %scan3A_55 = arith.constant 20 : i32
    %barrier3A_56 = arith.constant 0 : index
    tpu.barrier barrier_id(%barrier3A_56)
    "tpu.region"() ({
      %run_scoped3A = tpu.sem_alloc : memref<!tpu.dma_semaphore, #tpu.memory_space<semaphore_mem>>
      %dma_start3A_241 = arith.constant 0 : i32
      %dma_start3A_242 = tpu.memref_slice %arg6[%add3A_3, %mul3A_0, %dma_start3A_241] : memref<8x10240x128xf32, #tpu.memory_space<hbm>> -> memref<1x640x128xf32, #tpu.memory_space<hbm>>
      %dma_start3A_243 = tpu.memref_squeeze %dma_start3A_242 : memref<1x640x128xf32, #tpu.memory_space<hbm>> -> memref<640x128xf32, #tpu.memory_space<hbm>>
      %dma_start3A_244 = arith.constant 0 : i32
      %dma_start3A_245 = tpu.memref_slice %arg7[%mul3A_0, %dma_start3A_244] : memref<10240x128xf32, #tpu.memory_space<vmem_shared>> -> memref<640x128xf32, #tpu.memory_space<vmem_shared>>
      tpu.enqueue_dma source(%dma_start3A_245 : memref<640x128xf32, #tpu.memory_space<vmem_shared>>) target(%dma_start3A_243 : memref<640x128xf32, #tpu.memory_space<hbm>>) target_semaphore(%run_scoped3A : memref<!tpu.dma_semaphore, #tpu.memory_space<semaphore_mem>>)
      %dma_wait3A = arith.constant 0 : i32
      %dma_wait3A_246 = tpu.memref_slice %arg6[%add3A_3, %mul3A_0, %dma_wait3A] : memref<8x10240x128xf32, #tpu.memory_space<hbm>> -> memref<1x640x128xf32, #tpu.memory_space<hbm>>
      %dma_wait3A_247 = tpu.memref_squeeze %dma_wait3A_246 : memref<1x640x128xf32, #tpu.memory_space<hbm>> -> memref<640x128xf32, #tpu.memory_space<hbm>>
      %dma_wait3A_248 = arith.constant 0 : i32
      %dma_wait3A_249 = tpu.memref_slice %arg7[%mul3A_0, %dma_wait3A_248] : memref<10240x128xf32, #tpu.memory_space<vmem_shared>> -> memref<640x128xf32, #tpu.memory_space<vmem_shared>>
      tpu.wait_dma2 semaphore(%run_scoped3A : memref<!tpu.dma_semaphore, #tpu.memory_space<semaphore_mem>>) src(%dma_wait3A_249 : memref<640x128xf32, #tpu.memory_space<vmem_shared>>) dst(%dma_wait3A_247 : memref<640x128xf32, #tpu.memory_space<hbm>>)
      tpu.yield
    }) : () -> ()
    %barrier3A_57 = arith.constant 0 : index
    tpu.barrier barrier_id(%barrier3A_57)
    %mul3A_58 = arith.constant 4 : i32
    %mul3A_59 = arith.muli %arg0, %mul3A_58 : i32
    %add3A_60 = arith.constant 1 : i32
    %add3A_61 = arith.addi %mul3A_59, %add3A_60 : i32
    %add3A_62 = arith.constant 0 : i32
    %add3A_63 = arith.addi %mul3A_0, %add3A_62 : i32
    "tpu.region"() ({
      %run_scoped3A = tpu.sem_alloc : memref<!tpu.dma_semaphore, #tpu.memory_space<semaphore_mem>>
      %dma_start3A_241 = arith.constant 0 : i32
      %dma_start3A_242 = tpu.memref_slice %arg7[%add3A_63, %dma_start3A_241] : memref<10240x128xf32, #tpu.memory_space<vmem_shared>> -> memref<128x128xf32, #tpu.memory_space<vmem_shared>>
      tpu.enqueue_dma source(%arg5 : memref<128x128xf32, #tpu.memory_space<hbm>>) target(%dma_start3A_242 : memref<128x128xf32, #tpu.memory_space<vmem_shared>>) target_semaphore(%run_scoped3A : memref<!tpu.dma_semaphore, #tpu.memory_space<semaphore_mem>>)
      %dma_wait3A = arith.constant 0 : i32
      %dma_wait3A_243 = tpu.memref_slice %arg7[%add3A_63, %dma_wait3A] : memref<10240x128xf32, #tpu.memory_space<vmem_shared>> -> memref<128x128xf32, #tpu.memory_space<vmem_shared>>
      tpu.wait_dma2 semaphore(%run_scoped3A : memref<!tpu.dma_semaphore, #tpu.memory_space<semaphore_mem>>) src(%arg5 : memref<128x128xf32, #tpu.memory_space<hbm>>) dst(%dma_wait3A_243 : memref<128x128xf32, #tpu.memory_space<vmem_shared>>)
      tpu.yield
    }) : () -> ()
    %add3A_64 = arith.constant 128 : i32
    %add3A_65 = arith.addi %mul3A_0, %add3A_64 : i32
    "tpu.region"() ({
      %run_scoped3A = tpu.sem_alloc : memref<!tpu.dma_semaphore, #tpu.memory_space<semaphore_mem>>
      %dma_start3A_241 = arith.constant 0 : i32
      %dma_start3A_242 = tpu.memref_slice %arg7[%add3A_65, %dma_start3A_241] : memref<10240x128xf32, #tpu.memory_space<vmem_shared>> -> memref<128x128xf32, #tpu.memory_space<vmem_shared>>
      tpu.enqueue_dma source(%arg5 : memref<128x128xf32, #tpu.memory_space<hbm>>) target(%dma_start3A_242 : memref<128x128xf32, #tpu.memory_space<vmem_shared>>) target_semaphore(%run_scoped3A : memref<!tpu.dma_semaphore, #tpu.memory_space<semaphore_mem>>)
      %dma_wait3A = arith.constant 0 : i32
      %dma_wait3A_243 = tpu.memref_slice %arg7[%add3A_65, %dma_wait3A] : memref<10240x128xf32, #tpu.memory_space<vmem_shared>> -> memref<128x128xf32, #tpu.memory_space<vmem_shared>>
      tpu.wait_dma2 semaphore(%run_scoped3A : memref<!tpu.dma_semaphore, #tpu.memory_space<semaphore_mem>>) src(%arg5 : memref<128x128xf32, #tpu.memory_space<hbm>>) dst(%dma_wait3A_243 : memref<128x128xf32, #tpu.memory_space<vmem_shared>>)
      tpu.yield
    }) : () -> ()
    %add3A_66 = arith.constant 256 : i32
    %add3A_67 = arith.addi %mul3A_0, %add3A_66 : i32
    "tpu.region"() ({
      %run_scoped3A = tpu.sem_alloc : memref<!tpu.dma_semaphore, #tpu.memory_space<semaphore_mem>>
      %dma_start3A_241 = arith.constant 0 : i32
      %dma_start3A_242 = tpu.memref_slice %arg7[%add3A_67, %dma_start3A_241] : memref<10240x128xf32, #tpu.memory_space<vmem_shared>> -> memref<128x128xf32, #tpu.memory_space<vmem_shared>>
      tpu.enqueue_dma source(%arg5 : memref<128x128xf32, #tpu.memory_space<hbm>>) target(%dma_start3A_242 : memref<128x128xf32, #tpu.memory_space<vmem_shared>>) target_semaphore(%run_scoped3A : memref<!tpu.dma_semaphore, #tpu.memory_space<semaphore_mem>>)
      %dma_wait3A = arith.constant 0 : i32
      %dma_wait3A_243 = tpu.memref_slice %arg7[%add3A_67, %dma_wait3A] : memref<10240x128xf32, #tpu.memory_space<vmem_shared>> -> memref<128x128xf32, #tpu.memory_space<vmem_shared>>
      tpu.wait_dma2 semaphore(%run_scoped3A : memref<!tpu.dma_semaphore, #tpu.memory_space<semaphore_mem>>) src(%arg5 : memref<128x128xf32, #tpu.memory_space<hbm>>) dst(%dma_wait3A_243 : memref<128x128xf32, #tpu.memory_space<vmem_shared>>)
      tpu.yield
    }) : () -> ()
    %add3A_68 = arith.constant 384 : i32
    %add3A_69 = arith.addi %mul3A_0, %add3A_68 : i32
    "tpu.region"() ({
      %run_scoped3A = tpu.sem_alloc : memref<!tpu.dma_semaphore, #tpu.memory_space<semaphore_mem>>
      %dma_start3A_241 = arith.constant 0 : i32
      %dma_start3A_242 = tpu.memref_slice %arg7[%add3A_69, %dma_start3A_241] : memref<10240x128xf32, #tpu.memory_space<vmem_shared>> -> memref<128x128xf32, #tpu.memory_space<vmem_shared>>
      tpu.enqueue_dma source(%arg5 : memref<128x128xf32, #tpu.memory_space<hbm>>) target(%dma_start3A_242 : memref<128x128xf32, #tpu.memory_space<vmem_shared>>) target_semaphore(%run_scoped3A : memref<!tpu.dma_semaphore, #tpu.memory_space<semaphore_mem>>)
      %dma_wait3A = arith.constant 0 : i32
      %dma_wait3A_243 = tpu.memref_slice %arg7[%add3A_69, %dma_wait3A] : memref<10240x128xf32, #tpu.memory_space<vmem_shared>> -> memref<128x128xf32, #tpu.memory_space<vmem_shared>>
      tpu.wait_dma2 semaphore(%run_scoped3A : memref<!tpu.dma_semaphore, #tpu.memory_space<semaphore_mem>>) src(%arg5 : memref<128x128xf32, #tpu.memory_space<hbm>>) dst(%dma_wait3A_243 : memref<128x128xf32, #tpu.memory_space<vmem_shared>>)
      tpu.yield
    }) : () -> ()
    %add3A_70 = arith.constant 512 : i32
    %add3A_71 = arith.addi %mul3A_0, %add3A_70 : i32
    "tpu.region"() ({
      %run_scoped3A = tpu.sem_alloc : memref<!tpu.dma_semaphore, #tpu.memory_space<semaphore_mem>>
      %dma_start3A_241 = arith.constant 0 : i32
      %dma_start3A_242 = tpu.memref_slice %arg7[%add3A_71, %dma_start3A_241] : memref<10240x128xf32, #tpu.memory_space<vmem_shared>> -> memref<128x128xf32, #tpu.memory_space<vmem_shared>>
      tpu.enqueue_dma source(%arg5 : memref<128x128xf32, #tpu.memory_space<hbm>>) target(%dma_start3A_242 : memref<128x128xf32, #tpu.memory_space<vmem_shared>>) target_semaphore(%run_scoped3A : memref<!tpu.dma_semaphore, #tpu.memory_space<semaphore_mem>>)
      %dma_wait3A = arith.constant 0 : i32
      %dma_wait3A_243 = tpu.memref_slice %arg7[%add3A_71, %dma_wait3A] : memref<10240x128xf32, #tpu.memory_space<vmem_shared>> -> memref<128x128xf32, #tpu.memory_space<vmem_shared>>
      tpu.wait_dma2 semaphore(%run_scoped3A : memref<!tpu.dma_semaphore, #tpu.memory_space<semaphore_mem>>) src(%arg5 : memref<128x128xf32, #tpu.memory_space<hbm>>) dst(%dma_wait3A_243 : memref<128x128xf32, #tpu.memory_space<vmem_shared>>)
      tpu.yield
    }) : () -> ()
    %barrier3A_72 = arith.constant 0 : index
    tpu.barrier barrier_id(%barrier3A_72)
    %mul3A_73 = arith.constant 80 : i32
    %mul3A_74 = arith.muli %arg1, %mul3A_73 : i32
    %add3A_75 = arith.constant 0 : i32
    %add3A_76 = arith.addi %mul3A_74, %add3A_75 : i32
    "tpu.region"() ({
      %run_scoped3A = tpu.sem_alloc : memref<!tpu.dma_semaphore, #tpu.memory_space<semaphore_mem>>
      %dma_start3A_241 = arith.constant 0 : i32
      %dma_start3A_242 = tpu.memref_slice %arg3[%add3A_61, %add3A_76, %dma_start3A_241] : memref<8x1280x128xi32, #tpu.memory_space<hbm>> -> memref<1x40x128xi32, #tpu.memory_space<hbm>>
      %dma_start3A_243 = tpu.memref_squeeze %dma_start3A_242 : memref<1x40x128xi32, #tpu.memory_space<hbm>> -> memref<40x128xi32, #tpu.memory_space<hbm>>
      %dma_start3A_244 = arith.constant 0 : i32
      %dma_start3A_245 = tpu.memref_slice %arg3[%add3A_61, %add3A_76, %dma_start3A_244] : memref<8x1280x128xi32, #tpu.memory_space<hbm>> -> memref<1x40x128xi32, #tpu.memory_space<hbm>>
      %dma_start3A_246 = tpu.memref_squeeze %dma_start3A_245 : memref<1x40x128xi32, #tpu.memory_space<hbm>> -> memref<40x128xi32, #tpu.memory_space<hbm>>
      tpu.enqueue_dma source(%dma_start3A_246 : memref<40x128xi32, #tpu.memory_space<hbm>>) target(%arg8 : memref<40x128xi32, #tpu.memory_space<vmem>>) target_semaphore(%run_scoped3A : memref<!tpu.dma_semaphore, #tpu.memory_space<semaphore_mem>>)
      %dma_wait3A = arith.constant 0 : i32
      %dma_wait3A_247 = tpu.memref_slice %arg3[%add3A_61, %add3A_76, %dma_wait3A] : memref<8x1280x128xi32, #tpu.memory_space<hbm>> -> memref<1x40x128xi32, #tpu.memory_space<hbm>>
      %dma_wait3A_248 = tpu.memref_squeeze %dma_wait3A_247 : memref<1x40x128xi32, #tpu.memory_space<hbm>> -> memref<40x128xi32, #tpu.memory_space<hbm>>
      %dma_wait3A_249 = arith.constant 0 : i32
      %dma_wait3A_250 = tpu.memref_slice %arg3[%add3A_61, %add3A_76, %dma_wait3A_249] : memref<8x1280x128xi32, #tpu.memory_space<hbm>> -> memref<1x40x128xi32, #tpu.memory_space<hbm>>
      %dma_wait3A_251 = tpu.memref_squeeze %dma_wait3A_250 : memref<1x40x128xi32, #tpu.memory_space<hbm>> -> memref<40x128xi32, #tpu.memory_space<hbm>>
      tpu.wait_dma2 semaphore(%run_scoped3A : memref<!tpu.dma_semaphore, #tpu.memory_space<semaphore_mem>>) src(%dma_wait3A_251 : memref<40x128xi32, #tpu.memory_space<hbm>>) dst(%arg8 : memref<40x128xi32, #tpu.memory_space<vmem>>)
      tpu.yield
    }) : () -> ()
    "tpu.region"() ({
      %run_scoped3A = tpu.sem_alloc : memref<!tpu.dma_semaphore, #tpu.memory_space<semaphore_mem>>
      %dma_start3A_241 = arith.constant 0 : i32
      %dma_start3A_242 = tpu.memref_slice %arg4[%add3A_76, %dma_start3A_241] : memref<1280x128xi32, #tpu.memory_space<hbm>> -> memref<40x128xi32, #tpu.memory_space<hbm>>
      %dma_start3A_243 = arith.constant 0 : i32
      %dma_start3A_244 = tpu.memref_slice %arg4[%add3A_76, %dma_start3A_243] : memref<1280x128xi32, #tpu.memory_space<hbm>> -> memref<40x128xi32, #tpu.memory_space<hbm>>
      tpu.enqueue_dma source(%dma_start3A_244 : memref<40x128xi32, #tpu.memory_space<hbm>>) target(%arg9 : memref<40x128xi32, #tpu.memory_space<vmem>>) target_semaphore(%run_scoped3A : memref<!tpu.dma_semaphore, #tpu.memory_space<semaphore_mem>>)
      %dma_wait3A = arith.constant 0 : i32
      %dma_wait3A_245 = tpu.memref_slice %arg4[%add3A_76, %dma_wait3A] : memref<1280x128xi32, #tpu.memory_space<hbm>> -> memref<40x128xi32, #tpu.memory_space<hbm>>
      %dma_wait3A_246 = arith.constant 0 : i32
      %dma_wait3A_247 = tpu.memref_slice %arg4[%add3A_76, %dma_wait3A_246] : memref<1280x128xi32, #tpu.memory_space<hbm>> -> memref<40x128xi32, #tpu.memory_space<hbm>>
      tpu.wait_dma2 semaphore(%run_scoped3A : memref<!tpu.dma_semaphore, #tpu.memory_space<semaphore_mem>>) src(%dma_wait3A_247 : memref<40x128xi32, #tpu.memory_space<hbm>>) dst(%arg9 : memref<40x128xi32, #tpu.memory_space<vmem>>)
      tpu.yield
    }) : () -> ()
    %dma_start3A_77 = arith.constant 0 : i32
    %dma_start3A_78 = arith.constant 0 : i32
    %dma_start3A_79 = arith.constant 0 : i32
    %dma_start3A_80 = arith.constant 0 : i32
    %dma_start3A_81 = tpu.memref_slice %arg10[%dma_start3A_78, %dma_start3A_79, %dma_start3A_80] : memref<2x128x128xf32, #tpu.memory_space<vmem>> -> memref<1x128x128xf32, #tpu.memory_space<vmem>>
    %dma_start3A_82 = tpu.memref_squeeze %dma_start3A_81 : memref<1x128x128xf32, #tpu.memory_space<vmem>> -> memref<128x128xf32, #tpu.memory_space<vmem>>
    %dma_start3A_83 = arith.constant 0 : i32
    %dma_start3A_84 = tpu.memref_slice %arg8[%dma_start3A_77, %dma_start3A_83] : memref<40x128xi32, #tpu.memory_space<vmem>> -> memref<1x128xi32, #tpu.memory_space<vmem>>
    %dma_start3A_85 = tpu.memref_squeeze %dma_start3A_84 : memref<1x128xi32, #tpu.memory_space<vmem>> -> memref<128xi32, #tpu.memory_space<vmem>>
    %dma_start3A_86 = arith.constant 0 : i32
    %dma_start3A_87 = arith.constant 0 : i32
    %dma_start3A_88 = tpu.memref_slice %arg2[%dma_start3A_86, %dma_start3A_87] : memref<80000x128xf32, #tpu.memory_space<hbm>> -> memref<80000x128xf32, #tpu.memory_space<hbm>>
    tpu.enqueue_indirect_dma source(%dma_start3A_88 : memref<80000x128xf32, #tpu.memory_space<hbm>>) target(%dma_start3A_82 : memref<128x128xf32, #tpu.memory_space<vmem>>) offsets(%dma_start3A_85 : memref<128xi32, #tpu.memory_space<vmem>>) semaphore(%arg11 : memref<!tpu.dma_semaphore, #tpu.memory_space<semaphore_mem>>)
    %scan3A_89 = arith.constant 0 : i32
    %scan3A_90 = arith.constant 0 : i32
    %scan3A_91 = arith.constant 20 : i32
    %scan3A_92 = arith.addi %scan3A_90, %scan3A_91 : i32
    %scan3A_93 = arith.constant 1 : i32
    scf.for %scan3A_241 = %scan3A_90 to %scan3A_92 step %scan3A_93  : i32 {
      %mul3A_242 = arith.constant 2 : i32
      %mul3A_243 = arith.muli %mul3A_242, %scan3A_241 : i32
      %add3A_244 = arith.constant 1 : i32
      %add3A_245 = arith.addi %mul3A_243, %add3A_244 : i32
      %dma_start3A_246 = arith.constant 1 : i32
      %dma_start3A_247 = arith.constant 0 : i32
      %dma_start3A_248 = arith.constant 0 : i32
      %dma_start3A_249 = tpu.memref_slice %arg10[%dma_start3A_246, %dma_start3A_247, %dma_start3A_248] : memref<2x128x128xf32, #tpu.memory_space<vmem>> -> memref<1x128x128xf32, #tpu.memory_space<vmem>>
      %dma_start3A_250 = tpu.memref_squeeze %dma_start3A_249 : memref<1x128x128xf32, #tpu.memory_space<vmem>> -> memref<128x128xf32, #tpu.memory_space<vmem>>
      %dma_start3A_251 = arith.constant 0 : i32
      %dma_start3A_252 = tpu.memref_slice %arg8[%add3A_245, %dma_start3A_251] : memref<40x128xi32, #tpu.memory_space<vmem>> -> memref<1x128xi32, #tpu.memory_space<vmem>>
      %dma_start3A_253 = tpu.memref_squeeze %dma_start3A_252 : memref<1x128xi32, #tpu.memory_space<vmem>> -> memref<128xi32, #tpu.memory_space<vmem>>
      %dma_start3A_254 = arith.constant 0 : i32
      %dma_start3A_255 = arith.constant 0 : i32
      %dma_start3A_256 = tpu.memref_slice %arg2[%dma_start3A_254, %dma_start3A_255] : memref<80000x128xf32, #tpu.memory_space<hbm>> -> memref<80000x128xf32, #tpu.memory_space<hbm>>
      tpu.enqueue_indirect_dma source(%dma_start3A_256 : memref<80000x128xf32, #tpu.memory_space<hbm>>) target(%dma_start3A_250 : memref<128x128xf32, #tpu.memory_space<vmem>>) offsets(%dma_start3A_253 : memref<128xi32, #tpu.memory_space<vmem>>) semaphore(%arg12 : memref<!tpu.dma_semaphore, #tpu.memory_space<semaphore_mem>>)
      %dma_wait3A = arith.constant 0 : i32
      %dma_wait3A_257 = arith.constant 0 : i32
      %dma_wait3A_258 = arith.constant 0 : i32
      %dma_wait3A_259 = tpu.memref_slice %arg10[%dma_wait3A, %dma_wait3A_257, %dma_wait3A_258] : memref<2x128x128xf32, #tpu.memory_space<vmem>> -> memref<1x128x128xf32, #tpu.memory_space<vmem>>
      %dma_wait3A_260 = tpu.memref_squeeze %dma_wait3A_259 : memref<1x128x128xf32, #tpu.memory_space<vmem>> -> memref<128x128xf32, #tpu.memory_space<vmem>>
      %dma_wait3A_261 = arith.constant 0 : i32
      %dma_wait3A_262 = tpu.memref_slice %arg8[%mul3A_243, %dma_wait3A_261] : memref<40x128xi32, #tpu.memory_space<vmem>> -> memref<1x128xi32, #tpu.memory_space<vmem>>
      %dma_wait3A_263 = tpu.memref_squeeze %dma_wait3A_262 : memref<1x128xi32, #tpu.memory_space<vmem>> -> memref<128xi32, #tpu.memory_space<vmem>>
      %dma_wait3A_264 = arith.constant 0 : i32
      %dma_wait3A_265 = arith.constant 0 : i32
      %dma_wait3A_266 = tpu.memref_slice %arg2[%dma_wait3A_264, %dma_wait3A_265] : memref<80000x128xf32, #tpu.memory_space<hbm>> -> memref<80000x128xf32, #tpu.memory_space<hbm>>
      tpu.wait_indirect_dma semaphore(%arg11 : memref<!tpu.dma_semaphore, #tpu.memory_space<semaphore_mem>>) src(%dma_wait3A_266 : memref<80000x128xf32, #tpu.memory_space<hbm>>) dst(%dma_wait3A_260 : memref<128x128xf32, #tpu.memory_space<vmem>>)
      %run_scoped3A = arith.constant 0 : i32
      "tpu.region"() ({
        %run_scoped3A_287 = tpu.sem_alloc : memref<!tpu.dma_semaphore, #tpu.memory_space<semaphore_mem>>
        %dma_start3A_288 = arith.constant 0 : i32
        %dma_start3A_289 = arith.constant 0 : i32
        %dma_start3A_290 = tpu.memref_slice %arg10[%run_scoped3A, %dma_start3A_288, %dma_start3A_289] : memref<2x128x128xf32, #tpu.memory_space<vmem>> -> memref<1x128x128xf32, #tpu.memory_space<vmem>>
        %dma_start3A_291 = tpu.memref_squeeze %dma_start3A_290 : memref<1x128x128xf32, #tpu.memory_space<vmem>> -> memref<128x128xf32, #tpu.memory_space<vmem>>
        %dma_start3A_292 = arith.constant 0 : i32
        %dma_start3A_293 = tpu.memref_slice %arg9[%mul3A_243, %dma_start3A_292] : memref<40x128xi32, #tpu.memory_space<vmem>> -> memref<1x128xi32, #tpu.memory_space<vmem>>
        %dma_start3A_294 = tpu.memref_squeeze %dma_start3A_293 : memref<1x128xi32, #tpu.memory_space<vmem>> -> memref<128xi32, #tpu.memory_space<vmem>>
        %dma_start3A_295 = arith.constant 0 : i32
        %dma_start3A_296 = arith.constant 0 : i32
        %dma_start3A_297 = tpu.memref_slice %arg7[%dma_start3A_295, %dma_start3A_296] : memref<10240x128xf32, #tpu.memory_space<vmem_shared>> -> memref<10240x128xf32, #tpu.memory_space<vmem_shared>>
        tpu.enqueue_indirect_dma source(%dma_start3A_291 : memref<128x128xf32, #tpu.memory_space<vmem>>) target(%dma_start3A_297 : memref<10240x128xf32, #tpu.memory_space<vmem_shared>>) offsets(%dma_start3A_294 : memref<128xi32, #tpu.memory_space<vmem>>) semaphore(%run_scoped3A_287 : memref<!tpu.dma_semaphore, #tpu.memory_space<semaphore_mem>>) {add = true}
        %dma_wait3A_298 = arith.constant 0 : i32
        %dma_wait3A_299 = arith.constant 0 : i32
        %dma_wait3A_300 = tpu.memref_slice %arg10[%run_scoped3A, %dma_wait3A_298, %dma_wait3A_299] : memref<2x128x128xf32, #tpu.memory_space<vmem>> -> memref<1x128x128xf32, #tpu.memory_space<vmem>>
        %dma_wait3A_301 = tpu.memref_squeeze %dma_wait3A_300 : memref<1x128x128xf32, #tpu.memory_space<vmem>> -> memref<128x128xf32, #tpu.memory_space<vmem>>
        %dma_wait3A_302 = arith.constant 0 : i32
        %dma_wait3A_303 = tpu.memref_slice %arg9[%mul3A_243, %dma_wait3A_302] : memref<40x128xi32, #tpu.memory_space<vmem>> -> memref<1x128xi32, #tpu.memory_space<vmem>>
        %dma_wait3A_304 = tpu.memref_squeeze %dma_wait3A_303 : memref<1x128xi32, #tpu.memory_space<vmem>> -> memref<128xi32, #tpu.memory_space<vmem>>
        %dma_wait3A_305 = arith.constant 0 : i32
        %dma_wait3A_306 = arith.constant 0 : i32
        %dma_wait3A_307 = tpu.memref_slice %arg7[%dma_wait3A_305, %dma_wait3A_306] : memref<10240x128xf32, #tpu.memory_space<vmem_shared>> -> memref<10240x128xf32, #tpu.memory_space<vmem_shared>>
        tpu.wait_indirect_dma semaphore(%run_scoped3A_287 : memref<!tpu.dma_semaphore, #tpu.memory_space<semaphore_mem>>) src(%dma_wait3A_301 : memref<128x128xf32, #tpu.memory_space<vmem>>) dst(%dma_wait3A_307 : memref<10240x128xf32, #tpu.memory_space<vmem_shared>>)
        tpu.yield
      }) : () -> ()
      %add3A_267 = arith.constant 1 : i32
      %add3A_268 = arith.addi %scan3A_241, %add3A_267 : i32
      %lt3A = arith.constant 20 : i32
      %lt3A_269 = arith.cmpi slt, %add3A_268, %lt3A : i32
      %convert_element_type3A = arith.extui %lt3A_269 : i1 to i32
      %cond3A = arith.constant 0 : i32
      %cond3A_270 = arith.cmpi ne, %convert_element_type3A, %cond3A : i32
      scf.if %cond3A_270 {
        %add3A_287 = arith.constant 2 : i32
        %add3A_288 = arith.addi %mul3A_243, %add3A_287 : i32
        %dma_start3A_289 = arith.constant 0 : i32
        %dma_start3A_290 = arith.constant 0 : i32
        %dma_start3A_291 = arith.constant 0 : i32
        %dma_start3A_292 = tpu.memref_slice %arg10[%dma_start3A_289, %dma_start3A_290, %dma_start3A_291] : memref<2x128x128xf32, #tpu.memory_space<vmem>> -> memref<1x128x128xf32, #tpu.memory_space<vmem>>
        %dma_start3A_293 = tpu.memref_squeeze %dma_start3A_292 : memref<1x128x128xf32, #tpu.memory_space<vmem>> -> memref<128x128xf32, #tpu.memory_space<vmem>>
        %dma_start3A_294 = arith.constant 0 : i32
        %dma_start3A_295 = tpu.memref_slice %arg8[%add3A_288, %dma_start3A_294] : memref<40x128xi32, #tpu.memory_space<vmem>> -> memref<1x128xi32, #tpu.memory_space<vmem>>
        %dma_start3A_296 = tpu.memref_squeeze %dma_start3A_295 : memref<1x128xi32, #tpu.memory_space<vmem>> -> memref<128xi32, #tpu.memory_space<vmem>>
        %dma_start3A_297 = arith.constant 0 : i32
        %dma_start3A_298 = arith.constant 0 : i32
        %dma_start3A_299 = tpu.memref_slice %arg2[%dma_start3A_297, %dma_start3A_298] : memref<80000x128xf32, #tpu.memory_space<hbm>> -> memref<80000x128xf32, #tpu.memory_space<hbm>>
        tpu.enqueue_indirect_dma source(%dma_start3A_299 : memref<80000x128xf32, #tpu.memory_space<hbm>>) target(%dma_start3A_293 : memref<128x128xf32, #tpu.memory_space<vmem>>) offsets(%dma_start3A_296 : memref<128xi32, #tpu.memory_space<vmem>>) semaphore(%arg11 : memref<!tpu.dma_semaphore, #tpu.memory_space<semaphore_mem>>)
      } else {
      }
      %add3A_271 = arith.constant 1 : i32
      %add3A_272 = arith.addi %mul3A_243, %add3A_271 : i32
      %dma_wait3A_273 = arith.constant 1 : i32
      %dma_wait3A_274 = arith.constant 0 : i32
      %dma_wait3A_275 = arith.constant 0 : i32
      %dma_wait3A_276 = tpu.memref_slice %arg10[%dma_wait3A_273, %dma_wait3A_274, %dma_wait3A_275] : memref<2x128x128xf32, #tpu.memory_space<vmem>> -> memref<1x128x128xf32, #tpu.memory_space<vmem>>
      %dma_wait3A_277 = tpu.memref_squeeze %dma_wait3A_276 : memref<1x128x128xf32, #tpu.memory_space<vmem>> -> memref<128x128xf32, #tpu.memory_space<vmem>>
      %dma_wait3A_278 = arith.constant 0 : i32
      %dma_wait3A_279 = tpu.memref_slice %arg8[%add3A_272, %dma_wait3A_278] : memref<40x128xi32, #tpu.memory_space<vmem>> -> memref<1x128xi32, #tpu.memory_space<vmem>>
      %dma_wait3A_280 = tpu.memref_squeeze %dma_wait3A_279 : memref<1x128xi32, #tpu.memory_space<vmem>> -> memref<128xi32, #tpu.memory_space<vmem>>
      %dma_wait3A_281 = arith.constant 0 : i32
      %dma_wait3A_282 = arith.constant 0 : i32
      %dma_wait3A_283 = tpu.memref_slice %arg2[%dma_wait3A_281, %dma_wait3A_282] : memref<80000x128xf32, #tpu.memory_space<hbm>> -> memref<80000x128xf32, #tpu.memory_space<hbm>>
      tpu.wait_indirect_dma semaphore(%arg12 : memref<!tpu.dma_semaphore, #tpu.memory_space<semaphore_mem>>) src(%dma_wait3A_283 : memref<80000x128xf32, #tpu.memory_space<hbm>>) dst(%dma_wait3A_277 : memref<128x128xf32, #tpu.memory_space<vmem>>)
      %add3A_284 = arith.constant 1 : i32
      %add3A_285 = arith.addi %mul3A_243, %add3A_284 : i32
      %run_scoped3A_286 = arith.constant 1 : i32
      "tpu.region"() ({
        %run_scoped3A_287 = tpu.sem_alloc : memref<!tpu.dma_semaphore, #tpu.memory_space<semaphore_mem>>
        %dma_start3A_288 = arith.constant 0 : i32
        %dma_start3A_289 = arith.constant 0 : i32
        %dma_start3A_290 = tpu.memref_slice %arg10[%run_scoped3A_286, %dma_start3A_288, %dma_start3A_289] : memref<2x128x128xf32, #tpu.memory_space<vmem>> -> memref<1x128x128xf32, #tpu.memory_space<vmem>>
        %dma_start3A_291 = tpu.memref_squeeze %dma_start3A_290 : memref<1x128x128xf32, #tpu.memory_space<vmem>> -> memref<128x128xf32, #tpu.memory_space<vmem>>
        %dma_start3A_292 = arith.constant 0 : i32
        %dma_start3A_293 = tpu.memref_slice %arg9[%add3A_285, %dma_start3A_292] : memref<40x128xi32, #tpu.memory_space<vmem>> -> memref<1x128xi32, #tpu.memory_space<vmem>>
        %dma_start3A_294 = tpu.memref_squeeze %dma_start3A_293 : memref<1x128xi32, #tpu.memory_space<vmem>> -> memref<128xi32, #tpu.memory_space<vmem>>
        %dma_start3A_295 = arith.constant 0 : i32
        %dma_start3A_296 = arith.constant 0 : i32
        %dma_start3A_297 = tpu.memref_slice %arg7[%dma_start3A_295, %dma_start3A_296] : memref<10240x128xf32, #tpu.memory_space<vmem_shared>> -> memref<10240x128xf32, #tpu.memory_space<vmem_shared>>
        tpu.enqueue_indirect_dma source(%dma_start3A_291 : memref<128x128xf32, #tpu.memory_space<vmem>>) target(%dma_start3A_297 : memref<10240x128xf32, #tpu.memory_space<vmem_shared>>) offsets(%dma_start3A_294 : memref<128xi32, #tpu.memory_space<vmem>>) semaphore(%run_scoped3A_287 : memref<!tpu.dma_semaphore, #tpu.memory_space<semaphore_mem>>) {add = true}
        %dma_wait3A_298 = arith.constant 0 : i32
        %dma_wait3A_299 = arith.constant 0 : i32
        %dma_wait3A_300 = tpu.memref_slice %arg10[%run_scoped3A_286, %dma_wait3A_298, %dma_wait3A_299] : memref<2x128x128xf32, #tpu.memory_space<vmem>> -> memref<1x128x128xf32, #tpu.memory_space<vmem>>
        %dma_wait3A_301 = tpu.memref_squeeze %dma_wait3A_300 : memref<1x128x128xf32, #tpu.memory_space<vmem>> -> memref<128x128xf32, #tpu.memory_space<vmem>>
        %dma_wait3A_302 = arith.constant 0 : i32
        %dma_wait3A_303 = tpu.memref_slice %arg9[%add3A_285, %dma_wait3A_302] : memref<40x128xi32, #tpu.memory_space<vmem>> -> memref<1x128xi32, #tpu.memory_space<vmem>>
        %dma_wait3A_304 = tpu.memref_squeeze %dma_wait3A_303 : memref<1x128xi32, #tpu.memory_space<vmem>> -> memref<128xi32, #tpu.memory_space<vmem>>
        %dma_wait3A_305 = arith.constant 0 : i32
        %dma_wait3A_306 = arith.constant 0 : i32
        %dma_wait3A_307 = tpu.memref_slice %arg7[%dma_wait3A_305, %dma_wait3A_306] : memref<10240x128xf32, #tpu.memory_space<vmem_shared>> -> memref<10240x128xf32, #tpu.memory_space<vmem_shared>>
        tpu.wait_indirect_dma semaphore(%run_scoped3A_287 : memref<!tpu.dma_semaphore, #tpu.memory_space<semaphore_mem>>) src(%dma_wait3A_301 : memref<128x128xf32, #tpu.memory_space<vmem>>) dst(%dma_wait3A_307 : memref<10240x128xf32, #tpu.memory_space<vmem_shared>>)
        tpu.yield
      }) : () -> ()
    }
    %scan3A_94 = arith.constant 20 : i32
    %mul3A_95 = arith.constant 80 : i32
    %mul3A_96 = arith.muli %arg1, %mul3A_95 : i32
    %add3A_97 = arith.constant 40 : i32
    %add3A_98 = arith.addi %mul3A_96, %add3A_97 : i32
    "tpu.region"() ({
      %run_scoped3A = tpu.sem_alloc : memref<!tpu.dma_semaphore, #tpu.memory_space<semaphore_mem>>
      %dma_start3A_241 = arith.constant 0 : i32
      %dma_start3A_242 = tpu.memref_slice %arg3[%add3A_61, %add3A_98, %dma_start3A_241] : memref<8x1280x128xi32, #tpu.memory_space<hbm>> -> memref<1x40x128xi32, #tpu.memory_space<hbm>>
      %dma_start3A_243 = tpu.memref_squeeze %dma_start3A_242 : memref<1x40x128xi32, #tpu.memory_space<hbm>> -> memref<40x128xi32, #tpu.memory_space<hbm>>
      %dma_start3A_244 = arith.constant 0 : i32
      %dma_start3A_245 = tpu.memref_slice %arg3[%add3A_61, %add3A_98, %dma_start3A_244] : memref<8x1280x128xi32, #tpu.memory_space<hbm>> -> memref<1x40x128xi32, #tpu.memory_space<hbm>>
      %dma_start3A_246 = tpu.memref_squeeze %dma_start3A_245 : memref<1x40x128xi32, #tpu.memory_space<hbm>> -> memref<40x128xi32, #tpu.memory_space<hbm>>
      tpu.enqueue_dma source(%dma_start3A_246 : memref<40x128xi32, #tpu.memory_space<hbm>>) target(%arg8 : memref<40x128xi32, #tpu.memory_space<vmem>>) target_semaphore(%run_scoped3A : memref<!tpu.dma_semaphore, #tpu.memory_space<semaphore_mem>>)
      %dma_wait3A = arith.constant 0 : i32
      %dma_wait3A_247 = tpu.memref_slice %arg3[%add3A_61, %add3A_98, %dma_wait3A] : memref<8x1280x128xi32, #tpu.memory_space<hbm>> -> memref<1x40x128xi32, #tpu.memory_space<hbm>>
      %dma_wait3A_248 = tpu.memref_squeeze %dma_wait3A_247 : memref<1x40x128xi32, #tpu.memory_space<hbm>> -> memref<40x128xi32, #tpu.memory_space<hbm>>
      %dma_wait3A_249 = arith.constant 0 : i32
      %dma_wait3A_250 = tpu.memref_slice %arg3[%add3A_61, %add3A_98, %dma_wait3A_249] : memref<8x1280x128xi32, #tpu.memory_space<hbm>> -> memref<1x40x128xi32, #tpu.memory_space<hbm>>
      %dma_wait3A_251 = tpu.memref_squeeze %dma_wait3A_250 : memref<1x40x128xi32, #tpu.memory_space<hbm>> -> memref<40x128xi32, #tpu.memory_space<hbm>>
      tpu.wait_dma2 semaphore(%run_scoped3A : memref<!tpu.dma_semaphore, #tpu.memory_space<semaphore_mem>>) src(%dma_wait3A_251 : memref<40x128xi32, #tpu.memory_space<hbm>>) dst(%arg8 : memref<40x128xi32, #tpu.memory_space<vmem>>)
      tpu.yield
    }) : () -> ()
    "tpu.region"() ({
      %run_scoped3A = tpu.sem_alloc : memref<!tpu.dma_semaphore, #tpu.memory_space<semaphore_mem>>
      %dma_start3A_241 = arith.constant 0 : i32
      %dma_start3A_242 = tpu.memref_slice %arg4[%add3A_98, %dma_start3A_241] : memref<1280x128xi32, #tpu.memory_space<hbm>> -> memref<40x128xi32, #tpu.memory_space<hbm>>
      %dma_start3A_243 = arith.constant 0 : i32
      %dma_start3A_244 = tpu.memref_slice %arg4[%add3A_98, %dma_start3A_243] : memref<1280x128xi32, #tpu.memory_space<hbm>> -> memref<40x128xi32, #tpu.memory_space<hbm>>
      tpu.enqueue_dma source(%dma_start3A_244 : memref<40x128xi32, #tpu.memory_space<hbm>>) target(%arg9 : memref<40x128xi32, #tpu.memory_space<vmem>>) target_semaphore(%run_scoped3A : memref<!tpu.dma_semaphore, #tpu.memory_space<semaphore_mem>>)
      %dma_wait3A = arith.constant 0 : i32
      %dma_wait3A_245 = tpu.memref_slice %arg4[%add3A_98, %dma_wait3A] : memref<1280x128xi32, #tpu.memory_space<hbm>> -> memref<40x128xi32, #tpu.memory_space<hbm>>
      %dma_wait3A_246 = arith.constant 0 : i32
      %dma_wait3A_247 = tpu.memref_slice %arg4[%add3A_98, %dma_wait3A_246] : memref<1280x128xi32, #tpu.memory_space<hbm>> -> memref<40x128xi32, #tpu.memory_space<hbm>>
      tpu.wait_dma2 semaphore(%run_scoped3A : memref<!tpu.dma_semaphore, #tpu.memory_space<semaphore_mem>>) src(%dma_wait3A_247 : memref<40x128xi32, #tpu.memory_space<hbm>>) dst(%arg9 : memref<40x128xi32, #tpu.memory_space<vmem>>)
      tpu.yield
    }) : () -> ()
    %dma_start3A_99 = arith.constant 0 : i32
    %dma_start3A_100 = arith.constant 0 : i32
    %dma_start3A_101 = arith.constant 0 : i32
    %dma_start3A_102 = arith.constant 0 : i32
    %dma_start3A_103 = tpu.memref_slice %arg10[%dma_start3A_100, %dma_start3A_101, %dma_start3A_102] : memref<2x128x128xf32, #tpu.memory_space<vmem>> -> memref<1x128x128xf32, #tpu.memory_space<vmem>>
    %dma_start3A_104 = tpu.memref_squeeze %dma_start3A_103 : memref<1x128x128xf32, #tpu.memory_space<vmem>> -> memref<128x128xf32, #tpu.memory_space<vmem>>
    %dma_start3A_105 = arith.constant 0 : i32
    %dma_start3A_106 = tpu.memref_slice %arg8[%dma_start3A_99, %dma_start3A_105] : memref<40x128xi32, #tpu.memory_space<vmem>> -> memref<1x128xi32, #tpu.memory_space<vmem>>
    %dma_start3A_107 = tpu.memref_squeeze %dma_start3A_106 : memref<1x128xi32, #tpu.memory_space<vmem>> -> memref<128xi32, #tpu.memory_space<vmem>>
    %dma_start3A_108 = arith.constant 0 : i32
    %dma_start3A_109 = arith.constant 0 : i32
    %dma_start3A_110 = tpu.memref_slice %arg2[%dma_start3A_108, %dma_start3A_109] : memref<80000x128xf32, #tpu.memory_space<hbm>> -> memref<80000x128xf32, #tpu.memory_space<hbm>>
    tpu.enqueue_indirect_dma source(%dma_start3A_110 : memref<80000x128xf32, #tpu.memory_space<hbm>>) target(%dma_start3A_104 : memref<128x128xf32, #tpu.memory_space<vmem>>) offsets(%dma_start3A_107 : memref<128xi32, #tpu.memory_space<vmem>>) semaphore(%arg11 : memref<!tpu.dma_semaphore, #tpu.memory_space<semaphore_mem>>)
    %scan3A_111 = arith.constant 0 : i32
    %scan3A_112 = arith.constant 0 : i32
    %scan3A_113 = arith.constant 20 : i32
    %scan3A_114 = arith.addi %scan3A_112, %scan3A_113 : i32
    %scan3A_115 = arith.constant 1 : i32
    scf.for %scan3A_241 = %scan3A_112 to %scan3A_114 step %scan3A_115  : i32 {
      %mul3A_242 = arith.constant 2 : i32
      %mul3A_243 = arith.muli %mul3A_242, %scan3A_241 : i32
      %add3A_244 = arith.constant 1 : i32
      %add3A_245 = arith.addi %mul3A_243, %add3A_244 : i32
      %dma_start3A_246 = arith.constant 1 : i32
      %dma_start3A_247 = arith.constant 0 : i32
      %dma_start3A_248 = arith.constant 0 : i32
      %dma_start3A_249 = tpu.memref_slice %arg10[%dma_start3A_246, %dma_start3A_247, %dma_start3A_248] : memref<2x128x128xf32, #tpu.memory_space<vmem>> -> memref<1x128x128xf32, #tpu.memory_space<vmem>>
      %dma_start3A_250 = tpu.memref_squeeze %dma_start3A_249 : memref<1x128x128xf32, #tpu.memory_space<vmem>> -> memref<128x128xf32, #tpu.memory_space<vmem>>
      %dma_start3A_251 = arith.constant 0 : i32
      %dma_start3A_252 = tpu.memref_slice %arg8[%add3A_245, %dma_start3A_251] : memref<40x128xi32, #tpu.memory_space<vmem>> -> memref<1x128xi32, #tpu.memory_space<vmem>>
      %dma_start3A_253 = tpu.memref_squeeze %dma_start3A_252 : memref<1x128xi32, #tpu.memory_space<vmem>> -> memref<128xi32, #tpu.memory_space<vmem>>
      %dma_start3A_254 = arith.constant 0 : i32
      %dma_start3A_255 = arith.constant 0 : i32
      %dma_start3A_256 = tpu.memref_slice %arg2[%dma_start3A_254, %dma_start3A_255] : memref<80000x128xf32, #tpu.memory_space<hbm>> -> memref<80000x128xf32, #tpu.memory_space<hbm>>
      tpu.enqueue_indirect_dma source(%dma_start3A_256 : memref<80000x128xf32, #tpu.memory_space<hbm>>) target(%dma_start3A_250 : memref<128x128xf32, #tpu.memory_space<vmem>>) offsets(%dma_start3A_253 : memref<128xi32, #tpu.memory_space<vmem>>) semaphore(%arg12 : memref<!tpu.dma_semaphore, #tpu.memory_space<semaphore_mem>>)
      %dma_wait3A = arith.constant 0 : i32
      %dma_wait3A_257 = arith.constant 0 : i32
      %dma_wait3A_258 = arith.constant 0 : i32
      %dma_wait3A_259 = tpu.memref_slice %arg10[%dma_wait3A, %dma_wait3A_257, %dma_wait3A_258] : memref<2x128x128xf32, #tpu.memory_space<vmem>> -> memref<1x128x128xf32, #tpu.memory_space<vmem>>
      %dma_wait3A_260 = tpu.memref_squeeze %dma_wait3A_259 : memref<1x128x128xf32, #tpu.memory_space<vmem>> -> memref<128x128xf32, #tpu.memory_space<vmem>>
      %dma_wait3A_261 = arith.constant 0 : i32
      %dma_wait3A_262 = tpu.memref_slice %arg8[%mul3A_243, %dma_wait3A_261] : memref<40x128xi32, #tpu.memory_space<vmem>> -> memref<1x128xi32, #tpu.memory_space<vmem>>
      %dma_wait3A_263 = tpu.memref_squeeze %dma_wait3A_262 : memref<1x128xi32, #tpu.memory_space<vmem>> -> memref<128xi32, #tpu.memory_space<vmem>>
      %dma_wait3A_264 = arith.constant 0 : i32
      %dma_wait3A_265 = arith.constant 0 : i32
      %dma_wait3A_266 = tpu.memref_slice %arg2[%dma_wait3A_264, %dma_wait3A_265] : memref<80000x128xf32, #tpu.memory_space<hbm>> -> memref<80000x128xf32, #tpu.memory_space<hbm>>
      tpu.wait_indirect_dma semaphore(%arg11 : memref<!tpu.dma_semaphore, #tpu.memory_space<semaphore_mem>>) src(%dma_wait3A_266 : memref<80000x128xf32, #tpu.memory_space<hbm>>) dst(%dma_wait3A_260 : memref<128x128xf32, #tpu.memory_space<vmem>>)
      %run_scoped3A = arith.constant 0 : i32
      "tpu.region"() ({
        %run_scoped3A_287 = tpu.sem_alloc : memref<!tpu.dma_semaphore, #tpu.memory_space<semaphore_mem>>
        %dma_start3A_288 = arith.constant 0 : i32
        %dma_start3A_289 = arith.constant 0 : i32
        %dma_start3A_290 = tpu.memref_slice %arg10[%run_scoped3A, %dma_start3A_288, %dma_start3A_289] : memref<2x128x128xf32, #tpu.memory_space<vmem>> -> memref<1x128x128xf32, #tpu.memory_space<vmem>>
        %dma_start3A_291 = tpu.memref_squeeze %dma_start3A_290 : memref<1x128x128xf32, #tpu.memory_space<vmem>> -> memref<128x128xf32, #tpu.memory_space<vmem>>
        %dma_start3A_292 = arith.constant 0 : i32
        %dma_start3A_293 = tpu.memref_slice %arg9[%mul3A_243, %dma_start3A_292] : memref<40x128xi32, #tpu.memory_space<vmem>> -> memref<1x128xi32, #tpu.memory_space<vmem>>
        %dma_start3A_294 = tpu.memref_squeeze %dma_start3A_293 : memref<1x128xi32, #tpu.memory_space<vmem>> -> memref<128xi32, #tpu.memory_space<vmem>>
        %dma_start3A_295 = arith.constant 0 : i32
        %dma_start3A_296 = arith.constant 0 : i32
        %dma_start3A_297 = tpu.memref_slice %arg7[%dma_start3A_295, %dma_start3A_296] : memref<10240x128xf32, #tpu.memory_space<vmem_shared>> -> memref<10240x128xf32, #tpu.memory_space<vmem_shared>>
        tpu.enqueue_indirect_dma source(%dma_start3A_291 : memref<128x128xf32, #tpu.memory_space<vmem>>) target(%dma_start3A_297 : memref<10240x128xf32, #tpu.memory_space<vmem_shared>>) offsets(%dma_start3A_294 : memref<128xi32, #tpu.memory_space<vmem>>) semaphore(%run_scoped3A_287 : memref<!tpu.dma_semaphore, #tpu.memory_space<semaphore_mem>>) {add = true}
        %dma_wait3A_298 = arith.constant 0 : i32
        %dma_wait3A_299 = arith.constant 0 : i32
        %dma_wait3A_300 = tpu.memref_slice %arg10[%run_scoped3A, %dma_wait3A_298, %dma_wait3A_299] : memref<2x128x128xf32, #tpu.memory_space<vmem>> -> memref<1x128x128xf32, #tpu.memory_space<vmem>>
        %dma_wait3A_301 = tpu.memref_squeeze %dma_wait3A_300 : memref<1x128x128xf32, #tpu.memory_space<vmem>> -> memref<128x128xf32, #tpu.memory_space<vmem>>
        %dma_wait3A_302 = arith.constant 0 : i32
        %dma_wait3A_303 = tpu.memref_slice %arg9[%mul3A_243, %dma_wait3A_302] : memref<40x128xi32, #tpu.memory_space<vmem>> -> memref<1x128xi32, #tpu.memory_space<vmem>>
        %dma_wait3A_304 = tpu.memref_squeeze %dma_wait3A_303 : memref<1x128xi32, #tpu.memory_space<vmem>> -> memref<128xi32, #tpu.memory_space<vmem>>
        %dma_wait3A_305 = arith.constant 0 : i32
        %dma_wait3A_306 = arith.constant 0 : i32
        %dma_wait3A_307 = tpu.memref_slice %arg7[%dma_wait3A_305, %dma_wait3A_306] : memref<10240x128xf32, #tpu.memory_space<vmem_shared>> -> memref<10240x128xf32, #tpu.memory_space<vmem_shared>>
        tpu.wait_indirect_dma semaphore(%run_scoped3A_287 : memref<!tpu.dma_semaphore, #tpu.memory_space<semaphore_mem>>) src(%dma_wait3A_301 : memref<128x128xf32, #tpu.memory_space<vmem>>) dst(%dma_wait3A_307 : memref<10240x128xf32, #tpu.memory_space<vmem_shared>>)
        tpu.yield
      }) : () -> ()
      %add3A_267 = arith.constant 1 : i32
      %add3A_268 = arith.addi %scan3A_241, %add3A_267 : i32
      %lt3A = arith.constant 20 : i32
      %lt3A_269 = arith.cmpi slt, %add3A_268, %lt3A : i32
      %convert_element_type3A = arith.extui %lt3A_269 : i1 to i32
      %cond3A = arith.constant 0 : i32
      %cond3A_270 = arith.cmpi ne, %convert_element_type3A, %cond3A : i32
      scf.if %cond3A_270 {
        %add3A_287 = arith.constant 2 : i32
        %add3A_288 = arith.addi %mul3A_243, %add3A_287 : i32
        %dma_start3A_289 = arith.constant 0 : i32
        %dma_start3A_290 = arith.constant 0 : i32
        %dma_start3A_291 = arith.constant 0 : i32
        %dma_start3A_292 = tpu.memref_slice %arg10[%dma_start3A_289, %dma_start3A_290, %dma_start3A_291] : memref<2x128x128xf32, #tpu.memory_space<vmem>> -> memref<1x128x128xf32, #tpu.memory_space<vmem>>
        %dma_start3A_293 = tpu.memref_squeeze %dma_start3A_292 : memref<1x128x128xf32, #tpu.memory_space<vmem>> -> memref<128x128xf32, #tpu.memory_space<vmem>>
        %dma_start3A_294 = arith.constant 0 : i32
        %dma_start3A_295 = tpu.memref_slice %arg8[%add3A_288, %dma_start3A_294] : memref<40x128xi32, #tpu.memory_space<vmem>> -> memref<1x128xi32, #tpu.memory_space<vmem>>
        %dma_start3A_296 = tpu.memref_squeeze %dma_start3A_295 : memref<1x128xi32, #tpu.memory_space<vmem>> -> memref<128xi32, #tpu.memory_space<vmem>>
        %dma_start3A_297 = arith.constant 0 : i32
        %dma_start3A_298 = arith.constant 0 : i32
        %dma_start3A_299 = tpu.memref_slice %arg2[%dma_start3A_297, %dma_start3A_298] : memref<80000x128xf32, #tpu.memory_space<hbm>> -> memref<80000x128xf32, #tpu.memory_space<hbm>>
        tpu.enqueue_indirect_dma source(%dma_start3A_299 : memref<80000x128xf32, #tpu.memory_space<hbm>>) target(%dma_start3A_293 : memref<128x128xf32, #tpu.memory_space<vmem>>) offsets(%dma_start3A_296 : memref<128xi32, #tpu.memory_space<vmem>>) semaphore(%arg11 : memref<!tpu.dma_semaphore, #tpu.memory_space<semaphore_mem>>)
      } else {
      }
      %add3A_271 = arith.constant 1 : i32
      %add3A_272 = arith.addi %mul3A_243, %add3A_271 : i32
      %dma_wait3A_273 = arith.constant 1 : i32
      %dma_wait3A_274 = arith.constant 0 : i32
      %dma_wait3A_275 = arith.constant 0 : i32
      %dma_wait3A_276 = tpu.memref_slice %arg10[%dma_wait3A_273, %dma_wait3A_274, %dma_wait3A_275] : memref<2x128x128xf32, #tpu.memory_space<vmem>> -> memref<1x128x128xf32, #tpu.memory_space<vmem>>
      %dma_wait3A_277 = tpu.memref_squeeze %dma_wait3A_276 : memref<1x128x128xf32, #tpu.memory_space<vmem>> -> memref<128x128xf32, #tpu.memory_space<vmem>>
      %dma_wait3A_278 = arith.constant 0 : i32
      %dma_wait3A_279 = tpu.memref_slice %arg8[%add3A_272, %dma_wait3A_278] : memref<40x128xi32, #tpu.memory_space<vmem>> -> memref<1x128xi32, #tpu.memory_space<vmem>>
      %dma_wait3A_280 = tpu.memref_squeeze %dma_wait3A_279 : memref<1x128xi32, #tpu.memory_space<vmem>> -> memref<128xi32, #tpu.memory_space<vmem>>
      %dma_wait3A_281 = arith.constant 0 : i32
      %dma_wait3A_282 = arith.constant 0 : i32
      %dma_wait3A_283 = tpu.memref_slice %arg2[%dma_wait3A_281, %dma_wait3A_282] : memref<80000x128xf32, #tpu.memory_space<hbm>> -> memref<80000x128xf32, #tpu.memory_space<hbm>>
      tpu.wait_indirect_dma semaphore(%arg12 : memref<!tpu.dma_semaphore, #tpu.memory_space<semaphore_mem>>) src(%dma_wait3A_283 : memref<80000x128xf32, #tpu.memory_space<hbm>>) dst(%dma_wait3A_277 : memref<128x128xf32, #tpu.memory_space<vmem>>)
      %add3A_284 = arith.constant 1 : i32
      %add3A_285 = arith.addi %mul3A_243, %add3A_284 : i32
      %run_scoped3A_286 = arith.constant 1 : i32
      "tpu.region"() ({
        %run_scoped3A_287 = tpu.sem_alloc : memref<!tpu.dma_semaphore, #tpu.memory_space<semaphore_mem>>
        %dma_start3A_288 = arith.constant 0 : i32
        %dma_start3A_289 = arith.constant 0 : i32
        %dma_start3A_290 = tpu.memref_slice %arg10[%run_scoped3A_286, %dma_start3A_288, %dma_start3A_289] : memref<2x128x128xf32, #tpu.memory_space<vmem>> -> memref<1x128x128xf32, #tpu.memory_space<vmem>>
        %dma_start3A_291 = tpu.memref_squeeze %dma_start3A_290 : memref<1x128x128xf32, #tpu.memory_space<vmem>> -> memref<128x128xf32, #tpu.memory_space<vmem>>
        %dma_start3A_292 = arith.constant 0 : i32
        %dma_start3A_293 = tpu.memref_slice %arg9[%add3A_285, %dma_start3A_292] : memref<40x128xi32, #tpu.memory_space<vmem>> -> memref<1x128xi32, #tpu.memory_space<vmem>>
        %dma_start3A_294 = tpu.memref_squeeze %dma_start3A_293 : memref<1x128xi32, #tpu.memory_space<vmem>> -> memref<128xi32, #tpu.memory_space<vmem>>
        %dma_start3A_295 = arith.constant 0 : i32
        %dma_start3A_296 = arith.constant 0 : i32
        %dma_start3A_297 = tpu.memref_slice %arg7[%dma_start3A_295, %dma_start3A_296] : memref<10240x128xf32, #tpu.memory_space<vmem_shared>> -> memref<10240x128xf32, #tpu.memory_space<vmem_shared>>
        tpu.enqueue_indirect_dma source(%dma_start3A_291 : memref<128x128xf32, #tpu.memory_space<vmem>>) target(%dma_start3A_297 : memref<10240x128xf32, #tpu.memory_space<vmem_shared>>) offsets(%dma_start3A_294 : memref<128xi32, #tpu.memory_space<vmem>>) semaphore(%run_scoped3A_287 : memref<!tpu.dma_semaphore, #tpu.memory_space<semaphore_mem>>) {add = true}
        %dma_wait3A_298 = arith.constant 0 : i32
        %dma_wait3A_299 = arith.constant 0 : i32
        %dma_wait3A_300 = tpu.memref_slice %arg10[%run_scoped3A_286, %dma_wait3A_298, %dma_wait3A_299] : memref<2x128x128xf32, #tpu.memory_space<vmem>> -> memref<1x128x128xf32, #tpu.memory_space<vmem>>
        %dma_wait3A_301 = tpu.memref_squeeze %dma_wait3A_300 : memref<1x128x128xf32, #tpu.memory_space<vmem>> -> memref<128x128xf32, #tpu.memory_space<vmem>>
        %dma_wait3A_302 = arith.constant 0 : i32
        %dma_wait3A_303 = tpu.memref_slice %arg9[%add3A_285, %dma_wait3A_302] : memref<40x128xi32, #tpu.memory_space<vmem>> -> memref<1x128xi32, #tpu.memory_space<vmem>>
        %dma_wait3A_304 = tpu.memref_squeeze %dma_wait3A_303 : memref<1x128xi32, #tpu.memory_space<vmem>> -> memref<128xi32, #tpu.memory_space<vmem>>
        %dma_wait3A_305 = arith.constant 0 : i32
        %dma_wait3A_306 = arith.constant 0 : i32
        %dma_wait3A_307 = tpu.memref_slice %arg7[%dma_wait3A_305, %dma_wait3A_306] : memref<10240x128xf32, #tpu.memory_space<vmem_shared>> -> memref<10240x128xf32, #tpu.memory_space<vmem_shared>>
        tpu.wait_indirect_dma semaphore(%run_scoped3A_287 : memref<!tpu.dma_semaphore, #tpu.memory_space<semaphore_mem>>) src(%dma_wait3A_301 : memref<128x128xf32, #tpu.memory_space<vmem>>) dst(%dma_wait3A_307 : memref<10240x128xf32, #tpu.memory_space<vmem_shared>>)
        tpu.yield
      }) : () -> ()
    }
    %scan3A_116 = arith.constant 20 : i32
    %barrier3A_117 = arith.constant 0 : index
    tpu.barrier barrier_id(%barrier3A_117)
    "tpu.region"() ({
      %run_scoped3A = tpu.sem_alloc : memref<!tpu.dma_semaphore, #tpu.memory_space<semaphore_mem>>
      %dma_start3A_241 = arith.constant 0 : i32
      %dma_start3A_242 = tpu.memref_slice %arg6[%add3A_61, %mul3A_0, %dma_start3A_241] : memref<8x10240x128xf32, #tpu.memory_space<hbm>> -> memref<1x640x128xf32, #tpu.memory_space<hbm>>
      %dma_start3A_243 = tpu.memref_squeeze %dma_start3A_242 : memref<1x640x128xf32, #tpu.memory_space<hbm>> -> memref<640x128xf32, #tpu.memory_space<hbm>>
      %dma_start3A_244 = arith.constant 0 : i32
      %dma_start3A_245 = tpu.memref_slice %arg7[%mul3A_0, %dma_start3A_244] : memref<10240x128xf32, #tpu.memory_space<vmem_shared>> -> memref<640x128xf32, #tpu.memory_space<vmem_shared>>
      tpu.enqueue_dma source(%dma_start3A_245 : memref<640x128xf32, #tpu.memory_space<vmem_shared>>) target(%dma_start3A_243 : memref<640x128xf32, #tpu.memory_space<hbm>>) target_semaphore(%run_scoped3A : memref<!tpu.dma_semaphore, #tpu.memory_space<semaphore_mem>>)
      %dma_wait3A = arith.constant 0 : i32
      %dma_wait3A_246 = tpu.memref_slice %arg6[%add3A_61, %mul3A_0, %dma_wait3A] : memref<8x10240x128xf32, #tpu.memory_space<hbm>> -> memref<1x640x128xf32, #tpu.memory_space<hbm>>
      %dma_wait3A_247 = tpu.memref_squeeze %dma_wait3A_246 : memref<1x640x128xf32, #tpu.memory_space<hbm>> -> memref<640x128xf32, #tpu.memory_space<hbm>>
      %dma_wait3A_248 = arith.constant 0 : i32
      %dma_wait3A_249 = tpu.memref_slice %arg7[%mul3A_0, %dma_wait3A_248] : memref<10240x128xf32, #tpu.memory_space<vmem_shared>> -> memref<640x128xf32, #tpu.memory_space<vmem_shared>>
      tpu.wait_dma2 semaphore(%run_scoped3A : memref<!tpu.dma_semaphore, #tpu.memory_space<semaphore_mem>>) src(%dma_wait3A_249 : memref<640x128xf32, #tpu.memory_space<vmem_shared>>) dst(%dma_wait3A_247 : memref<640x128xf32, #tpu.memory_space<hbm>>)
      tpu.yield
    }) : () -> ()
    %barrier3A_118 = arith.constant 0 : index
    tpu.barrier barrier_id(%barrier3A_118)
    %mul3A_119 = arith.constant 4 : i32
    %mul3A_120 = arith.muli %arg0, %mul3A_119 : i32
    %add3A_121 = arith.constant 2 : i32
    %add3A_122 = arith.addi %mul3A_120, %add3A_121 : i32
    %add3A_123 = arith.constant 0 : i32
    %add3A_124 = arith.addi %mul3A_0, %add3A_123 : i32
    "tpu.region"() ({
      %run_scoped3A = tpu.sem_alloc : memref<!tpu.dma_semaphore, #tpu.memory_space<semaphore_mem>>
      %dma_start3A_241 = arith.constant 0 : i32
      %dma_start3A_242 = tpu.memref_slice %arg7[%add3A_124, %dma_start3A_241] : memref<10240x128xf32, #tpu.memory_space<vmem_shared>> -> memref<128x128xf32, #tpu.memory_space<vmem_shared>>
      tpu.enqueue_dma source(%arg5 : memref<128x128xf32, #tpu.memory_space<hbm>>) target(%dma_start3A_242 : memref<128x128xf32, #tpu.memory_space<vmem_shared>>) target_semaphore(%run_scoped3A : memref<!tpu.dma_semaphore, #tpu.memory_space<semaphore_mem>>)
      %dma_wait3A = arith.constant 0 : i32
      %dma_wait3A_243 = tpu.memref_slice %arg7[%add3A_124, %dma_wait3A] : memref<10240x128xf32, #tpu.memory_space<vmem_shared>> -> memref<128x128xf32, #tpu.memory_space<vmem_shared>>
      tpu.wait_dma2 semaphore(%run_scoped3A : memref<!tpu.dma_semaphore, #tpu.memory_space<semaphore_mem>>) src(%arg5 : memref<128x128xf32, #tpu.memory_space<hbm>>) dst(%dma_wait3A_243 : memref<128x128xf32, #tpu.memory_space<vmem_shared>>)
      tpu.yield
    }) : () -> ()
    %add3A_125 = arith.constant 128 : i32
    %add3A_126 = arith.addi %mul3A_0, %add3A_125 : i32
    "tpu.region"() ({
      %run_scoped3A = tpu.sem_alloc : memref<!tpu.dma_semaphore, #tpu.memory_space<semaphore_mem>>
      %dma_start3A_241 = arith.constant 0 : i32
      %dma_start3A_242 = tpu.memref_slice %arg7[%add3A_126, %dma_start3A_241] : memref<10240x128xf32, #tpu.memory_space<vmem_shared>> -> memref<128x128xf32, #tpu.memory_space<vmem_shared>>
      tpu.enqueue_dma source(%arg5 : memref<128x128xf32, #tpu.memory_space<hbm>>) target(%dma_start3A_242 : memref<128x128xf32, #tpu.memory_space<vmem_shared>>) target_semaphore(%run_scoped3A : memref<!tpu.dma_semaphore, #tpu.memory_space<semaphore_mem>>)
      %dma_wait3A = arith.constant 0 : i32
      %dma_wait3A_243 = tpu.memref_slice %arg7[%add3A_126, %dma_wait3A] : memref<10240x128xf32, #tpu.memory_space<vmem_shared>> -> memref<128x128xf32, #tpu.memory_space<vmem_shared>>
      tpu.wait_dma2 semaphore(%run_scoped3A : memref<!tpu.dma_semaphore, #tpu.memory_space<semaphore_mem>>) src(%arg5 : memref<128x128xf32, #tpu.memory_space<hbm>>) dst(%dma_wait3A_243 : memref<128x128xf32, #tpu.memory_space<vmem_shared>>)
      tpu.yield
    }) : () -> ()
    %add3A_127 = arith.constant 256 : i32
    %add3A_128 = arith.addi %mul3A_0, %add3A_127 : i32
    "tpu.region"() ({
      %run_scoped3A = tpu.sem_alloc : memref<!tpu.dma_semaphore, #tpu.memory_space<semaphore_mem>>
      %dma_start3A_241 = arith.constant 0 : i32
      %dma_start3A_242 = tpu.memref_slice %arg7[%add3A_128, %dma_start3A_241] : memref<10240x128xf32, #tpu.memory_space<vmem_shared>> -> memref<128x128xf32, #tpu.memory_space<vmem_shared>>
      tpu.enqueue_dma source(%arg5 : memref<128x128xf32, #tpu.memory_space<hbm>>) target(%dma_start3A_242 : memref<128x128xf32, #tpu.memory_space<vmem_shared>>) target_semaphore(%run_scoped3A : memref<!tpu.dma_semaphore, #tpu.memory_space<semaphore_mem>>)
      %dma_wait3A = arith.constant 0 : i32
      %dma_wait3A_243 = tpu.memref_slice %arg7[%add3A_128, %dma_wait3A] : memref<10240x128xf32, #tpu.memory_space<vmem_shared>> -> memref<128x128xf32, #tpu.memory_space<vmem_shared>>
      tpu.wait_dma2 semaphore(%run_scoped3A : memref<!tpu.dma_semaphore, #tpu.memory_space<semaphore_mem>>) src(%arg5 : memref<128x128xf32, #tpu.memory_space<hbm>>) dst(%dma_wait3A_243 : memref<128x128xf32, #tpu.memory_space<vmem_shared>>)
      tpu.yield
    }) : () -> ()
    %add3A_129 = arith.constant 384 : i32
    %add3A_130 = arith.addi %mul3A_0, %add3A_129 : i32
    "tpu.region"() ({
      %run_scoped3A = tpu.sem_alloc : memref<!tpu.dma_semaphore, #tpu.memory_space<semaphore_mem>>
      %dma_start3A_241 = arith.constant 0 : i32
      %dma_start3A_242 = tpu.memref_slice %arg7[%add3A_130, %dma_start3A_241] : memref<10240x128xf32, #tpu.memory_space<vmem_shared>> -> memref<128x128xf32, #tpu.memory_space<vmem_shared>>
      tpu.enqueue_dma source(%arg5 : memref<128x128xf32, #tpu.memory_space<hbm>>) target(%dma_start3A_242 : memref<128x128xf32, #tpu.memory_space<vmem_shared>>) target_semaphore(%run_scoped3A : memref<!tpu.dma_semaphore, #tpu.memory_space<semaphore_mem>>)
      %dma_wait3A = arith.constant 0 : i32
      %dma_wait3A_243 = tpu.memref_slice %arg7[%add3A_130, %dma_wait3A] : memref<10240x128xf32, #tpu.memory_space<vmem_shared>> -> memref<128x128xf32, #tpu.memory_space<vmem_shared>>
      tpu.wait_dma2 semaphore(%run_scoped3A : memref<!tpu.dma_semaphore, #tpu.memory_space<semaphore_mem>>) src(%arg5 : memref<128x128xf32, #tpu.memory_space<hbm>>) dst(%dma_wait3A_243 : memref<128x128xf32, #tpu.memory_space<vmem_shared>>)
      tpu.yield
    }) : () -> ()
    %add3A_131 = arith.constant 512 : i32
    %add3A_132 = arith.addi %mul3A_0, %add3A_131 : i32
    "tpu.region"() ({
      %run_scoped3A = tpu.sem_alloc : memref<!tpu.dma_semaphore, #tpu.memory_space<semaphore_mem>>
      %dma_start3A_241 = arith.constant 0 : i32
      %dma_start3A_242 = tpu.memref_slice %arg7[%add3A_132, %dma_start3A_241] : memref<10240x128xf32, #tpu.memory_space<vmem_shared>> -> memref<128x128xf32, #tpu.memory_space<vmem_shared>>
      tpu.enqueue_dma source(%arg5 : memref<128x128xf32, #tpu.memory_space<hbm>>) target(%dma_start3A_242 : memref<128x128xf32, #tpu.memory_space<vmem_shared>>) target_semaphore(%run_scoped3A : memref<!tpu.dma_semaphore, #tpu.memory_space<semaphore_mem>>)
      %dma_wait3A = arith.constant 0 : i32
      %dma_wait3A_243 = tpu.memref_slice %arg7[%add3A_132, %dma_wait3A] : memref<10240x128xf32, #tpu.memory_space<vmem_shared>> -> memref<128x128xf32, #tpu.memory_space<vmem_shared>>
      tpu.wait_dma2 semaphore(%run_scoped3A : memref<!tpu.dma_semaphore, #tpu.memory_space<semaphore_mem>>) src(%arg5 : memref<128x128xf32, #tpu.memory_space<hbm>>) dst(%dma_wait3A_243 : memref<128x128xf32, #tpu.memory_space<vmem_shared>>)
      tpu.yield
    }) : () -> ()
    %barrier3A_133 = arith.constant 0 : index
    tpu.barrier barrier_id(%barrier3A_133)
    %mul3A_134 = arith.constant 80 : i32
    %mul3A_135 = arith.muli %arg1, %mul3A_134 : i32
    %add3A_136 = arith.constant 0 : i32
    %add3A_137 = arith.addi %mul3A_135, %add3A_136 : i32
    "tpu.region"() ({
      %run_scoped3A = tpu.sem_alloc : memref<!tpu.dma_semaphore, #tpu.memory_space<semaphore_mem>>
      %dma_start3A_241 = arith.constant 0 : i32
      %dma_start3A_242 = tpu.memref_slice %arg3[%add3A_122, %add3A_137, %dma_start3A_241] : memref<8x1280x128xi32, #tpu.memory_space<hbm>> -> memref<1x40x128xi32, #tpu.memory_space<hbm>>
      %dma_start3A_243 = tpu.memref_squeeze %dma_start3A_242 : memref<1x40x128xi32, #tpu.memory_space<hbm>> -> memref<40x128xi32, #tpu.memory_space<hbm>>
      %dma_start3A_244 = arith.constant 0 : i32
      %dma_start3A_245 = tpu.memref_slice %arg3[%add3A_122, %add3A_137, %dma_start3A_244] : memref<8x1280x128xi32, #tpu.memory_space<hbm>> -> memref<1x40x128xi32, #tpu.memory_space<hbm>>
      %dma_start3A_246 = tpu.memref_squeeze %dma_start3A_245 : memref<1x40x128xi32, #tpu.memory_space<hbm>> -> memref<40x128xi32, #tpu.memory_space<hbm>>
      tpu.enqueue_dma source(%dma_start3A_246 : memref<40x128xi32, #tpu.memory_space<hbm>>) target(%arg8 : memref<40x128xi32, #tpu.memory_space<vmem>>) target_semaphore(%run_scoped3A : memref<!tpu.dma_semaphore, #tpu.memory_space<semaphore_mem>>)
      %dma_wait3A = arith.constant 0 : i32
      %dma_wait3A_247 = tpu.memref_slice %arg3[%add3A_122, %add3A_137, %dma_wait3A] : memref<8x1280x128xi32, #tpu.memory_space<hbm>> -> memref<1x40x128xi32, #tpu.memory_space<hbm>>
      %dma_wait3A_248 = tpu.memref_squeeze %dma_wait3A_247 : memref<1x40x128xi32, #tpu.memory_space<hbm>> -> memref<40x128xi32, #tpu.memory_space<hbm>>
      %dma_wait3A_249 = arith.constant 0 : i32
      %dma_wait3A_250 = tpu.memref_slice %arg3[%add3A_122, %add3A_137, %dma_wait3A_249] : memref<8x1280x128xi32, #tpu.memory_space<hbm>> -> memref<1x40x128xi32, #tpu.memory_space<hbm>>
      %dma_wait3A_251 = tpu.memref_squeeze %dma_wait3A_250 : memref<1x40x128xi32, #tpu.memory_space<hbm>> -> memref<40x128xi32, #tpu.memory_space<hbm>>
      tpu.wait_dma2 semaphore(%run_scoped3A : memref<!tpu.dma_semaphore, #tpu.memory_space<semaphore_mem>>) src(%dma_wait3A_251 : memref<40x128xi32, #tpu.memory_space<hbm>>) dst(%arg8 : memref<40x128xi32, #tpu.memory_space<vmem>>)
      tpu.yield
    }) : () -> ()
    "tpu.region"() ({
      %run_scoped3A = tpu.sem_alloc : memref<!tpu.dma_semaphore, #tpu.memory_space<semaphore_mem>>
      %dma_start3A_241 = arith.constant 0 : i32
      %dma_start3A_242 = tpu.memref_slice %arg4[%add3A_137, %dma_start3A_241] : memref<1280x128xi32, #tpu.memory_space<hbm>> -> memref<40x128xi32, #tpu.memory_space<hbm>>
      %dma_start3A_243 = arith.constant 0 : i32
      %dma_start3A_244 = tpu.memref_slice %arg4[%add3A_137, %dma_start3A_243] : memref<1280x128xi32, #tpu.memory_space<hbm>> -> memref<40x128xi32, #tpu.memory_space<hbm>>
      tpu.enqueue_dma source(%dma_start3A_244 : memref<40x128xi32, #tpu.memory_space<hbm>>) target(%arg9 : memref<40x128xi32, #tpu.memory_space<vmem>>) target_semaphore(%run_scoped3A : memref<!tpu.dma_semaphore, #tpu.memory_space<semaphore_mem>>)
      %dma_wait3A = arith.constant 0 : i32
      %dma_wait3A_245 = tpu.memref_slice %arg4[%add3A_137, %dma_wait3A] : memref<1280x128xi32, #tpu.memory_space<hbm>> -> memref<40x128xi32, #tpu.memory_space<hbm>>
      %dma_wait3A_246 = arith.constant 0 : i32
      %dma_wait3A_247 = tpu.memref_slice %arg4[%add3A_137, %dma_wait3A_246] : memref<1280x128xi32, #tpu.memory_space<hbm>> -> memref<40x128xi32, #tpu.memory_space<hbm>>
      tpu.wait_dma2 semaphore(%run_scoped3A : memref<!tpu.dma_semaphore, #tpu.memory_space<semaphore_mem>>) src(%dma_wait3A_247 : memref<40x128xi32, #tpu.memory_space<hbm>>) dst(%arg9 : memref<40x128xi32, #tpu.memory_space<vmem>>)
      tpu.yield
    }) : () -> ()
    %dma_start3A_138 = arith.constant 0 : i32
    %dma_start3A_139 = arith.constant 0 : i32
    %dma_start3A_140 = arith.constant 0 : i32
    %dma_start3A_141 = arith.constant 0 : i32
    %dma_start3A_142 = tpu.memref_slice %arg10[%dma_start3A_139, %dma_start3A_140, %dma_start3A_141] : memref<2x128x128xf32, #tpu.memory_space<vmem>> -> memref<1x128x128xf32, #tpu.memory_space<vmem>>
    %dma_start3A_143 = tpu.memref_squeeze %dma_start3A_142 : memref<1x128x128xf32, #tpu.memory_space<vmem>> -> memref<128x128xf32, #tpu.memory_space<vmem>>
    %dma_start3A_144 = arith.constant 0 : i32
    %dma_start3A_145 = tpu.memref_slice %arg8[%dma_start3A_138, %dma_start3A_144] : memref<40x128xi32, #tpu.memory_space<vmem>> -> memref<1x128xi32, #tpu.memory_space<vmem>>
    %dma_start3A_146 = tpu.memref_squeeze %dma_start3A_145 : memref<1x128xi32, #tpu.memory_space<vmem>> -> memref<128xi32, #tpu.memory_space<vmem>>
    %dma_start3A_147 = arith.constant 0 : i32
    %dma_start3A_148 = arith.constant 0 : i32
    %dma_start3A_149 = tpu.memref_slice %arg2[%dma_start3A_147, %dma_start3A_148] : memref<80000x128xf32, #tpu.memory_space<hbm>> -> memref<80000x128xf32, #tpu.memory_space<hbm>>
    tpu.enqueue_indirect_dma source(%dma_start3A_149 : memref<80000x128xf32, #tpu.memory_space<hbm>>) target(%dma_start3A_143 : memref<128x128xf32, #tpu.memory_space<vmem>>) offsets(%dma_start3A_146 : memref<128xi32, #tpu.memory_space<vmem>>) semaphore(%arg11 : memref<!tpu.dma_semaphore, #tpu.memory_space<semaphore_mem>>)
    %scan3A_150 = arith.constant 0 : i32
    %scan3A_151 = arith.constant 0 : i32
    %scan3A_152 = arith.constant 20 : i32
    %scan3A_153 = arith.addi %scan3A_151, %scan3A_152 : i32
    %scan3A_154 = arith.constant 1 : i32
    scf.for %scan3A_241 = %scan3A_151 to %scan3A_153 step %scan3A_154  : i32 {
      %mul3A_242 = arith.constant 2 : i32
      %mul3A_243 = arith.muli %mul3A_242, %scan3A_241 : i32
      %add3A_244 = arith.constant 1 : i32
      %add3A_245 = arith.addi %mul3A_243, %add3A_244 : i32
      %dma_start3A_246 = arith.constant 1 : i32
      %dma_start3A_247 = arith.constant 0 : i32
      %dma_start3A_248 = arith.constant 0 : i32
      %dma_start3A_249 = tpu.memref_slice %arg10[%dma_start3A_246, %dma_start3A_247, %dma_start3A_248] : memref<2x128x128xf32, #tpu.memory_space<vmem>> -> memref<1x128x128xf32, #tpu.memory_space<vmem>>
      %dma_start3A_250 = tpu.memref_squeeze %dma_start3A_249 : memref<1x128x128xf32, #tpu.memory_space<vmem>> -> memref<128x128xf32, #tpu.memory_space<vmem>>
      %dma_start3A_251 = arith.constant 0 : i32
      %dma_start3A_252 = tpu.memref_slice %arg8[%add3A_245, %dma_start3A_251] : memref<40x128xi32, #tpu.memory_space<vmem>> -> memref<1x128xi32, #tpu.memory_space<vmem>>
      %dma_start3A_253 = tpu.memref_squeeze %dma_start3A_252 : memref<1x128xi32, #tpu.memory_space<vmem>> -> memref<128xi32, #tpu.memory_space<vmem>>
      %dma_start3A_254 = arith.constant 0 : i32
      %dma_start3A_255 = arith.constant 0 : i32
      %dma_start3A_256 = tpu.memref_slice %arg2[%dma_start3A_254, %dma_start3A_255] : memref<80000x128xf32, #tpu.memory_space<hbm>> -> memref<80000x128xf32, #tpu.memory_space<hbm>>
      tpu.enqueue_indirect_dma source(%dma_start3A_256 : memref<80000x128xf32, #tpu.memory_space<hbm>>) target(%dma_start3A_250 : memref<128x128xf32, #tpu.memory_space<vmem>>) offsets(%dma_start3A_253 : memref<128xi32, #tpu.memory_space<vmem>>) semaphore(%arg12 : memref<!tpu.dma_semaphore, #tpu.memory_space<semaphore_mem>>)
      %dma_wait3A = arith.constant 0 : i32
      %dma_wait3A_257 = arith.constant 0 : i32
      %dma_wait3A_258 = arith.constant 0 : i32
      %dma_wait3A_259 = tpu.memref_slice %arg10[%dma_wait3A, %dma_wait3A_257, %dma_wait3A_258] : memref<2x128x128xf32, #tpu.memory_space<vmem>> -> memref<1x128x128xf32, #tpu.memory_space<vmem>>
      %dma_wait3A_260 = tpu.memref_squeeze %dma_wait3A_259 : memref<1x128x128xf32, #tpu.memory_space<vmem>> -> memref<128x128xf32, #tpu.memory_space<vmem>>
      %dma_wait3A_261 = arith.constant 0 : i32
      %dma_wait3A_262 = tpu.memref_slice %arg8[%mul3A_243, %dma_wait3A_261] : memref<40x128xi32, #tpu.memory_space<vmem>> -> memref<1x128xi32, #tpu.memory_space<vmem>>
      %dma_wait3A_263 = tpu.memref_squeeze %dma_wait3A_262 : memref<1x128xi32, #tpu.memory_space<vmem>> -> memref<128xi32, #tpu.memory_space<vmem>>
      %dma_wait3A_264 = arith.constant 0 : i32
      %dma_wait3A_265 = arith.constant 0 : i32
      %dma_wait3A_266 = tpu.memref_slice %arg2[%dma_wait3A_264, %dma_wait3A_265] : memref<80000x128xf32, #tpu.memory_space<hbm>> -> memref<80000x128xf32, #tpu.memory_space<hbm>>
      tpu.wait_indirect_dma semaphore(%arg11 : memref<!tpu.dma_semaphore, #tpu.memory_space<semaphore_mem>>) src(%dma_wait3A_266 : memref<80000x128xf32, #tpu.memory_space<hbm>>) dst(%dma_wait3A_260 : memref<128x128xf32, #tpu.memory_space<vmem>>)
      %run_scoped3A = arith.constant 0 : i32
      "tpu.region"() ({
        %run_scoped3A_287 = tpu.sem_alloc : memref<!tpu.dma_semaphore, #tpu.memory_space<semaphore_mem>>
        %dma_start3A_288 = arith.constant 0 : i32
        %dma_start3A_289 = arith.constant 0 : i32
        %dma_start3A_290 = tpu.memref_slice %arg10[%run_scoped3A, %dma_start3A_288, %dma_start3A_289] : memref<2x128x128xf32, #tpu.memory_space<vmem>> -> memref<1x128x128xf32, #tpu.memory_space<vmem>>
        %dma_start3A_291 = tpu.memref_squeeze %dma_start3A_290 : memref<1x128x128xf32, #tpu.memory_space<vmem>> -> memref<128x128xf32, #tpu.memory_space<vmem>>
        %dma_start3A_292 = arith.constant 0 : i32
        %dma_start3A_293 = tpu.memref_slice %arg9[%mul3A_243, %dma_start3A_292] : memref<40x128xi32, #tpu.memory_space<vmem>> -> memref<1x128xi32, #tpu.memory_space<vmem>>
        %dma_start3A_294 = tpu.memref_squeeze %dma_start3A_293 : memref<1x128xi32, #tpu.memory_space<vmem>> -> memref<128xi32, #tpu.memory_space<vmem>>
        %dma_start3A_295 = arith.constant 0 : i32
        %dma_start3A_296 = arith.constant 0 : i32
        %dma_start3A_297 = tpu.memref_slice %arg7[%dma_start3A_295, %dma_start3A_296] : memref<10240x128xf32, #tpu.memory_space<vmem_shared>> -> memref<10240x128xf32, #tpu.memory_space<vmem_shared>>
        tpu.enqueue_indirect_dma source(%dma_start3A_291 : memref<128x128xf32, #tpu.memory_space<vmem>>) target(%dma_start3A_297 : memref<10240x128xf32, #tpu.memory_space<vmem_shared>>) offsets(%dma_start3A_294 : memref<128xi32, #tpu.memory_space<vmem>>) semaphore(%run_scoped3A_287 : memref<!tpu.dma_semaphore, #tpu.memory_space<semaphore_mem>>) {add = true}
        %dma_wait3A_298 = arith.constant 0 : i32
        %dma_wait3A_299 = arith.constant 0 : i32
        %dma_wait3A_300 = tpu.memref_slice %arg10[%run_scoped3A, %dma_wait3A_298, %dma_wait3A_299] : memref<2x128x128xf32, #tpu.memory_space<vmem>> -> memref<1x128x128xf32, #tpu.memory_space<vmem>>
        %dma_wait3A_301 = tpu.memref_squeeze %dma_wait3A_300 : memref<1x128x128xf32, #tpu.memory_space<vmem>> -> memref<128x128xf32, #tpu.memory_space<vmem>>
        %dma_wait3A_302 = arith.constant 0 : i32
        %dma_wait3A_303 = tpu.memref_slice %arg9[%mul3A_243, %dma_wait3A_302] : memref<40x128xi32, #tpu.memory_space<vmem>> -> memref<1x128xi32, #tpu.memory_space<vmem>>
        %dma_wait3A_304 = tpu.memref_squeeze %dma_wait3A_303 : memref<1x128xi32, #tpu.memory_space<vmem>> -> memref<128xi32, #tpu.memory_space<vmem>>
        %dma_wait3A_305 = arith.constant 0 : i32
        %dma_wait3A_306 = arith.constant 0 : i32
        %dma_wait3A_307 = tpu.memref_slice %arg7[%dma_wait3A_305, %dma_wait3A_306] : memref<10240x128xf32, #tpu.memory_space<vmem_shared>> -> memref<10240x128xf32, #tpu.memory_space<vmem_shared>>
        tpu.wait_indirect_dma semaphore(%run_scoped3A_287 : memref<!tpu.dma_semaphore, #tpu.memory_space<semaphore_mem>>) src(%dma_wait3A_301 : memref<128x128xf32, #tpu.memory_space<vmem>>) dst(%dma_wait3A_307 : memref<10240x128xf32, #tpu.memory_space<vmem_shared>>)
        tpu.yield
      }) : () -> ()
      %add3A_267 = arith.constant 1 : i32
      %add3A_268 = arith.addi %scan3A_241, %add3A_267 : i32
      %lt3A = arith.constant 20 : i32
      %lt3A_269 = arith.cmpi slt, %add3A_268, %lt3A : i32
      %convert_element_type3A = arith.extui %lt3A_269 : i1 to i32
      %cond3A = arith.constant 0 : i32
      %cond3A_270 = arith.cmpi ne, %convert_element_type3A, %cond3A : i32
      scf.if %cond3A_270 {
        %add3A_287 = arith.constant 2 : i32
        %add3A_288 = arith.addi %mul3A_243, %add3A_287 : i32
        %dma_start3A_289 = arith.constant 0 : i32
        %dma_start3A_290 = arith.constant 0 : i32
        %dma_start3A_291 = arith.constant 0 : i32
        %dma_start3A_292 = tpu.memref_slice %arg10[%dma_start3A_289, %dma_start3A_290, %dma_start3A_291] : memref<2x128x128xf32, #tpu.memory_space<vmem>> -> memref<1x128x128xf32, #tpu.memory_space<vmem>>
        %dma_start3A_293 = tpu.memref_squeeze %dma_start3A_292 : memref<1x128x128xf32, #tpu.memory_space<vmem>> -> memref<128x128xf32, #tpu.memory_space<vmem>>
        %dma_start3A_294 = arith.constant 0 : i32
        %dma_start3A_295 = tpu.memref_slice %arg8[%add3A_288, %dma_start3A_294] : memref<40x128xi32, #tpu.memory_space<vmem>> -> memref<1x128xi32, #tpu.memory_space<vmem>>
        %dma_start3A_296 = tpu.memref_squeeze %dma_start3A_295 : memref<1x128xi32, #tpu.memory_space<vmem>> -> memref<128xi32, #tpu.memory_space<vmem>>
        %dma_start3A_297 = arith.constant 0 : i32
        %dma_start3A_298 = arith.constant 0 : i32
        %dma_start3A_299 = tpu.memref_slice %arg2[%dma_start3A_297, %dma_start3A_298] : memref<80000x128xf32, #tpu.memory_space<hbm>> -> memref<80000x128xf32, #tpu.memory_space<hbm>>
        tpu.enqueue_indirect_dma source(%dma_start3A_299 : memref<80000x128xf32, #tpu.memory_space<hbm>>) target(%dma_start3A_293 : memref<128x128xf32, #tpu.memory_space<vmem>>) offsets(%dma_start3A_296 : memref<128xi32, #tpu.memory_space<vmem>>) semaphore(%arg11 : memref<!tpu.dma_semaphore, #tpu.memory_space<semaphore_mem>>)
      } else {
      }
      %add3A_271 = arith.constant 1 : i32
      %add3A_272 = arith.addi %mul3A_243, %add3A_271 : i32
      %dma_wait3A_273 = arith.constant 1 : i32
      %dma_wait3A_274 = arith.constant 0 : i32
      %dma_wait3A_275 = arith.constant 0 : i32
      %dma_wait3A_276 = tpu.memref_slice %arg10[%dma_wait3A_273, %dma_wait3A_274, %dma_wait3A_275] : memref<2x128x128xf32, #tpu.memory_space<vmem>> -> memref<1x128x128xf32, #tpu.memory_space<vmem>>
      %dma_wait3A_277 = tpu.memref_squeeze %dma_wait3A_276 : memref<1x128x128xf32, #tpu.memory_space<vmem>> -> memref<128x128xf32, #tpu.memory_space<vmem>>
      %dma_wait3A_278 = arith.constant 0 : i32
      %dma_wait3A_279 = tpu.memref_slice %arg8[%add3A_272, %dma_wait3A_278] : memref<40x128xi32, #tpu.memory_space<vmem>> -> memref<1x128xi32, #tpu.memory_space<vmem>>
      %dma_wait3A_280 = tpu.memref_squeeze %dma_wait3A_279 : memref<1x128xi32, #tpu.memory_space<vmem>> -> memref<128xi32, #tpu.memory_space<vmem>>
      %dma_wait3A_281 = arith.constant 0 : i32
      %dma_wait3A_282 = arith.constant 0 : i32
      %dma_wait3A_283 = tpu.memref_slice %arg2[%dma_wait3A_281, %dma_wait3A_282] : memref<80000x128xf32, #tpu.memory_space<hbm>> -> memref<80000x128xf32, #tpu.memory_space<hbm>>
      tpu.wait_indirect_dma semaphore(%arg12 : memref<!tpu.dma_semaphore, #tpu.memory_space<semaphore_mem>>) src(%dma_wait3A_283 : memref<80000x128xf32, #tpu.memory_space<hbm>>) dst(%dma_wait3A_277 : memref<128x128xf32, #tpu.memory_space<vmem>>)
      %add3A_284 = arith.constant 1 : i32
      %add3A_285 = arith.addi %mul3A_243, %add3A_284 : i32
      %run_scoped3A_286 = arith.constant 1 : i32
      "tpu.region"() ({
        %run_scoped3A_287 = tpu.sem_alloc : memref<!tpu.dma_semaphore, #tpu.memory_space<semaphore_mem>>
        %dma_start3A_288 = arith.constant 0 : i32
        %dma_start3A_289 = arith.constant 0 : i32
        %dma_start3A_290 = tpu.memref_slice %arg10[%run_scoped3A_286, %dma_start3A_288, %dma_start3A_289] : memref<2x128x128xf32, #tpu.memory_space<vmem>> -> memref<1x128x128xf32, #tpu.memory_space<vmem>>
        %dma_start3A_291 = tpu.memref_squeeze %dma_start3A_290 : memref<1x128x128xf32, #tpu.memory_space<vmem>> -> memref<128x128xf32, #tpu.memory_space<vmem>>
        %dma_start3A_292 = arith.constant 0 : i32
        %dma_start3A_293 = tpu.memref_slice %arg9[%add3A_285, %dma_start3A_292] : memref<40x128xi32, #tpu.memory_space<vmem>> -> memref<1x128xi32, #tpu.memory_space<vmem>>
        %dma_start3A_294 = tpu.memref_squeeze %dma_start3A_293 : memref<1x128xi32, #tpu.memory_space<vmem>> -> memref<128xi32, #tpu.memory_space<vmem>>
        %dma_start3A_295 = arith.constant 0 : i32
        %dma_start3A_296 = arith.constant 0 : i32
        %dma_start3A_297 = tpu.memref_slice %arg7[%dma_start3A_295, %dma_start3A_296] : memref<10240x128xf32, #tpu.memory_space<vmem_shared>> -> memref<10240x128xf32, #tpu.memory_space<vmem_shared>>
        tpu.enqueue_indirect_dma source(%dma_start3A_291 : memref<128x128xf32, #tpu.memory_space<vmem>>) target(%dma_start3A_297 : memref<10240x128xf32, #tpu.memory_space<vmem_shared>>) offsets(%dma_start3A_294 : memref<128xi32, #tpu.memory_space<vmem>>) semaphore(%run_scoped3A_287 : memref<!tpu.dma_semaphore, #tpu.memory_space<semaphore_mem>>) {add = true}
        %dma_wait3A_298 = arith.constant 0 : i32
        %dma_wait3A_299 = arith.constant 0 : i32
        %dma_wait3A_300 = tpu.memref_slice %arg10[%run_scoped3A_286, %dma_wait3A_298, %dma_wait3A_299] : memref<2x128x128xf32, #tpu.memory_space<vmem>> -> memref<1x128x128xf32, #tpu.memory_space<vmem>>
        %dma_wait3A_301 = tpu.memref_squeeze %dma_wait3A_300 : memref<1x128x128xf32, #tpu.memory_space<vmem>> -> memref<128x128xf32, #tpu.memory_space<vmem>>
        %dma_wait3A_302 = arith.constant 0 : i32
        %dma_wait3A_303 = tpu.memref_slice %arg9[%add3A_285, %dma_wait3A_302] : memref<40x128xi32, #tpu.memory_space<vmem>> -> memref<1x128xi32, #tpu.memory_space<vmem>>
        %dma_wait3A_304 = tpu.memref_squeeze %dma_wait3A_303 : memref<1x128xi32, #tpu.memory_space<vmem>> -> memref<128xi32, #tpu.memory_space<vmem>>
        %dma_wait3A_305 = arith.constant 0 : i32
        %dma_wait3A_306 = arith.constant 0 : i32
        %dma_wait3A_307 = tpu.memref_slice %arg7[%dma_wait3A_305, %dma_wait3A_306] : memref<10240x128xf32, #tpu.memory_space<vmem_shared>> -> memref<10240x128xf32, #tpu.memory_space<vmem_shared>>
        tpu.wait_indirect_dma semaphore(%run_scoped3A_287 : memref<!tpu.dma_semaphore, #tpu.memory_space<semaphore_mem>>) src(%dma_wait3A_301 : memref<128x128xf32, #tpu.memory_space<vmem>>) dst(%dma_wait3A_307 : memref<10240x128xf32, #tpu.memory_space<vmem_shared>>)
        tpu.yield
      }) : () -> ()
    }
    %scan3A_155 = arith.constant 20 : i32
    %mul3A_156 = arith.constant 80 : i32
    %mul3A_157 = arith.muli %arg1, %mul3A_156 : i32
    %add3A_158 = arith.constant 40 : i32
    %add3A_159 = arith.addi %mul3A_157, %add3A_158 : i32
    "tpu.region"() ({
      %run_scoped3A = tpu.sem_alloc : memref<!tpu.dma_semaphore, #tpu.memory_space<semaphore_mem>>
      %dma_start3A_241 = arith.constant 0 : i32
      %dma_start3A_242 = tpu.memref_slice %arg3[%add3A_122, %add3A_159, %dma_start3A_241] : memref<8x1280x128xi32, #tpu.memory_space<hbm>> -> memref<1x40x128xi32, #tpu.memory_space<hbm>>
      %dma_start3A_243 = tpu.memref_squeeze %dma_start3A_242 : memref<1x40x128xi32, #tpu.memory_space<hbm>> -> memref<40x128xi32, #tpu.memory_space<hbm>>
      %dma_start3A_244 = arith.constant 0 : i32
      %dma_start3A_245 = tpu.memref_slice %arg3[%add3A_122, %add3A_159, %dma_start3A_244] : memref<8x1280x128xi32, #tpu.memory_space<hbm>> -> memref<1x40x128xi32, #tpu.memory_space<hbm>>
      %dma_start3A_246 = tpu.memref_squeeze %dma_start3A_245 : memref<1x40x128xi32, #tpu.memory_space<hbm>> -> memref<40x128xi32, #tpu.memory_space<hbm>>
      tpu.enqueue_dma source(%dma_start3A_246 : memref<40x128xi32, #tpu.memory_space<hbm>>) target(%arg8 : memref<40x128xi32, #tpu.memory_space<vmem>>) target_semaphore(%run_scoped3A : memref<!tpu.dma_semaphore, #tpu.memory_space<semaphore_mem>>)
      %dma_wait3A = arith.constant 0 : i32
      %dma_wait3A_247 = tpu.memref_slice %arg3[%add3A_122, %add3A_159, %dma_wait3A] : memref<8x1280x128xi32, #tpu.memory_space<hbm>> -> memref<1x40x128xi32, #tpu.memory_space<hbm>>
      %dma_wait3A_248 = tpu.memref_squeeze %dma_wait3A_247 : memref<1x40x128xi32, #tpu.memory_space<hbm>> -> memref<40x128xi32, #tpu.memory_space<hbm>>
      %dma_wait3A_249 = arith.constant 0 : i32
      %dma_wait3A_250 = tpu.memref_slice %arg3[%add3A_122, %add3A_159, %dma_wait3A_249] : memref<8x1280x128xi32, #tpu.memory_space<hbm>> -> memref<1x40x128xi32, #tpu.memory_space<hbm>>
      %dma_wait3A_251 = tpu.memref_squeeze %dma_wait3A_250 : memref<1x40x128xi32, #tpu.memory_space<hbm>> -> memref<40x128xi32, #tpu.memory_space<hbm>>
      tpu.wait_dma2 semaphore(%run_scoped3A : memref<!tpu.dma_semaphore, #tpu.memory_space<semaphore_mem>>) src(%dma_wait3A_251 : memref<40x128xi32, #tpu.memory_space<hbm>>) dst(%arg8 : memref<40x128xi32, #tpu.memory_space<vmem>>)
      tpu.yield
    }) : () -> ()
    "tpu.region"() ({
      %run_scoped3A = tpu.sem_alloc : memref<!tpu.dma_semaphore, #tpu.memory_space<semaphore_mem>>
      %dma_start3A_241 = arith.constant 0 : i32
      %dma_start3A_242 = tpu.memref_slice %arg4[%add3A_159, %dma_start3A_241] : memref<1280x128xi32, #tpu.memory_space<hbm>> -> memref<40x128xi32, #tpu.memory_space<hbm>>
      %dma_start3A_243 = arith.constant 0 : i32
      %dma_start3A_244 = tpu.memref_slice %arg4[%add3A_159, %dma_start3A_243] : memref<1280x128xi32, #tpu.memory_space<hbm>> -> memref<40x128xi32, #tpu.memory_space<hbm>>
      tpu.enqueue_dma source(%dma_start3A_244 : memref<40x128xi32, #tpu.memory_space<hbm>>) target(%arg9 : memref<40x128xi32, #tpu.memory_space<vmem>>) target_semaphore(%run_scoped3A : memref<!tpu.dma_semaphore, #tpu.memory_space<semaphore_mem>>)
      %dma_wait3A = arith.constant 0 : i32
      %dma_wait3A_245 = tpu.memref_slice %arg4[%add3A_159, %dma_wait3A] : memref<1280x128xi32, #tpu.memory_space<hbm>> -> memref<40x128xi32, #tpu.memory_space<hbm>>
      %dma_wait3A_246 = arith.constant 0 : i32
      %dma_wait3A_247 = tpu.memref_slice %arg4[%add3A_159, %dma_wait3A_246] : memref<1280x128xi32, #tpu.memory_space<hbm>> -> memref<40x128xi32, #tpu.memory_space<hbm>>
      tpu.wait_dma2 semaphore(%run_scoped3A : memref<!tpu.dma_semaphore, #tpu.memory_space<semaphore_mem>>) src(%dma_wait3A_247 : memref<40x128xi32, #tpu.memory_space<hbm>>) dst(%arg9 : memref<40x128xi32, #tpu.memory_space<vmem>>)
      tpu.yield
    }) : () -> ()
    %dma_start3A_160 = arith.constant 0 : i32
    %dma_start3A_161 = arith.constant 0 : i32
    %dma_start3A_162 = arith.constant 0 : i32
    %dma_start3A_163 = arith.constant 0 : i32
    %dma_start3A_164 = tpu.memref_slice %arg10[%dma_start3A_161, %dma_start3A_162, %dma_start3A_163] : memref<2x128x128xf32, #tpu.memory_space<vmem>> -> memref<1x128x128xf32, #tpu.memory_space<vmem>>
    %dma_start3A_165 = tpu.memref_squeeze %dma_start3A_164 : memref<1x128x128xf32, #tpu.memory_space<vmem>> -> memref<128x128xf32, #tpu.memory_space<vmem>>
    %dma_start3A_166 = arith.constant 0 : i32
    %dma_start3A_167 = tpu.memref_slice %arg8[%dma_start3A_160, %dma_start3A_166] : memref<40x128xi32, #tpu.memory_space<vmem>> -> memref<1x128xi32, #tpu.memory_space<vmem>>
    %dma_start3A_168 = tpu.memref_squeeze %dma_start3A_167 : memref<1x128xi32, #tpu.memory_space<vmem>> -> memref<128xi32, #tpu.memory_space<vmem>>
    %dma_start3A_169 = arith.constant 0 : i32
    %dma_start3A_170 = arith.constant 0 : i32
    %dma_start3A_171 = tpu.memref_slice %arg2[%dma_start3A_169, %dma_start3A_170] : memref<80000x128xf32, #tpu.memory_space<hbm>> -> memref<80000x128xf32, #tpu.memory_space<hbm>>
    tpu.enqueue_indirect_dma source(%dma_start3A_171 : memref<80000x128xf32, #tpu.memory_space<hbm>>) target(%dma_start3A_165 : memref<128x128xf32, #tpu.memory_space<vmem>>) offsets(%dma_start3A_168 : memref<128xi32, #tpu.memory_space<vmem>>) semaphore(%arg11 : memref<!tpu.dma_semaphore, #tpu.memory_space<semaphore_mem>>)
    %scan3A_172 = arith.constant 0 : i32
    %scan3A_173 = arith.constant 0 : i32
    %scan3A_174 = arith.constant 20 : i32
    %scan3A_175 = arith.addi %scan3A_173, %scan3A_174 : i32
    %scan3A_176 = arith.constant 1 : i32
    scf.for %scan3A_241 = %scan3A_173 to %scan3A_175 step %scan3A_176  : i32 {
      %mul3A_242 = arith.constant 2 : i32
      %mul3A_243 = arith.muli %mul3A_242, %scan3A_241 : i32
      %add3A_244 = arith.constant 1 : i32
      %add3A_245 = arith.addi %mul3A_243, %add3A_244 : i32
      %dma_start3A_246 = arith.constant 1 : i32
      %dma_start3A_247 = arith.constant 0 : i32
      %dma_start3A_248 = arith.constant 0 : i32
      %dma_start3A_249 = tpu.memref_slice %arg10[%dma_start3A_246, %dma_start3A_247, %dma_start3A_248] : memref<2x128x128xf32, #tpu.memory_space<vmem>> -> memref<1x128x128xf32, #tpu.memory_space<vmem>>
      %dma_start3A_250 = tpu.memref_squeeze %dma_start3A_249 : memref<1x128x128xf32, #tpu.memory_space<vmem>> -> memref<128x128xf32, #tpu.memory_space<vmem>>
      %dma_start3A_251 = arith.constant 0 : i32
      %dma_start3A_252 = tpu.memref_slice %arg8[%add3A_245, %dma_start3A_251] : memref<40x128xi32, #tpu.memory_space<vmem>> -> memref<1x128xi32, #tpu.memory_space<vmem>>
      %dma_start3A_253 = tpu.memref_squeeze %dma_start3A_252 : memref<1x128xi32, #tpu.memory_space<vmem>> -> memref<128xi32, #tpu.memory_space<vmem>>
      %dma_start3A_254 = arith.constant 0 : i32
      %dma_start3A_255 = arith.constant 0 : i32
      %dma_start3A_256 = tpu.memref_slice %arg2[%dma_start3A_254, %dma_start3A_255] : memref<80000x128xf32, #tpu.memory_space<hbm>> -> memref<80000x128xf32, #tpu.memory_space<hbm>>
      tpu.enqueue_indirect_dma source(%dma_start3A_256 : memref<80000x128xf32, #tpu.memory_space<hbm>>) target(%dma_start3A_250 : memref<128x128xf32, #tpu.memory_space<vmem>>) offsets(%dma_start3A_253 : memref<128xi32, #tpu.memory_space<vmem>>) semaphore(%arg12 : memref<!tpu.dma_semaphore, #tpu.memory_space<semaphore_mem>>)
      %dma_wait3A = arith.constant 0 : i32
      %dma_wait3A_257 = arith.constant 0 : i32
      %dma_wait3A_258 = arith.constant 0 : i32
      %dma_wait3A_259 = tpu.memref_slice %arg10[%dma_wait3A, %dma_wait3A_257, %dma_wait3A_258] : memref<2x128x128xf32, #tpu.memory_space<vmem>> -> memref<1x128x128xf32, #tpu.memory_space<vmem>>
      %dma_wait3A_260 = tpu.memref_squeeze %dma_wait3A_259 : memref<1x128x128xf32, #tpu.memory_space<vmem>> -> memref<128x128xf32, #tpu.memory_space<vmem>>
      %dma_wait3A_261 = arith.constant 0 : i32
      %dma_wait3A_262 = tpu.memref_slice %arg8[%mul3A_243, %dma_wait3A_261] : memref<40x128xi32, #tpu.memory_space<vmem>> -> memref<1x128xi32, #tpu.memory_space<vmem>>
      %dma_wait3A_263 = tpu.memref_squeeze %dma_wait3A_262 : memref<1x128xi32, #tpu.memory_space<vmem>> -> memref<128xi32, #tpu.memory_space<vmem>>
      %dma_wait3A_264 = arith.constant 0 : i32
      %dma_wait3A_265 = arith.constant 0 : i32
      %dma_wait3A_266 = tpu.memref_slice %arg2[%dma_wait3A_264, %dma_wait3A_265] : memref<80000x128xf32, #tpu.memory_space<hbm>> -> memref<80000x128xf32, #tpu.memory_space<hbm>>
      tpu.wait_indirect_dma semaphore(%arg11 : memref<!tpu.dma_semaphore, #tpu.memory_space<semaphore_mem>>) src(%dma_wait3A_266 : memref<80000x128xf32, #tpu.memory_space<hbm>>) dst(%dma_wait3A_260 : memref<128x128xf32, #tpu.memory_space<vmem>>)
      %run_scoped3A = arith.constant 0 : i32
      "tpu.region"() ({
        %run_scoped3A_287 = tpu.sem_alloc : memref<!tpu.dma_semaphore, #tpu.memory_space<semaphore_mem>>
        %dma_start3A_288 = arith.constant 0 : i32
        %dma_start3A_289 = arith.constant 0 : i32
        %dma_start3A_290 = tpu.memref_slice %arg10[%run_scoped3A, %dma_start3A_288, %dma_start3A_289] : memref<2x128x128xf32, #tpu.memory_space<vmem>> -> memref<1x128x128xf32, #tpu.memory_space<vmem>>
        %dma_start3A_291 = tpu.memref_squeeze %dma_start3A_290 : memref<1x128x128xf32, #tpu.memory_space<vmem>> -> memref<128x128xf32, #tpu.memory_space<vmem>>
        %dma_start3A_292 = arith.constant 0 : i32
        %dma_start3A_293 = tpu.memref_slice %arg9[%mul3A_243, %dma_start3A_292] : memref<40x128xi32, #tpu.memory_space<vmem>> -> memref<1x128xi32, #tpu.memory_space<vmem>>
        %dma_start3A_294 = tpu.memref_squeeze %dma_start3A_293 : memref<1x128xi32, #tpu.memory_space<vmem>> -> memref<128xi32, #tpu.memory_space<vmem>>
        %dma_start3A_295 = arith.constant 0 : i32
        %dma_start3A_296 = arith.constant 0 : i32
        %dma_start3A_297 = tpu.memref_slice %arg7[%dma_start3A_295, %dma_start3A_296] : memref<10240x128xf32, #tpu.memory_space<vmem_shared>> -> memref<10240x128xf32, #tpu.memory_space<vmem_shared>>
        tpu.enqueue_indirect_dma source(%dma_start3A_291 : memref<128x128xf32, #tpu.memory_space<vmem>>) target(%dma_start3A_297 : memref<10240x128xf32, #tpu.memory_space<vmem_shared>>) offsets(%dma_start3A_294 : memref<128xi32, #tpu.memory_space<vmem>>) semaphore(%run_scoped3A_287 : memref<!tpu.dma_semaphore, #tpu.memory_space<semaphore_mem>>) {add = true}
        %dma_wait3A_298 = arith.constant 0 : i32
        %dma_wait3A_299 = arith.constant 0 : i32
        %dma_wait3A_300 = tpu.memref_slice %arg10[%run_scoped3A, %dma_wait3A_298, %dma_wait3A_299] : memref<2x128x128xf32, #tpu.memory_space<vmem>> -> memref<1x128x128xf32, #tpu.memory_space<vmem>>
        %dma_wait3A_301 = tpu.memref_squeeze %dma_wait3A_300 : memref<1x128x128xf32, #tpu.memory_space<vmem>> -> memref<128x128xf32, #tpu.memory_space<vmem>>
        %dma_wait3A_302 = arith.constant 0 : i32
        %dma_wait3A_303 = tpu.memref_slice %arg9[%mul3A_243, %dma_wait3A_302] : memref<40x128xi32, #tpu.memory_space<vmem>> -> memref<1x128xi32, #tpu.memory_space<vmem>>
        %dma_wait3A_304 = tpu.memref_squeeze %dma_wait3A_303 : memref<1x128xi32, #tpu.memory_space<vmem>> -> memref<128xi32, #tpu.memory_space<vmem>>
        %dma_wait3A_305 = arith.constant 0 : i32
        %dma_wait3A_306 = arith.constant 0 : i32
        %dma_wait3A_307 = tpu.memref_slice %arg7[%dma_wait3A_305, %dma_wait3A_306] : memref<10240x128xf32, #tpu.memory_space<vmem_shared>> -> memref<10240x128xf32, #tpu.memory_space<vmem_shared>>
        tpu.wait_indirect_dma semaphore(%run_scoped3A_287 : memref<!tpu.dma_semaphore, #tpu.memory_space<semaphore_mem>>) src(%dma_wait3A_301 : memref<128x128xf32, #tpu.memory_space<vmem>>) dst(%dma_wait3A_307 : memref<10240x128xf32, #tpu.memory_space<vmem_shared>>)
        tpu.yield
      }) : () -> ()
      %add3A_267 = arith.constant 1 : i32
      %add3A_268 = arith.addi %scan3A_241, %add3A_267 : i32
      %lt3A = arith.constant 20 : i32
      %lt3A_269 = arith.cmpi slt, %add3A_268, %lt3A : i32
      %convert_element_type3A = arith.extui %lt3A_269 : i1 to i32
      %cond3A = arith.constant 0 : i32
      %cond3A_270 = arith.cmpi ne, %convert_element_type3A, %cond3A : i32
      scf.if %cond3A_270 {
        %add3A_287 = arith.constant 2 : i32
        %add3A_288 = arith.addi %mul3A_243, %add3A_287 : i32
        %dma_start3A_289 = arith.constant 0 : i32
        %dma_start3A_290 = arith.constant 0 : i32
        %dma_start3A_291 = arith.constant 0 : i32
        %dma_start3A_292 = tpu.memref_slice %arg10[%dma_start3A_289, %dma_start3A_290, %dma_start3A_291] : memref<2x128x128xf32, #tpu.memory_space<vmem>> -> memref<1x128x128xf32, #tpu.memory_space<vmem>>
        %dma_start3A_293 = tpu.memref_squeeze %dma_start3A_292 : memref<1x128x128xf32, #tpu.memory_space<vmem>> -> memref<128x128xf32, #tpu.memory_space<vmem>>
        %dma_start3A_294 = arith.constant 0 : i32
        %dma_start3A_295 = tpu.memref_slice %arg8[%add3A_288, %dma_start3A_294] : memref<40x128xi32, #tpu.memory_space<vmem>> -> memref<1x128xi32, #tpu.memory_space<vmem>>
        %dma_start3A_296 = tpu.memref_squeeze %dma_start3A_295 : memref<1x128xi32, #tpu.memory_space<vmem>> -> memref<128xi32, #tpu.memory_space<vmem>>
        %dma_start3A_297 = arith.constant 0 : i32
        %dma_start3A_298 = arith.constant 0 : i32
        %dma_start3A_299 = tpu.memref_slice %arg2[%dma_start3A_297, %dma_start3A_298] : memref<80000x128xf32, #tpu.memory_space<hbm>> -> memref<80000x128xf32, #tpu.memory_space<hbm>>
        tpu.enqueue_indirect_dma source(%dma_start3A_299 : memref<80000x128xf32, #tpu.memory_space<hbm>>) target(%dma_start3A_293 : memref<128x128xf32, #tpu.memory_space<vmem>>) offsets(%dma_start3A_296 : memref<128xi32, #tpu.memory_space<vmem>>) semaphore(%arg11 : memref<!tpu.dma_semaphore, #tpu.memory_space<semaphore_mem>>)
      } else {
      }
      %add3A_271 = arith.constant 1 : i32
      %add3A_272 = arith.addi %mul3A_243, %add3A_271 : i32
      %dma_wait3A_273 = arith.constant 1 : i32
      %dma_wait3A_274 = arith.constant 0 : i32
      %dma_wait3A_275 = arith.constant 0 : i32
      %dma_wait3A_276 = tpu.memref_slice %arg10[%dma_wait3A_273, %dma_wait3A_274, %dma_wait3A_275] : memref<2x128x128xf32, #tpu.memory_space<vmem>> -> memref<1x128x128xf32, #tpu.memory_space<vmem>>
      %dma_wait3A_277 = tpu.memref_squeeze %dma_wait3A_276 : memref<1x128x128xf32, #tpu.memory_space<vmem>> -> memref<128x128xf32, #tpu.memory_space<vmem>>
      %dma_wait3A_278 = arith.constant 0 : i32
      %dma_wait3A_279 = tpu.memref_slice %arg8[%add3A_272, %dma_wait3A_278] : memref<40x128xi32, #tpu.memory_space<vmem>> -> memref<1x128xi32, #tpu.memory_space<vmem>>
      %dma_wait3A_280 = tpu.memref_squeeze %dma_wait3A_279 : memref<1x128xi32, #tpu.memory_space<vmem>> -> memref<128xi32, #tpu.memory_space<vmem>>
      %dma_wait3A_281 = arith.constant 0 : i32
      %dma_wait3A_282 = arith.constant 0 : i32
      %dma_wait3A_283 = tpu.memref_slice %arg2[%dma_wait3A_281, %dma_wait3A_282] : memref<80000x128xf32, #tpu.memory_space<hbm>> -> memref<80000x128xf32, #tpu.memory_space<hbm>>
      tpu.wait_indirect_dma semaphore(%arg12 : memref<!tpu.dma_semaphore, #tpu.memory_space<semaphore_mem>>) src(%dma_wait3A_283 : memref<80000x128xf32, #tpu.memory_space<hbm>>) dst(%dma_wait3A_277 : memref<128x128xf32, #tpu.memory_space<vmem>>)
      %add3A_284 = arith.constant 1 : i32
      %add3A_285 = arith.addi %mul3A_243, %add3A_284 : i32
      %run_scoped3A_286 = arith.constant 1 : i32
      "tpu.region"() ({
        %run_scoped3A_287 = tpu.sem_alloc : memref<!tpu.dma_semaphore, #tpu.memory_space<semaphore_mem>>
        %dma_start3A_288 = arith.constant 0 : i32
        %dma_start3A_289 = arith.constant 0 : i32
        %dma_start3A_290 = tpu.memref_slice %arg10[%run_scoped3A_286, %dma_start3A_288, %dma_start3A_289] : memref<2x128x128xf32, #tpu.memory_space<vmem>> -> memref<1x128x128xf32, #tpu.memory_space<vmem>>
        %dma_start3A_291 = tpu.memref_squeeze %dma_start3A_290 : memref<1x128x128xf32, #tpu.memory_space<vmem>> -> memref<128x128xf32, #tpu.memory_space<vmem>>
        %dma_start3A_292 = arith.constant 0 : i32
        %dma_start3A_293 = tpu.memref_slice %arg9[%add3A_285, %dma_start3A_292] : memref<40x128xi32, #tpu.memory_space<vmem>> -> memref<1x128xi32, #tpu.memory_space<vmem>>
        %dma_start3A_294 = tpu.memref_squeeze %dma_start3A_293 : memref<1x128xi32, #tpu.memory_space<vmem>> -> memref<128xi32, #tpu.memory_space<vmem>>
        %dma_start3A_295 = arith.constant 0 : i32
        %dma_start3A_296 = arith.constant 0 : i32
        %dma_start3A_297 = tpu.memref_slice %arg7[%dma_start3A_295, %dma_start3A_296] : memref<10240x128xf32, #tpu.memory_space<vmem_shared>> -> memref<10240x128xf32, #tpu.memory_space<vmem_shared>>
        tpu.enqueue_indirect_dma source(%dma_start3A_291 : memref<128x128xf32, #tpu.memory_space<vmem>>) target(%dma_start3A_297 : memref<10240x128xf32, #tpu.memory_space<vmem_shared>>) offsets(%dma_start3A_294 : memref<128xi32, #tpu.memory_space<vmem>>) semaphore(%run_scoped3A_287 : memref<!tpu.dma_semaphore, #tpu.memory_space<semaphore_mem>>) {add = true}
        %dma_wait3A_298 = arith.constant 0 : i32
        %dma_wait3A_299 = arith.constant 0 : i32
        %dma_wait3A_300 = tpu.memref_slice %arg10[%run_scoped3A_286, %dma_wait3A_298, %dma_wait3A_299] : memref<2x128x128xf32, #tpu.memory_space<vmem>> -> memref<1x128x128xf32, #tpu.memory_space<vmem>>
        %dma_wait3A_301 = tpu.memref_squeeze %dma_wait3A_300 : memref<1x128x128xf32, #tpu.memory_space<vmem>> -> memref<128x128xf32, #tpu.memory_space<vmem>>
        %dma_wait3A_302 = arith.constant 0 : i32
        %dma_wait3A_303 = tpu.memref_slice %arg9[%add3A_285, %dma_wait3A_302] : memref<40x128xi32, #tpu.memory_space<vmem>> -> memref<1x128xi32, #tpu.memory_space<vmem>>
        %dma_wait3A_304 = tpu.memref_squeeze %dma_wait3A_303 : memref<1x128xi32, #tpu.memory_space<vmem>> -> memref<128xi32, #tpu.memory_space<vmem>>
        %dma_wait3A_305 = arith.constant 0 : i32
        %dma_wait3A_306 = arith.constant 0 : i32
        %dma_wait3A_307 = tpu.memref_slice %arg7[%dma_wait3A_305, %dma_wait3A_306] : memref<10240x128xf32, #tpu.memory_space<vmem_shared>> -> memref<10240x128xf32, #tpu.memory_space<vmem_shared>>
        tpu.wait_indirect_dma semaphore(%run_scoped3A_287 : memref<!tpu.dma_semaphore, #tpu.memory_space<semaphore_mem>>) src(%dma_wait3A_301 : memref<128x128xf32, #tpu.memory_space<vmem>>) dst(%dma_wait3A_307 : memref<10240x128xf32, #tpu.memory_space<vmem_shared>>)
        tpu.yield
      }) : () -> ()
    }
    %scan3A_177 = arith.constant 20 : i32
    %barrier3A_178 = arith.constant 0 : index
    tpu.barrier barrier_id(%barrier3A_178)
    "tpu.region"() ({
      %run_scoped3A = tpu.sem_alloc : memref<!tpu.dma_semaphore, #tpu.memory_space<semaphore_mem>>
      %dma_start3A_241 = arith.constant 0 : i32
      %dma_start3A_242 = tpu.memref_slice %arg6[%add3A_122, %mul3A_0, %dma_start3A_241] : memref<8x10240x128xf32, #tpu.memory_space<hbm>> -> memref<1x640x128xf32, #tpu.memory_space<hbm>>
      %dma_start3A_243 = tpu.memref_squeeze %dma_start3A_242 : memref<1x640x128xf32, #tpu.memory_space<hbm>> -> memref<640x128xf32, #tpu.memory_space<hbm>>
      %dma_start3A_244 = arith.constant 0 : i32
      %dma_start3A_245 = tpu.memref_slice %arg7[%mul3A_0, %dma_start3A_244] : memref<10240x128xf32, #tpu.memory_space<vmem_shared>> -> memref<640x128xf32, #tpu.memory_space<vmem_shared>>
      tpu.enqueue_dma source(%dma_start3A_245 : memref<640x128xf32, #tpu.memory_space<vmem_shared>>) target(%dma_start3A_243 : memref<640x128xf32, #tpu.memory_space<hbm>>) target_semaphore(%run_scoped3A : memref<!tpu.dma_semaphore, #tpu.memory_space<semaphore_mem>>)
      %dma_wait3A = arith.constant 0 : i32
      %dma_wait3A_246 = tpu.memref_slice %arg6[%add3A_122, %mul3A_0, %dma_wait3A] : memref<8x10240x128xf32, #tpu.memory_space<hbm>> -> memref<1x640x128xf32, #tpu.memory_space<hbm>>
      %dma_wait3A_247 = tpu.memref_squeeze %dma_wait3A_246 : memref<1x640x128xf32, #tpu.memory_space<hbm>> -> memref<640x128xf32, #tpu.memory_space<hbm>>
      %dma_wait3A_248 = arith.constant 0 : i32
      %dma_wait3A_249 = tpu.memref_slice %arg7[%mul3A_0, %dma_wait3A_248] : memref<10240x128xf32, #tpu.memory_space<vmem_shared>> -> memref<640x128xf32, #tpu.memory_space<vmem_shared>>
      tpu.wait_dma2 semaphore(%run_scoped3A : memref<!tpu.dma_semaphore, #tpu.memory_space<semaphore_mem>>) src(%dma_wait3A_249 : memref<640x128xf32, #tpu.memory_space<vmem_shared>>) dst(%dma_wait3A_247 : memref<640x128xf32, #tpu.memory_space<hbm>>)
      tpu.yield
    }) : () -> ()
    %barrier3A_179 = arith.constant 0 : index
    tpu.barrier barrier_id(%barrier3A_179)
    %mul3A_180 = arith.constant 4 : i32
    %mul3A_181 = arith.muli %arg0, %mul3A_180 : i32
    %add3A_182 = arith.constant 3 : i32
    %add3A_183 = arith.addi %mul3A_181, %add3A_182 : i32
    %add3A_184 = arith.constant 0 : i32
    %add3A_185 = arith.addi %mul3A_0, %add3A_184 : i32
    "tpu.region"() ({
      %run_scoped3A = tpu.sem_alloc : memref<!tpu.dma_semaphore, #tpu.memory_space<semaphore_mem>>
      %dma_start3A_241 = arith.constant 0 : i32
      %dma_start3A_242 = tpu.memref_slice %arg7[%add3A_185, %dma_start3A_241] : memref<10240x128xf32, #tpu.memory_space<vmem_shared>> -> memref<128x128xf32, #tpu.memory_space<vmem_shared>>
      tpu.enqueue_dma source(%arg5 : memref<128x128xf32, #tpu.memory_space<hbm>>) target(%dma_start3A_242 : memref<128x128xf32, #tpu.memory_space<vmem_shared>>) target_semaphore(%run_scoped3A : memref<!tpu.dma_semaphore, #tpu.memory_space<semaphore_mem>>)
      %dma_wait3A = arith.constant 0 : i32
      %dma_wait3A_243 = tpu.memref_slice %arg7[%add3A_185, %dma_wait3A] : memref<10240x128xf32, #tpu.memory_space<vmem_shared>> -> memref<128x128xf32, #tpu.memory_space<vmem_shared>>
      tpu.wait_dma2 semaphore(%run_scoped3A : memref<!tpu.dma_semaphore, #tpu.memory_space<semaphore_mem>>) src(%arg5 : memref<128x128xf32, #tpu.memory_space<hbm>>) dst(%dma_wait3A_243 : memref<128x128xf32, #tpu.memory_space<vmem_shared>>)
      tpu.yield
    }) : () -> ()
    %add3A_186 = arith.constant 128 : i32
    %add3A_187 = arith.addi %mul3A_0, %add3A_186 : i32
    "tpu.region"() ({
      %run_scoped3A = tpu.sem_alloc : memref<!tpu.dma_semaphore, #tpu.memory_space<semaphore_mem>>
      %dma_start3A_241 = arith.constant 0 : i32
      %dma_start3A_242 = tpu.memref_slice %arg7[%add3A_187, %dma_start3A_241] : memref<10240x128xf32, #tpu.memory_space<vmem_shared>> -> memref<128x128xf32, #tpu.memory_space<vmem_shared>>
      tpu.enqueue_dma source(%arg5 : memref<128x128xf32, #tpu.memory_space<hbm>>) target(%dma_start3A_242 : memref<128x128xf32, #tpu.memory_space<vmem_shared>>) target_semaphore(%run_scoped3A : memref<!tpu.dma_semaphore, #tpu.memory_space<semaphore_mem>>)
      %dma_wait3A = arith.constant 0 : i32
      %dma_wait3A_243 = tpu.memref_slice %arg7[%add3A_187, %dma_wait3A] : memref<10240x128xf32, #tpu.memory_space<vmem_shared>> -> memref<128x128xf32, #tpu.memory_space<vmem_shared>>
      tpu.wait_dma2 semaphore(%run_scoped3A : memref<!tpu.dma_semaphore, #tpu.memory_space<semaphore_mem>>) src(%arg5 : memref<128x128xf32, #tpu.memory_space<hbm>>) dst(%dma_wait3A_243 : memref<128x128xf32, #tpu.memory_space<vmem_shared>>)
      tpu.yield
    }) : () -> ()
    %add3A_188 = arith.constant 256 : i32
    %add3A_189 = arith.addi %mul3A_0, %add3A_188 : i32
    "tpu.region"() ({
      %run_scoped3A = tpu.sem_alloc : memref<!tpu.dma_semaphore, #tpu.memory_space<semaphore_mem>>
      %dma_start3A_241 = arith.constant 0 : i32
      %dma_start3A_242 = tpu.memref_slice %arg7[%add3A_189, %dma_start3A_241] : memref<10240x128xf32, #tpu.memory_space<vmem_shared>> -> memref<128x128xf32, #tpu.memory_space<vmem_shared>>
      tpu.enqueue_dma source(%arg5 : memref<128x128xf32, #tpu.memory_space<hbm>>) target(%dma_start3A_242 : memref<128x128xf32, #tpu.memory_space<vmem_shared>>) target_semaphore(%run_scoped3A : memref<!tpu.dma_semaphore, #tpu.memory_space<semaphore_mem>>)
      %dma_wait3A = arith.constant 0 : i32
      %dma_wait3A_243 = tpu.memref_slice %arg7[%add3A_189, %dma_wait3A] : memref<10240x128xf32, #tpu.memory_space<vmem_shared>> -> memref<128x128xf32, #tpu.memory_space<vmem_shared>>
      tpu.wait_dma2 semaphore(%run_scoped3A : memref<!tpu.dma_semaphore, #tpu.memory_space<semaphore_mem>>) src(%arg5 : memref<128x128xf32, #tpu.memory_space<hbm>>) dst(%dma_wait3A_243 : memref<128x128xf32, #tpu.memory_space<vmem_shared>>)
      tpu.yield
    }) : () -> ()
    %add3A_190 = arith.constant 384 : i32
    %add3A_191 = arith.addi %mul3A_0, %add3A_190 : i32
    "tpu.region"() ({
      %run_scoped3A = tpu.sem_alloc : memref<!tpu.dma_semaphore, #tpu.memory_space<semaphore_mem>>
      %dma_start3A_241 = arith.constant 0 : i32
      %dma_start3A_242 = tpu.memref_slice %arg7[%add3A_191, %dma_start3A_241] : memref<10240x128xf32, #tpu.memory_space<vmem_shared>> -> memref<128x128xf32, #tpu.memory_space<vmem_shared>>
      tpu.enqueue_dma source(%arg5 : memref<128x128xf32, #tpu.memory_space<hbm>>) target(%dma_start3A_242 : memref<128x128xf32, #tpu.memory_space<vmem_shared>>) target_semaphore(%run_scoped3A : memref<!tpu.dma_semaphore, #tpu.memory_space<semaphore_mem>>)
      %dma_wait3A = arith.constant 0 : i32
      %dma_wait3A_243 = tpu.memref_slice %arg7[%add3A_191, %dma_wait3A] : memref<10240x128xf32, #tpu.memory_space<vmem_shared>> -> memref<128x128xf32, #tpu.memory_space<vmem_shared>>
      tpu.wait_dma2 semaphore(%run_scoped3A : memref<!tpu.dma_semaphore, #tpu.memory_space<semaphore_mem>>) src(%arg5 : memref<128x128xf32, #tpu.memory_space<hbm>>) dst(%dma_wait3A_243 : memref<128x128xf32, #tpu.memory_space<vmem_shared>>)
      tpu.yield
    }) : () -> ()
    %add3A_192 = arith.constant 512 : i32
    %add3A_193 = arith.addi %mul3A_0, %add3A_192 : i32
    "tpu.region"() ({
      %run_scoped3A = tpu.sem_alloc : memref<!tpu.dma_semaphore, #tpu.memory_space<semaphore_mem>>
      %dma_start3A_241 = arith.constant 0 : i32
      %dma_start3A_242 = tpu.memref_slice %arg7[%add3A_193, %dma_start3A_241] : memref<10240x128xf32, #tpu.memory_space<vmem_shared>> -> memref<128x128xf32, #tpu.memory_space<vmem_shared>>
      tpu.enqueue_dma source(%arg5 : memref<128x128xf32, #tpu.memory_space<hbm>>) target(%dma_start3A_242 : memref<128x128xf32, #tpu.memory_space<vmem_shared>>) target_semaphore(%run_scoped3A : memref<!tpu.dma_semaphore, #tpu.memory_space<semaphore_mem>>)
      %dma_wait3A = arith.constant 0 : i32
      %dma_wait3A_243 = tpu.memref_slice %arg7[%add3A_193, %dma_wait3A] : memref<10240x128xf32, #tpu.memory_space<vmem_shared>> -> memref<128x128xf32, #tpu.memory_space<vmem_shared>>
      tpu.wait_dma2 semaphore(%run_scoped3A : memref<!tpu.dma_semaphore, #tpu.memory_space<semaphore_mem>>) src(%arg5 : memref<128x128xf32, #tpu.memory_space<hbm>>) dst(%dma_wait3A_243 : memref<128x128xf32, #tpu.memory_space<vmem_shared>>)
      tpu.yield
    }) : () -> ()
    %barrier3A_194 = arith.constant 0 : index
    tpu.barrier barrier_id(%barrier3A_194)
    %mul3A_195 = arith.constant 80 : i32
    %mul3A_196 = arith.muli %arg1, %mul3A_195 : i32
    %add3A_197 = arith.constant 0 : i32
    %add3A_198 = arith.addi %mul3A_196, %add3A_197 : i32
    "tpu.region"() ({
      %run_scoped3A = tpu.sem_alloc : memref<!tpu.dma_semaphore, #tpu.memory_space<semaphore_mem>>
      %dma_start3A_241 = arith.constant 0 : i32
      %dma_start3A_242 = tpu.memref_slice %arg3[%add3A_183, %add3A_198, %dma_start3A_241] : memref<8x1280x128xi32, #tpu.memory_space<hbm>> -> memref<1x40x128xi32, #tpu.memory_space<hbm>>
      %dma_start3A_243 = tpu.memref_squeeze %dma_start3A_242 : memref<1x40x128xi32, #tpu.memory_space<hbm>> -> memref<40x128xi32, #tpu.memory_space<hbm>>
      %dma_start3A_244 = arith.constant 0 : i32
      %dma_start3A_245 = tpu.memref_slice %arg3[%add3A_183, %add3A_198, %dma_start3A_244] : memref<8x1280x128xi32, #tpu.memory_space<hbm>> -> memref<1x40x128xi32, #tpu.memory_space<hbm>>
      %dma_start3A_246 = tpu.memref_squeeze %dma_start3A_245 : memref<1x40x128xi32, #tpu.memory_space<hbm>> -> memref<40x128xi32, #tpu.memory_space<hbm>>
      tpu.enqueue_dma source(%dma_start3A_246 : memref<40x128xi32, #tpu.memory_space<hbm>>) target(%arg8 : memref<40x128xi32, #tpu.memory_space<vmem>>) target_semaphore(%run_scoped3A : memref<!tpu.dma_semaphore, #tpu.memory_space<semaphore_mem>>)
      %dma_wait3A = arith.constant 0 : i32
      %dma_wait3A_247 = tpu.memref_slice %arg3[%add3A_183, %add3A_198, %dma_wait3A] : memref<8x1280x128xi32, #tpu.memory_space<hbm>> -> memref<1x40x128xi32, #tpu.memory_space<hbm>>
      %dma_wait3A_248 = tpu.memref_squeeze %dma_wait3A_247 : memref<1x40x128xi32, #tpu.memory_space<hbm>> -> memref<40x128xi32, #tpu.memory_space<hbm>>
      %dma_wait3A_249 = arith.constant 0 : i32
      %dma_wait3A_250 = tpu.memref_slice %arg3[%add3A_183, %add3A_198, %dma_wait3A_249] : memref<8x1280x128xi32, #tpu.memory_space<hbm>> -> memref<1x40x128xi32, #tpu.memory_space<hbm>>
      %dma_wait3A_251 = tpu.memref_squeeze %dma_wait3A_250 : memref<1x40x128xi32, #tpu.memory_space<hbm>> -> memref<40x128xi32, #tpu.memory_space<hbm>>
      tpu.wait_dma2 semaphore(%run_scoped3A : memref<!tpu.dma_semaphore, #tpu.memory_space<semaphore_mem>>) src(%dma_wait3A_251 : memref<40x128xi32, #tpu.memory_space<hbm>>) dst(%arg8 : memref<40x128xi32, #tpu.memory_space<vmem>>)
      tpu.yield
    }) : () -> ()
    "tpu.region"() ({
      %run_scoped3A = tpu.sem_alloc : memref<!tpu.dma_semaphore, #tpu.memory_space<semaphore_mem>>
      %dma_start3A_241 = arith.constant 0 : i32
      %dma_start3A_242 = tpu.memref_slice %arg4[%add3A_198, %dma_start3A_241] : memref<1280x128xi32, #tpu.memory_space<hbm>> -> memref<40x128xi32, #tpu.memory_space<hbm>>
      %dma_start3A_243 = arith.constant 0 : i32
      %dma_start3A_244 = tpu.memref_slice %arg4[%add3A_198, %dma_start3A_243] : memref<1280x128xi32, #tpu.memory_space<hbm>> -> memref<40x128xi32, #tpu.memory_space<hbm>>
      tpu.enqueue_dma source(%dma_start3A_244 : memref<40x128xi32, #tpu.memory_space<hbm>>) target(%arg9 : memref<40x128xi32, #tpu.memory_space<vmem>>) target_semaphore(%run_scoped3A : memref<!tpu.dma_semaphore, #tpu.memory_space<semaphore_mem>>)
      %dma_wait3A = arith.constant 0 : i32
      %dma_wait3A_245 = tpu.memref_slice %arg4[%add3A_198, %dma_wait3A] : memref<1280x128xi32, #tpu.memory_space<hbm>> -> memref<40x128xi32, #tpu.memory_space<hbm>>
      %dma_wait3A_246 = arith.constant 0 : i32
      %dma_wait3A_247 = tpu.memref_slice %arg4[%add3A_198, %dma_wait3A_246] : memref<1280x128xi32, #tpu.memory_space<hbm>> -> memref<40x128xi32, #tpu.memory_space<hbm>>
      tpu.wait_dma2 semaphore(%run_scoped3A : memref<!tpu.dma_semaphore, #tpu.memory_space<semaphore_mem>>) src(%dma_wait3A_247 : memref<40x128xi32, #tpu.memory_space<hbm>>) dst(%arg9 : memref<40x128xi32, #tpu.memory_space<vmem>>)
      tpu.yield
    }) : () -> ()
    %dma_start3A_199 = arith.constant 0 : i32
    %dma_start3A_200 = arith.constant 0 : i32
    %dma_start3A_201 = arith.constant 0 : i32
    %dma_start3A_202 = arith.constant 0 : i32
    %dma_start3A_203 = tpu.memref_slice %arg10[%dma_start3A_200, %dma_start3A_201, %dma_start3A_202] : memref<2x128x128xf32, #tpu.memory_space<vmem>> -> memref<1x128x128xf32, #tpu.memory_space<vmem>>
    %dma_start3A_204 = tpu.memref_squeeze %dma_start3A_203 : memref<1x128x128xf32, #tpu.memory_space<vmem>> -> memref<128x128xf32, #tpu.memory_space<vmem>>
    %dma_start3A_205 = arith.constant 0 : i32
    %dma_start3A_206 = tpu.memref_slice %arg8[%dma_start3A_199, %dma_start3A_205] : memref<40x128xi32, #tpu.memory_space<vmem>> -> memref<1x128xi32, #tpu.memory_space<vmem>>
    %dma_start3A_207 = tpu.memref_squeeze %dma_start3A_206 : memref<1x128xi32, #tpu.memory_space<vmem>> -> memref<128xi32, #tpu.memory_space<vmem>>
    %dma_start3A_208 = arith.constant 0 : i32
    %dma_start3A_209 = arith.constant 0 : i32
    %dma_start3A_210 = tpu.memref_slice %arg2[%dma_start3A_208, %dma_start3A_209] : memref<80000x128xf32, #tpu.memory_space<hbm>> -> memref<80000x128xf32, #tpu.memory_space<hbm>>
    tpu.enqueue_indirect_dma source(%dma_start3A_210 : memref<80000x128xf32, #tpu.memory_space<hbm>>) target(%dma_start3A_204 : memref<128x128xf32, #tpu.memory_space<vmem>>) offsets(%dma_start3A_207 : memref<128xi32, #tpu.memory_space<vmem>>) semaphore(%arg11 : memref<!tpu.dma_semaphore, #tpu.memory_space<semaphore_mem>>)
    %scan3A_211 = arith.constant 0 : i32
    %scan3A_212 = arith.constant 0 : i32
    %scan3A_213 = arith.constant 20 : i32
    %scan3A_214 = arith.addi %scan3A_212, %scan3A_213 : i32
    %scan3A_215 = arith.constant 1 : i32
    scf.for %scan3A_241 = %scan3A_212 to %scan3A_214 step %scan3A_215  : i32 {
      %mul3A_242 = arith.constant 2 : i32
      %mul3A_243 = arith.muli %mul3A_242, %scan3A_241 : i32
      %add3A_244 = arith.constant 1 : i32
      %add3A_245 = arith.addi %mul3A_243, %add3A_244 : i32
      %dma_start3A_246 = arith.constant 1 : i32
      %dma_start3A_247 = arith.constant 0 : i32
      %dma_start3A_248 = arith.constant 0 : i32
      %dma_start3A_249 = tpu.memref_slice %arg10[%dma_start3A_246, %dma_start3A_247, %dma_start3A_248] : memref<2x128x128xf32, #tpu.memory_space<vmem>> -> memref<1x128x128xf32, #tpu.memory_space<vmem>>
      %dma_start3A_250 = tpu.memref_squeeze %dma_start3A_249 : memref<1x128x128xf32, #tpu.memory_space<vmem>> -> memref<128x128xf32, #tpu.memory_space<vmem>>
      %dma_start3A_251 = arith.constant 0 : i32
      %dma_start3A_252 = tpu.memref_slice %arg8[%add3A_245, %dma_start3A_251] : memref<40x128xi32, #tpu.memory_space<vmem>> -> memref<1x128xi32, #tpu.memory_space<vmem>>
      %dma_start3A_253 = tpu.memref_squeeze %dma_start3A_252 : memref<1x128xi32, #tpu.memory_space<vmem>> -> memref<128xi32, #tpu.memory_space<vmem>>
      %dma_start3A_254 = arith.constant 0 : i32
      %dma_start3A_255 = arith.constant 0 : i32
      %dma_start3A_256 = tpu.memref_slice %arg2[%dma_start3A_254, %dma_start3A_255] : memref<80000x128xf32, #tpu.memory_space<hbm>> -> memref<80000x128xf32, #tpu.memory_space<hbm>>
      tpu.enqueue_indirect_dma source(%dma_start3A_256 : memref<80000x128xf32, #tpu.memory_space<hbm>>) target(%dma_start3A_250 : memref<128x128xf32, #tpu.memory_space<vmem>>) offsets(%dma_start3A_253 : memref<128xi32, #tpu.memory_space<vmem>>) semaphore(%arg12 : memref<!tpu.dma_semaphore, #tpu.memory_space<semaphore_mem>>)
      %dma_wait3A = arith.constant 0 : i32
      %dma_wait3A_257 = arith.constant 0 : i32
      %dma_wait3A_258 = arith.constant 0 : i32
      %dma_wait3A_259 = tpu.memref_slice %arg10[%dma_wait3A, %dma_wait3A_257, %dma_wait3A_258] : memref<2x128x128xf32, #tpu.memory_space<vmem>> -> memref<1x128x128xf32, #tpu.memory_space<vmem>>
      %dma_wait3A_260 = tpu.memref_squeeze %dma_wait3A_259 : memref<1x128x128xf32, #tpu.memory_space<vmem>> -> memref<128x128xf32, #tpu.memory_space<vmem>>
      %dma_wait3A_261 = arith.constant 0 : i32
      %dma_wait3A_262 = tpu.memref_slice %arg8[%mul3A_243, %dma_wait3A_261] : memref<40x128xi32, #tpu.memory_space<vmem>> -> memref<1x128xi32, #tpu.memory_space<vmem>>
      %dma_wait3A_263 = tpu.memref_squeeze %dma_wait3A_262 : memref<1x128xi32, #tpu.memory_space<vmem>> -> memref<128xi32, #tpu.memory_space<vmem>>
      %dma_wait3A_264 = arith.constant 0 : i32
      %dma_wait3A_265 = arith.constant 0 : i32
      %dma_wait3A_266 = tpu.memref_slice %arg2[%dma_wait3A_264, %dma_wait3A_265] : memref<80000x128xf32, #tpu.memory_space<hbm>> -> memref<80000x128xf32, #tpu.memory_space<hbm>>
      tpu.wait_indirect_dma semaphore(%arg11 : memref<!tpu.dma_semaphore, #tpu.memory_space<semaphore_mem>>) src(%dma_wait3A_266 : memref<80000x128xf32, #tpu.memory_space<hbm>>) dst(%dma_wait3A_260 : memref<128x128xf32, #tpu.memory_space<vmem>>)
      %run_scoped3A = arith.constant 0 : i32
      "tpu.region"() ({
        %run_scoped3A_287 = tpu.sem_alloc : memref<!tpu.dma_semaphore, #tpu.memory_space<semaphore_mem>>
        %dma_start3A_288 = arith.constant 0 : i32
        %dma_start3A_289 = arith.constant 0 : i32
        %dma_start3A_290 = tpu.memref_slice %arg10[%run_scoped3A, %dma_start3A_288, %dma_start3A_289] : memref<2x128x128xf32, #tpu.memory_space<vmem>> -> memref<1x128x128xf32, #tpu.memory_space<vmem>>
        %dma_start3A_291 = tpu.memref_squeeze %dma_start3A_290 : memref<1x128x128xf32, #tpu.memory_space<vmem>> -> memref<128x128xf32, #tpu.memory_space<vmem>>
        %dma_start3A_292 = arith.constant 0 : i32
        %dma_start3A_293 = tpu.memref_slice %arg9[%mul3A_243, %dma_start3A_292] : memref<40x128xi32, #tpu.memory_space<vmem>> -> memref<1x128xi32, #tpu.memory_space<vmem>>
        %dma_start3A_294 = tpu.memref_squeeze %dma_start3A_293 : memref<1x128xi32, #tpu.memory_space<vmem>> -> memref<128xi32, #tpu.memory_space<vmem>>
        %dma_start3A_295 = arith.constant 0 : i32
        %dma_start3A_296 = arith.constant 0 : i32
        %dma_start3A_297 = tpu.memref_slice %arg7[%dma_start3A_295, %dma_start3A_296] : memref<10240x128xf32, #tpu.memory_space<vmem_shared>> -> memref<10240x128xf32, #tpu.memory_space<vmem_shared>>
        tpu.enqueue_indirect_dma source(%dma_start3A_291 : memref<128x128xf32, #tpu.memory_space<vmem>>) target(%dma_start3A_297 : memref<10240x128xf32, #tpu.memory_space<vmem_shared>>) offsets(%dma_start3A_294 : memref<128xi32, #tpu.memory_space<vmem>>) semaphore(%run_scoped3A_287 : memref<!tpu.dma_semaphore, #tpu.memory_space<semaphore_mem>>) {add = true}
        %dma_wait3A_298 = arith.constant 0 : i32
        %dma_wait3A_299 = arith.constant 0 : i32
        %dma_wait3A_300 = tpu.memref_slice %arg10[%run_scoped3A, %dma_wait3A_298, %dma_wait3A_299] : memref<2x128x128xf32, #tpu.memory_space<vmem>> -> memref<1x128x128xf32, #tpu.memory_space<vmem>>
        %dma_wait3A_301 = tpu.memref_squeeze %dma_wait3A_300 : memref<1x128x128xf32, #tpu.memory_space<vmem>> -> memref<128x128xf32, #tpu.memory_space<vmem>>
        %dma_wait3A_302 = arith.constant 0 : i32
        %dma_wait3A_303 = tpu.memref_slice %arg9[%mul3A_243, %dma_wait3A_302] : memref<40x128xi32, #tpu.memory_space<vmem>> -> memref<1x128xi32, #tpu.memory_space<vmem>>
        %dma_wait3A_304 = tpu.memref_squeeze %dma_wait3A_303 : memref<1x128xi32, #tpu.memory_space<vmem>> -> memref<128xi32, #tpu.memory_space<vmem>>
        %dma_wait3A_305 = arith.constant 0 : i32
        %dma_wait3A_306 = arith.constant 0 : i32
        %dma_wait3A_307 = tpu.memref_slice %arg7[%dma_wait3A_305, %dma_wait3A_306] : memref<10240x128xf32, #tpu.memory_space<vmem_shared>> -> memref<10240x128xf32, #tpu.memory_space<vmem_shared>>
        tpu.wait_indirect_dma semaphore(%run_scoped3A_287 : memref<!tpu.dma_semaphore, #tpu.memory_space<semaphore_mem>>) src(%dma_wait3A_301 : memref<128x128xf32, #tpu.memory_space<vmem>>) dst(%dma_wait3A_307 : memref<10240x128xf32, #tpu.memory_space<vmem_shared>>)
        tpu.yield
      }) : () -> ()
      %add3A_267 = arith.constant 1 : i32
      %add3A_268 = arith.addi %scan3A_241, %add3A_267 : i32
      %lt3A = arith.constant 20 : i32
      %lt3A_269 = arith.cmpi slt, %add3A_268, %lt3A : i32
      %convert_element_type3A = arith.extui %lt3A_269 : i1 to i32
      %cond3A = arith.constant 0 : i32
      %cond3A_270 = arith.cmpi ne, %convert_element_type3A, %cond3A : i32
      scf.if %cond3A_270 {
        %add3A_287 = arith.constant 2 : i32
        %add3A_288 = arith.addi %mul3A_243, %add3A_287 : i32
        %dma_start3A_289 = arith.constant 0 : i32
        %dma_start3A_290 = arith.constant 0 : i32
        %dma_start3A_291 = arith.constant 0 : i32
        %dma_start3A_292 = tpu.memref_slice %arg10[%dma_start3A_289, %dma_start3A_290, %dma_start3A_291] : memref<2x128x128xf32, #tpu.memory_space<vmem>> -> memref<1x128x128xf32, #tpu.memory_space<vmem>>
        %dma_start3A_293 = tpu.memref_squeeze %dma_start3A_292 : memref<1x128x128xf32, #tpu.memory_space<vmem>> -> memref<128x128xf32, #tpu.memory_space<vmem>>
        %dma_start3A_294 = arith.constant 0 : i32
        %dma_start3A_295 = tpu.memref_slice %arg8[%add3A_288, %dma_start3A_294] : memref<40x128xi32, #tpu.memory_space<vmem>> -> memref<1x128xi32, #tpu.memory_space<vmem>>
        %dma_start3A_296 = tpu.memref_squeeze %dma_start3A_295 : memref<1x128xi32, #tpu.memory_space<vmem>> -> memref<128xi32, #tpu.memory_space<vmem>>
        %dma_start3A_297 = arith.constant 0 : i32
        %dma_start3A_298 = arith.constant 0 : i32
        %dma_start3A_299 = tpu.memref_slice %arg2[%dma_start3A_297, %dma_start3A_298] : memref<80000x128xf32, #tpu.memory_space<hbm>> -> memref<80000x128xf32, #tpu.memory_space<hbm>>
        tpu.enqueue_indirect_dma source(%dma_start3A_299 : memref<80000x128xf32, #tpu.memory_space<hbm>>) target(%dma_start3A_293 : memref<128x128xf32, #tpu.memory_space<vmem>>) offsets(%dma_start3A_296 : memref<128xi32, #tpu.memory_space<vmem>>) semaphore(%arg11 : memref<!tpu.dma_semaphore, #tpu.memory_space<semaphore_mem>>)
      } else {
      }
      %add3A_271 = arith.constant 1 : i32
      %add3A_272 = arith.addi %mul3A_243, %add3A_271 : i32
      %dma_wait3A_273 = arith.constant 1 : i32
      %dma_wait3A_274 = arith.constant 0 : i32
      %dma_wait3A_275 = arith.constant 0 : i32
      %dma_wait3A_276 = tpu.memref_slice %arg10[%dma_wait3A_273, %dma_wait3A_274, %dma_wait3A_275] : memref<2x128x128xf32, #tpu.memory_space<vmem>> -> memref<1x128x128xf32, #tpu.memory_space<vmem>>
      %dma_wait3A_277 = tpu.memref_squeeze %dma_wait3A_276 : memref<1x128x128xf32, #tpu.memory_space<vmem>> -> memref<128x128xf32, #tpu.memory_space<vmem>>
      %dma_wait3A_278 = arith.constant 0 : i32
      %dma_wait3A_279 = tpu.memref_slice %arg8[%add3A_272, %dma_wait3A_278] : memref<40x128xi32, #tpu.memory_space<vmem>> -> memref<1x128xi32, #tpu.memory_space<vmem>>
      %dma_wait3A_280 = tpu.memref_squeeze %dma_wait3A_279 : memref<1x128xi32, #tpu.memory_space<vmem>> -> memref<128xi32, #tpu.memory_space<vmem>>
      %dma_wait3A_281 = arith.constant 0 : i32
      %dma_wait3A_282 = arith.constant 0 : i32
      %dma_wait3A_283 = tpu.memref_slice %arg2[%dma_wait3A_281, %dma_wait3A_282] : memref<80000x128xf32, #tpu.memory_space<hbm>> -> memref<80000x128xf32, #tpu.memory_space<hbm>>
      tpu.wait_indirect_dma semaphore(%arg12 : memref<!tpu.dma_semaphore, #tpu.memory_space<semaphore_mem>>) src(%dma_wait3A_283 : memref<80000x128xf32, #tpu.memory_space<hbm>>) dst(%dma_wait3A_277 : memref<128x128xf32, #tpu.memory_space<vmem>>)
      %add3A_284 = arith.constant 1 : i32
      %add3A_285 = arith.addi %mul3A_243, %add3A_284 : i32
      %run_scoped3A_286 = arith.constant 1 : i32
      "tpu.region"() ({
        %run_scoped3A_287 = tpu.sem_alloc : memref<!tpu.dma_semaphore, #tpu.memory_space<semaphore_mem>>
        %dma_start3A_288 = arith.constant 0 : i32
        %dma_start3A_289 = arith.constant 0 : i32
        %dma_start3A_290 = tpu.memref_slice %arg10[%run_scoped3A_286, %dma_start3A_288, %dma_start3A_289] : memref<2x128x128xf32, #tpu.memory_space<vmem>> -> memref<1x128x128xf32, #tpu.memory_space<vmem>>
        %dma_start3A_291 = tpu.memref_squeeze %dma_start3A_290 : memref<1x128x128xf32, #tpu.memory_space<vmem>> -> memref<128x128xf32, #tpu.memory_space<vmem>>
        %dma_start3A_292 = arith.constant 0 : i32
        %dma_start3A_293 = tpu.memref_slice %arg9[%add3A_285, %dma_start3A_292] : memref<40x128xi32, #tpu.memory_space<vmem>> -> memref<1x128xi32, #tpu.memory_space<vmem>>
        %dma_start3A_294 = tpu.memref_squeeze %dma_start3A_293 : memref<1x128xi32, #tpu.memory_space<vmem>> -> memref<128xi32, #tpu.memory_space<vmem>>
        %dma_start3A_295 = arith.constant 0 : i32
        %dma_start3A_296 = arith.constant 0 : i32
        %dma_start3A_297 = tpu.memref_slice %arg7[%dma_start3A_295, %dma_start3A_296] : memref<10240x128xf32, #tpu.memory_space<vmem_shared>> -> memref<10240x128xf32, #tpu.memory_space<vmem_shared>>
        tpu.enqueue_indirect_dma source(%dma_start3A_291 : memref<128x128xf32, #tpu.memory_space<vmem>>) target(%dma_start3A_297 : memref<10240x128xf32, #tpu.memory_space<vmem_shared>>) offsets(%dma_start3A_294 : memref<128xi32, #tpu.memory_space<vmem>>) semaphore(%run_scoped3A_287 : memref<!tpu.dma_semaphore, #tpu.memory_space<semaphore_mem>>) {add = true}
        %dma_wait3A_298 = arith.constant 0 : i32
        %dma_wait3A_299 = arith.constant 0 : i32
        %dma_wait3A_300 = tpu.memref_slice %arg10[%run_scoped3A_286, %dma_wait3A_298, %dma_wait3A_299] : memref<2x128x128xf32, #tpu.memory_space<vmem>> -> memref<1x128x128xf32, #tpu.memory_space<vmem>>
        %dma_wait3A_301 = tpu.memref_squeeze %dma_wait3A_300 : memref<1x128x128xf32, #tpu.memory_space<vmem>> -> memref<128x128xf32, #tpu.memory_space<vmem>>
        %dma_wait3A_302 = arith.constant 0 : i32
        %dma_wait3A_303 = tpu.memref_slice %arg9[%add3A_285, %dma_wait3A_302] : memref<40x128xi32, #tpu.memory_space<vmem>> -> memref<1x128xi32, #tpu.memory_space<vmem>>
        %dma_wait3A_304 = tpu.memref_squeeze %dma_wait3A_303 : memref<1x128xi32, #tpu.memory_space<vmem>> -> memref<128xi32, #tpu.memory_space<vmem>>
        %dma_wait3A_305 = arith.constant 0 : i32
        %dma_wait3A_306 = arith.constant 0 : i32
        %dma_wait3A_307 = tpu.memref_slice %arg7[%dma_wait3A_305, %dma_wait3A_306] : memref<10240x128xf32, #tpu.memory_space<vmem_shared>> -> memref<10240x128xf32, #tpu.memory_space<vmem_shared>>
        tpu.wait_indirect_dma semaphore(%run_scoped3A_287 : memref<!tpu.dma_semaphore, #tpu.memory_space<semaphore_mem>>) src(%dma_wait3A_301 : memref<128x128xf32, #tpu.memory_space<vmem>>) dst(%dma_wait3A_307 : memref<10240x128xf32, #tpu.memory_space<vmem_shared>>)
        tpu.yield
      }) : () -> ()
    }
    %scan3A_216 = arith.constant 20 : i32
    %mul3A_217 = arith.constant 80 : i32
    %mul3A_218 = arith.muli %arg1, %mul3A_217 : i32
    %add3A_219 = arith.constant 40 : i32
    %add3A_220 = arith.addi %mul3A_218, %add3A_219 : i32
    "tpu.region"() ({
      %run_scoped3A = tpu.sem_alloc : memref<!tpu.dma_semaphore, #tpu.memory_space<semaphore_mem>>
      %dma_start3A_241 = arith.constant 0 : i32
      %dma_start3A_242 = tpu.memref_slice %arg3[%add3A_183, %add3A_220, %dma_start3A_241] : memref<8x1280x128xi32, #tpu.memory_space<hbm>> -> memref<1x40x128xi32, #tpu.memory_space<hbm>>
      %dma_start3A_243 = tpu.memref_squeeze %dma_start3A_242 : memref<1x40x128xi32, #tpu.memory_space<hbm>> -> memref<40x128xi32, #tpu.memory_space<hbm>>
      %dma_start3A_244 = arith.constant 0 : i32
      %dma_start3A_245 = tpu.memref_slice %arg3[%add3A_183, %add3A_220, %dma_start3A_244] : memref<8x1280x128xi32, #tpu.memory_space<hbm>> -> memref<1x40x128xi32, #tpu.memory_space<hbm>>
      %dma_start3A_246 = tpu.memref_squeeze %dma_start3A_245 : memref<1x40x128xi32, #tpu.memory_space<hbm>> -> memref<40x128xi32, #tpu.memory_space<hbm>>
      tpu.enqueue_dma source(%dma_start3A_246 : memref<40x128xi32, #tpu.memory_space<hbm>>) target(%arg8 : memref<40x128xi32, #tpu.memory_space<vmem>>) target_semaphore(%run_scoped3A : memref<!tpu.dma_semaphore, #tpu.memory_space<semaphore_mem>>)
      %dma_wait3A = arith.constant 0 : i32
      %dma_wait3A_247 = tpu.memref_slice %arg3[%add3A_183, %add3A_220, %dma_wait3A] : memref<8x1280x128xi32, #tpu.memory_space<hbm>> -> memref<1x40x128xi32, #tpu.memory_space<hbm>>
      %dma_wait3A_248 = tpu.memref_squeeze %dma_wait3A_247 : memref<1x40x128xi32, #tpu.memory_space<hbm>> -> memref<40x128xi32, #tpu.memory_space<hbm>>
      %dma_wait3A_249 = arith.constant 0 : i32
      %dma_wait3A_250 = tpu.memref_slice %arg3[%add3A_183, %add3A_220, %dma_wait3A_249] : memref<8x1280x128xi32, #tpu.memory_space<hbm>> -> memref<1x40x128xi32, #tpu.memory_space<hbm>>
      %dma_wait3A_251 = tpu.memref_squeeze %dma_wait3A_250 : memref<1x40x128xi32, #tpu.memory_space<hbm>> -> memref<40x128xi32, #tpu.memory_space<hbm>>
      tpu.wait_dma2 semaphore(%run_scoped3A : memref<!tpu.dma_semaphore, #tpu.memory_space<semaphore_mem>>) src(%dma_wait3A_251 : memref<40x128xi32, #tpu.memory_space<hbm>>) dst(%arg8 : memref<40x128xi32, #tpu.memory_space<vmem>>)
      tpu.yield
    }) : () -> ()
    "tpu.region"() ({
      %run_scoped3A = tpu.sem_alloc : memref<!tpu.dma_semaphore, #tpu.memory_space<semaphore_mem>>
      %dma_start3A_241 = arith.constant 0 : i32
      %dma_start3A_242 = tpu.memref_slice %arg4[%add3A_220, %dma_start3A_241] : memref<1280x128xi32, #tpu.memory_space<hbm>> -> memref<40x128xi32, #tpu.memory_space<hbm>>
      %dma_start3A_243 = arith.constant 0 : i32
      %dma_start3A_244 = tpu.memref_slice %arg4[%add3A_220, %dma_start3A_243] : memref<1280x128xi32, #tpu.memory_space<hbm>> -> memref<40x128xi32, #tpu.memory_space<hbm>>
      tpu.enqueue_dma source(%dma_start3A_244 : memref<40x128xi32, #tpu.memory_space<hbm>>) target(%arg9 : memref<40x128xi32, #tpu.memory_space<vmem>>) target_semaphore(%run_scoped3A : memref<!tpu.dma_semaphore, #tpu.memory_space<semaphore_mem>>)
      %dma_wait3A = arith.constant 0 : i32
      %dma_wait3A_245 = tpu.memref_slice %arg4[%add3A_220, %dma_wait3A] : memref<1280x128xi32, #tpu.memory_space<hbm>> -> memref<40x128xi32, #tpu.memory_space<hbm>>
      %dma_wait3A_246 = arith.constant 0 : i32
      %dma_wait3A_247 = tpu.memref_slice %arg4[%add3A_220, %dma_wait3A_246] : memref<1280x128xi32, #tpu.memory_space<hbm>> -> memref<40x128xi32, #tpu.memory_space<hbm>>
      tpu.wait_dma2 semaphore(%run_scoped3A : memref<!tpu.dma_semaphore, #tpu.memory_space<semaphore_mem>>) src(%dma_wait3A_247 : memref<40x128xi32, #tpu.memory_space<hbm>>) dst(%arg9 : memref<40x128xi32, #tpu.memory_space<vmem>>)
      tpu.yield
    }) : () -> ()
    %dma_start3A_221 = arith.constant 0 : i32
    %dma_start3A_222 = arith.constant 0 : i32
    %dma_start3A_223 = arith.constant 0 : i32
    %dma_start3A_224 = arith.constant 0 : i32
    %dma_start3A_225 = tpu.memref_slice %arg10[%dma_start3A_222, %dma_start3A_223, %dma_start3A_224] : memref<2x128x128xf32, #tpu.memory_space<vmem>> -> memref<1x128x128xf32, #tpu.memory_space<vmem>>
    %dma_start3A_226 = tpu.memref_squeeze %dma_start3A_225 : memref<1x128x128xf32, #tpu.memory_space<vmem>> -> memref<128x128xf32, #tpu.memory_space<vmem>>
    %dma_start3A_227 = arith.constant 0 : i32
    %dma_start3A_228 = tpu.memref_slice %arg8[%dma_start3A_221, %dma_start3A_227] : memref<40x128xi32, #tpu.memory_space<vmem>> -> memref<1x128xi32, #tpu.memory_space<vmem>>
    %dma_start3A_229 = tpu.memref_squeeze %dma_start3A_228 : memref<1x128xi32, #tpu.memory_space<vmem>> -> memref<128xi32, #tpu.memory_space<vmem>>
    %dma_start3A_230 = arith.constant 0 : i32
    %dma_start3A_231 = arith.constant 0 : i32
    %dma_start3A_232 = tpu.memref_slice %arg2[%dma_start3A_230, %dma_start3A_231] : memref<80000x128xf32, #tpu.memory_space<hbm>> -> memref<80000x128xf32, #tpu.memory_space<hbm>>
    tpu.enqueue_indirect_dma source(%dma_start3A_232 : memref<80000x128xf32, #tpu.memory_space<hbm>>) target(%dma_start3A_226 : memref<128x128xf32, #tpu.memory_space<vmem>>) offsets(%dma_start3A_229 : memref<128xi32, #tpu.memory_space<vmem>>) semaphore(%arg11 : memref<!tpu.dma_semaphore, #tpu.memory_space<semaphore_mem>>)
    %scan3A_233 = arith.constant 0 : i32
    %scan3A_234 = arith.constant 0 : i32
    %scan3A_235 = arith.constant 20 : i32
    %scan3A_236 = arith.addi %scan3A_234, %scan3A_235 : i32
    %scan3A_237 = arith.constant 1 : i32
    scf.for %scan3A_241 = %scan3A_234 to %scan3A_236 step %scan3A_237  : i32 {
      %mul3A_242 = arith.constant 2 : i32
      %mul3A_243 = arith.muli %mul3A_242, %scan3A_241 : i32
      %add3A_244 = arith.constant 1 : i32
      %add3A_245 = arith.addi %mul3A_243, %add3A_244 : i32
      %dma_start3A_246 = arith.constant 1 : i32
      %dma_start3A_247 = arith.constant 0 : i32
      %dma_start3A_248 = arith.constant 0 : i32
      %dma_start3A_249 = tpu.memref_slice %arg10[%dma_start3A_246, %dma_start3A_247, %dma_start3A_248] : memref<2x128x128xf32, #tpu.memory_space<vmem>> -> memref<1x128x128xf32, #tpu.memory_space<vmem>>
      %dma_start3A_250 = tpu.memref_squeeze %dma_start3A_249 : memref<1x128x128xf32, #tpu.memory_space<vmem>> -> memref<128x128xf32, #tpu.memory_space<vmem>>
      %dma_start3A_251 = arith.constant 0 : i32
      %dma_start3A_252 = tpu.memref_slice %arg8[%add3A_245, %dma_start3A_251] : memref<40x128xi32, #tpu.memory_space<vmem>> -> memref<1x128xi32, #tpu.memory_space<vmem>>
      %dma_start3A_253 = tpu.memref_squeeze %dma_start3A_252 : memref<1x128xi32, #tpu.memory_space<vmem>> -> memref<128xi32, #tpu.memory_space<vmem>>
      %dma_start3A_254 = arith.constant 0 : i32
      %dma_start3A_255 = arith.constant 0 : i32
      %dma_start3A_256 = tpu.memref_slice %arg2[%dma_start3A_254, %dma_start3A_255] : memref<80000x128xf32, #tpu.memory_space<hbm>> -> memref<80000x128xf32, #tpu.memory_space<hbm>>
      tpu.enqueue_indirect_dma source(%dma_start3A_256 : memref<80000x128xf32, #tpu.memory_space<hbm>>) target(%dma_start3A_250 : memref<128x128xf32, #tpu.memory_space<vmem>>) offsets(%dma_start3A_253 : memref<128xi32, #tpu.memory_space<vmem>>) semaphore(%arg12 : memref<!tpu.dma_semaphore, #tpu.memory_space<semaphore_mem>>)
      %dma_wait3A = arith.constant 0 : i32
      %dma_wait3A_257 = arith.constant 0 : i32
      %dma_wait3A_258 = arith.constant 0 : i32
      %dma_wait3A_259 = tpu.memref_slice %arg10[%dma_wait3A, %dma_wait3A_257, %dma_wait3A_258] : memref<2x128x128xf32, #tpu.memory_space<vmem>> -> memref<1x128x128xf32, #tpu.memory_space<vmem>>
      %dma_wait3A_260 = tpu.memref_squeeze %dma_wait3A_259 : memref<1x128x128xf32, #tpu.memory_space<vmem>> -> memref<128x128xf32, #tpu.memory_space<vmem>>
      %dma_wait3A_261 = arith.constant 0 : i32
      %dma_wait3A_262 = tpu.memref_slice %arg8[%mul3A_243, %dma_wait3A_261] : memref<40x128xi32, #tpu.memory_space<vmem>> -> memref<1x128xi32, #tpu.memory_space<vmem>>
      %dma_wait3A_263 = tpu.memref_squeeze %dma_wait3A_262 : memref<1x128xi32, #tpu.memory_space<vmem>> -> memref<128xi32, #tpu.memory_space<vmem>>
      %dma_wait3A_264 = arith.constant 0 : i32
      %dma_wait3A_265 = arith.constant 0 : i32
      %dma_wait3A_266 = tpu.memref_slice %arg2[%dma_wait3A_264, %dma_wait3A_265] : memref<80000x128xf32, #tpu.memory_space<hbm>> -> memref<80000x128xf32, #tpu.memory_space<hbm>>
      tpu.wait_indirect_dma semaphore(%arg11 : memref<!tpu.dma_semaphore, #tpu.memory_space<semaphore_mem>>) src(%dma_wait3A_266 : memref<80000x128xf32, #tpu.memory_space<hbm>>) dst(%dma_wait3A_260 : memref<128x128xf32, #tpu.memory_space<vmem>>)
      %run_scoped3A = arith.constant 0 : i32
      "tpu.region"() ({
        %run_scoped3A_287 = tpu.sem_alloc : memref<!tpu.dma_semaphore, #tpu.memory_space<semaphore_mem>>
        %dma_start3A_288 = arith.constant 0 : i32
        %dma_start3A_289 = arith.constant 0 : i32
        %dma_start3A_290 = tpu.memref_slice %arg10[%run_scoped3A, %dma_start3A_288, %dma_start3A_289] : memref<2x128x128xf32, #tpu.memory_space<vmem>> -> memref<1x128x128xf32, #tpu.memory_space<vmem>>
        %dma_start3A_291 = tpu.memref_squeeze %dma_start3A_290 : memref<1x128x128xf32, #tpu.memory_space<vmem>> -> memref<128x128xf32, #tpu.memory_space<vmem>>
        %dma_start3A_292 = arith.constant 0 : i32
        %dma_start3A_293 = tpu.memref_slice %arg9[%mul3A_243, %dma_start3A_292] : memref<40x128xi32, #tpu.memory_space<vmem>> -> memref<1x128xi32, #tpu.memory_space<vmem>>
        %dma_start3A_294 = tpu.memref_squeeze %dma_start3A_293 : memref<1x128xi32, #tpu.memory_space<vmem>> -> memref<128xi32, #tpu.memory_space<vmem>>
        %dma_start3A_295 = arith.constant 0 : i32
        %dma_start3A_296 = arith.constant 0 : i32
        %dma_start3A_297 = tpu.memref_slice %arg7[%dma_start3A_295, %dma_start3A_296] : memref<10240x128xf32, #tpu.memory_space<vmem_shared>> -> memref<10240x128xf32, #tpu.memory_space<vmem_shared>>
        tpu.enqueue_indirect_dma source(%dma_start3A_291 : memref<128x128xf32, #tpu.memory_space<vmem>>) target(%dma_start3A_297 : memref<10240x128xf32, #tpu.memory_space<vmem_shared>>) offsets(%dma_start3A_294 : memref<128xi32, #tpu.memory_space<vmem>>) semaphore(%run_scoped3A_287 : memref<!tpu.dma_semaphore, #tpu.memory_space<semaphore_mem>>) {add = true}
        %dma_wait3A_298 = arith.constant 0 : i32
        %dma_wait3A_299 = arith.constant 0 : i32
        %dma_wait3A_300 = tpu.memref_slice %arg10[%run_scoped3A, %dma_wait3A_298, %dma_wait3A_299] : memref<2x128x128xf32, #tpu.memory_space<vmem>> -> memref<1x128x128xf32, #tpu.memory_space<vmem>>
        %dma_wait3A_301 = tpu.memref_squeeze %dma_wait3A_300 : memref<1x128x128xf32, #tpu.memory_space<vmem>> -> memref<128x128xf32, #tpu.memory_space<vmem>>
        %dma_wait3A_302 = arith.constant 0 : i32
        %dma_wait3A_303 = tpu.memref_slice %arg9[%mul3A_243, %dma_wait3A_302] : memref<40x128xi32, #tpu.memory_space<vmem>> -> memref<1x128xi32, #tpu.memory_space<vmem>>
        %dma_wait3A_304 = tpu.memref_squeeze %dma_wait3A_303 : memref<1x128xi32, #tpu.memory_space<vmem>> -> memref<128xi32, #tpu.memory_space<vmem>>
        %dma_wait3A_305 = arith.constant 0 : i32
        %dma_wait3A_306 = arith.constant 0 : i32
        %dma_wait3A_307 = tpu.memref_slice %arg7[%dma_wait3A_305, %dma_wait3A_306] : memref<10240x128xf32, #tpu.memory_space<vmem_shared>> -> memref<10240x128xf32, #tpu.memory_space<vmem_shared>>
        tpu.wait_indirect_dma semaphore(%run_scoped3A_287 : memref<!tpu.dma_semaphore, #tpu.memory_space<semaphore_mem>>) src(%dma_wait3A_301 : memref<128x128xf32, #tpu.memory_space<vmem>>) dst(%dma_wait3A_307 : memref<10240x128xf32, #tpu.memory_space<vmem_shared>>)
        tpu.yield
      }) : () -> ()
      %add3A_267 = arith.constant 1 : i32
      %add3A_268 = arith.addi %scan3A_241, %add3A_267 : i32
      %lt3A = arith.constant 20 : i32
      %lt3A_269 = arith.cmpi slt, %add3A_268, %lt3A : i32
      %convert_element_type3A = arith.extui %lt3A_269 : i1 to i32
      %cond3A = arith.constant 0 : i32
      %cond3A_270 = arith.cmpi ne, %convert_element_type3A, %cond3A : i32
      scf.if %cond3A_270 {
        %add3A_287 = arith.constant 2 : i32
        %add3A_288 = arith.addi %mul3A_243, %add3A_287 : i32
        %dma_start3A_289 = arith.constant 0 : i32
        %dma_start3A_290 = arith.constant 0 : i32
        %dma_start3A_291 = arith.constant 0 : i32
        %dma_start3A_292 = tpu.memref_slice %arg10[%dma_start3A_289, %dma_start3A_290, %dma_start3A_291] : memref<2x128x128xf32, #tpu.memory_space<vmem>> -> memref<1x128x128xf32, #tpu.memory_space<vmem>>
        %dma_start3A_293 = tpu.memref_squeeze %dma_start3A_292 : memref<1x128x128xf32, #tpu.memory_space<vmem>> -> memref<128x128xf32, #tpu.memory_space<vmem>>
        %dma_start3A_294 = arith.constant 0 : i32
        %dma_start3A_295 = tpu.memref_slice %arg8[%add3A_288, %dma_start3A_294] : memref<40x128xi32, #tpu.memory_space<vmem>> -> memref<1x128xi32, #tpu.memory_space<vmem>>
        %dma_start3A_296 = tpu.memref_squeeze %dma_start3A_295 : memref<1x128xi32, #tpu.memory_space<vmem>> -> memref<128xi32, #tpu.memory_space<vmem>>
        %dma_start3A_297 = arith.constant 0 : i32
        %dma_start3A_298 = arith.constant 0 : i32
        %dma_start3A_299 = tpu.memref_slice %arg2[%dma_start3A_297, %dma_start3A_298] : memref<80000x128xf32, #tpu.memory_space<hbm>> -> memref<80000x128xf32, #tpu.memory_space<hbm>>
        tpu.enqueue_indirect_dma source(%dma_start3A_299 : memref<80000x128xf32, #tpu.memory_space<hbm>>) target(%dma_start3A_293 : memref<128x128xf32, #tpu.memory_space<vmem>>) offsets(%dma_start3A_296 : memref<128xi32, #tpu.memory_space<vmem>>) semaphore(%arg11 : memref<!tpu.dma_semaphore, #tpu.memory_space<semaphore_mem>>)
      } else {
      }
      %add3A_271 = arith.constant 1 : i32
      %add3A_272 = arith.addi %mul3A_243, %add3A_271 : i32
      %dma_wait3A_273 = arith.constant 1 : i32
      %dma_wait3A_274 = arith.constant 0 : i32
      %dma_wait3A_275 = arith.constant 0 : i32
      %dma_wait3A_276 = tpu.memref_slice %arg10[%dma_wait3A_273, %dma_wait3A_274, %dma_wait3A_275] : memref<2x128x128xf32, #tpu.memory_space<vmem>> -> memref<1x128x128xf32, #tpu.memory_space<vmem>>
      %dma_wait3A_277 = tpu.memref_squeeze %dma_wait3A_276 : memref<1x128x128xf32, #tpu.memory_space<vmem>> -> memref<128x128xf32, #tpu.memory_space<vmem>>
      %dma_wait3A_278 = arith.constant 0 : i32
      %dma_wait3A_279 = tpu.memref_slice %arg8[%add3A_272, %dma_wait3A_278] : memref<40x128xi32, #tpu.memory_space<vmem>> -> memref<1x128xi32, #tpu.memory_space<vmem>>
      %dma_wait3A_280 = tpu.memref_squeeze %dma_wait3A_279 : memref<1x128xi32, #tpu.memory_space<vmem>> -> memref<128xi32, #tpu.memory_space<vmem>>
      %dma_wait3A_281 = arith.constant 0 : i32
      %dma_wait3A_282 = arith.constant 0 : i32
      %dma_wait3A_283 = tpu.memref_slice %arg2[%dma_wait3A_281, %dma_wait3A_282] : memref<80000x128xf32, #tpu.memory_space<hbm>> -> memref<80000x128xf32, #tpu.memory_space<hbm>>
      tpu.wait_indirect_dma semaphore(%arg12 : memref<!tpu.dma_semaphore, #tpu.memory_space<semaphore_mem>>) src(%dma_wait3A_283 : memref<80000x128xf32, #tpu.memory_space<hbm>>) dst(%dma_wait3A_277 : memref<128x128xf32, #tpu.memory_space<vmem>>)
      %add3A_284 = arith.constant 1 : i32
      %add3A_285 = arith.addi %mul3A_243, %add3A_284 : i32
      %run_scoped3A_286 = arith.constant 1 : i32
      "tpu.region"() ({
        %run_scoped3A_287 = tpu.sem_alloc : memref<!tpu.dma_semaphore, #tpu.memory_space<semaphore_mem>>
        %dma_start3A_288 = arith.constant 0 : i32
        %dma_start3A_289 = arith.constant 0 : i32
        %dma_start3A_290 = tpu.memref_slice %arg10[%run_scoped3A_286, %dma_start3A_288, %dma_start3A_289] : memref<2x128x128xf32, #tpu.memory_space<vmem>> -> memref<1x128x128xf32, #tpu.memory_space<vmem>>
        %dma_start3A_291 = tpu.memref_squeeze %dma_start3A_290 : memref<1x128x128xf32, #tpu.memory_space<vmem>> -> memref<128x128xf32, #tpu.memory_space<vmem>>
        %dma_start3A_292 = arith.constant 0 : i32
        %dma_start3A_293 = tpu.memref_slice %arg9[%add3A_285, %dma_start3A_292] : memref<40x128xi32, #tpu.memory_space<vmem>> -> memref<1x128xi32, #tpu.memory_space<vmem>>
        %dma_start3A_294 = tpu.memref_squeeze %dma_start3A_293 : memref<1x128xi32, #tpu.memory_space<vmem>> -> memref<128xi32, #tpu.memory_space<vmem>>
        %dma_start3A_295 = arith.constant 0 : i32
        %dma_start3A_296 = arith.constant 0 : i32
        %dma_start3A_297 = tpu.memref_slice %arg7[%dma_start3A_295, %dma_start3A_296] : memref<10240x128xf32, #tpu.memory_space<vmem_shared>> -> memref<10240x128xf32, #tpu.memory_space<vmem_shared>>
        tpu.enqueue_indirect_dma source(%dma_start3A_291 : memref<128x128xf32, #tpu.memory_space<vmem>>) target(%dma_start3A_297 : memref<10240x128xf32, #tpu.memory_space<vmem_shared>>) offsets(%dma_start3A_294 : memref<128xi32, #tpu.memory_space<vmem>>) semaphore(%run_scoped3A_287 : memref<!tpu.dma_semaphore, #tpu.memory_space<semaphore_mem>>) {add = true}
        %dma_wait3A_298 = arith.constant 0 : i32
        %dma_wait3A_299 = arith.constant 0 : i32
        %dma_wait3A_300 = tpu.memref_slice %arg10[%run_scoped3A_286, %dma_wait3A_298, %dma_wait3A_299] : memref<2x128x128xf32, #tpu.memory_space<vmem>> -> memref<1x128x128xf32, #tpu.memory_space<vmem>>
        %dma_wait3A_301 = tpu.memref_squeeze %dma_wait3A_300 : memref<1x128x128xf32, #tpu.memory_space<vmem>> -> memref<128x128xf32, #tpu.memory_space<vmem>>
        %dma_wait3A_302 = arith.constant 0 : i32
        %dma_wait3A_303 = tpu.memref_slice %arg9[%add3A_285, %dma_wait3A_302] : memref<40x128xi32, #tpu.memory_space<vmem>> -> memref<1x128xi32, #tpu.memory_space<vmem>>
        %dma_wait3A_304 = tpu.memref_squeeze %dma_wait3A_303 : memref<1x128xi32, #tpu.memory_space<vmem>> -> memref<128xi32, #tpu.memory_space<vmem>>
        %dma_wait3A_305 = arith.constant 0 : i32
        %dma_wait3A_306 = arith.constant 0 : i32
        %dma_wait3A_307 = tpu.memref_slice %arg7[%dma_wait3A_305, %dma_wait3A_306] : memref<10240x128xf32, #tpu.memory_space<vmem_shared>> -> memref<10240x128xf32, #tpu.memory_space<vmem_shared>>
        tpu.wait_indirect_dma semaphore(%run_scoped3A_287 : memref<!tpu.dma_semaphore, #tpu.memory_space<semaphore_mem>>) src(%dma_wait3A_301 : memref<128x128xf32, #tpu.memory_space<vmem>>) dst(%dma_wait3A_307 : memref<10240x128xf32, #tpu.memory_space<vmem_shared>>)
        tpu.yield
      }) : () -> ()
    }
    %scan3A_238 = arith.constant 20 : i32
    %barrier3A_239 = arith.constant 0 : index
    tpu.barrier barrier_id(%barrier3A_239)
    "tpu.region"() ({
      %run_scoped3A = tpu.sem_alloc : memref<!tpu.dma_semaphore, #tpu.memory_space<semaphore_mem>>
      %dma_start3A_241 = arith.constant 0 : i32
      %dma_start3A_242 = tpu.memref_slice %arg6[%add3A_183, %mul3A_0, %dma_start3A_241] : memref<8x10240x128xf32, #tpu.memory_space<hbm>> -> memref<1x640x128xf32, #tpu.memory_space<hbm>>
      %dma_start3A_243 = tpu.memref_squeeze %dma_start3A_242 : memref<1x640x128xf32, #tpu.memory_space<hbm>> -> memref<640x128xf32, #tpu.memory_space<hbm>>
      %dma_start3A_244 = arith.constant 0 : i32
      %dma_start3A_245 = tpu.memref_slice %arg7[%mul3A_0, %dma_start3A_244] : memref<10240x128xf32, #tpu.memory_space<vmem_shared>> -> memref<640x128xf32, #tpu.memory_space<vmem_shared>>
      tpu.enqueue_dma source(%dma_start3A_245 : memref<640x128xf32, #tpu.memory_space<vmem_shared>>) target(%dma_start3A_243 : memref<640x128xf32, #tpu.memory_space<hbm>>) target_semaphore(%run_scoped3A : memref<!tpu.dma_semaphore, #tpu.memory_space<semaphore_mem>>)
      %dma_wait3A = arith.constant 0 : i32
      %dma_wait3A_246 = tpu.memref_slice %arg6[%add3A_183, %mul3A_0, %dma_wait3A] : memref<8x10240x128xf32, #tpu.memory_space<hbm>> -> memref<1x640x128xf32, #tpu.memory_space<hbm>>
      %dma_wait3A_247 = tpu.memref_squeeze %dma_wait3A_246 : memref<1x640x128xf32, #tpu.memory_space<hbm>> -> memref<640x128xf32, #tpu.memory_space<hbm>>
      %dma_wait3A_248 = arith.constant 0 : i32
      %dma_wait3A_249 = tpu.memref_slice %arg7[%mul3A_0, %dma_wait3A_248] : memref<10240x128xf32, #tpu.memory_space<vmem_shared>> -> memref<640x128xf32, #tpu.memory_space<vmem_shared>>
      tpu.wait_dma2 semaphore(%run_scoped3A : memref<!tpu.dma_semaphore, #tpu.memory_space<semaphore_mem>>) src(%dma_wait3A_249 : memref<640x128xf32, #tpu.memory_space<vmem_shared>>) dst(%dma_wait3A_247 : memref<640x128xf32, #tpu.memory_space<hbm>>)
      tpu.yield
    }) : () -> ()
    %barrier3A_240 = arith.constant 0 : index
    tpu.barrier barrier_id(%barrier3A_240)
    return
  }
}

#map = affine_map<(d0, d1) -> (0, 0)>
#map1 = affine_map<(d0, d1) -> (0, 0, 0)>
module attributes {stable_mosaic.version = 14 : i64} {
  func.func @k(%arg0: i32, %arg1: i32, %arg2: memref<10000x128xf32, #tpu.memory_space<hbm>>, %arg3: memref<1280x128xi32, #tpu.memory_space<hbm>>, %arg4: memref<1280x128xi32, #tpu.memory_space<hbm>>, %arg5: memref<128x128xf32, #tpu.memory_space<hbm>>, %arg6: memref<2x10240x128xf32, #tpu.memory_space<hbm>>, %arg7: memref<10240x128xf32, #tpu.memory_space<vmem_shared>>, %arg8: memref<40x128xi32, #tpu.memory_space<vmem>>, %arg9: memref<40x128xi32, #tpu.memory_space<vmem>>, %arg10: memref<2x128x128xf32, #tpu.memory_space<vmem>>, %arg11: memref<!tpu.dma_semaphore, #tpu.memory_space<semaphore_mem>>, %arg12: memref<!tpu.dma_semaphore, #tpu.memory_space<semaphore_mem>>) attributes {dimension_semantics = [#tpu.dimension_semantics<core_parallel>, #tpu.dimension_semantics<subcore_parallel>], iteration_bounds = array<i64: 2, 16>, scalar_prefetch = 0 : i64, scratch_operands = 6 : i64, tpu.core_type = #tpu.core_type<sc_vector_subcore>, window_params = [{transform_indices = #map}, {transform_indices = #map}, {transform_indices = #map}, {transform_indices = #map}, {transform_indices = #map1}]} {
    %mul3A = arith.constant 16 : i32
    %mul3A_0 = arith.muli %arg0, %mul3A : i32
    %add3A = arith.addi %mul3A_0, %arg1 : i32
    %mul3A_1 = arith.constant 40 : i32
    %mul3A_2 = arith.muli %add3A, %mul3A_1 : i32
    "tpu.region"() ({
      %run_scoped3A = tpu.sem_alloc : memref<!tpu.dma_semaphore, #tpu.memory_space<semaphore_mem>>
      %dma_start3A_34 = arith.constant 0 : i32
      %dma_start3A_35 = tpu.memref_slice %arg3[%mul3A_2, %dma_start3A_34] : memref<1280x128xi32, #tpu.memory_space<hbm>> -> memref<40x128xi32, #tpu.memory_space<hbm>>
      %dma_start3A_36 = arith.constant 0 : i32
      %dma_start3A_37 = tpu.memref_slice %arg3[%mul3A_2, %dma_start3A_36] : memref<1280x128xi32, #tpu.memory_space<hbm>> -> memref<40x128xi32, #tpu.memory_space<hbm>>
      tpu.enqueue_dma source(%dma_start3A_37 : memref<40x128xi32, #tpu.memory_space<hbm>>) target(%arg8 : memref<40x128xi32, #tpu.memory_space<vmem>>) target_semaphore(%run_scoped3A : memref<!tpu.dma_semaphore, #tpu.memory_space<semaphore_mem>>)
      %dma_wait3A = arith.constant 0 : i32
      %dma_wait3A_38 = tpu.memref_slice %arg3[%mul3A_2, %dma_wait3A] : memref<1280x128xi32, #tpu.memory_space<hbm>> -> memref<40x128xi32, #tpu.memory_space<hbm>>
      %dma_wait3A_39 = arith.constant 0 : i32
      %dma_wait3A_40 = tpu.memref_slice %arg3[%mul3A_2, %dma_wait3A_39] : memref<1280x128xi32, #tpu.memory_space<hbm>> -> memref<40x128xi32, #tpu.memory_space<hbm>>
      tpu.wait_dma2 semaphore(%run_scoped3A : memref<!tpu.dma_semaphore, #tpu.memory_space<semaphore_mem>>) src(%dma_wait3A_40 : memref<40x128xi32, #tpu.memory_space<hbm>>) dst(%arg8 : memref<40x128xi32, #tpu.memory_space<vmem>>)
      tpu.yield
    }) : () -> ()
    %mul3A_3 = arith.constant 40 : i32
    %mul3A_4 = arith.muli %add3A, %mul3A_3 : i32
    "tpu.region"() ({
      %run_scoped3A = tpu.sem_alloc : memref<!tpu.dma_semaphore, #tpu.memory_space<semaphore_mem>>
      %dma_start3A_34 = arith.constant 0 : i32
      %dma_start3A_35 = tpu.memref_slice %arg4[%mul3A_4, %dma_start3A_34] : memref<1280x128xi32, #tpu.memory_space<hbm>> -> memref<40x128xi32, #tpu.memory_space<hbm>>
      %dma_start3A_36 = arith.constant 0 : i32
      %dma_start3A_37 = tpu.memref_slice %arg4[%mul3A_4, %dma_start3A_36] : memref<1280x128xi32, #tpu.memory_space<hbm>> -> memref<40x128xi32, #tpu.memory_space<hbm>>
      tpu.enqueue_dma source(%dma_start3A_37 : memref<40x128xi32, #tpu.memory_space<hbm>>) target(%arg9 : memref<40x128xi32, #tpu.memory_space<vmem>>) target_semaphore(%run_scoped3A : memref<!tpu.dma_semaphore, #tpu.memory_space<semaphore_mem>>)
      %dma_wait3A = arith.constant 0 : i32
      %dma_wait3A_38 = tpu.memref_slice %arg4[%mul3A_4, %dma_wait3A] : memref<1280x128xi32, #tpu.memory_space<hbm>> -> memref<40x128xi32, #tpu.memory_space<hbm>>
      %dma_wait3A_39 = arith.constant 0 : i32
      %dma_wait3A_40 = tpu.memref_slice %arg4[%mul3A_4, %dma_wait3A_39] : memref<1280x128xi32, #tpu.memory_space<hbm>> -> memref<40x128xi32, #tpu.memory_space<hbm>>
      tpu.wait_dma2 semaphore(%run_scoped3A : memref<!tpu.dma_semaphore, #tpu.memory_space<semaphore_mem>>) src(%dma_wait3A_40 : memref<40x128xi32, #tpu.memory_space<hbm>>) dst(%arg9 : memref<40x128xi32, #tpu.memory_space<vmem>>)
      tpu.yield
    }) : () -> ()
    %mul3A_5 = arith.constant 640 : i32
    %mul3A_6 = arith.muli %arg1, %mul3A_5 : i32
    %add3A_7 = arith.constant 0 : i32
    %add3A_8 = arith.addi %mul3A_6, %add3A_7 : i32
    "tpu.region"() ({
      %run_scoped3A = tpu.sem_alloc : memref<!tpu.dma_semaphore, #tpu.memory_space<semaphore_mem>>
      %dma_start3A_34 = arith.constant 0 : i32
      %dma_start3A_35 = tpu.memref_slice %arg7[%add3A_8, %dma_start3A_34] : memref<10240x128xf32, #tpu.memory_space<vmem_shared>> -> memref<128x128xf32, #tpu.memory_space<vmem_shared>>
      tpu.enqueue_dma source(%arg5 : memref<128x128xf32, #tpu.memory_space<hbm>>) target(%dma_start3A_35 : memref<128x128xf32, #tpu.memory_space<vmem_shared>>) target_semaphore(%run_scoped3A : memref<!tpu.dma_semaphore, #tpu.memory_space<semaphore_mem>>)
      %dma_wait3A = arith.constant 0 : i32
      %dma_wait3A_36 = tpu.memref_slice %arg7[%add3A_8, %dma_wait3A] : memref<10240x128xf32, #tpu.memory_space<vmem_shared>> -> memref<128x128xf32, #tpu.memory_space<vmem_shared>>
      tpu.wait_dma2 semaphore(%run_scoped3A : memref<!tpu.dma_semaphore, #tpu.memory_space<semaphore_mem>>) src(%arg5 : memref<128x128xf32, #tpu.memory_space<hbm>>) dst(%dma_wait3A_36 : memref<128x128xf32, #tpu.memory_space<vmem_shared>>)
      tpu.yield
    }) : () -> ()
    %add3A_9 = arith.constant 128 : i32
    %add3A_10 = arith.addi %mul3A_6, %add3A_9 : i32
    "tpu.region"() ({
      %run_scoped3A = tpu.sem_alloc : memref<!tpu.dma_semaphore, #tpu.memory_space<semaphore_mem>>
      %dma_start3A_34 = arith.constant 0 : i32
      %dma_start3A_35 = tpu.memref_slice %arg7[%add3A_10, %dma_start3A_34] : memref<10240x128xf32, #tpu.memory_space<vmem_shared>> -> memref<128x128xf32, #tpu.memory_space<vmem_shared>>
      tpu.enqueue_dma source(%arg5 : memref<128x128xf32, #tpu.memory_space<hbm>>) target(%dma_start3A_35 : memref<128x128xf32, #tpu.memory_space<vmem_shared>>) target_semaphore(%run_scoped3A : memref<!tpu.dma_semaphore, #tpu.memory_space<semaphore_mem>>)
      %dma_wait3A = arith.constant 0 : i32
      %dma_wait3A_36 = tpu.memref_slice %arg7[%add3A_10, %dma_wait3A] : memref<10240x128xf32, #tpu.memory_space<vmem_shared>> -> memref<128x128xf32, #tpu.memory_space<vmem_shared>>
      tpu.wait_dma2 semaphore(%run_scoped3A : memref<!tpu.dma_semaphore, #tpu.memory_space<semaphore_mem>>) src(%arg5 : memref<128x128xf32, #tpu.memory_space<hbm>>) dst(%dma_wait3A_36 : memref<128x128xf32, #tpu.memory_space<vmem_shared>>)
      tpu.yield
    }) : () -> ()
    %add3A_11 = arith.constant 256 : i32
    %add3A_12 = arith.addi %mul3A_6, %add3A_11 : i32
    "tpu.region"() ({
      %run_scoped3A = tpu.sem_alloc : memref<!tpu.dma_semaphore, #tpu.memory_space<semaphore_mem>>
      %dma_start3A_34 = arith.constant 0 : i32
      %dma_start3A_35 = tpu.memref_slice %arg7[%add3A_12, %dma_start3A_34] : memref<10240x128xf32, #tpu.memory_space<vmem_shared>> -> memref<128x128xf32, #tpu.memory_space<vmem_shared>>
      tpu.enqueue_dma source(%arg5 : memref<128x128xf32, #tpu.memory_space<hbm>>) target(%dma_start3A_35 : memref<128x128xf32, #tpu.memory_space<vmem_shared>>) target_semaphore(%run_scoped3A : memref<!tpu.dma_semaphore, #tpu.memory_space<semaphore_mem>>)
      %dma_wait3A = arith.constant 0 : i32
      %dma_wait3A_36 = tpu.memref_slice %arg7[%add3A_12, %dma_wait3A] : memref<10240x128xf32, #tpu.memory_space<vmem_shared>> -> memref<128x128xf32, #tpu.memory_space<vmem_shared>>
      tpu.wait_dma2 semaphore(%run_scoped3A : memref<!tpu.dma_semaphore, #tpu.memory_space<semaphore_mem>>) src(%arg5 : memref<128x128xf32, #tpu.memory_space<hbm>>) dst(%dma_wait3A_36 : memref<128x128xf32, #tpu.memory_space<vmem_shared>>)
      tpu.yield
    }) : () -> ()
    %add3A_13 = arith.constant 384 : i32
    %add3A_14 = arith.addi %mul3A_6, %add3A_13 : i32
    "tpu.region"() ({
      %run_scoped3A = tpu.sem_alloc : memref<!tpu.dma_semaphore, #tpu.memory_space<semaphore_mem>>
      %dma_start3A_34 = arith.constant 0 : i32
      %dma_start3A_35 = tpu.memref_slice %arg7[%add3A_14, %dma_start3A_34] : memref<10240x128xf32, #tpu.memory_space<vmem_shared>> -> memref<128x128xf32, #tpu.memory_space<vmem_shared>>
      tpu.enqueue_dma source(%arg5 : memref<128x128xf32, #tpu.memory_space<hbm>>) target(%dma_start3A_35 : memref<128x128xf32, #tpu.memory_space<vmem_shared>>) target_semaphore(%run_scoped3A : memref<!tpu.dma_semaphore, #tpu.memory_space<semaphore_mem>>)
      %dma_wait3A = arith.constant 0 : i32
      %dma_wait3A_36 = tpu.memref_slice %arg7[%add3A_14, %dma_wait3A] : memref<10240x128xf32, #tpu.memory_space<vmem_shared>> -> memref<128x128xf32, #tpu.memory_space<vmem_shared>>
      tpu.wait_dma2 semaphore(%run_scoped3A : memref<!tpu.dma_semaphore, #tpu.memory_space<semaphore_mem>>) src(%arg5 : memref<128x128xf32, #tpu.memory_space<hbm>>) dst(%dma_wait3A_36 : memref<128x128xf32, #tpu.memory_space<vmem_shared>>)
      tpu.yield
    }) : () -> ()
    %add3A_15 = arith.constant 512 : i32
    %add3A_16 = arith.addi %mul3A_6, %add3A_15 : i32
    "tpu.region"() ({
      %run_scoped3A = tpu.sem_alloc : memref<!tpu.dma_semaphore, #tpu.memory_space<semaphore_mem>>
      %dma_start3A_34 = arith.constant 0 : i32
      %dma_start3A_35 = tpu.memref_slice %arg7[%add3A_16, %dma_start3A_34] : memref<10240x128xf32, #tpu.memory_space<vmem_shared>> -> memref<128x128xf32, #tpu.memory_space<vmem_shared>>
      tpu.enqueue_dma source(%arg5 : memref<128x128xf32, #tpu.memory_space<hbm>>) target(%dma_start3A_35 : memref<128x128xf32, #tpu.memory_space<vmem_shared>>) target_semaphore(%run_scoped3A : memref<!tpu.dma_semaphore, #tpu.memory_space<semaphore_mem>>)
      %dma_wait3A = arith.constant 0 : i32
      %dma_wait3A_36 = tpu.memref_slice %arg7[%add3A_16, %dma_wait3A] : memref<10240x128xf32, #tpu.memory_space<vmem_shared>> -> memref<128x128xf32, #tpu.memory_space<vmem_shared>>
      tpu.wait_dma2 semaphore(%run_scoped3A : memref<!tpu.dma_semaphore, #tpu.memory_space<semaphore_mem>>) src(%arg5 : memref<128x128xf32, #tpu.memory_space<hbm>>) dst(%dma_wait3A_36 : memref<128x128xf32, #tpu.memory_space<vmem_shared>>)
      tpu.yield
    }) : () -> ()
    %barrier3A = arith.constant 0 : index
    tpu.barrier barrier_id(%barrier3A)
    %dma_start3A = arith.constant 0 : i32
    %dma_start3A_17 = arith.constant 0 : i32
    %dma_start3A_18 = arith.constant 0 : i32
    %dma_start3A_19 = arith.constant 0 : i32
    %dma_start3A_20 = tpu.memref_slice %arg10[%dma_start3A_17, %dma_start3A_18, %dma_start3A_19] : memref<2x128x128xf32, #tpu.memory_space<vmem>> -> memref<1x128x128xf32, #tpu.memory_space<vmem>>
    %dma_start3A_21 = tpu.memref_squeeze %dma_start3A_20 : memref<1x128x128xf32, #tpu.memory_space<vmem>> -> memref<128x128xf32, #tpu.memory_space<vmem>>
    %dma_start3A_22 = arith.constant 0 : i32
    %dma_start3A_23 = tpu.memref_slice %arg8[%dma_start3A, %dma_start3A_22] : memref<40x128xi32, #tpu.memory_space<vmem>> -> memref<1x128xi32, #tpu.memory_space<vmem>>
    %dma_start3A_24 = tpu.memref_squeeze %dma_start3A_23 : memref<1x128xi32, #tpu.memory_space<vmem>> -> memref<128xi32, #tpu.memory_space<vmem>>
    %dma_start3A_25 = arith.constant 0 : i32
    %dma_start3A_26 = arith.constant 0 : i32
    %dma_start3A_27 = tpu.memref_slice %arg2[%dma_start3A_25, %dma_start3A_26] : memref<10000x128xf32, #tpu.memory_space<hbm>> -> memref<10000x128xf32, #tpu.memory_space<hbm>>
    tpu.enqueue_indirect_dma source(%dma_start3A_27 : memref<10000x128xf32, #tpu.memory_space<hbm>>) target(%dma_start3A_21 : memref<128x128xf32, #tpu.memory_space<vmem>>) offsets(%dma_start3A_24 : memref<128xi32, #tpu.memory_space<vmem>>) semaphore(%arg11 : memref<!tpu.dma_semaphore, #tpu.memory_space<semaphore_mem>>)
    %scan3A = arith.constant 0 : i32
    %scan3A_28 = arith.constant 0 : i32
    %scan3A_29 = arith.constant 20 : i32
    %scan3A_30 = arith.addi %scan3A_28, %scan3A_29 : i32
    %scan3A_31 = arith.constant 1 : i32
    scf.for %scan3A_34 = %scan3A_28 to %scan3A_30 step %scan3A_31  : i32 {
      %mul3A_35 = arith.constant 2 : i32
      %mul3A_36 = arith.muli %mul3A_35, %scan3A_34 : i32
      %add3A_37 = arith.constant 1 : i32
      %add3A_38 = arith.addi %mul3A_36, %add3A_37 : i32
      %dma_start3A_39 = arith.constant 1 : i32
      %dma_start3A_40 = arith.constant 0 : i32
      %dma_start3A_41 = arith.constant 0 : i32
      %dma_start3A_42 = tpu.memref_slice %arg10[%dma_start3A_39, %dma_start3A_40, %dma_start3A_41] : memref<2x128x128xf32, #tpu.memory_space<vmem>> -> memref<1x128x128xf32, #tpu.memory_space<vmem>>
      %dma_start3A_43 = tpu.memref_squeeze %dma_start3A_42 : memref<1x128x128xf32, #tpu.memory_space<vmem>> -> memref<128x128xf32, #tpu.memory_space<vmem>>
      %dma_start3A_44 = arith.constant 0 : i32
      %dma_start3A_45 = tpu.memref_slice %arg8[%add3A_38, %dma_start3A_44] : memref<40x128xi32, #tpu.memory_space<vmem>> -> memref<1x128xi32, #tpu.memory_space<vmem>>
      %dma_start3A_46 = tpu.memref_squeeze %dma_start3A_45 : memref<1x128xi32, #tpu.memory_space<vmem>> -> memref<128xi32, #tpu.memory_space<vmem>>
      %dma_start3A_47 = arith.constant 0 : i32
      %dma_start3A_48 = arith.constant 0 : i32
      %dma_start3A_49 = tpu.memref_slice %arg2[%dma_start3A_47, %dma_start3A_48] : memref<10000x128xf32, #tpu.memory_space<hbm>> -> memref<10000x128xf32, #tpu.memory_space<hbm>>
      tpu.enqueue_indirect_dma source(%dma_start3A_49 : memref<10000x128xf32, #tpu.memory_space<hbm>>) target(%dma_start3A_43 : memref<128x128xf32, #tpu.memory_space<vmem>>) offsets(%dma_start3A_46 : memref<128xi32, #tpu.memory_space<vmem>>) semaphore(%arg12 : memref<!tpu.dma_semaphore, #tpu.memory_space<semaphore_mem>>)
      %dma_wait3A = arith.constant 0 : i32
      %dma_wait3A_50 = arith.constant 0 : i32
      %dma_wait3A_51 = arith.constant 0 : i32
      %dma_wait3A_52 = tpu.memref_slice %arg10[%dma_wait3A, %dma_wait3A_50, %dma_wait3A_51] : memref<2x128x128xf32, #tpu.memory_space<vmem>> -> memref<1x128x128xf32, #tpu.memory_space<vmem>>
      %dma_wait3A_53 = tpu.memref_squeeze %dma_wait3A_52 : memref<1x128x128xf32, #tpu.memory_space<vmem>> -> memref<128x128xf32, #tpu.memory_space<vmem>>
      %dma_wait3A_54 = arith.constant 0 : i32
      %dma_wait3A_55 = tpu.memref_slice %arg8[%mul3A_36, %dma_wait3A_54] : memref<40x128xi32, #tpu.memory_space<vmem>> -> memref<1x128xi32, #tpu.memory_space<vmem>>
      %dma_wait3A_56 = tpu.memref_squeeze %dma_wait3A_55 : memref<1x128xi32, #tpu.memory_space<vmem>> -> memref<128xi32, #tpu.memory_space<vmem>>
      %dma_wait3A_57 = arith.constant 0 : i32
      %dma_wait3A_58 = arith.constant 0 : i32
      %dma_wait3A_59 = tpu.memref_slice %arg2[%dma_wait3A_57, %dma_wait3A_58] : memref<10000x128xf32, #tpu.memory_space<hbm>> -> memref<10000x128xf32, #tpu.memory_space<hbm>>
      tpu.wait_indirect_dma semaphore(%arg11 : memref<!tpu.dma_semaphore, #tpu.memory_space<semaphore_mem>>) src(%dma_wait3A_59 : memref<10000x128xf32, #tpu.memory_space<hbm>>) dst(%dma_wait3A_53 : memref<128x128xf32, #tpu.memory_space<vmem>>)
      %run_scoped3A = arith.constant 0 : i32
      "tpu.region"() ({
        %run_scoped3A_80 = tpu.sem_alloc : memref<!tpu.dma_semaphore, #tpu.memory_space<semaphore_mem>>
        %dma_start3A_81 = arith.constant 0 : i32
        %dma_start3A_82 = arith.constant 0 : i32
        %dma_start3A_83 = tpu.memref_slice %arg10[%run_scoped3A, %dma_start3A_81, %dma_start3A_82] : memref<2x128x128xf32, #tpu.memory_space<vmem>> -> memref<1x128x128xf32, #tpu.memory_space<vmem>>
        %dma_start3A_84 = tpu.memref_squeeze %dma_start3A_83 : memref<1x128x128xf32, #tpu.memory_space<vmem>> -> memref<128x128xf32, #tpu.memory_space<vmem>>
        %dma_start3A_85 = arith.constant 0 : i32
        %dma_start3A_86 = tpu.memref_slice %arg9[%mul3A_36, %dma_start3A_85] : memref<40x128xi32, #tpu.memory_space<vmem>> -> memref<1x128xi32, #tpu.memory_space<vmem>>
        %dma_start3A_87 = tpu.memref_squeeze %dma_start3A_86 : memref<1x128xi32, #tpu.memory_space<vmem>> -> memref<128xi32, #tpu.memory_space<vmem>>
        %dma_start3A_88 = arith.constant 0 : i32
        %dma_start3A_89 = arith.constant 0 : i32
        %dma_start3A_90 = tpu.memref_slice %arg7[%dma_start3A_88, %dma_start3A_89] : memref<10240x128xf32, #tpu.memory_space<vmem_shared>> -> memref<10240x128xf32, #tpu.memory_space<vmem_shared>>
        tpu.enqueue_indirect_dma source(%dma_start3A_84 : memref<128x128xf32, #tpu.memory_space<vmem>>) target(%dma_start3A_90 : memref<10240x128xf32, #tpu.memory_space<vmem_shared>>) offsets(%dma_start3A_87 : memref<128xi32, #tpu.memory_space<vmem>>) semaphore(%run_scoped3A_80 : memref<!tpu.dma_semaphore, #tpu.memory_space<semaphore_mem>>) {add = true}
        %dma_wait3A_91 = arith.constant 0 : i32
        %dma_wait3A_92 = arith.constant 0 : i32
        %dma_wait3A_93 = tpu.memref_slice %arg10[%run_scoped3A, %dma_wait3A_91, %dma_wait3A_92] : memref<2x128x128xf32, #tpu.memory_space<vmem>> -> memref<1x128x128xf32, #tpu.memory_space<vmem>>
        %dma_wait3A_94 = tpu.memref_squeeze %dma_wait3A_93 : memref<1x128x128xf32, #tpu.memory_space<vmem>> -> memref<128x128xf32, #tpu.memory_space<vmem>>
        %dma_wait3A_95 = arith.constant 0 : i32
        %dma_wait3A_96 = tpu.memref_slice %arg9[%mul3A_36, %dma_wait3A_95] : memref<40x128xi32, #tpu.memory_space<vmem>> -> memref<1x128xi32, #tpu.memory_space<vmem>>
        %dma_wait3A_97 = tpu.memref_squeeze %dma_wait3A_96 : memref<1x128xi32, #tpu.memory_space<vmem>> -> memref<128xi32, #tpu.memory_space<vmem>>
        %dma_wait3A_98 = arith.constant 0 : i32
        %dma_wait3A_99 = arith.constant 0 : i32
        %dma_wait3A_100 = tpu.memref_slice %arg7[%dma_wait3A_98, %dma_wait3A_99] : memref<10240x128xf32, #tpu.memory_space<vmem_shared>> -> memref<10240x128xf32, #tpu.memory_space<vmem_shared>>
        tpu.wait_indirect_dma semaphore(%run_scoped3A_80 : memref<!tpu.dma_semaphore, #tpu.memory_space<semaphore_mem>>) src(%dma_wait3A_94 : memref<128x128xf32, #tpu.memory_space<vmem>>) dst(%dma_wait3A_100 : memref<10240x128xf32, #tpu.memory_space<vmem_shared>>)
        tpu.yield
      }) : () -> ()
      %add3A_60 = arith.constant 1 : i32
      %add3A_61 = arith.addi %scan3A_34, %add3A_60 : i32
      %lt3A = arith.constant 20 : i32
      %lt3A_62 = arith.cmpi slt, %add3A_61, %lt3A : i32
      %convert_element_type3A = arith.extui %lt3A_62 : i1 to i32
      %cond3A = arith.constant 0 : i32
      %cond3A_63 = arith.cmpi ne, %convert_element_type3A, %cond3A : i32
      scf.if %cond3A_63 {
        %add3A_80 = arith.constant 2 : i32
        %add3A_81 = arith.addi %mul3A_36, %add3A_80 : i32
        %dma_start3A_82 = arith.constant 0 : i32
        %dma_start3A_83 = arith.constant 0 : i32
        %dma_start3A_84 = arith.constant 0 : i32
        %dma_start3A_85 = tpu.memref_slice %arg10[%dma_start3A_82, %dma_start3A_83, %dma_start3A_84] : memref<2x128x128xf32, #tpu.memory_space<vmem>> -> memref<1x128x128xf32, #tpu.memory_space<vmem>>
        %dma_start3A_86 = tpu.memref_squeeze %dma_start3A_85 : memref<1x128x128xf32, #tpu.memory_space<vmem>> -> memref<128x128xf32, #tpu.memory_space<vmem>>
        %dma_start3A_87 = arith.constant 0 : i32
        %dma_start3A_88 = tpu.memref_slice %arg8[%add3A_81, %dma_start3A_87] : memref<40x128xi32, #tpu.memory_space<vmem>> -> memref<1x128xi32, #tpu.memory_space<vmem>>
        %dma_start3A_89 = tpu.memref_squeeze %dma_start3A_88 : memref<1x128xi32, #tpu.memory_space<vmem>> -> memref<128xi32, #tpu.memory_space<vmem>>
        %dma_start3A_90 = arith.constant 0 : i32
        %dma_start3A_91 = arith.constant 0 : i32
        %dma_start3A_92 = tpu.memref_slice %arg2[%dma_start3A_90, %dma_start3A_91] : memref<10000x128xf32, #tpu.memory_space<hbm>> -> memref<10000x128xf32, #tpu.memory_space<hbm>>
        tpu.enqueue_indirect_dma source(%dma_start3A_92 : memref<10000x128xf32, #tpu.memory_space<hbm>>) target(%dma_start3A_86 : memref<128x128xf32, #tpu.memory_space<vmem>>) offsets(%dma_start3A_89 : memref<128xi32, #tpu.memory_space<vmem>>) semaphore(%arg11 : memref<!tpu.dma_semaphore, #tpu.memory_space<semaphore_mem>>)
      } else {
      }
      %add3A_64 = arith.constant 1 : i32
      %add3A_65 = arith.addi %mul3A_36, %add3A_64 : i32
      %dma_wait3A_66 = arith.constant 1 : i32
      %dma_wait3A_67 = arith.constant 0 : i32
      %dma_wait3A_68 = arith.constant 0 : i32
      %dma_wait3A_69 = tpu.memref_slice %arg10[%dma_wait3A_66, %dma_wait3A_67, %dma_wait3A_68] : memref<2x128x128xf32, #tpu.memory_space<vmem>> -> memref<1x128x128xf32, #tpu.memory_space<vmem>>
      %dma_wait3A_70 = tpu.memref_squeeze %dma_wait3A_69 : memref<1x128x128xf32, #tpu.memory_space<vmem>> -> memref<128x128xf32, #tpu.memory_space<vmem>>
      %dma_wait3A_71 = arith.constant 0 : i32
      %dma_wait3A_72 = tpu.memref_slice %arg8[%add3A_65, %dma_wait3A_71] : memref<40x128xi32, #tpu.memory_space<vmem>> -> memref<1x128xi32, #tpu.memory_space<vmem>>
      %dma_wait3A_73 = tpu.memref_squeeze %dma_wait3A_72 : memref<1x128xi32, #tpu.memory_space<vmem>> -> memref<128xi32, #tpu.memory_space<vmem>>
      %dma_wait3A_74 = arith.constant 0 : i32
      %dma_wait3A_75 = arith.constant 0 : i32
      %dma_wait3A_76 = tpu.memref_slice %arg2[%dma_wait3A_74, %dma_wait3A_75] : memref<10000x128xf32, #tpu.memory_space<hbm>> -> memref<10000x128xf32, #tpu.memory_space<hbm>>
      tpu.wait_indirect_dma semaphore(%arg12 : memref<!tpu.dma_semaphore, #tpu.memory_space<semaphore_mem>>) src(%dma_wait3A_76 : memref<10000x128xf32, #tpu.memory_space<hbm>>) dst(%dma_wait3A_70 : memref<128x128xf32, #tpu.memory_space<vmem>>)
      %add3A_77 = arith.constant 1 : i32
      %add3A_78 = arith.addi %mul3A_36, %add3A_77 : i32
      %run_scoped3A_79 = arith.constant 1 : i32
      "tpu.region"() ({
        %run_scoped3A_80 = tpu.sem_alloc : memref<!tpu.dma_semaphore, #tpu.memory_space<semaphore_mem>>
        %dma_start3A_81 = arith.constant 0 : i32
        %dma_start3A_82 = arith.constant 0 : i32
        %dma_start3A_83 = tpu.memref_slice %arg10[%run_scoped3A_79, %dma_start3A_81, %dma_start3A_82] : memref<2x128x128xf32, #tpu.memory_space<vmem>> -> memref<1x128x128xf32, #tpu.memory_space<vmem>>
        %dma_start3A_84 = tpu.memref_squeeze %dma_start3A_83 : memref<1x128x128xf32, #tpu.memory_space<vmem>> -> memref<128x128xf32, #tpu.memory_space<vmem>>
        %dma_start3A_85 = arith.constant 0 : i32
        %dma_start3A_86 = tpu.memref_slice %arg9[%add3A_78, %dma_start3A_85] : memref<40x128xi32, #tpu.memory_space<vmem>> -> memref<1x128xi32, #tpu.memory_space<vmem>>
        %dma_start3A_87 = tpu.memref_squeeze %dma_start3A_86 : memref<1x128xi32, #tpu.memory_space<vmem>> -> memref<128xi32, #tpu.memory_space<vmem>>
        %dma_start3A_88 = arith.constant 0 : i32
        %dma_start3A_89 = arith.constant 0 : i32
        %dma_start3A_90 = tpu.memref_slice %arg7[%dma_start3A_88, %dma_start3A_89] : memref<10240x128xf32, #tpu.memory_space<vmem_shared>> -> memref<10240x128xf32, #tpu.memory_space<vmem_shared>>
        tpu.enqueue_indirect_dma source(%dma_start3A_84 : memref<128x128xf32, #tpu.memory_space<vmem>>) target(%dma_start3A_90 : memref<10240x128xf32, #tpu.memory_space<vmem_shared>>) offsets(%dma_start3A_87 : memref<128xi32, #tpu.memory_space<vmem>>) semaphore(%run_scoped3A_80 : memref<!tpu.dma_semaphore, #tpu.memory_space<semaphore_mem>>) {add = true}
        %dma_wait3A_91 = arith.constant 0 : i32
        %dma_wait3A_92 = arith.constant 0 : i32
        %dma_wait3A_93 = tpu.memref_slice %arg10[%run_scoped3A_79, %dma_wait3A_91, %dma_wait3A_92] : memref<2x128x128xf32, #tpu.memory_space<vmem>> -> memref<1x128x128xf32, #tpu.memory_space<vmem>>
        %dma_wait3A_94 = tpu.memref_squeeze %dma_wait3A_93 : memref<1x128x128xf32, #tpu.memory_space<vmem>> -> memref<128x128xf32, #tpu.memory_space<vmem>>
        %dma_wait3A_95 = arith.constant 0 : i32
        %dma_wait3A_96 = tpu.memref_slice %arg9[%add3A_78, %dma_wait3A_95] : memref<40x128xi32, #tpu.memory_space<vmem>> -> memref<1x128xi32, #tpu.memory_space<vmem>>
        %dma_wait3A_97 = tpu.memref_squeeze %dma_wait3A_96 : memref<1x128xi32, #tpu.memory_space<vmem>> -> memref<128xi32, #tpu.memory_space<vmem>>
        %dma_wait3A_98 = arith.constant 0 : i32
        %dma_wait3A_99 = arith.constant 0 : i32
        %dma_wait3A_100 = tpu.memref_slice %arg7[%dma_wait3A_98, %dma_wait3A_99] : memref<10240x128xf32, #tpu.memory_space<vmem_shared>> -> memref<10240x128xf32, #tpu.memory_space<vmem_shared>>
        tpu.wait_indirect_dma semaphore(%run_scoped3A_80 : memref<!tpu.dma_semaphore, #tpu.memory_space<semaphore_mem>>) src(%dma_wait3A_94 : memref<128x128xf32, #tpu.memory_space<vmem>>) dst(%dma_wait3A_100 : memref<10240x128xf32, #tpu.memory_space<vmem_shared>>)
        tpu.yield
      }) : () -> ()
    }
    %scan3A_32 = arith.constant 20 : i32
    %barrier3A_33 = arith.constant 0 : index
    tpu.barrier barrier_id(%barrier3A_33)
    "tpu.region"() ({
      %run_scoped3A = tpu.sem_alloc : memref<!tpu.dma_semaphore, #tpu.memory_space<semaphore_mem>>
      %dma_start3A_34 = arith.constant 0 : i32
      %dma_start3A_35 = tpu.memref_slice %arg6[%arg0, %mul3A_6, %dma_start3A_34] : memref<2x10240x128xf32, #tpu.memory_space<hbm>> -> memref<1x640x128xf32, #tpu.memory_space<hbm>>
      %dma_start3A_36 = tpu.memref_squeeze %dma_start3A_35 : memref<1x640x128xf32, #tpu.memory_space<hbm>> -> memref<640x128xf32, #tpu.memory_space<hbm>>
      %dma_start3A_37 = arith.constant 0 : i32
      %dma_start3A_38 = tpu.memref_slice %arg7[%mul3A_6, %dma_start3A_37] : memref<10240x128xf32, #tpu.memory_space<vmem_shared>> -> memref<640x128xf32, #tpu.memory_space<vmem_shared>>
      tpu.enqueue_dma source(%dma_start3A_38 : memref<640x128xf32, #tpu.memory_space<vmem_shared>>) target(%dma_start3A_36 : memref<640x128xf32, #tpu.memory_space<hbm>>) target_semaphore(%run_scoped3A : memref<!tpu.dma_semaphore, #tpu.memory_space<semaphore_mem>>)
      %dma_wait3A = arith.constant 0 : i32
      %dma_wait3A_39 = tpu.memref_slice %arg6[%arg0, %mul3A_6, %dma_wait3A] : memref<2x10240x128xf32, #tpu.memory_space<hbm>> -> memref<1x640x128xf32, #tpu.memory_space<hbm>>
      %dma_wait3A_40 = tpu.memref_squeeze %dma_wait3A_39 : memref<1x640x128xf32, #tpu.memory_space<hbm>> -> memref<640x128xf32, #tpu.memory_space<hbm>>
      %dma_wait3A_41 = arith.constant 0 : i32
      %dma_wait3A_42 = tpu.memref_slice %arg7[%mul3A_6, %dma_wait3A_41] : memref<10240x128xf32, #tpu.memory_space<vmem_shared>> -> memref<640x128xf32, #tpu.memory_space<vmem_shared>>
      tpu.wait_dma2 semaphore(%run_scoped3A : memref<!tpu.dma_semaphore, #tpu.memory_space<semaphore_mem>>) src(%dma_wait3A_42 : memref<640x128xf32, #tpu.memory_space<vmem_shared>>) dst(%dma_wait3A_40 : memref<640x128xf32, #tpu.memory_space<hbm>>)
      tpu.yield
    }) : () -> ()
    return
  }
}

module attributes {stable_mosaic.version = 14 : i64} {
  func.func @_t1_body(%arg0: i32, %arg1: memref<1000x128xf32, #tpu.memory_space<vmem>>, %arg2: memref<128x128xf32, #tpu.memory_space<vmem>>, %arg3: memref<1x128xf32, #tpu.memory_space<vmem>>, %arg4: memref<1000x128xf32, #tpu.memory_space<vmem>>) attributes {dimension_semantics = [#tpu.dimension_semantics<arbitrary>], iteration_bounds = array<i64: 10>, scalar_prefetch = 0 : i64, scratch_operands = 0 : i64, tpu.core_type = #tpu.core_type<tc>, window_params = [{transform_indices = @transform_0, window_bounds = array<i64: 1000, 128>}, {pipeline_mode = #tpu.pipeline_mode<synchronous>, transform_indices = @transform_1, window_bounds = array<i64: 128, 128>}, {pipeline_mode = #tpu.pipeline_mode<synchronous>, transform_indices = @transform_2, window_bounds = array<i64: 1, 128>}, {transform_indices = @transform_3, window_bounds = array<i64: 1000, 128>}]} {
    %get3A = arith.constant 0 : index
    %get3A_0 = arith.constant 0 : index
    %get3A_1 = vector.load %arg1[%get3A, %get3A_0] : memref<1000x128xf32, #tpu.memory_space<vmem>>, vector<1000x128xf32>
    %get3A_2 = arith.constant 0 : index
    %get3A_3 = arith.constant 0 : index
    %get3A_4 = vector.load %arg2[%get3A_2, %get3A_3] : memref<128x128xf32, #tpu.memory_space<vmem>>, vector<128x128xf32>
    %dot_general3A = arith.constant dense<0.000000e+00> : vector<1000x128xf32>
    %dot_general3A_5 = tpu.matmul %get3A_1, %get3A_4, %dot_general3A {dimension_numbers = #tpu.dot_dimension_numbers<[1], [0], [0], [1], [0, 0, 1, 1], [], []>, transpose_lhs_hint = false} : vector<1000x128xf32>, vector<128x128xf32>, vector<1000x128xf32> -> vector<1000x128xf32>
    %get3A_6 = arith.constant 0 : index
    %get3A_7 = arith.constant 0 : index
    %get3A_8 = vector.load %arg3[%get3A_6, %get3A_7] : memref<1x128xf32, #tpu.memory_space<vmem>>, vector<1x128xf32>
    %get3A_9 = vector.shape_cast %get3A_8 : vector<1x128xf32> to vector<128xf32>
    %broadcast_in_dim3A = vector.shape_cast %get3A_9 : vector<128xf32> to vector<1x128xf32>
    %add3A = vector.broadcast %broadcast_in_dim3A : vector<1x128xf32> to vector<1000x128xf32>
    %add3A_10 = arith.addf %dot_general3A_5, %add3A : vector<1000x128xf32>
    %max3A = arith.constant 0.000000e+00 : f32
    %max3A_11 = vector.broadcast %max3A : f32 to vector<1000x128xf32>
    %max3A_12 = arith.maximumf %add3A_10, %max3A_11 : vector<1000x128xf32>
    %swap3A = arith.constant 0 : index
    %swap3A_13 = arith.constant 0 : index
    %swap3A_14 = vector.load %arg4[%swap3A, %swap3A_13] : memref<1000x128xf32, #tpu.memory_space<vmem>>, vector<1000x128xf32>
    tpu.vector_store %arg4[%swap3A, %swap3A_13], %max3A_12 {strides = array<i32>} : memref<1000x128xf32, #tpu.memory_space<vmem>>, vector<1000x128xf32>,
    return
  }
  func.func @transform_0(%arg0: i32) -> (i32, i32) {
    %c0_i32 = arith.constant 0 : i32
    %c0_i32_0 = arith.constant 0 : i32
    return %arg0, %c0_i32 : i32, i32
  }
  func.func @transform_1(%arg0: i32) -> (i32, i32) {
    %c0_i32 = arith.constant 0 : i32
    %c0_i32_0 = arith.constant 0 : i32
    %c0_i32_1 = arith.constant 0 : i32
    return %c0_i32, %c0_i32_0 : i32, i32
  }
  func.func @transform_2(%arg0: i32) -> (i32, i32) {
    %c0_i32 = arith.constant 0 : i32
    %c0_i32_0 = arith.constant 0 : i32
    %c0_i32_1 = arith.constant 0 : i32
    return %c0_i32, %c0_i32_0 : i32, i32
  }
  func.func @transform_3(%arg0: i32) -> (i32, i32) {
    %c0_i32 = arith.constant 0 : i32
    %c0_i32_0 = arith.constant 0 : i32
    return %arg0, %c0_i32 : i32, i32
  }
}

module attributes {stable_mosaic.version = 14 : i64} {
  func.func @_t2a_body(%arg0: i32, %arg1: memref<2x1000x128xf32, #tpu.memory_space<vmem>>, %arg2: memref<2x1000x128xf32, #tpu.memory_space<vmem>>, %arg3: memref<1000x128xf32, #tpu.memory_space<vmem>>, %arg4: memref<1000x8xf32, #tpu.memory_space<vmem>>) attributes {dimension_semantics = [#tpu.dimension_semantics<arbitrary>], iteration_bounds = array<i64: 10>, scalar_prefetch = 0 : i64, scratch_operands = 0 : i64, tpu.core_type = #tpu.core_type<tc>, window_params = [{transform_indices = @transform_0, window_bounds = array<i64: 2, 1000, 128>}, {transform_indices = @transform_1, window_bounds = array<i64: 2, 1000, 128>}, {transform_indices = @transform_2, window_bounds = array<i64: 1000, 128>}, {transform_indices = @transform_3, window_bounds = array<i64: 1000, 8>}]} {
    %get3A = arith.constant 0 : index
    %get3A_0 = arith.constant 0 : index
    %get3A_1 = arith.constant 0 : index
    %get3A_2 = vector.load %arg1[%get3A, %get3A_0, %get3A_1] : memref<2x1000x128xf32, #tpu.memory_space<vmem>>, vector<1x1000x128xf32>
    %get3A_3 = vector.shape_cast %get3A_2 : vector<1x1000x128xf32> to vector<1000x128xf32>
    %get3A_4 = arith.constant 1 : index
    %get3A_5 = arith.constant 0 : index
    %get3A_6 = arith.constant 0 : index
    %get3A_7 = vector.load %arg1[%get3A_4, %get3A_5, %get3A_6] : memref<2x1000x128xf32, #tpu.memory_space<vmem>>, vector<1x1000x128xf32>
    %get3A_8 = vector.shape_cast %get3A_7 : vector<1x1000x128xf32> to vector<1000x128xf32>
    %add3A = arith.addf %get3A_3, %get3A_8 : vector<1000x128xf32>
    %get3A_9 = arith.constant 0 : index
    %get3A_10 = arith.constant 0 : index
    %get3A_11 = arith.constant 0 : index
    %get3A_12 = vector.load %arg2[%get3A_9, %get3A_10, %get3A_11] : memref<2x1000x128xf32, #tpu.memory_space<vmem>>, vector<1x1000x1xf32>
    %get3A_13 = vector.shape_cast %get3A_12 : vector<1x1000x1xf32> to vector<1000xf32>
    %get3A_14 = arith.constant 1 : index
    %get3A_15 = arith.constant 0 : index
    %get3A_16 = arith.constant 0 : index
    %get3A_17 = vector.load %arg2[%get3A_14, %get3A_15, %get3A_16] : memref<2x1000x128xf32, #tpu.memory_space<vmem>>, vector<1x1000x1xf32>
    %get3A_18 = vector.shape_cast %get3A_17 : vector<1x1000x1xf32> to vector<1000xf32>
    %add3A_19 = arith.addf %get3A_13, %get3A_18 : vector<1000xf32>
    %max3A = arith.constant 1.000000e+00 : f32
    %max3A_20 = vector.broadcast %max3A : f32 to vector<1000xf32>
    %max3A_21 = arith.maximumf %add3A_19, %max3A_20 : vector<1000xf32>
    %div3A = arith.constant 1.000000e+00 : f32
    %div3A_22 = vector.broadcast %div3A : f32 to vector<1000xf32>
    %div3A_23 = arith.divf %div3A_22, %max3A_21 : vector<1000xf32>
    %broadcast_in_dim3A = vector.shape_cast %div3A_23 : vector<1000xf32> to vector<1000x1xf32>
    %mul3A = vector.broadcast %broadcast_in_dim3A : vector<1000x1xf32> to vector<1000x128xf32>
    %mul3A_24 = arith.mulf %add3A, %mul3A : vector<1000x128xf32>
    %swap3A = arith.constant 0 : index
    %swap3A_25 = arith.constant 0 : index
    %swap3A_26 = vector.load %arg3[%swap3A, %swap3A_25] : memref<1000x128xf32, #tpu.memory_space<vmem>>, vector<1000x128xf32>
    tpu.vector_store %arg3[%swap3A, %swap3A_25], %mul3A_24 {strides = array<i32>} : memref<1000x128xf32, #tpu.memory_space<vmem>>, vector<1000x128xf32>,
    %broadcast_in_dim3A_27 = vector.shape_cast %div3A_23 : vector<1000xf32> to vector<1000x1xf32>
    %broadcast_in_dim3A_28 = vector.shape_cast %broadcast_in_dim3A_27 : vector<1000x1xf32> to vector<1000x1xf32>
    %broadcast_in_dim3A_29 = vector.broadcast %broadcast_in_dim3A_28 : vector<1000x1xf32> to vector<1000x8xf32>
    %swap3A_30 = arith.constant 0 : index
    %swap3A_31 = arith.constant 0 : index
    %swap3A_32 = vector.load %arg4[%swap3A_30, %swap3A_31] : memref<1000x8xf32, #tpu.memory_space<vmem>>, vector<1000x8xf32>
    tpu.vector_store %arg4[%swap3A_30, %swap3A_31], %broadcast_in_dim3A_29 {strides = array<i32>} : memref<1000x8xf32, #tpu.memory_space<vmem>>, vector<1000x8xf32>,
    return
  }
  func.func @transform_0(%arg0: i32) -> (i32, i32, i32) {
    %c0_i32 = arith.constant 0 : i32
    %c0_i32_0 = arith.constant 0 : i32
    %c0_i32_1 = arith.constant 0 : i32
    return %c0_i32, %arg0, %c0_i32_0 : i32, i32, i32
  }
  func.func @transform_1(%arg0: i32) -> (i32, i32, i32) {
    %c0_i32 = arith.constant 0 : i32
    %c0_i32_0 = arith.constant 0 : i32
    %c0_i32_1 = arith.constant 0 : i32
    return %c0_i32, %arg0, %c0_i32_0 : i32, i32, i32
  }
  func.func @transform_2(%arg0: i32) -> (i32, i32) {
    %c0_i32 = arith.constant 0 : i32
    %c0_i32_0 = arith.constant 0 : i32
    return %arg0, %c0_i32 : i32, i32
  }
  func.func @transform_3(%arg0: i32) -> (i32, i32) {
    %c0_i32 = arith.constant 0 : i32
    %c0_i32_0 = arith.constant 0 : i32
    return %arg0, %c0_i32 : i32, i32
  }
}

module attributes {stable_mosaic.version = 14 : i64} {
  func.func @_t2_body(%arg0: i32, %arg1: i32, %arg2: memref<1000x128xf32, #tpu.memory_space<vmem>>, %arg3: memref<1000x128xf32, #tpu.memory_space<vmem>>, %arg4: memref<128x512xf32, #tpu.memory_space<vmem>>, %arg5: memref<128x512xf32, #tpu.memory_space<vmem>>, %arg6: memref<1x512xf32, #tpu.memory_space<vmem>>, %arg7: memref<1000x512xbf16, #tpu.memory_space<vmem>>, %arg8: memref<8x512xf32, #tpu.memory_space<vmem>>, %arg9: memref<8x512xf32, #tpu.memory_space<vmem>>) attributes {dimension_semantics = [#tpu.dimension_semantics<arbitrary>, #tpu.dimension_semantics<arbitrary>], iteration_bounds = array<i64: 12, 10>, scalar_prefetch = 0 : i64, scratch_operands = 0 : i64, tpu.core_type = #tpu.core_type<tc>, window_params = [{transform_indices = @transform_0, window_bounds = array<i64: 1000, 128>}, {transform_indices = @transform_1, window_bounds = array<i64: 1000, 128>}, {transform_indices = @transform_2, window_bounds = array<i64: 128, 512>}, {transform_indices = @transform_3, window_bounds = array<i64: 128, 512>}, {transform_indices = @transform_4, window_bounds = array<i64: 1, 512>}, {transform_indices = @transform_5, window_bounds = array<i64: 1000, 512>}, {transform_indices = @transform_6, window_bounds = array<i64: 8, 512>}, {transform_indices = @transform_7, window_bounds = array<i64: 8, 512>}]} {
    %get3A = arith.constant 0 : index
    %get3A_0 = arith.constant 0 : index
    %get3A_1 = vector.load %arg2[%get3A, %get3A_0] : memref<1000x128xf32, #tpu.memory_space<vmem>>, vector<1000x128xf32>
    %get3A_2 = arith.constant 0 : index
    %get3A_3 = arith.constant 0 : index
    %get3A_4 = vector.load %arg4[%get3A_2, %get3A_3] : memref<128x512xf32, #tpu.memory_space<vmem>>, vector<128x512xf32>
    %dot_general3A = arith.constant dense<0.000000e+00> : vector<1000x512xf32>
    %dot_general3A_5 = tpu.matmul %get3A_1, %get3A_4, %dot_general3A {dimension_numbers = #tpu.dot_dimension_numbers<[1], [0], [0], [1], [0, 0, 1, 1], [], []>, transpose_lhs_hint = false} : vector<1000x128xf32>, vector<128x512xf32>, vector<1000x512xf32> -> vector<1000x512xf32>
    %get3A_6 = arith.constant 0 : index
    %get3A_7 = arith.constant 0 : index
    %get3A_8 = vector.load %arg3[%get3A_6, %get3A_7] : memref<1000x128xf32, #tpu.memory_space<vmem>>, vector<1000x128xf32>
    %get3A_9 = arith.constant 0 : index
    %get3A_10 = arith.constant 0 : index
    %get3A_11 = vector.load %arg5[%get3A_9, %get3A_10] : memref<128x512xf32, #tpu.memory_space<vmem>>, vector<128x512xf32>
    %dot_general3A_12 = arith.constant dense<0.000000e+00> : vector<1000x512xf32>
    %dot_general3A_13 = tpu.matmul %get3A_8, %get3A_11, %dot_general3A_12 {dimension_numbers = #tpu.dot_dimension_numbers<[1], [0], [0], [1], [0, 0, 1, 1], [], []>, transpose_lhs_hint = false} : vector<1000x128xf32>, vector<128x512xf32>, vector<1000x512xf32> -> vector<1000x512xf32>
    %add3A = arith.addf %dot_general3A_5, %dot_general3A_13 : vector<1000x512xf32>
    %get3A_14 = arith.constant 0 : index
    %get3A_15 = arith.constant 0 : index
    %get3A_16 = vector.load %arg6[%get3A_14, %get3A_15] : memref<1x512xf32, #tpu.memory_space<vmem>>, vector<1x512xf32>
    %get3A_17 = vector.shape_cast %get3A_16 : vector<1x512xf32> to vector<512xf32>
    %broadcast_in_dim3A = vector.shape_cast %get3A_17 : vector<512xf32> to vector<1x512xf32>
    %add3A_18 = vector.broadcast %broadcast_in_dim3A : vector<1x512xf32> to vector<1000x512xf32>
    %add3A_19 = arith.addf %add3A, %add3A_18 : vector<1000x512xf32>
    %convert_element_type3A = arith.truncf %add3A_19 : vector<1000x512xf32> to vector<1000x512xbf16>
    %swap3A = arith.constant 0 : index
    %swap3A_20 = arith.constant 0 : index
    %swap3A_21 = vector.load %arg7[%swap3A, %swap3A_20] : memref<1000x512xbf16, #tpu.memory_space<vmem>>, vector<1000x512xbf16>
    tpu.vector_store %arg7[%swap3A, %swap3A_20], %convert_element_type3A {strides = array<i32>} : memref<1000x512xbf16, #tpu.memory_space<vmem>>, vector<1000x512xbf16>,
    %eq3A = arith.constant 0 : i32
    %eq3A_22 = arith.cmpi eq, %arg1, %eq3A : i32
    %convert_element_type3A_23 = arith.extui %eq3A_22 : i1 to i32
    %cond3A = arith.constant 0 : i32
    %cond3A_24 = arith.cmpi ne, %convert_element_type3A_23, %cond3A : i32
    scf.if %cond3A_24 {
      %broadcast_in_dim3A_48 = arith.constant 0.000000e+00 : f32
      %broadcast_in_dim3A_49 = vector.broadcast %broadcast_in_dim3A_48 : f32 to vector<8x512xf32>
      %swap3A_50 = arith.constant 0 : index
      %swap3A_51 = arith.constant 0 : index
      %swap3A_52 = vector.load %arg8[%swap3A_50, %swap3A_51] : memref<8x512xf32, #tpu.memory_space<vmem>>, vector<8x512xf32>
      tpu.vector_store %arg8[%swap3A_50, %swap3A_51], %broadcast_in_dim3A_49 {strides = array<i32>} : memref<8x512xf32, #tpu.memory_space<vmem>>, vector<8x512xf32>,
      %broadcast_in_dim3A_53 = arith.constant 0.000000e+00 : f32
      %broadcast_in_dim3A_54 = vector.broadcast %broadcast_in_dim3A_53 : f32 to vector<8x512xf32>
      %swap3A_55 = arith.constant 0 : index
      %swap3A_56 = arith.constant 0 : index
      %swap3A_57 = vector.load %arg9[%swap3A_55, %swap3A_56] : memref<8x512xf32, #tpu.memory_space<vmem>>, vector<8x512xf32>
      tpu.vector_store %arg9[%swap3A_55, %swap3A_56], %broadcast_in_dim3A_54 {strides = array<i32>} : memref<8x512xf32, #tpu.memory_space<vmem>>, vector<8x512xf32>,
    } else {
    }
    %reduce_sum3A = arith.constant dense<0.000000e+00> : vector<512xf32>
    %reduce_sum3A_25 = vector.multi_reduction <add>, %add3A_19, %reduce_sum3A [0] : vector<1000x512xf32> to vector<512xf32>
    %get3A_26 = arith.constant 0 : index
    %get3A_27 = arith.constant 0 : index
    %get3A_28 = vector.load %arg8[%get3A_26, %get3A_27] : memref<8x512xf32, #tpu.memory_space<vmem>>, vector<8x512xf32>
    %broadcast_in_dim3A_29 = vector.shape_cast %reduce_sum3A_25 : vector<512xf32> to vector<1x512xf32>
    %broadcast_in_dim3A_30 = vector.shape_cast %broadcast_in_dim3A_29 : vector<1x512xf32> to vector<1x512xf32>
    %broadcast_in_dim3A_31 = vector.broadcast %broadcast_in_dim3A_30 : vector<1x512xf32> to vector<8x512xf32>
    %add3A_32 = arith.addf %get3A_28, %broadcast_in_dim3A_31 : vector<8x512xf32>
    %swap3A_33 = arith.constant 0 : index
    %swap3A_34 = arith.constant 0 : index
    %swap3A_35 = vector.load %arg8[%swap3A_33, %swap3A_34] : memref<8x512xf32, #tpu.memory_space<vmem>>, vector<8x512xf32>
    tpu.vector_store %arg8[%swap3A_33, %swap3A_34], %add3A_32 {strides = array<i32>} : memref<8x512xf32, #tpu.memory_space<vmem>>, vector<8x512xf32>,
    %mul3A = arith.mulf %add3A_19, %add3A_19 : vector<1000x512xf32>
    %reduce_sum3A_36 = arith.constant dense<0.000000e+00> : vector<512xf32>
    %reduce_sum3A_37 = vector.multi_reduction <add>, %mul3A, %reduce_sum3A_36 [0] : vector<1000x512xf32> to vector<512xf32>
    %get3A_38 = arith.constant 0 : index
    %get3A_39 = arith.constant 0 : index
    %get3A_40 = vector.load %arg9[%get3A_38, %get3A_39] : memref<8x512xf32, #tpu.memory_space<vmem>>, vector<8x512xf32>
    %broadcast_in_dim3A_41 = vector.shape_cast %reduce_sum3A_37 : vector<512xf32> to vector<1x512xf32>
    %broadcast_in_dim3A_42 = vector.shape_cast %broadcast_in_dim3A_41 : vector<1x512xf32> to vector<1x512xf32>
    %broadcast_in_dim3A_43 = vector.broadcast %broadcast_in_dim3A_42 : vector<1x512xf32> to vector<8x512xf32>
    %add3A_44 = arith.addf %get3A_40, %broadcast_in_dim3A_43 : vector<8x512xf32>
    %swap3A_45 = arith.constant 0 : index
    %swap3A_46 = arith.constant 0 : index
    %swap3A_47 = vector.load %arg9[%swap3A_45, %swap3A_46] : memref<8x512xf32, #tpu.memory_space<vmem>>, vector<8x512xf32>
    tpu.vector_store %arg9[%swap3A_45, %swap3A_46], %add3A_44 {strides = array<i32>} : memref<8x512xf32, #tpu.memory_space<vmem>>, vector<8x512xf32>,
    return
  }
  func.func @transform_0(%arg0: i32, %arg1: i32) -> (i32, i32) {
    %c0_i32 = arith.constant 0 : i32
    %c0_i32_0 = arith.constant 0 : i32
    return %arg1, %c0_i32 : i32, i32
  }
  func.func @transform_1(%arg0: i32, %arg1: i32) -> (i32, i32) {
    %c0_i32 = arith.constant 0 : i32
    %c0_i32_0 = arith.constant 0 : i32
    return %arg1, %c0_i32 : i32, i32
  }
  func.func @transform_2(%arg0: i32, %arg1: i32) -> (i32, i32) {
    %c0_i32 = arith.constant 0 : i32
    %c0_i32_0 = arith.constant 0 : i32
    return %c0_i32, %arg0 : i32, i32
  }
  func.func @transform_3(%arg0: i32, %arg1: i32) -> (i32, i32) {
    %c0_i32 = arith.constant 0 : i32
    %c0_i32_0 = arith.constant 0 : i32
    return %c0_i32, %arg0 : i32, i32
  }
  func.func @transform_4(%arg0: i32, %arg1: i32) -> (i32, i32) {
    %c0_i32 = arith.constant 0 : i32
    %c0_i32_0 = arith.constant 0 : i32
    return %c0_i32, %arg0 : i32, i32
  }
  func.func @transform_5(%arg0: i32, %arg1: i32) -> (i32, i32) {
    %c0_i32 = arith.constant 0 : i32
    return %arg1, %arg0 : i32, i32
  }
  func.func @transform_6(%arg0: i32, %arg1: i32) -> (i32, i32) {
    %c0_i32 = arith.constant 0 : i32
    %c0_i32_0 = arith.constant 0 : i32
    return %c0_i32, %arg0 : i32, i32
  }
  func.func @transform_7(%arg0: i32, %arg1: i32) -> (i32, i32) {
    %c0_i32 = arith.constant 0 : i32
    %c0_i32_0 = arith.constant 0 : i32
    return %c0_i32, %arg0 : i32, i32
  }
}

module attributes {stable_mosaic.version = 14 : i64} {
  func.func @_t3_body(%arg0: i32, %arg1: i32, %arg2: memref<2000x768xbf16, #tpu.memory_space<vmem>>, %arg3: memref<8x768xf32, #tpu.memory_space<vmem>>, %arg4: memref<8x768xf32, #tpu.memory_space<vmem>>, %arg5: memref<1x768xf32, #tpu.memory_space<vmem>>, %arg6: memref<1x768xf32, #tpu.memory_space<vmem>>, %arg7: memref<768x1024xbf16, #tpu.memory_space<vmem>>, %arg8: memref<2000x1024xf32, #tpu.memory_space<vmem>>) attributes {dimension_semantics = [#tpu.dimension_semantics<arbitrary>, #tpu.dimension_semantics<arbitrary>], iteration_bounds = array<i64: 5, 8>, scalar_prefetch = 0 : i64, scratch_operands = 0 : i64, tpu.core_type = #tpu.core_type<tc>, window_params = [{transform_indices = @transform_0, window_bounds = array<i64: 2000, 768>}, {transform_indices = @transform_1, window_bounds = array<i64: 8, 768>}, {transform_indices = @transform_2, window_bounds = array<i64: 8, 768>}, {transform_indices = @transform_3, window_bounds = array<i64: 1, 768>}, {transform_indices = @transform_4, window_bounds = array<i64: 1, 768>}, {transform_indices = @transform_5, window_bounds = array<i64: 768, 1024>}, {transform_indices = @transform_6, window_bounds = array<i64: 2000, 1024>}]} {
    %get3A = arith.constant 0 : index
    %get3A_0 = arith.constant 0 : index
    %get3A_1 = vector.load %arg3[%get3A, %get3A_0] : memref<8x768xf32, #tpu.memory_space<vmem>>, vector<1x768xf32>
    %get3A_2 = vector.shape_cast %get3A_1 : vector<1x768xf32> to vector<768xf32>
    %mul3A = arith.constant 9.99999974E-5 : f32
    %mul3A_3 = vector.broadcast %mul3A : f32 to vector<768xf32>
    %mul3A_4 = arith.mulf %get3A_2, %mul3A_3 : vector<768xf32>
    %get3A_5 = arith.constant 0 : index
    %get3A_6 = arith.constant 0 : index
    %get3A_7 = vector.load %arg4[%get3A_5, %get3A_6] : memref<8x768xf32, #tpu.memory_space<vmem>>, vector<1x768xf32>
    %get3A_8 = vector.shape_cast %get3A_7 : vector<1x768xf32> to vector<768xf32>
    %mul3A_9 = arith.constant 9.99999974E-5 : f32
    %mul3A_10 = vector.broadcast %mul3A_9 : f32 to vector<768xf32>
    %mul3A_11 = arith.mulf %get3A_8, %mul3A_10 : vector<768xf32>
    %mul3A_12 = arith.mulf %mul3A_4, %mul3A_4 : vector<768xf32>
    %sub3A = arith.subf %mul3A_11, %mul3A_12 : vector<768xf32>
    %get3A_13 = arith.constant 0 : index
    %get3A_14 = arith.constant 0 : index
    %get3A_15 = vector.load %arg5[%get3A_13, %get3A_14] : memref<1x768xf32, #tpu.memory_space<vmem>>, vector<1x768xf32>
    %get3A_16 = vector.shape_cast %get3A_15 : vector<1x768xf32> to vector<768xf32>
    %add3A = arith.constant 9.99999974E-6 : f32
    %add3A_17 = vector.broadcast %add3A : f32 to vector<768xf32>
    %add3A_18 = arith.addf %sub3A, %add3A_17 : vector<768xf32>
    %rsqrt3A = math.rsqrt %add3A_18 : vector<768xf32>
    %mul3A_19 = arith.mulf %get3A_16, %rsqrt3A : vector<768xf32>
    %get3A_20 = arith.constant 0 : index
    %get3A_21 = arith.constant 0 : index
    %get3A_22 = vector.load %arg6[%get3A_20, %get3A_21] : memref<1x768xf32, #tpu.memory_space<vmem>>, vector<1x768xf32>
    %get3A_23 = vector.shape_cast %get3A_22 : vector<1x768xf32> to vector<768xf32>
    %mul3A_24 = arith.mulf %mul3A_4, %mul3A_19 : vector<768xf32>
    %sub3A_25 = arith.subf %get3A_23, %mul3A_24 : vector<768xf32>
    %get3A_26 = arith.constant 0 : index
    %get3A_27 = arith.constant 0 : index
    %get3A_28 = vector.load %arg2[%get3A_26, %get3A_27] : memref<2000x768xbf16, #tpu.memory_space<vmem>>, vector<2000x768xbf16>
    %convert_element_type3A = arith.extf %get3A_28 : vector<2000x768xbf16> to vector<2000x768xf32>
    %broadcast_in_dim3A = vector.shape_cast %mul3A_19 : vector<768xf32> to vector<1x768xf32>
    %mul3A_29 = vector.broadcast %broadcast_in_dim3A : vector<1x768xf32> to vector<2000x768xf32>
    %mul3A_30 = arith.mulf %convert_element_type3A, %mul3A_29 : vector<2000x768xf32>
    %broadcast_in_dim3A_31 = vector.shape_cast %sub3A_25 : vector<768xf32> to vector<1x768xf32>
    %add3A_32 = vector.broadcast %broadcast_in_dim3A_31 : vector<1x768xf32> to vector<2000x768xf32>
    %add3A_33 = arith.addf %mul3A_30, %add3A_32 : vector<2000x768xf32>
    %max3A = arith.constant 0.000000e+00 : f32
    %max3A_34 = vector.broadcast %max3A : f32 to vector<2000x768xf32>
    %max3A_35 = arith.maximumf %add3A_33, %max3A_34 : vector<2000x768xf32>
    %convert_element_type3A_36 = arith.truncf %max3A_35 : vector<2000x768xf32> to vector<2000x768xbf16>
    %iota3A = tpu.iota {dimensions = array<i32: 0>} : vector<768x1024xi32>
    %mul3A_37 = arith.constant 768 : i32
    %mul3A_38 = arith.muli %arg1, %mul3A_37 : i32
    %add3A_39 = vector.broadcast %mul3A_38 : i32 to vector<768x1024xi32>
    %add3A_40 = arith.addi %iota3A, %add3A_39 : vector<768x1024xi32>
    %iota3A_41 = tpu.iota {dimensions = array<i32: 1>} : vector<768x1024xi32>
    %lt3A = arith.constant 6000 : i32
    %lt3A_42 = vector.broadcast %lt3A : i32 to vector<768x1024xi32>
    %lt3A_43 = arith.cmpi slt, %add3A_40, %lt3A_42 : vector<768x1024xi32>
    %lt3A_44 = arith.constant 1000 : i32
    %lt3A_45 = vector.broadcast %lt3A_44 : i32 to vector<768x1024xi32>
    %lt3A_46 = arith.cmpi slt, %iota3A_41, %lt3A_45 : vector<768x1024xi32>
    %and3A = arith.andi %lt3A_43, %lt3A_46 : vector<768x1024xi1>
    %get3A_47 = arith.constant 0 : index
    %get3A_48 = arith.constant 0 : index
    %get3A_49 = vector.load %arg7[%get3A_47, %get3A_48] : memref<768x1024xbf16, #tpu.memory_space<vmem>>, vector<768x1024xbf16>
    %jit3A = arith.constant 0.000000e+00 : bf16
    %broadcast_in_dim3A_50 = vector.broadcast %jit3A : bf16 to vector<768x1024xbf16>
    %select_n3A = arith.select %and3A, %get3A_49, %broadcast_in_dim3A_50 : vector<768x1024xi1>, vector<768x1024xbf16>
    %eq3A = arith.constant 0 : i32
    %eq3A_51 = arith.cmpi eq, %arg1, %eq3A : i32
    %convert_element_type3A_52 = arith.extui %eq3A_51 : i1 to i32
    %cond3A = arith.constant 0 : i32
    %cond3A_53 = arith.cmpi ne, %convert_element_type3A_52, %cond3A : i32
    scf.if %cond3A_53 {
      %broadcast_in_dim3A_61 = arith.constant 0.000000e+00 : f32
      %broadcast_in_dim3A_62 = vector.broadcast %broadcast_in_dim3A_61 : f32 to vector<2000x1024xf32>
      %swap3A_63 = arith.constant 0 : index
      %swap3A_64 = arith.constant 0 : index
      %swap3A_65 = vector.load %arg8[%swap3A_63, %swap3A_64] : memref<2000x1024xf32, #tpu.memory_space<vmem>>, vector<2000x1024xf32>
      tpu.vector_store %arg8[%swap3A_63, %swap3A_64], %broadcast_in_dim3A_62 {strides = array<i32>} : memref<2000x1024xf32, #tpu.memory_space<vmem>>, vector<2000x1024xf32>,
    } else {
    }
    %get3A_54 = arith.constant 0 : index
    %get3A_55 = arith.constant 0 : index
    %get3A_56 = vector.load %arg8[%get3A_54, %get3A_55] : memref<2000x1024xf32, #tpu.memory_space<vmem>>, vector<2000x1024xf32>
    %dot_general3A = arith.constant dense<0.000000e+00> : vector<2000x1024xf32>
    %dot_general3A_57 = tpu.matmul %convert_element_type3A_36, %select_n3A, %dot_general3A {dimension_numbers = #tpu.dot_dimension_numbers<[1], [0], [0], [1], [0, 0, 1, 1], [], []>, transpose_lhs_hint = false} : vector<2000x768xbf16>, vector<768x1024xbf16>, vector<2000x1024xf32> -> vector<2000x1024xf32>
    %add3A_58 = arith.addf %get3A_56, %dot_general3A_57 : vector<2000x1024xf32>
    %swap3A = arith.constant 0 : index
    %swap3A_59 = arith.constant 0 : index
    %swap3A_60 = vector.load %arg8[%swap3A, %swap3A_59] : memref<2000x1024xf32, #tpu.memory_space<vmem>>, vector<2000x1024xf32>
    tpu.vector_store %arg8[%swap3A, %swap3A_59], %add3A_58 {strides = array<i32>} : memref<2000x1024xf32, #tpu.memory_space<vmem>>, vector<2000x1024xf32>,
    return
  }
  func.func @transform_0(%arg0: i32, %arg1: i32) -> (i32, i32) {
    %c0_i32 = arith.constant 0 : i32
    return %arg0, %arg1 : i32, i32
  }
  func.func @transform_1(%arg0: i32, %arg1: i32) -> (i32, i32) {
    %c0_i32 = arith.constant 0 : i32
    %c0_i32_0 = arith.constant 0 : i32
    return %c0_i32, %arg1 : i32, i32
  }
  func.func @transform_2(%arg0: i32, %arg1: i32) -> (i32, i32) {
    %c0_i32 = arith.constant 0 : i32
    %c0_i32_0 = arith.constant 0 : i32
    return %c0_i32, %arg1 : i32, i32
  }
  func.func @transform_3(%arg0: i32, %arg1: i32) -> (i32, i32) {
    %c0_i32 = arith.constant 0 : i32
    %c0_i32_0 = arith.constant 0 : i32
    return %c0_i32, %arg1 : i32, i32
  }
  func.func @transform_4(%arg0: i32, %arg1: i32) -> (i32, i32) {
    %c0_i32 = arith.constant 0 : i32
    %c0_i32_0 = arith.constant 0 : i32
    return %c0_i32, %arg1 : i32, i32
  }
  func.func @transform_5(%arg0: i32, %arg1: i32) -> (i32, i32) {
    %c0_i32 = arith.constant 0 : i32
    %c0_i32_0 = arith.constant 0 : i32
    return %arg1, %c0_i32 : i32, i32
  }
  func.func @transform_6(%arg0: i32, %arg1: i32) -> (i32, i32) {
    %c0_i32 = arith.constant 0 : i32
    %c0_i32_0 = arith.constant 0 : i32
    return %arg0, %c0_i32 : i32, i32
  }
}

module attributes {stable_mosaic.version = 14 : i64} {
  func.func @_t4_body(%arg0: i32, %arg1: i32, %arg2: memref<1x1000x128xf32, #tpu.memory_space<vmem>>, %arg3: memref<1000x8xf32, #tpu.memory_space<vmem>>, %arg4: memref<1000x128xf32, #tpu.memory_space<vmem>>, %arg5: memref<1x128xf32, #tpu.memory_space<vmem>>, %arg6: memref<1000x128xf32, #tpu.memory_space<vmem>>) attributes {dimension_semantics = [#tpu.dimension_semantics<arbitrary>, #tpu.dimension_semantics<arbitrary>], iteration_bounds = array<i64: 8, 10>, scalar_prefetch = 0 : i64, scratch_operands = 0 : i64, tpu.core_type = #tpu.core_type<tc>, window_params = [{transform_indices = @transform_0, window_bounds = array<i64: 1, 1000, 128>}, {transform_indices = @transform_1, window_bounds = array<i64: 1000, 8>}, {transform_indices = @transform_2, window_bounds = array<i64: 1000, 128>}, {transform_indices = @transform_3, window_bounds = array<i64: 1, 128>}, {transform_indices = @transform_4, window_bounds = array<i64: 1000, 128>}]} {
    %get3A = arith.constant 0 : index
    %get3A_0 = arith.constant 0 : index
    %get3A_1 = vector.load %arg3[%get3A, %get3A_0] : memref<1000x8xf32, #tpu.memory_space<vmem>>, vector<1000x1xf32>
    %get3A_2 = vector.shape_cast %get3A_1 : vector<1000x1xf32> to vector<1000xf32>
    %get3A_3 = arith.constant 0 : index
    %get3A_4 = arith.constant 0 : index
    %get3A_5 = arith.constant 0 : index
    %get3A_6 = vector.load %arg2[%get3A_3, %get3A_4, %get3A_5] : memref<1x1000x128xf32, #tpu.memory_space<vmem>>, vector<1x1000x128xf32>
    %get3A_7 = vector.shape_cast %get3A_6 : vector<1x1000x128xf32> to vector<1000x128xf32>
    %broadcast_in_dim3A = vector.shape_cast %get3A_2 : vector<1000xf32> to vector<1000x1xf32>
    %mul3A = vector.broadcast %broadcast_in_dim3A : vector<1000x1xf32> to vector<1000x128xf32>
    %mul3A_8 = arith.mulf %get3A_7, %mul3A : vector<1000x128xf32>
    %get3A_9 = arith.constant 0 : index
    %get3A_10 = arith.constant 0 : index
    %get3A_11 = vector.load %arg5[%get3A_9, %get3A_10] : memref<1x128xf32, #tpu.memory_space<vmem>>, vector<1x128xf32>
    %get3A_12 = vector.shape_cast %get3A_11 : vector<1x128xf32> to vector<128xf32>
    %broadcast_in_dim3A_13 = vector.shape_cast %get3A_12 : vector<128xf32> to vector<1x128xf32>
    %add3A = vector.broadcast %broadcast_in_dim3A_13 : vector<1x128xf32> to vector<1000x128xf32>
    %add3A_14 = arith.addf %mul3A_8, %add3A : vector<1000x128xf32>
    %get3A_15 = arith.constant 0 : index
    %get3A_16 = arith.constant 0 : index
    %get3A_17 = vector.load %arg4[%get3A_15, %get3A_16] : memref<1000x128xf32, #tpu.memory_space<vmem>>, vector<1000x128xf32>
    %add3A_18 = arith.addf %add3A_14, %get3A_17 : vector<1000x128xf32>
    %swap3A = arith.constant 0 : index
    %swap3A_19 = arith.constant 0 : index
    %swap3A_20 = vector.load %arg6[%swap3A, %swap3A_19] : memref<1000x128xf32, #tpu.memory_space<vmem>>, vector<1000x128xf32>
    tpu.vector_store %arg6[%swap3A, %swap3A_19], %add3A_18 {strides = array<i32>} : memref<1000x128xf32, #tpu.memory_space<vmem>>, vector<1000x128xf32>,
    return
  }
  func.func @transform_0(%arg0: i32, %arg1: i32) -> (i32, i32, i32) {
    %c0_i32 = arith.constant 0 : i32
    %c0_i32_0 = arith.constant 0 : i32
    return %arg0, %arg1, %c0_i32 : i32, i32, i32
  }
  func.func @transform_1(%arg0: i32, %arg1: i32) -> (i32, i32) {
    %c0_i32 = arith.constant 0 : i32
    %c0_i32_0 = arith.constant 0 : i32
    return %arg1, %c0_i32 : i32, i32
  }
  func.func @transform_2(%arg0: i32, %arg1: i32) -> (i32, i32) {
    %c0_i32 = arith.constant 0 : i32
    return %arg1, %arg0 : i32, i32
  }
  func.func @transform_3(%arg0: i32, %arg1: i32) -> (i32, i32) {
    %c0_i32 = arith.constant 0 : i32
    %c0_i32_0 = arith.constant 0 : i32
    return %c0_i32, %arg0 : i32, i32
  }
  func.func @transform_4(%arg0: i32, %arg1: i32) -> (i32, i32) {
    %c0_i32 = arith.constant 0 : i32
    return %arg1, %arg0 : i32, i32
  }
}

</mosaic_0001>

<sc_bundles>
// kernel: kernel.11.cloned.1.call-start
scs
__scs_entry_jumppad:
0x0: {  	(pc) =	sbr.rel $0x88, $3  }
0x1: {  	(tag) =	ssettag $0x0;
	lr =	simm.s32 $0x1  }
0x2: {  	[smem:$0x3F95] =	sst lr;
	_ =	strace $0xD0000000  }
0x3: {  	_ = 	snop  }
0x4: {  	_ = 	snop  }
0x5: {  	_ = 	snop  }
0x6: {  	_ = 	snop  }
0x7: {  	_ = 	snop  }
__scs_overlays_trampoline_lowered:
0x8: {  	[smem:$0x3FA4] =	sst s0  }
0x9: {  	[smem:$0x3FA5] =	sst s1  }
0xa: {  	[smem:$0x3FA6] =	sst s2  }
0xb: {  	[smem:$0x3FA7] =	sst s3  }
0xc: {  	[smem:$0x3FA8] =	sst s4  }
0xd: {  	[smem:$0x3FA9] =	sst s5  }
0xe: {  	[smem:$0x3FAA] =	sst s6  }
0xf: {  	[smem:$0x3FAB] =	sst s7  }
0x10: {  	[smem:$0x3FAC] =	sst s8  }
0x11: {  	[smem:$0x3FAD] =	sst s9;
	s0 =	simm.s32 @!p0 $0x0  }
0x12: {  	s1 =	sld [smem:$0x3F93];
	s0 =	simm.s32 @p0 $0x1  }
0x13: {  	[smem:$0x3FAE] =	sst s0;
	s0 =	simm.s32 @!p1 $0x0  }
0x14: {  	s2 =	sld [smem:$0x3F92];
	s0 =	simm.s32 @p1 $0x1  }
0x15: {  	[smem:$0x3FAF] =	sst s0;
	s0 =	simm.s32 @!p2 $0x0  }
0x16: {  	s3 =	sld [smem:$0x3FDB];
	s0 =	simm.s32 @p2 $0x1  }
0x17: {  	s4 =	simm.s32 $0x1BF5;
	[smem:$0x3FB1] =	sst s0  }
0x18: {  	s0 =	sld [smem:$0x3F94];
	_ =	swait.ge [sflag:s4], $0x0  }
0x19: {  	s7 =	sld [smem:$0x3F95]  }
0x1a: {  	s8 =	sadd.s32 $0xFFFFE003, lr  }
0x1b: {  	s9 =	sadd.s32 $0xFFFFFEF7, lr;
	s5 =	simm.s32 $0xFFFFFFFF;
	p2 =	slt.u32 s8, $0xFFFFF086  }
0x1c: {  	p1 =	slt.u32 s9, $0xF7A;
	s5 =	simm.s32 @!p2 $0x0  }
0x1d: {  	s5 =	simm.s32 @p1 $0x1;
	p0 =	seq.s32 s7, s2  }
0x1e: {  	s7 =	smul.u32 @!p0 $0xF7A, s2;
	p2 =	seq.s32 @!p0 s5, $0x0  }
0x1f: {  	s9 =	smul.u32 $0xF7A, s1;
	s8 =	simm.s32 @!p0 $0x1BF5;
	p2 =	por !p2, p0  }
0x20: {  	[sflag:s8] =	ssyncset.s32 @!p0 $0xFFFFF086;
	s6 =	sadd.s32 @!p0 s3, s7;
	s7 =	simm.s32 @!p0 $0x108  }
0x21: {  	s3 =	sadd.s32 s3, s9;
	s6 =	sadd.s32 @!p0 $0x88, s6;
	s7 =	simm.s32 @p2 $0x1082  }
0x22: {  	[simem:s7], [sflag:s8] =	dma.local @!p0 [hbm:s6], $0xF7A  }
0x23: {  	s9 =	sor.u32 $0xD0000000, s2;
	s6 =	simm.s32 $0x108;
	_ =	swait.ge @!p0 [sflag:s8], $0x0  }
0x24: {  	s3 =	sadd.s32 $0x88, s3;
	s6 =	simm.s32 @!p1 $0x1082;
	[sflag:s4] =	ssyncset.s32 $0xFFFFF086  }
0x25: {  	[simem:s6], [sflag:s4] =	dma.local [hbm:s3], $0xF7A  }
0x26: {  	[smem:$0x3F95] =	sst s1;
	(tag) =	ssettag s2;
	_ =	strace s9  }
0x27: {  	s1 =	sld [smem:$0x3FA5]  }
0x28: {  	s2 =	sld [smem:$0x3FA6]  }
0x29: {  	s4 =	sld [smem:$0x3FA8]  }
0x2a: {  	p0 =	seq.s32 s5, $0x0;
	s5 =	sld [smem:$0x3FA9]  }
0x2b: {  	s6 =	sld [smem:$0x3FAA]  }
0x2c: {  	s7 =	sld [smem:$0x3FAB]  }
0x2d: {  	s3 =	simm.s32 $0x108;
	s8 =	sld [smem:$0x3FAC]  }
0x2e: {  	s3 =	simm.s32 @!p0 $0x1082;
	s9 =	sld [smem:$0x3FAD]  }
0x2f: {  	lr =	sadd.s32 s0, s3;
	s0 =	sld [smem:$0x3FA4]  }
0x30: {  	s3 =	sld [smem:$0x3FA7]  }
0x31: {  	[smem:$0x3FB0] =	sst s10  }
0x32: {  	s10 =	sld [smem:$0x3FAE];
	_ =	sdelay $0x3  }
0x33: {  	p0 =	seq.s32 s10, $0x1;
	s10 =	sld [smem:$0x3FB0];
	_ =	sdelay $0x3  }
0x34: {  	[smem:$0x3FB0] =	sst s10  }
0x35: {  	s10 =	sld [smem:$0x3FAF];
	_ =	sdelay $0x3  }
0x36: {  	p1 =	seq.s32 s10, $0x1;
	s10 =	sld [smem:$0x3FB0];
	_ =	sdelay $0x3  }
0x37: {  	[smem:$0x3FB0] =	sst s10  }
0x38: {  	s10 =	sld [smem:$0x3FB1]  }
0x39: {  	_ = 	snop;
	(pc) =	sbr.ind lr, $3  }
0x3a: {  	_ = 	snop  }
0x3b: {  	_ = 	snop  }
0x3c: {  	p2 =	seq.s32 s10, $0x1;
	s10 =	sld [smem:$0x3FB0]  }
0x3d: {  	_ =	shalt  }
0x3e: {  	_ =	shalt  }
0x3f: {  	_ =	shalt  }
0x40: {  	_ =	shalt  }
0x41: {  	_ =	shalt  }
0x42: {  	_ =	shalt  }
0x43: {  	_ =	shalt  }
0x44: {  	_ =	shalt  }
0x45: {  	_ =	shalt  }
0x46: {  	_ =	shalt  }
0x47: {  	_ =	shalt  }
0x48: {  	_ =	shalt  }
0x49: {  	_ =	shalt  }
0x4a: {  	_ =	shalt  }
0x4b: {  	_ =	shalt  }
0x4c: {  	_ =	shalt  }
0x4d: {  	_ =	shalt  }
0x4e: {  	_ =	shalt  }
0x4f: {  	_ =	shalt  }
0x50: {  	_ =	shalt  }
0x51: {  	_ =	shalt  }
0x52: {  	_ =	shalt  }
0x53: {  	_ =	shalt  }
0x54: {  	_ =	shalt  }
0x55: {  	_ =	shalt  }
0x56: {  	_ =	shalt  }
0x57: {  	_ =	shalt  }
0x58: {  	_ =	shalt  }
0x59: {  	_ =	shalt  }
0x5a: {  	_ =	shalt  }
0x5b: {  	_ =	shalt  }
0x5c: {  	_ =	shalt  }
0x5d: {  	_ =	shalt  }
0x5e: {  	_ =	shalt  }
0x5f: {  	_ =	shalt  }
0x60: {  	_ =	shalt  }
0x61: {  	_ =	shalt  }
0x62: {  	_ =	shalt  }
0x63: {  	_ =	shalt  }
0x64: {  	_ =	shalt  }
0x65: {  	_ =	shalt  }
0x66: {  	_ =	shalt  }
0x67: {  	_ =	shalt  }
0x68: {  	_ =	shalt  }
0x69: {  	_ =	shalt  }
0x6a: {  	_ =	shalt  }
0x6b: {  	_ =	shalt  }
0x6c: {  	_ =	shalt  }
0x6d: {  	_ =	shalt  }
0x6e: {  	_ =	shalt  }
0x6f: {  	_ =	shalt  }
0x70: {  	_ =	shalt  }
0x71: {  	_ =	shalt  }
0x72: {  	_ =	shalt  }
0x73: {  	_ =	shalt  }
0x74: {  	_ =	shalt  }
0x75: {  	_ =	shalt  }
0x76: {  	_ =	shalt  }
0x77: {  	_ =	shalt  }
0x78: {  	_ =	shalt  }
0x79: {  	_ =	shalt  }
0x7a: {  	_ =	shalt  }
0x7b: {  	_ =	shalt  }
0x7c: {  	_ =	shalt  }
0x7d: {  	_ =	shalt  }
0x7e: {  	_ =	shalt  }
0x7f: {  	_ =	shalt  }
0x80: {  	_ =	shalt  }
0x81: {  	_ =	shalt  }
0x82: {  	_ =	shalt  }
0x83: {  	_ =	shalt  }
0x84: {  	_ =	shalt  }
0x85: {  	_ =	shalt  }
0x86: {  	_ =	shalt  }
0x87: {  	_ =	shalt  }
.Lfunc_end0:
.L_simem_size_0:
called_computation_lowered:
.L_overlay_start_0:
0x88: {  	s2 =	sld [smem:$0x3FD9]  }
0x89: {  	s3 =	sld [smem:$0x3FFE];
	_ =	sdelay $0x1  }
0x8a: {  	s1 =	srdreg.scid  }
0x8b: {  	s0 =	sand.u32 $0x1, s1  }
0x8c: {  	s17 =	sshll.u32 s0, $0xA;
	s2 =	sadd.s32 s3, s2  }
0x8d: {  	s2 =	sadd.s32 s2, s17  }
0x8e: {  	[smem:$0x3FBC] =	sst s2  }
0x8f: {  	_ = 	snop  }
0x90: {  	s18 =	sld [smem:$0x3FD0];
	(tm) =	ssettm $0x1  }
0x91: {  	s19 =	sld [smem:$0x3FFB];
	_ =	sdelay $0x3  }
0x92: {  	_ =	strace s19  }
0x93: {  	s2 =	sld [smem:$0x3FFC];
	_ =	sdelay $0x3  }
0x94: {  	_ =	strace s2  }
0x95: {  	s2 =	sld [smem:$0x3FFD];
	_ =	sdelay $0x3  }
0x96: {  	_ =	strace s2  }
0x97: {  	_ =	strace $0x8FFFFFFF  }
0x98: {  	s20 =	sld [smem:$0x3FDB];
	_ =	sdelay $0x1  }
0x99: {  	s4 =	simm.s32 $_scs_section_size  }
0x9a: {  	s5 =	simm.s32 $_size__tile_overlayer_lowered;
	s6 =	simm.s32 $_tile_overlayer_lowered  }
0x9b: {  	s7 =	simm.s32 $0x1BFF;
	s21 =	sshll.u32 s6, $0x1;
	s4 =	sadd.s32 s4, s20  }
0x9c: {  	s22 =	simm.s32 $0x0;
	s5 =	sshll.u32 s5, $0x1;
	s6 =	sadd.s32 s21, s4  }
0x9d: {  	[timem:s22], [sflag:s7] =	dma.local [hbm:s6], s5  }
0x9e: {  	_ =	swait.ge [sflag:s7], s5  }
0x9f: {  	s5 =	ssub.s32 $0x0, s5;
	[sflag:s7] =	ssyncset.done $0x0  }
0xa0: {  	[sflag:s7] =	ssyncadd.s32 s5;
	_ =	sdelay $0x1  }
0xa1: {  	s23 =	simm.s32 $0x1B8B  }
0xa2: {  	_ =	swait.ge [sflag:s23], $0x1  }
0xa3: {  	[sflag:s23] =	ssyncset.done $0x0  }
0xa4: {  	[sflag:s23] =	ssyncadd.s32 $0xFFFFFFFF  }
0xa5: {  	s5 =	sld [smem:$0x0]  }
0xa6: {  	s6 =	sand.u32 $0xFFFFFFFE, s1  }
0xa7: {  	p0 =	sne.s32 s1, s6  }
0xa8: {  	s6 =	sshll.u32 @p0 s6, $0xE  }
0xa9: {  	s6 =	sadd.s32 @p0 $0x11B8D, s6;
	s7 =	sshll.u32 @p0 s5, $0x11  }
0xaa: {  	s6 =	sor.u32 @p0 s7, s6  }
0xab: {  	[sflag:s6] =	ssyncadd.remote.s32 @p0 $0x1;
	_ =	sdelay $0x1  }
0xac: {  	s6 =	simm.s32 @p0 $0x1B8D  }
0xad: {  	_ =	swait.eq @p0 [sflag:s6], $0x1  }
0xae: {  	[sflag:s6] =	ssyncadd.s32 @p0 $0xFFFFFFFF  }
0xaf: {  	s7 =	sshll.u32 @!p0 s1, $0xE  }
0xb0: {  	s7 =	sor.u32 @!p0 $0x4000, s7;
	s6 =	simm.s32 @!p0 $0x1B8D  }
0xb1: {  	s5 =	sshll.u32 @!p0 s5, $0x11;
	s7 =	sadd.s32 @!p0 $0x11B8D, s7;
	_ =	swait.eq @!p0 [sflag:s6], $0x1  }
0xb2: {  	s5 =	sor.u32 @!p0 s5, s7;
	[sflag:s6] =	ssyncadd.s32 @!p0 $0xFFFFFFFF  }
0xb3: {  	s25 =	simm.s32 $0x1B8E;
	s24 =	sld [smem:$0x3FFE];
	[sflag:s5] =	ssyncadd.remote.s32 @!p0 $0x1  }
0xb4: {  	s26 =	simm.s32 $execute0_lowered;
	[smem:$0x3FD2] =	sst s25  }
0xb5: {  	s6 =	sshll.u32 s26, $0x1;
	_ =	strace $0x80000049;
	[dreg:$0x1] =	wrdreg $0xFFFFFFFF  }
0xb6: {  	s28 =	simm.s32 $_size_execute0_lowered;
	s4 =	sadd.s32 s4, s6;
	[dreg:$0x0] =	wrdreg $0x0  }
0xb7: {  	s6 =	sshll.u32 s28, $0x1;
	[dreg:$0x2] =	wrdreg s4  }
0xb8: {  	[dreg:$0x3] =	wrdreg s6  }
0xb9: {  	[dreg:$0x4] =	wrdreg $0xC0  }
0xba: {  	_ =	task [dreg:s22], $0x5FFFF  }
0xbb: {  	[dreg:$0x1] =	wrdreg $0xFFFFFFFF  }
0xbc: {  	[dreg:$0x0] =	wrdreg $0x60  }
0xbd: {  	[dreg:$0x2] =	wrdreg s24  }
0xbe: {  	[dreg:$0x3] =	wrdreg s18  }
0xbf: {  	[dreg:$0x4] =	wrdreg $0x0  }
0xc0: {  	[dreg:$0x5] =	wrdreg $0x9  }
0xc1: {  	_ =	task.clear_ibuf [dreg:s22], $0x6FFFF;
	_ =	strace $0x90000049  }
0xc2: {  	s29 =	simm.s32 $0x9;
	_ =	strace $0x8000004B  }
0xc3: {  	_ =	swait.ge [sflag:s29], $0x1  }
0xc4: {  	[sflag:s29] =	ssyncadd.s32 $0xFFFFFFFF  }
0xc5: {  	_ =	strace $0x9000004B  }
0xc6: {  	_ =	sfence  }
0xc7: {  	s30 =	sld [smem:$0x0];
	_ =	sdelay $0x2  }
0xc8: {  	s31 =	sshll.u32 s1, $0xD;
	s1 =	sshrl.u32 s1, $0x2  }
0xc9: {  	s4 =	sand.u32 $0x4000, s31;
	s1 =	sadd.s32 s1, s30  }
0xca: {  	s0 =	sor.u32 s4, s0;
	s1 =	sshll.u32 s1, $0x11  }
0xcb: {  	s0 =	sor.u32 s1, s0  }
0xcc: {  	s0 =	sadd.s32 $0x8F2B, s0  }
0xcd: {  	[sflag:s0] =	ssyncadd.remote.s32 $0x1  }
0xce: {  	_ =	sfence.sel $0xFFFF  }
0xcf: {  	[dreg:$0x0] =	wrdreg $0xFFFFFFFF;
	(pc) =	sbr.abs _section_cstart, $3  }
0xd0: {  	[dreg:$0x1] =	wrdreg $0xFFFFFFFF  }
0xd1: {  	_ =	task.clear_ibuf [dreg:s22], $0x2FFFF;
	_ =	strace $0x9FFFFFFF  }
0xd2: {  	(tm) =	ssettm $0x7FFFFFFF  }
0xd3: {  	_ =	shalt  }
tec
execute0_lowered:
.L_overlay_start_1:
0x0: {  	(tag) =	ssettag $0x1  }
0x1: {  	s0 =	rddreg [dreg:$0x0]  }
0x2: {  	s1 =	srdreg.scid;
	s7 =	rddreg [dreg:$0x1]  }
0x3: {  	s2 =	rddreg [dreg:$0x2];
	s11 =	stileid.u32  }
0x4: {  	s3 =	simm.s32 $0x0;
	s17 =	simm.s32 $0x15400;
	s18 =	simm.s32 $0x80  }
0x5: {  	s19 =	simm.s32 $0x14E80;
	s20 =	simm.s32 $0x14F00;
	s21 =	simm.s32 $0x14F80  }
0x6: {  	s22 =	simm.s32 $0x15000;
	s23 =	simm.s32 $0x15080;
	s24 =	simm.s32 $0x15100  }
0x7: {  	s28 =	simm.s32 $0x15280;
	s29 =	simm.s32 $0x15300;
	s30 =	simm.s32 $0x15380  }
0x8: {  	s31 =	simm.s32 $0x1;
	s1 =	sand.u32 $0x1, s1;
	s8 =	smul.u32 $0x50000, s11  }
0x9: {  	[smem:$0x7FF] =	sst s3;
	s5 =	sadd.s32 $0x84E00, s0;
	s10 =	smul.u32 $0x14000, s11  }
0xa: {  	s26 =	sshll.u32 s11, $0x6;
	s4 =	sshll.u32 s1, $0x4;
	_ =	strace $0x8000004A  }
0xb: {  	s25 =	ssub.s32 $0x2, s1;
	s1 =	smul.u32 $0x140000, s1;
	s4 =	sor.u32 s11, s4  }
0xc: {  	s9 =	sshrl.u32 s25, $0x1;
	s8 =	sshrl.u32 s8, $0x2;
	s11 =	sor.u32 $0x1C02, s26  }
0xd: {  	s26 =	simm.s32 $0x15200;
	s4 =	smul.u32 $0x280, s4;
	s12 =	sadd.s32 s8, s2  }
0xe: {  	s1 =	sadd.s32 s10, s1;
	s10 =	simm.s32 $0x2;
	s13 =	sadd.s32 $0x4000, s12  }
0xf: {  	s14 =	sadd.s32 $0x8000, s12;
	s15 =	sadd.s32 $0xC000, s12;
	s16 =	sadd.s32 $0x10000, s12  }
0x10: {  	s1 =	sshrl.u32 s1, $0x3;
	s12 =	sshrl.u32 s12, $0x3;
	s6 =	sadd.s32 s4, s0  }
0x11: {  	s4 =	sadd.s32 $0x34600, s0;
	s0 =	ssub.s32 s25, s9;
	s7 =	sadd.s32 s7, s1  }
0x12: {  	s9 =	simm.s32 $0x14000;
	s13 =	sshrl.u32 s13, $0x3;
	s14 =	sshrl.u32 s14, $0x3  }
0x13: {  	s15 =	sshrl.u32 s15, $0x3;
	s16 =	sshrl.u32 s16, $0x3;
	s25 =	simm.s32 $0x15180  }
0x14: {  	s6 =	sadd.s32 $0x2F600, s6;
	s8 =	smax.u32 s0, $0x1;
	s0 =	simm.s32 $0x0  }
.LBB2_1:
0x15: {  	[tilespmem:s9], [sflag:$0x2] =	stream.linear.gather [hbm4b:s6+s3], $0x1400, $0x38;
	[tilespmem:$0x19400] =	vst v63  }
0x16: {  	_ =	swait.ge [sflag:s10], $0x1400  }
0x17: {  	[sflag:s10] =	ssyncset.done $0x0  }
0x18: {  	[sflag:s10] =	ssyncadd.s32 $0xFFFFEC00  }
0x19: {  	[spmem:s12], [sflag:s11] =	dma.local [hbm:s4], $0x800  }
0x1a: {  	_ =	swait.ge [sflag:s10], $0x800  }
0x1b: {  	[sflag:s10] =	ssyncset.done $0x0  }
0x1c: {  	[sflag:s10] =	ssyncadd.s32 $0xFFFFF800  }
0x1d: {  	[spmem:s13], [sflag:s11] =	dma.local [hbm:s4], $0x800  }
0x1e: {  	_ =	swait.ge [sflag:s10], $0x800  }
0x1f: {  	[sflag:s10] =	ssyncset.done $0x0  }
0x20: {  	[sflag:s10] =	ssyncadd.s32 $0xFFFFF800  }
0x21: {  	[spmem:s14], [sflag:s11] =	dma.local [hbm:s4], $0x800  }
0x22: {  	_ =	swait.ge [sflag:s10], $0x800  }
0x23: {  	[sflag:s10] =	ssyncset.done $0x0  }
0x24: {  	[sflag:s10] =	ssyncadd.s32 $0xFFFFF800  }
0x25: {  	[spmem:s15], [sflag:s11] =	dma.local [hbm:s4], $0x800  }
0x26: {  	_ =	swait.ge [sflag:s10], $0x800  }
0x27: {  	[sflag:s10] =	ssyncset.done $0x0  }
0x28: {  	[sflag:s10] =	ssyncadd.s32 $0xFFFFF800  }
0x29: {  	[spmem:s16], [sflag:s11] =	dma.local [hbm:s4], $0x800  }
0x2a: {  	_ =	swait.ge [sflag:s10], $0x800  }
0x2b: {  	[sflag:s10] =	ssyncset.done $0x0  }
0x2c: {  	[sflag:s10] =	ssyncadd.s32 $0xFFFFF800  }
0x2d: {  	[tilespmem:s17], [sflag:$0x2] =	stream.linear.gather [hbm4b:s5+s3], $0x4000, $0x38;
	[tilespmem:$0x19400] =	vst v63  }
0x2e: {  	_ =	swait.ge [sflag:s10], $0x4000  }
0x2f: {  	[sflag:s10] =	ssyncset.done $0x0  }
0x30: {  	[sflag:s10] =	ssyncadd.s32 $0xFFFFC000  }
0x31: {  	[bflag:$0x0] =	sbarrier.arrive $0xFFFF  }
0x32: {  	[spmem:s2] =	stream.indirect.scatter.add.f32 [tilespmem:s17], [sflag:$0x1], $0x80, s9, s18, $0xb8;
	[tilespmem:$0x19400] =	vst v63  }
0x33: {  	s1 =	simm.s32 $0x14080  }
0x34: {  	[spmem:s2] =	stream.indirect.scatter.add.f32 [tilespmem:s17], [sflag:$0x1], $0x80, s1, s18, $0xb8;
	[tilespmem:$0x19400] =	vst v63  }
0x35: {  	s1 =	simm.s32 $0x14100  }
0x36: {  	[spmem:s2] =	stream.indirect.scatter.add.f32 [tilespmem:s17], [sflag:$0x1], $0x80, s1, s18, $0xb8;
	[tilespmem:$0x19400] =	vst v63  }
0x37: {  	s1 =	simm.s32 $0x14180  }
0x38: {  	[spmem:s2] =	stream.indirect.scatter.add.f32 [tilespmem:s17], [sflag:$0x1], $0x80, s1, s18, $0xb8;
	[tilespmem:$0x19400] =	vst v63  }
0x39: {  	s1 =	simm.s32 $0x14200  }
0x3a: {  	[spmem:s2] =	stream.indirect.scatter.add.f32 [tilespmem:s17], [sflag:$0x1], $0x80, s1, s18, $0xb8;
	[tilespmem:$0x19400] =	vst v63  }
0x3b: {  	s1 =	simm.s32 $0x14280  }
0x3c: {  	[spmem:s2] =	stream.indirect.scatter.add.f32 [tilespmem:s17], [sflag:$0x1], $0x80, s1, s18, $0xb8;
	[tilespmem:$0x19400] =	vst v63  }
0x3d: {  	s1 =	simm.s32 $0x14300  }
0x3e: {  	[spmem:s2] =	stream.indirect.scatter.add.f32 [tilespmem:s17], [sflag:$0x1], $0x80, s1, s18, $0xb8;
	[tilespmem:$0x19400] =	vst v63  }
0x3f: {  	s1 =	simm.s32 $0x14380  }
0x40: {  	[spmem:s2] =	stream.indirect.scatter.add.f32 [tilespmem:s17], [sflag:$0x1], $0x80, s1, s18, $0xb8;
	[tilespmem:$0x19400] =	vst v63  }
0x41: {  	s1 =	simm.s32 $0x14400  }
0x42: {  	[spmem:s2] =	stream.indirect.scatter.add.f32 [tilespmem:s17], [sflag:$0x1], $0x80, s1, s18, $0xb8;
	[tilespmem:$0x19400] =	vst v63  }
0x43: {  	s1 =	simm.s32 $0x14480  }
0x44: {  	[spmem:s2] =	stream.indirect.scatter.add.f32 [tilespmem:s17], [sflag:$0x1], $0x80, s1, s18, $0xb8;
	[tilespmem:$0x19400] =	vst v63  }
0x45: {  	s1 =	simm.s32 $0x14500  }
0x46: {  	[spmem:s2] =	stream.indirect.scatter.add.f32 [tilespmem:s17], [sflag:$0x1], $0x80, s1, s18, $0xb8;
	[tilespmem:$0x19400] =	vst v63  }
0x47: {  	s1 =	simm.s32 $0x14580  }
0x48: {  	[spmem:s2] =	stream.indirect.scatter.add.f32 [tilespmem:s17], [sflag:$0x1], $0x80, s1, s18, $0xb8;
	[tilespmem:$0x19400] =	vst v63  }
0x49: {  	s1 =	simm.s32 $0x14600  }
0x4a: {  	[spmem:s2] =	stream.indirect.scatter.add.f32 [tilespmem:s17], [sflag:$0x1], $0x80, s1, s18, $0xb8;
	[tilespmem:$0x19400] =	vst v63  }
0x4b: {  	s1 =	simm.s32 $0x14680  }
0x4c: {  	[spmem:s2] =	stream.indirect.scatter.add.f32 [tilespmem:s17], [sflag:$0x1], $0x80, s1, s18, $0xb8;
	[tilespmem:$0x19400] =	vst v63  }
0x4d: {  	s1 =	simm.s32 $0x14700  }
0x4e: {  	[spmem:s2] =	stream.indirect.scatter.add.f32 [tilespmem:s17], [sflag:$0x1], $0x80, s1, s18, $0xb8;
	[tilespmem:$0x19400] =	vst v63  }
0x4f: {  	s1 =	simm.s32 $0x14780  }
0x50: {  	[spmem:s2] =	stream.indirect.scatter.add.f32 [tilespmem:s17], [sflag:$0x1], $0x80, s1, s18, $0xb8;
	[tilespmem:$0x19400] =	vst v63  }
0x51: {  	s1 =	simm.s32 $0x14800  }
0x52: {  	[spmem:s2] =	stream.indirect.scatter.add.f32 [tilespmem:s17], [sflag:$0x1], $0x80, s1, s18, $0xb8;
	[tilespmem:$0x19400] =	vst v63  }
0x53: {  	s1 =	simm.s32 $0x14880  }
0x54: {  	[spmem:s2] =	stream.indirect.scatter.add.f32 [tilespmem:s17], [sflag:$0x1], $0x80, s1, s18, $0xb8;
	[tilespmem:$0x19400] =	vst v63  }
0x55: {  	s1 =	simm.s32 $0x14900  }
0x56: {  	[spmem:s2] =	stream.indirect.scatter.add.f32 [tilespmem:s17], [sflag:$0x1], $0x80, s1, s18, $0xb8;
	[tilespmem:$0x19400] =	vst v63  }
0x57: {  	s1 =	simm.s32 $0x14980  }
0x58: {  	[spmem:s2] =	stream.indirect.scatter.add.f32 [tilespmem:s17], [sflag:$0x1], $0x80, s1, s18, $0xb8;
	[tilespmem:$0x19400] =	vst v63  }
0x59: {  	s1 =	simm.s32 $0x14A00  }
0x5a: {  	[spmem:s2] =	stream.indirect.scatter.add.f32 [tilespmem:s17], [sflag:$0x1], $0x80, s1, s18, $0xb8;
	[tilespmem:$0x19400] =	vst v63  }
0x5b: {  	s1 =	simm.s32 $0x14A80  }
0x5c: {  	[spmem:s2] =	stream.indirect.scatter.add.f32 [tilespmem:s17], [sflag:$0x1], $0x80, s1, s18, $0xb8;
	[tilespmem:$0x19400] =	vst v63  }
0x5d: {  	s1 =	simm.s32 $0x14B00  }
0x5e: {  	[spmem:s2] =	stream.indirect.scatter.add.f32 [tilespmem:s17], [sflag:$0x1], $0x80, s1, s18, $0xb8;
	[tilespmem:$0x19400] =	vst v63  }
0x5f: {  	s1 =	simm.s32 $0x14B80  }
0x60: {  	[spmem:s2] =	stream.indirect.scatter.add.f32 [tilespmem:s17], [sflag:$0x1], $0x80, s1, s18, $0xb8;
	[tilespmem:$0x19400] =	vst v63  }
0x61: {  	s1 =	simm.s32 $0x14C00  }
0x62: {  	[spmem:s2] =	stream.indirect.scatter.add.f32 [tilespmem:s17], [sflag:$0x1], $0x80, s1, s18, $0xb8;
	[tilespmem:$0x19400] =	vst v63  }
0x63: {  	s1 =	simm.s32 $0x14C80  }
0x64: {  	[spmem:s2] =	stream.indirect.scatter.add.f32 [tilespmem:s17], [sflag:$0x1], $0x80, s1, s18, $0xb8;
	[tilespmem:$0x19400] =	vst v63  }
0x65: {  	s1 =	simm.s32 $0x14D00  }
0x66: {  	[spmem:s2] =	stream.indirect.scatter.add.f32 [tilespmem:s17], [sflag:$0x1], $0x80, s1, s18, $0xb8;
	[tilespmem:$0x19400] =	vst v63  }
0x67: {  	s1 =	simm.s32 $0x14D80  }
0x68: {  	[spmem:s2] =	stream.indirect.scatter.add.f32 [tilespmem:s17], [sflag:$0x1], $0x80, s1, s18, $0xb8;
	[tilespmem:$0x19400] =	vst v63  }
0x69: {  	s1 =	simm.s32 $0x14E00  }
0x6a: {  	[spmem:s2] =	stream.indirect.scatter.add.f32 [tilespmem:s17], [sflag:$0x1], $0x80, s1, s18, $0xb8;
	[tilespmem:$0x19400] =	vst v63  }
0x6b: {  	_ = 	snop  }
0x6c: {  	[spmem:s2] =	stream.indirect.scatter.add.f32 [tilespmem:s17], [sflag:$0x1], $0x80, s19, s18, $0xb8;
	[tilespmem:$0x19400] =	vst v63  }
0x6d: {  	_ = 	snop  }
0x6e: {  	[spmem:s2] =	stream.indirect.scatter.add.f32 [tilespmem:s17], [sflag:$0x1], $0x80, s20, s18, $0xb8;
	[tilespmem:$0x19400] =	vst v63  }
0x6f: {  	_ = 	snop  }
0x70: {  	[spmem:s2] =	stream.indirect.scatter.add.f32 [tilespmem:s17], [sflag:$0x1], $0x80, s21, s18, $0xb8;
	[tilespmem:$0x19400] =	vst v63  }
0x71: {  	_ = 	snop  }
0x72: {  	[spmem:s2] =	stream.indirect.scatter.add.f32 [tilespmem:s17], [sflag:$0x1], $0x80, s22, s18, $0xb8;
	[tilespmem:$0x19400] =	vst v63  }
0x73: {  	_ = 	snop  }
0x74: {  	[spmem:s2] =	stream.indirect.scatter.add.f32 [tilespmem:s17], [sflag:$0x1], $0x80, s23, s18, $0xb8;
	[tilespmem:$0x19400] =	vst v63  }
0x75: {  	_ = 	snop  }
0x76: {  	[spmem:s2] =	stream.indirect.scatter.add.f32 [tilespmem:s17], [sflag:$0x1], $0x80, s24, s18, $0xb8;
	[tilespmem:$0x19400] =	vst v63  }
0x77: {  	_ = 	snop  }
0x78: {  	[spmem:s2] =	stream.indirect.scatter.add.f32 [tilespmem:s17], [sflag:$0x1], $0x80, s25, s18, $0xb8;
	[tilespmem:$0x19400] =	vst v63  }
0x79: {  	_ = 	snop  }
0x7a: {  	[spmem:s2] =	stream.indirect.scatter.add.f32 [tilespmem:s17], [sflag:$0x1], $0x80, s26, s18, $0xb8;
	[tilespmem:$0x19400] =	vst v63  }
0x7b: {  	_ = 	snop  }
0x7c: {  	[spmem:s2] =	stream.indirect.scatter.add.f32 [tilespmem:s17], [sflag:$0x1], $0x80, s28, s18, $0xb8;
	[tilespmem:$0x19400] =	vst v63  }
0x7d: {  	_ = 	snop  }
0x7e: {  	[spmem:s2] =	stream.indirect.scatter.add.f32 [tilespmem:s17], [sflag:$0x1], $0x80, s29, s18, $0xb8;
	[tilespmem:$0x19400] =	vst v63  }
0x7f: {  	_ = 	snop  }
0x80: {  	[spmem:s2] =	stream.indirect.scatter.add.f32 [tilespmem:s17], [sflag:$0x1], $0x80, s30, s18, $0xb8;
	[tilespmem:$0x19400] =	vst v63  }
0x81: {  	_ =	swait.ge [sflag:s31], $0x4000  }
0x82: {  	s1 =	simm.s32 $0x27;
	[sflag:s31] =	ssyncset.done $0x0  }
.LBB2_2:
0x83: {  	p0 =	sne.s32 s1, $0x1;
	s1 =	sadd.s32 $0xFFFFFFFF, s1;
	[sflag:s31] =	ssyncadd.s32 $0xFFFFC000  }
.Ltmp0:
0x84: {  	(pc) =	sbr.rel @p0 .LBB2_2-.Ltmp0, $3  }
0x85: {  	_ =	sdelay $0x1  }
0x86: {  	_ =	swait.ge [sflag:s31], $0x4000  }
0x87: {  	[sflag:s31] =	ssyncset.done $0x0  }
0x88: {  	s0 =	sadd.s32 $0x1, s0  }
0x89: {  	[sflag:s31] =	ssyncadd.s32 $0xFFFFC000;
	p0 =	sne.s32 s0, s8  }
.Ltmp1:
0x8a: {  	[bflag:$0x0] =	sbarrier.arrive $0xFFFF;
	(pc) =	sbr.rel @p0 .LBB2_1-.Ltmp1, $4  }
0x8b: {  	[hbm:s7], [sflag:s11] =	dma.local [spmem:s12], $0x2800  }
0x8c: {  	_ =	swait.ge [sflag:s10], $0x2800  }
0x8d: {  	[sflag:s10] =	ssyncset.done $0x0  }
0x8e: {  	[sflag:s10] =	ssyncadd.s32 $0xFFFFD800  }
0x8f: {  	_ =	sfence.sel $0x180000  }
0x90: {  	[bflag:$0x0] =	sbarrier.arrive $0xFFFF  }
0x91: {  	_ =	strace $0x9000004A  }
0x92: {  	s0 =	stileid.u32;
	[bflag:$0x2] =	sbarrier.arrive $0xFFFF  }
0x93: {  	p0 =	sne.s32 s0, $0x0;
	s0 =	rddreg [dreg:$0x3]  }
0x94: {  	s0 =	sadd.s32 @!p0 $0x100000, s0  }
0x95: {  	[sflag:s0] =	ssyncadd.tile.s32 @!p0 $0x1;
	_ =	shalt  }
.Lfunc_end2:
_tile_overlayer_lowered:
.L_overlay_start_2:
0x96: {  	(tag) =	ssettag $0x2  }
0x97: {  	s0 =	rddreg [dreg:$0x0];
	s2 =	stileid.u32  }
0x98: {  	s1 =	rddreg [dreg:$0x1];
	p0 =	sne.s32 s2, $0x0  }
0x99: {  	s3 =	rddreg [dreg:$0x2];
	[bflag:$0x3] =	sbarrier.arrive $0xFFFF;
	s2 =	simm.s32 @!p0 $0x1C02  }
0x9a: {  	[timem:s3], [sflag:s2] =	dma.local @!p0 [hbm:s0], s1  }
0x9b: {  	s0 =	simm.s32 @!p0 $0x2  }
0x9c: {  	_ =	swait.ge @!p0 [sflag:s0], s1  }
0x9d: {  	s1 =	ssub.s32 @!p0 $0x0, s1;
	[sflag:s0] =	ssyncset.done @!p0 $0x0  }
0x9e: {  	[sflag:s0] =	ssyncadd.s32 @!p0 s1  }
0x9f: {  	[bflag:$0x3] =	sbarrier.arrive $0xFFFF  }
0xa0: {  	_ =	shalt  }

// kernel: kernel.14.cloned.1.call-start
scs
__scs_entry_jumppad:
0x0: {  	(pc) =	sbr.rel $0x88, $3  }
0x1: {  	(tag) =	ssettag $0x0;
	lr =	simm.s32 $0x1  }
0x2: {  	[smem:$0x3F95] =	sst lr;
	_ =	strace $0xD0000000  }
0x3: {  	_ = 	snop  }
0x4: {  	_ = 	snop  }
0x5: {  	_ = 	snop  }
0x6: {  	_ = 	snop  }
0x7: {  	_ = 	snop  }
__scs_overlays_trampoline_lowered:
0x8: {  	[smem:$0x3FA4] =	sst s0  }
0x9: {  	[smem:$0x3FA5] =	sst s1  }
0xa: {  	[smem:$0x3FA6] =	sst s2  }
0xb: {  	[smem:$0x3FA7] =	sst s3  }
0xc: {  	[smem:$0x3FA8] =	sst s4  }
0xd: {  	[smem:$0x3FA9] =	sst s5  }
0xe: {  	[smem:$0x3FAA] =	sst s6  }
0xf: {  	[smem:$0x3FAB] =	sst s7  }
0x10: {  	[smem:$0x3FAC] =	sst s8  }
0x11: {  	[smem:$0x3FAD] =	sst s9;
	s0 =	simm.s32 @!p0 $0x0  }
0x12: {  	s1 =	sld [smem:$0x3F93];
	s0 =	simm.s32 @p0 $0x1  }
0x13: {  	[smem:$0x3FAE] =	sst s0;
	s0 =	simm.s32 @!p1 $0x0  }
0x14: {  	s2 =	sld [smem:$0x3F92];
	s0 =	simm.s32 @p1 $0x1  }
0x15: {  	[smem:$0x3FAF] =	sst s0;
	s0 =	simm.s32 @!p2 $0x0  }
0x16: {  	s3 =	sld [smem:$0x3FDB];
	s0 =	simm.s32 @p2 $0x1  }
0x17: {  	s4 =	simm.s32 $0x1BF5;
	[smem:$0x3FB1] =	sst s0  }
0x18: {  	s0 =	sld [smem:$0x3F94];
	_ =	swait.ge [sflag:s4], $0x0  }
0x19: {  	s7 =	sld [smem:$0x3F95]  }
0x1a: {  	s8 =	sadd.s32 $0xFFFFE003, lr  }
0x1b: {  	s9 =	sadd.s32 $0xFFFFFEF7, lr;
	s5 =	simm.s32 $0xFFFFFFFF;
	p2 =	slt.u32 s8, $0xFFFFF086  }
0x1c: {  	p1 =	slt.u32 s9, $0xF7A;
	s5 =	simm.s32 @!p2 $0x0  }
0x1d: {  	s5 =	simm.s32 @p1 $0x1;
	p0 =	seq.s32 s7, s2  }
0x1e: {  	s7 =	smul.u32 @!p0 $0xF7A, s2;
	p2 =	seq.s32 @!p0 s5, $0x0  }
0x1f: {  	s9 =	smul.u32 $0xF7A, s1;
	s8 =	simm.s32 @!p0 $0x1BF5;
	p2 =	por !p2, p0  }
0x20: {  	[sflag:s8] =	ssyncset.s32 @!p0 $0xFFFFF086;
	s6 =	sadd.s32 @!p0 s3, s7;
	s7 =	simm.s32 @!p0 $0x108  }
0x21: {  	s3 =	sadd.s32 s3, s9;
	s6 =	sadd.s32 @!p0 $0x88, s6;
	s7 =	simm.s32 @p2 $0x1082  }
0x22: {  	[simem:s7], [sflag:s8] =	dma.local @!p0 [hbm:s6], $0xF7A  }
0x23: {  	s9 =	sor.u32 $0xD0000000, s2;
	s6 =	simm.s32 $0x108;
	_ =	swait.ge @!p0 [sflag:s8], $0x0  }
0x24: {  	s3 =	sadd.s32 $0x88, s3;
	s6 =	simm.s32 @!p1 $0x1082;
	[sflag:s4] =	ssyncset.s32 $0xFFFFF086  }
0x25: {  	[simem:s6], [sflag:s4] =	dma.local [hbm:s3], $0xF7A  }
0x26: {  	[smem:$0x3F95] =	sst s1;
	(tag) =	ssettag s2;
	_ =	strace s9  }
0x27: {  	s1 =	sld [smem:$0x3FA5]  }
0x28: {  	s2 =	sld [smem:$0x3FA6]  }
0x29: {  	s4 =	sld [smem:$0x3FA8]  }
0x2a: {  	p0 =	seq.s32 s5, $0x0;
	s5 =	sld [smem:$0x3FA9]  }
0x2b: {  	s6 =	sld [smem:$0x3FAA]  }
0x2c: {  	s7 =	sld [smem:$0x3FAB]  }
0x2d: {  	s3 =	simm.s32 $0x108;
	s8 =	sld [smem:$0x3FAC]  }
0x2e: {  	s3 =	simm.s32 @!p0 $0x1082;
	s9 =	sld [smem:$0x3FAD]  }
0x2f: {  	lr =	sadd.s32 s0, s3;
	s0 =	sld [smem:$0x3FA4]  }
0x30: {  	s3 =	sld [smem:$0x3FA7]  }
0x31: {  	[smem:$0x3FB0] =	sst s10  }
0x32: {  	s10 =	sld [smem:$0x3FAE];
	_ =	sdelay $0x3  }
0x33: {  	p0 =	seq.s32 s10, $0x1;
	s10 =	sld [smem:$0x3FB0];
	_ =	sdelay $0x3  }
0x34: {  	[smem:$0x3FB0] =	sst s10  }
0x35: {  	s10 =	sld [smem:$0x3FAF];
	_ =	sdelay $0x3  }
0x36: {  	p1 =	seq.s32 s10, $0x1;
	s10 =	sld [smem:$0x3FB0];
	_ =	sdelay $0x3  }
0x37: {  	[smem:$0x3FB0] =	sst s10  }
0x38: {  	s10 =	sld [smem:$0x3FB1]  }
0x39: {  	_ = 	snop;
	(pc) =	sbr.ind lr, $3  }
0x3a: {  	_ = 	snop  }
0x3b: {  	_ = 	snop  }
0x3c: {  	p2 =	seq.s32 s10, $0x1;
	s10 =	sld [smem:$0x3FB0]  }
0x3d: {  	_ =	shalt  }
0x3e: {  	_ =	shalt  }
0x3f: {  	_ =	shalt  }
0x40: {  	_ =	shalt  }
0x41: {  	_ =	shalt  }
0x42: {  	_ =	shalt  }
0x43: {  	_ =	shalt  }
0x44: {  	_ =	shalt  }
0x45: {  	_ =	shalt  }
0x46: {  	_ =	shalt  }
0x47: {  	_ =	shalt  }
0x48: {  	_ =	shalt  }
0x49: {  	_ =	shalt  }
0x4a: {  	_ =	shalt  }
0x4b: {  	_ =	shalt  }
0x4c: {  	_ =	shalt  }
0x4d: {  	_ =	shalt  }
0x4e: {  	_ =	shalt  }
0x4f: {  	_ =	shalt  }
0x50: {  	_ =	shalt  }
0x51: {  	_ =	shalt  }
0x52: {  	_ =	shalt  }
0x53: {  	_ =	shalt  }
0x54: {  	_ =	shalt  }
0x55: {  	_ =	shalt  }
0x56: {  	_ =	shalt  }
0x57: {  	_ =	shalt  }
0x58: {  	_ =	shalt  }
0x59: {  	_ =	shalt  }
0x5a: {  	_ =	shalt  }
0x5b: {  	_ =	shalt  }
0x5c: {  	_ =	shalt  }
0x5d: {  	_ =	shalt  }
0x5e: {  	_ =	shalt  }
0x5f: {  	_ =	shalt  }
0x60: {  	_ =	shalt  }
0x61: {  	_ =	shalt  }
0x62: {  	_ =	shalt  }
0x63: {  	_ =	shalt  }
0x64: {  	_ =	shalt  }
0x65: {  	_ =	shalt  }
0x66: {  	_ =	shalt  }
0x67: {  	_ =	shalt  }
0x68: {  	_ =	shalt  }
0x69: {  	_ =	shalt  }
0x6a: {  	_ =	shalt  }
0x6b: {  	_ =	shalt  }
0x6c: {  	_ =	shalt  }
0x6d: {  	_ =	shalt  }
0x6e: {  	_ =	shalt  }
0x6f: {  	_ =	shalt  }
0x70: {  	_ =	shalt  }
0x71: {  	_ =	shalt  }
0x72: {  	_ =	shalt  }
0x73: {  	_ =	shalt  }
0x74: {  	_ =	shalt  }
0x75: {  	_ =	shalt  }
0x76: {  	_ =	shalt  }
0x77: {  	_ =	shalt  }
0x78: {  	_ =	shalt  }
0x79: {  	_ =	shalt  }
0x7a: {  	_ =	shalt  }
0x7b: {  	_ =	shalt  }
0x7c: {  	_ =	shalt  }
0x7d: {  	_ =	shalt  }
0x7e: {  	_ =	shalt  }
0x7f: {  	_ =	shalt  }
0x80: {  	_ =	shalt  }
0x81: {  	_ =	shalt  }
0x82: {  	_ =	shalt  }
0x83: {  	_ =	shalt  }
0x84: {  	_ =	shalt  }
0x85: {  	_ =	shalt  }
0x86: {  	_ =	shalt  }
0x87: {  	_ =	shalt  }
.Lfunc_end0:
.L_simem_size_0:
called_computation.1_lowered:
.L_overlay_start_0:
0x88: {  	s2 =	sld [smem:$0x3FD9]  }
0x89: {  	s3 =	sld [smem:$0x3FFE];
	_ =	sdelay $0x1  }
0x8a: {  	s1 =	srdreg.scid  }
0x8b: {  	s0 =	sand.u32 $0x1, s1  }
0x8c: {  	s16 =	sshll.u32 s0, $0xA;
	s2 =	sadd.s32 s3, s2  }
0x8d: {  	s2 =	sadd.s32 s2, s16  }
0x8e: {  	[smem:$0x3FBC] =	sst s2  }
0x8f: {  	_ = 	snop  }
0x90: {  	(tm) =	ssettm $0x1  }
0x91: {  	s17 =	sld [smem:$0x3FFB];
	_ =	sdelay $0x3  }
0x92: {  	_ =	strace s17  }
0x93: {  	s2 =	sld [smem:$0x3FFC];
	_ =	sdelay $0x3  }
0x94: {  	_ =	strace s2  }
0x95: {  	s2 =	sld [smem:$0x3FFD];
	_ =	sdelay $0x3  }
0x96: {  	_ =	strace s2  }
0x97: {  	_ =	strace $0x8FFFFFFF  }
0x98: {  	s18 =	sld [smem:$0x3FDB];
	_ =	sdelay $0x1  }
0x99: {  	s19 =	simm.s32 $_scs_section_size  }
0x9a: {  	s4 =	simm.s32 $_size__tile_overlayer_lowered;
	s5 =	simm.s32 $_tile_overlayer_lowered  }
0x9b: {  	s22 =	simm.s32 $0x1BFF;
	s21 =	sshll.u32 s5, $0x1;
	s2 =	sadd.s32 s19, s18  }
0x9c: {  	s6 =	simm.s32 $0x0;
	s20 =	sshll.u32 s4, $0x1;
	s4 =	sadd.s32 s21, s2  }
0x9d: {  	[timem:s6], [sflag:s22] =	dma.local [hbm:s4], s20  }
0x9e: {  	_ =	swait.ge [sflag:s22], s20  }
0x9f: {  	s3 =	ssub.s32 $0x0, s20;
	[sflag:s22] =	ssyncset.done $0x0  }
0xa0: {  	[sflag:s22] =	ssyncadd.s32 s3;
	_ =	sdelay $0x1  }
0xa1: {  	s23 =	simm.s32 $0x1B8B  }
0xa2: {  	_ =	swait.ge [sflag:s23], $0x1  }
0xa3: {  	[sflag:s23] =	ssyncset.done $0x0  }
0xa4: {  	s25 =	simm.s32 $0x1B8E;
	s24 =	sld [smem:$0x3FFE];
	[sflag:s23] =	ssyncadd.s32 $0xFFFFFFFF  }
0xa5: {  	s26 =	simm.s32 $execute0_lowered;
	[smem:$0x3FD2] =	sst s25  }
0xa6: {  	s4 =	sshll.u32 s26, $0x1;
	_ =	strace $0x80000046;
	[dreg:$0x1] =	wrdreg $0xFFFFFFFF  }
0xa7: {  	s28 =	simm.s32 $_size_execute0_lowered;
	s2 =	sadd.s32 s2, s4;
	[dreg:$0x0] =	wrdreg $0x0  }
0xa8: {  	s4 =	sshll.u32 s28, $0x1;
	[dreg:$0x2] =	wrdreg s2  }
0xa9: {  	[dreg:$0x3] =	wrdreg s4  }
0xaa: {  	[dreg:$0x4] =	wrdreg $0xC0  }
0xab: {  	_ =	task [dreg:s6], $0x5FFFF  }
0xac: {  	[dreg:$0x1] =	wrdreg $0xFFFFFFFF  }
0xad: {  	[dreg:$0x0] =	wrdreg $0x60  }
0xae: {  	[dreg:$0x2] =	wrdreg s24  }
0xaf: {  	[dreg:$0x3] =	wrdreg $0x0  }
0xb0: {  	[dreg:$0x4] =	wrdreg $0xA  }
0xb1: {  	_ =	task.clear_ibuf [dreg:s6], $0x5FFFF;
	_ =	strace $0x90000046  }
0xb2: {  	s29 =	simm.s32 $0xA;
	_ =	strace $0x80000048  }
0xb3: {  	_ =	swait.ge [sflag:s29], $0x1  }
0xb4: {  	[sflag:s29] =	ssyncadd.s32 $0xFFFFFFFF  }
0xb5: {  	_ =	strace $0x90000048  }
0xb6: {  	_ =	sfence  }
0xb7: {  	s30 =	sld [smem:$0x0];
	_ =	sdelay $0x2  }
0xb8: {  	s31 =	sshll.u32 s1, $0xD;
	s1 =	sshrl.u32 s1, $0x2  }
0xb9: {  	s3 =	sand.u32 $0x4000, s31;
	s1 =	sadd.s32 s1, s30  }
0xba: {  	s0 =	sor.u32 s3, s0;
	s1 =	sshll.u32 s1, $0x11  }
0xbb: {  	s0 =	sor.u32 s1, s0  }
0xbc: {  	s0 =	sadd.s32 $0x8F2B, s0  }
0xbd: {  	[sflag:s0] =	ssyncadd.remote.s32 $0x1  }
0xbe: {  	_ =	sfence.sel $0xFFFF  }
0xbf: {  	[dreg:$0x0] =	wrdreg $0xFFFFFFFF;
	(pc) =	sbr.abs _section_cstart, $3  }
0xc0: {  	[dreg:$0x1] =	wrdreg $0xFFFFFFFF  }
0xc1: {  	_ =	task.clear_ibuf [dreg:s6], $0x2FFFF;
	_ =	strace $0x9FFFFFFF  }
0xc2: {  	(tm) =	ssettm $0x7FFFFFFF  }
0xc3: {  	_ =	shalt  }
tec
execute0_lowered:
.L_overlay_start_1:
0x0: {  	(tag) =	ssettag $0x1  }
0x1: {  	s0 =	srdreg.scid;
	s7 =	rddreg [dreg:$0x0]  }
0x2: {  	s30 =	stileid.u32;
	s2 =	rddreg [dreg:$0x1]  }
0x3: {  	s3 =	simm.s32 $0x0;
	s12 =	simm.s32 $0x15400;
	s19 =	simm.s32 $0x80  }
0x4: {  	s20 =	simm.s32 $0x16800;
	s21 =	simm.s32 $0x1A800;
	s22 =	simm.s32 $0x1  }
0x5: {  	s23 =	simm.s32 $0x2;
	s24 =	simm.s32 $0x15380;
	s25 =	simm.s32 $0x16700  }
0x6: {  	s26 =	simm.s32 $0x16780;
	s28 =	simm.s32 $0x0;
	s9 =	smul.u32 $0x14000, s30  }
0x7: {  	s6 =	sand.u32 $0x1, s0;
	[smem:$0x7FF] =	sst s3;
	s11 =	smul.u32 $0x50000, s30  }
0x8: {  	s13 =	sshll.u32 s30, $0x6;
	s1 =	sshll.u32 s6, $0x4;
	s8 =	smul.u32 $0x140000, s6  }
0x9: {  	_ =	strace $0x80000047;
	s6 =	ssub.s32 $0x2, s6;
	s13 =	sor.u32 $0x1C03, s13  }
0xa: {  	s4 =	sor.u32 s30, s1;
	s31 =	sshrl.u32 s6, $0x1;
	s11 =	sshrl.u32 s11, $0x2  }
0xb: {  	s5 =	smul.u32 $0x280, s4;
	s4 =	sadd.s32 $0x3400, s7;
	s8 =	sadd.s32 s9, s8  }
0xc: {  	s9 =	ssub.s32 s6, s31;
	s14 =	sadd.s32 s11, s2;
	s11 =	simm.s32 $0x3  }
0xd: {  	s8 =	sshrl.u32 s8, $0x3;
	s15 =	sadd.s32 $0x4000, s14;
	s16 =	sadd.s32 $0x8000, s14  }
0xe: {  	s17 =	sadd.s32 $0xC000, s14;
	s18 =	sadd.s32 $0x10000, s14;
	s9 =	smax.u32 s9, $0x1  }
0xf: {  	s14 =	sshrl.u32 s14, $0x3;
	s10 =	sadd.s32 s5, s7;
	s5 =	sadd.s32 $0x34600, s7  }
0x10: {  	s8 =	sadd.s32 s8, s7;
	s15 =	sshrl.u32 s15, $0x3;
	s16 =	sshrl.u32 s16, $0x3  }
0x11: {  	s17 =	sshrl.u32 s17, $0x3;
	s18 =	sshrl.u32 s18, $0x3;
	s6 =	sadd.s32 $0x2A600, s10  }
0x12: {  	s7 =	sadd.s32 $0x2F600, s10;
	s8 =	sadd.s32 $0x34E00, s8;
	s10 =	simm.s32 $0x14000  }
.LBB2_1:
0x13: {  	[tilespmem:s10], [sflag:$0x3] =	stream.linear.gather [hbm4b:s6+s3], $0x1400, $0x38;
	[tilespmem:$0x1E800] =	vst v63  }
0x14: {  	_ =	swait.ge [sflag:s11], $0x1400  }
0x15: {  	[sflag:s11] =	ssyncset.done $0x0  }
0x16: {  	[sflag:s11] =	ssyncadd.s32 $0xFFFFEC00  }
0x17: {  	[tilespmem:s12], [sflag:$0x3] =	stream.linear.gather [hbm4b:s7+s3], $0x1400, $0x38;
	[tilespmem:$0x1E800] =	vst v63  }
0x18: {  	_ =	swait.ge [sflag:s11], $0x1400  }
0x19: {  	[sflag:s11] =	ssyncset.done $0x0  }
0x1a: {  	[sflag:s11] =	ssyncadd.s32 $0xFFFFEC00  }
0x1b: {  	[spmem:s14], [sflag:s13] =	dma.local [hbm:s5], $0x800  }
0x1c: {  	_ =	swait.ge [sflag:s11], $0x800  }
0x1d: {  	[sflag:s11] =	ssyncset.done $0x0  }
0x1e: {  	[sflag:s11] =	ssyncadd.s32 $0xFFFFF800  }
0x1f: {  	[spmem:s15], [sflag:s13] =	dma.local [hbm:s5], $0x800  }
0x20: {  	_ =	swait.ge [sflag:s11], $0x800  }
0x21: {  	[sflag:s11] =	ssyncset.done $0x0  }
0x22: {  	[sflag:s11] =	ssyncadd.s32 $0xFFFFF800  }
0x23: {  	[spmem:s16], [sflag:s13] =	dma.local [hbm:s5], $0x800  }
0x24: {  	_ =	swait.ge [sflag:s11], $0x800  }
0x25: {  	[sflag:s11] =	ssyncset.done $0x0  }
0x26: {  	[sflag:s11] =	ssyncadd.s32 $0xFFFFF800  }
0x27: {  	[spmem:s17], [sflag:s13] =	dma.local [hbm:s5], $0x800  }
0x28: {  	_ =	swait.ge [sflag:s11], $0x800  }
0x29: {  	[sflag:s11] =	ssyncset.done $0x0  }
0x2a: {  	[sflag:s11] =	ssyncadd.s32 $0xFFFFF800  }
0x2b: {  	[spmem:s18], [sflag:s13] =	dma.local [hbm:s5], $0x800  }
0x2c: {  	_ =	swait.ge [sflag:s11], $0x800  }
0x2d: {  	[sflag:s11] =	ssyncset.done $0x0  }
0x2e: {  	[sflag:s11] =	ssyncadd.s32 $0xFFFFF800  }
0x2f: {  	[bflag:$0x0] =	sbarrier.arrive $0xFFFF  }
0x30: {  	[tilespmem:s20], [sflag:$0x1] =	stream.indirect.gather [hbm4b:s4+s19], $0x80, s10, s19, $0xb8;
	[tilespmem:$0x1E800] =	vst v63  }
0x31: {  	s29 =	simm.s32 $0x14080  }
0x32: {  	[tilespmem:s21], [sflag:$0x2] =	stream.indirect.gather [hbm4b:s4+s19], $0x80, s29, s19, $0xb8;
	[tilespmem:$0x1E800] =	vst v63  }
0x33: {  	_ =	swait.ge [sflag:s22], $0x4000  }
0x34: {  	[sflag:s22] =	ssyncset.done $0x0  }
0x35: {  	s29 =	simm.s32 $0x15400;
	[sflag:s22] =	ssyncadd.s32 $0xFFFFC000  }
0x36: {  	[spmem:s2] =	stream.indirect.scatter.add.f32 [tilespmem:s20], [sflag:$0x3], $0x80, s29, s19, $0xb8;
	[tilespmem:$0x1E800] =	vst v63  }
0x37: {  	_ =	swait.ge [sflag:s11], $0x4000  }
0x38: {  	[sflag:s11] =	ssyncset.done $0x0  }
0x39: {  	s29 =	simm.s32 $0x14100;
	[sflag:s11] =	ssyncadd.s32 $0xFFFFC000  }
0x3a: {  	[tilespmem:s20], [sflag:$0x1] =	stream.indirect.gather [hbm4b:s4+s19], $0x80, s29, s19, $0xb8;
	[tilespmem:$0x1E800] =	vst v63  }
0x3b: {  	_ =	swait.ge [sflag:s23], $0x4000  }
0x3c: {  	[sflag:s23] =	ssyncset.done $0x0  }
0x3d: {  	s29 =	simm.s32 $0x15480;
	[sflag:s23] =	ssyncadd.s32 $0xFFFFC000  }
0x3e: {  	[spmem:s2] =	stream.indirect.scatter.add.f32 [tilespmem:s21], [sflag:$0x3], $0x80, s29, s19, $0xb8;
	[tilespmem:$0x1E800] =	vst v63  }
0x3f: {  	_ =	swait.ge [sflag:s11], $0x4000  }
0x40: {  	s30 =	simm.s32 $0x800;
	s29 =	simm.s32 $0x100;
	[sflag:s11] =	ssyncset.done $0x0  }
.LBB2_2:
0x41: {  	s31 =	sadd.s32 $0x14080, s29  }
0x42: {  	[sflag:s11] =	ssyncadd.s32 $0xFFFFC000;
	s1 =	smov.u32 s30;
	s0 =	sadd.s32 $0x400, s30  }
0x43: {  	[tilespmem:s21], [sflag:$0x2] =	stream.indirect.gather [hbm4b:s4+s19], $0x80, s31, s19, $0xb8;
	[tilespmem:$0x1E800] =	vst v63  }
0x44: {  	p0 =	sne.s32 s30, $0x4800;
	_ =	swait.ge [sflag:s22], $0x4000  }
0x45: {  	[sflag:s22] =	ssyncset.done $0x0  }
0x46: {  	s30 =	sadd.s32 $0x15400, s29;
	[sflag:s22] =	ssyncadd.s32 $0xFFFFC000  }
0x47: {  	[spmem:s2] =	stream.indirect.scatter.add.f32 [tilespmem:s20], [sflag:$0x3], $0x80, s30, s19, $0xb8;
	[tilespmem:$0x1E800] =	vst v63  }
0x48: {  	_ =	swait.ge [sflag:s11], $0x4000  }
0x49: {  	[sflag:s11] =	ssyncset.done $0x0  }
0x4a: {  	s30 =	sadd.s32 $0x14100, s29;
	[sflag:s11] =	ssyncadd.s32 $0xFFFFC000  }
0x4b: {  	[tilespmem:s20], [sflag:$0x1] =	stream.indirect.gather [hbm4b:s4+s19], $0x80, s30, s19, $0xb8;
	[tilespmem:$0x1E800] =	vst v63  }
0x4c: {  	_ =	swait.ge [sflag:s23], $0x4000  }
.Ltmp0:
0x4d: {  	[sflag:s23] =	ssyncset.done $0x0;
	(pc) =	sbr.rel @p0 .LBB2_2-.Ltmp0, $4  }
0x4e: {  	s29 =	sadd.s32 $0x15480, s29;
	[sflag:s23] =	ssyncadd.s32 $0xFFFFC000  }
0x4f: {  	[spmem:s2] =	stream.indirect.scatter.add.f32 [tilespmem:s21], [sflag:$0x3], $0x80, s29, s19, $0xb8;
	[tilespmem:$0x1E800] =	vst v63  }
0x50: {  	_ =	swait.ge [sflag:s11], $0x4000  }
0x51: {  	s30 =	smov.u32 s0;
	s29 =	sshra.s32 s1, $0x2;
	[sflag:s11] =	ssyncset.done $0x0  }
0x52: {  	s0 =	sadd.s32 $0x14080, s29;
	[sflag:s11] =	ssyncadd.s32 $0xFFFFC000  }
0x53: {  	[tilespmem:s21], [sflag:$0x2] =	stream.indirect.gather [hbm4b:s4+s19], $0x80, s0, s19, $0xb8;
	[tilespmem:$0x1E800] =	vst v63  }
0x54: {  	_ =	swait.ge [sflag:s22], $0x4000  }
0x55: {  	[sflag:s22] =	ssyncset.done $0x0  }
0x56: {  	s1 =	sadd.s32 $0x15400, s29;
	[sflag:s22] =	ssyncadd.s32 $0xFFFFC000  }
0x57: {  	[spmem:s2] =	stream.indirect.scatter.add.f32 [tilespmem:s20], [sflag:$0x3], $0x80, s1, s19, $0xb8;
	[tilespmem:$0x1E800] =	vst v63  }
0x58: {  	_ =	swait.ge [sflag:s11], $0x4000  }
0x59: {  	[sflag:s11] =	ssyncset.done $0x0  }
0x5a: {  	s30 =	sadd.s32 $0x14100, s29;
	[sflag:s11] =	ssyncadd.s32 $0xFFFFC000  }
0x5b: {  	[tilespmem:s20], [sflag:$0x1] =	stream.indirect.gather [hbm4b:s4+s19], $0x80, s30, s19, $0xb8;
	[tilespmem:$0x1E800] =	vst v63  }
0x5c: {  	_ =	swait.ge [sflag:s23], $0x4000  }
0x5d: {  	[sflag:s23] =	ssyncset.done $0x0  }
0x5e: {  	s31 =	sadd.s32 $0x15480, s29;
	[sflag:s23] =	ssyncadd.s32 $0xFFFFC000  }
0x5f: {  	[spmem:s2] =	stream.indirect.scatter.add.f32 [tilespmem:s21], [sflag:$0x3], $0x80, s31, s19, $0xb8;
	[tilespmem:$0x1E800] =	vst v63  }
0x60: {  	_ =	swait.ge [sflag:s11], $0x4000  }
0x61: {  	[sflag:s11] =	ssyncset.done $0x0  }
0x62: {  	[sflag:s11] =	ssyncadd.s32 $0xFFFFC000  }
0x63: {  	[tilespmem:s21], [sflag:$0x2] =	stream.indirect.gather [hbm4b:s4+s19], $0x80, s24, s19, $0xb8;
	[tilespmem:$0x1E800] =	vst v63  }
0x64: {  	_ =	swait.ge [sflag:s22], $0x4000  }
0x65: {  	[sflag:s22] =	ssyncset.done $0x0  }
0x66: {  	[sflag:s22] =	ssyncadd.s32 $0xFFFFC000  }
0x67: {  	[spmem:s2] =	stream.indirect.scatter.add.f32 [tilespmem:s20], [sflag:$0x3], $0x80, s25, s19, $0xb8;
	[tilespmem:$0x1E800] =	vst v63  }
0x68: {  	_ =	swait.ge [sflag:s11], $0x4000  }
0x69: {  	[sflag:s11] =	ssyncset.done $0x0  }
0x6a: {  	[sflag:s11] =	ssyncadd.s32 $0xFFFFC000  }
0x6b: {  	_ =	swait.ge [sflag:s23], $0x4000  }
0x6c: {  	[sflag:s23] =	ssyncset.done $0x0  }
0x6d: {  	[sflag:s23] =	ssyncadd.s32 $0xFFFFC000  }
0x6e: {  	[spmem:s2] =	stream.indirect.scatter.add.f32 [tilespmem:s21], [sflag:$0x3], $0x80, s26, s19, $0xb8;
	[tilespmem:$0x1E800] =	vst v63  }
0x6f: {  	_ =	swait.ge [sflag:s11], $0x4000  }
0x70: {  	s28 =	sadd.s32 $0x1, s28;
	[sflag:s11] =	ssyncset.done $0x0  }
0x71: {  	p0 =	sne.s32 s28, s9;
	[sflag:s11] =	ssyncadd.s32 $0xFFFFC000  }
.Ltmp1:
0x72: {  	[bflag:$0x0] =	sbarrier.arrive $0xFFFF;
	(pc) =	sbr.rel @p0 .LBB2_1-.Ltmp1, $4  }
0x73: {  	[hbm:s8], [sflag:s13] =	dma.local [spmem:s14], $0x2800  }
0x74: {  	_ =	swait.ge [sflag:s11], $0x2800  }
0x75: {  	[sflag:s11] =	ssyncset.done $0x0  }
0x76: {  	[sflag:s11] =	ssyncadd.s32 $0xFFFFD800  }
0x77: {  	_ =	sfence.sel $0x180000  }
0x78: {  	[bflag:$0x0] =	sbarrier.arrive $0xFFFF  }
0x79: {  	_ =	strace $0x90000047  }
0x7a: {  	s0 =	stileid.u32;
	[bflag:$0x2] =	sbarrier.arrive $0xFFFF  }
0x7b: {  	p0 =	sne.s32 s0, $0x0;
	s0 =	rddreg [dreg:$0x2]  }
0x7c: {  	s0 =	sadd.s32 @!p0 $0x100000, s0  }
0x7d: {  	[sflag:s0] =	ssyncadd.tile.s32 @!p0 $0x1;
	_ =	shalt  }
.Lfunc_end2:
_tile_overlayer_lowered:
.L_overlay_start_2:
0x7e: {  	(tag) =	ssettag $0x2  }
0x7f: {  	s0 =	rddreg [dreg:$0x0];
	s2 =	stileid.u32  }
0x80: {  	s1 =	rddreg [dreg:$0x1];
	p0 =	sne.s32 s2, $0x0  }
0x81: {  	s3 =	rddreg [dreg:$0x2];
	[bflag:$0x3] =	sbarrier.arrive $0xFFFF;
	s2 =	simm.s32 @!p0 $0x1C03  }
0x82: {  	[timem:s3], [sflag:s2] =	dma.local @!p0 [hbm:s0], s1  }
0x83: {  	s0 =	simm.s32 @!p0 $0x3  }
0x84: {  	_ =	swait.ge @!p0 [sflag:s0], s1  }
0x85: {  	s1 =	ssub.s32 @!p0 $0x0, s1;
	[sflag:s0] =	ssyncset.done @!p0 $0x0  }
0x86: {  	[sflag:s0] =	ssyncadd.s32 @!p0 s1  }
0x87: {  	[bflag:$0x3] =	sbarrier.arrive $0xFFFF  }
0x88: {  	_ =	shalt  }

// kernel: kernel.17.cloned.1.call-start
scs
__scs_entry_jumppad:
0x0: {  	(pc) =	sbr.rel $0x88, $3  }
0x1: {  	(tag) =	ssettag $0x0;
	lr =	simm.s32 $0x1  }
0x2: {  	[smem:$0x3F95] =	sst lr;
	_ =	strace $0xD0000000  }
0x3: {  	_ = 	snop  }
0x4: {  	_ = 	snop  }
0x5: {  	_ = 	snop  }
0x6: {  	_ = 	snop  }
0x7: {  	_ = 	snop  }
__scs_overlays_trampoline_lowered:
0x8: {  	[smem:$0x3FA4] =	sst s0  }
0x9: {  	[smem:$0x3FA5] =	sst s1  }
0xa: {  	[smem:$0x3FA6] =	sst s2  }
0xb: {  	[smem:$0x3FA7] =	sst s3  }
0xc: {  	[smem:$0x3FA8] =	sst s4  }
0xd: {  	[smem:$0x3FA9] =	sst s5  }
0xe: {  	[smem:$0x3FAA] =	sst s6  }
0xf: {  	[smem:$0x3FAB] =	sst s7  }
0x10: {  	[smem:$0x3FAC] =	sst s8  }
0x11: {  	[smem:$0x3FAD] =	sst s9;
	s0 =	simm.s32 @!p0 $0x0  }
0x12: {  	s1 =	sld [smem:$0x3F93];
	s0 =	simm.s32 @p0 $0x1  }
0x13: {  	[smem:$0x3FAE] =	sst s0;
	s0 =	simm.s32 @!p1 $0x0  }
0x14: {  	s2 =	sld [smem:$0x3F92];
	s0 =	simm.s32 @p1 $0x1  }
0x15: {  	[smem:$0x3FAF] =	sst s0;
	s0 =	simm.s32 @!p2 $0x0  }
0x16: {  	s3 =	sld [smem:$0x3FDB];
	s0 =	simm.s32 @p2 $0x1  }
0x17: {  	s4 =	simm.s32 $0x1BF5;
	[smem:$0x3FB1] =	sst s0  }
0x18: {  	s0 =	sld [smem:$0x3F94];
	_ =	swait.ge [sflag:s4], $0x0  }
0x19: {  	s7 =	sld [smem:$0x3F95]  }
0x1a: {  	s8 =	sadd.s32 $0xFFFFE003, lr  }
0x1b: {  	s9 =	sadd.s32 $0xFFFFFEF7, lr;
	s5 =	simm.s32 $0xFFFFFFFF;
	p2 =	slt.u32 s8, $0xFFFFF086  }
0x1c: {  	p1 =	slt.u32 s9, $0xF7A;
	s5 =	simm.s32 @!p2 $0x0  }
0x1d: {  	s5 =	simm.s32 @p1 $0x1;
	p0 =	seq.s32 s7, s2  }
0x1e: {  	s7 =	smul.u32 @!p0 $0xF7A, s2;
	p2 =	seq.s32 @!p0 s5, $0x0  }
0x1f: {  	s9 =	smul.u32 $0xF7A, s1;
	s8 =	simm.s32 @!p0 $0x1BF5;
	p2 =	por !p2, p0  }
0x20: {  	[sflag:s8] =	ssyncset.s32 @!p0 $0xFFFFF086;
	s6 =	sadd.s32 @!p0 s3, s7;
	s7 =	simm.s32 @!p0 $0x108  }
0x21: {  	s3 =	sadd.s32 s3, s9;
	s6 =	sadd.s32 @!p0 $0x88, s6;
	s7 =	simm.s32 @p2 $0x1082  }
0x22: {  	[simem:s7], [sflag:s8] =	dma.local @!p0 [hbm:s6], $0xF7A  }
0x23: {  	s9 =	sor.u32 $0xD0000000, s2;
	s6 =	simm.s32 $0x108;
	_ =	swait.ge @!p0 [sflag:s8], $0x0  }
0x24: {  	s3 =	sadd.s32 $0x88, s3;
	s6 =	simm.s32 @!p1 $0x1082;
	[sflag:s4] =	ssyncset.s32 $0xFFFFF086  }
0x25: {  	[simem:s6], [sflag:s4] =	dma.local [hbm:s3], $0xF7A  }
0x26: {  	[smem:$0x3F95] =	sst s1;
	(tag) =	ssettag s2;
	_ =	strace s9  }
0x27: {  	s1 =	sld [smem:$0x3FA5]  }
0x28: {  	s2 =	sld [smem:$0x3FA6]  }
0x29: {  	s4 =	sld [smem:$0x3FA8]  }
0x2a: {  	p0 =	seq.s32 s5, $0x0;
	s5 =	sld [smem:$0x3FA9]  }
0x2b: {  	s6 =	sld [smem:$0x3FAA]  }
0x2c: {  	s7 =	sld [smem:$0x3FAB]  }
0x2d: {  	s3 =	simm.s32 $0x108;
	s8 =	sld [smem:$0x3FAC]  }
0x2e: {  	s3 =	simm.s32 @!p0 $0x1082;
	s9 =	sld [smem:$0x3FAD]  }
0x2f: {  	lr =	sadd.s32 s0, s3;
	s0 =	sld [smem:$0x3FA4]  }
0x30: {  	s3 =	sld [smem:$0x3FA7]  }
0x31: {  	[smem:$0x3FB0] =	sst s10  }
0x32: {  	s10 =	sld [smem:$0x3FAE];
	_ =	sdelay $0x3  }
0x33: {  	p0 =	seq.s32 s10, $0x1;
	s10 =	sld [smem:$0x3FB0];
	_ =	sdelay $0x3  }
0x34: {  	[smem:$0x3FB0] =	sst s10  }
0x35: {  	s10 =	sld [smem:$0x3FAF];
	_ =	sdelay $0x3  }
0x36: {  	p1 =	seq.s32 s10, $0x1;
	s10 =	sld [smem:$0x3FB0];
	_ =	sdelay $0x3  }
0x37: {  	[smem:$0x3FB0] =	sst s10  }
0x38: {  	s10 =	sld [smem:$0x3FB1]  }
0x39: {  	_ = 	snop;
	(pc) =	sbr.ind lr, $3  }
0x3a: {  	_ = 	snop  }
0x3b: {  	_ = 	snop  }
0x3c: {  	p2 =	seq.s32 s10, $0x1;
	s10 =	sld [smem:$0x3FB0]  }
0x3d: {  	_ =	shalt  }
0x3e: {  	_ =	shalt  }
0x3f: {  	_ =	shalt  }
0x40: {  	_ =	shalt  }
0x41: {  	_ =	shalt  }
0x42: {  	_ =	shalt  }
0x43: {  	_ =	shalt  }
0x44: {  	_ =	shalt  }
0x45: {  	_ =	shalt  }
0x46: {  	_ =	shalt  }
0x47: {  	_ =	shalt  }
0x48: {  	_ =	shalt  }
0x49: {  	_ =	shalt  }
0x4a: {  	_ =	shalt  }
0x4b: {  	_ =	shalt  }
0x4c: {  	_ =	shalt  }
0x4d: {  	_ =	shalt  }
0x4e: {  	_ =	shalt  }
0x4f: {  	_ =	shalt  }
0x50: {  	_ =	shalt  }
0x51: {  	_ =	shalt  }
0x52: {  	_ =	shalt  }
0x53: {  	_ =	shalt  }
0x54: {  	_ =	shalt  }
0x55: {  	_ =	shalt  }
0x56: {  	_ =	shalt  }
0x57: {  	_ =	shalt  }
0x58: {  	_ =	shalt  }
0x59: {  	_ =	shalt  }
0x5a: {  	_ =	shalt  }
0x5b: {  	_ =	shalt  }
0x5c: {  	_ =	shalt  }
0x5d: {  	_ =	shalt  }
0x5e: {  	_ =	shalt  }
0x5f: {  	_ =	shalt  }
0x60: {  	_ =	shalt  }
0x61: {  	_ =	shalt  }
0x62: {  	_ =	shalt  }
0x63: {  	_ =	shalt  }
0x64: {  	_ =	shalt  }
0x65: {  	_ =	shalt  }
0x66: {  	_ =	shalt  }
0x67: {  	_ =	shalt  }
0x68: {  	_ =	shalt  }
0x69: {  	_ =	shalt  }
0x6a: {  	_ =	shalt  }
0x6b: {  	_ =	shalt  }
0x6c: {  	_ =	shalt  }
0x6d: {  	_ =	shalt  }
0x6e: {  	_ =	shalt  }
0x6f: {  	_ =	shalt  }
0x70: {  	_ =	shalt  }
0x71: {  	_ =	shalt  }
0x72: {  	_ =	shalt  }
0x73: {  	_ =	shalt  }
0x74: {  	_ =	shalt  }
0x75: {  	_ =	shalt  }
0x76: {  	_ =	shalt  }
0x77: {  	_ =	shalt  }
0x78: {  	_ =	shalt  }
0x79: {  	_ =	shalt  }
0x7a: {  	_ =	shalt  }
0x7b: {  	_ =	shalt  }
0x7c: {  	_ =	shalt  }
0x7d: {  	_ =	shalt  }
0x7e: {  	_ =	shalt  }
0x7f: {  	_ =	shalt  }
0x80: {  	_ =	shalt  }
0x81: {  	_ =	shalt  }
0x82: {  	_ =	shalt  }
0x83: {  	_ =	shalt  }
0x84: {  	_ =	shalt  }
0x85: {  	_ =	shalt  }
0x86: {  	_ =	shalt  }
0x87: {  	_ =	shalt  }
.Lfunc_end0:
.L_simem_size_0:
called_computation.2_lowered:
.L_overlay_start_0:
0x88: {  	s2 =	sld [smem:$0x3FD9]  }
0x89: {  	s3 =	sld [smem:$0x3FFE];
	_ =	sdelay $0x1  }
0x8a: {  	s1 =	srdreg.scid  }
0x8b: {  	s0 =	sand.u32 $0x1, s1  }
0x8c: {  	s16 =	sshll.u32 s0, $0xA;
	s2 =	sadd.s32 s3, s2  }
0x8d: {  	s2 =	sadd.s32 s2, s16  }
0x8e: {  	[smem:$0x3FBC] =	sst s2  }
0x8f: {  	_ = 	snop  }
0x90: {  	(tm) =	ssettm $0x1  }
0x91: {  	s17 =	sld [smem:$0x3FFB];
	_ =	sdelay $0x3  }
0x92: {  	_ =	strace s17  }
0x93: {  	s2 =	sld [smem:$0x3FFC];
	_ =	sdelay $0x3  }
0x94: {  	_ =	strace s2  }
0x95: {  	s2 =	sld [smem:$0x3FFD];
	_ =	sdelay $0x3  }
0x96: {  	_ =	strace s2  }
0x97: {  	_ =	strace $0x8FFFFFFF  }
0x98: {  	s18 =	sld [smem:$0x3FDB];
	_ =	sdelay $0x1  }
0x99: {  	s19 =	simm.s32 $_scs_section_size  }
0x9a: {  	s4 =	simm.s32 $_size__tile_overlayer_lowered;
	s5 =	simm.s32 $_tile_overlayer_lowered  }
0x9b: {  	s22 =	simm.s32 $0x1BFF;
	s21 =	sshll.u32 s5, $0x1;
	s2 =	sadd.s32 s19, s18  }
0x9c: {  	s6 =	simm.s32 $0x0;
	s20 =	sshll.u32 s4, $0x1;
	s4 =	sadd.s32 s21, s2  }
0x9d: {  	[timem:s6], [sflag:s22] =	dma.local [hbm:s4], s20  }
0x9e: {  	_ =	swait.ge [sflag:s22], s20  }
0x9f: {  	s3 =	ssub.s32 $0x0, s20;
	[sflag:s22] =	ssyncset.done $0x0  }
0xa0: {  	[sflag:s22] =	ssyncadd.s32 s3;
	_ =	sdelay $0x1  }
0xa1: {  	s23 =	simm.s32 $0x1B8B  }
0xa2: {  	_ =	swait.ge [sflag:s23], $0x1  }
0xa3: {  	[sflag:s23] =	ssyncset.done $0x0  }
0xa4: {  	s25 =	simm.s32 $0x1B8E;
	s24 =	sld [smem:$0x3FFE];
	[sflag:s23] =	ssyncadd.s32 $0xFFFFFFFF  }
0xa5: {  	s26 =	simm.s32 $execute0_lowered;
	[smem:$0x3FD2] =	sst s25  }
0xa6: {  	s4 =	sshll.u32 s26, $0x1;
	_ =	strace $0x8000004C;
	[dreg:$0x1] =	wrdreg $0xFFFFFFFF  }
0xa7: {  	s28 =	simm.s32 $_size_execute0_lowered;
	s2 =	sadd.s32 s2, s4;
	[dreg:$0x0] =	wrdreg $0x0  }
0xa8: {  	s4 =	sshll.u32 s28, $0x1;
	[dreg:$0x2] =	wrdreg s2  }
0xa9: {  	[dreg:$0x3] =	wrdreg s4  }
0xaa: {  	[dreg:$0x4] =	wrdreg $0xC0  }
0xab: {  	_ =	task [dreg:s6], $0x5FFFF  }
0xac: {  	[dreg:$0x1] =	wrdreg $0xFFFFFFFF  }
0xad: {  	[dreg:$0x0] =	wrdreg $0x60  }
0xae: {  	[dreg:$0x2] =	wrdreg s24  }
0xaf: {  	[dreg:$0x3] =	wrdreg $0x0  }
0xb0: {  	[dreg:$0x4] =	wrdreg $0x9  }
0xb1: {  	_ =	task.clear_ibuf [dreg:s6], $0x5FFFF;
	_ =	strace $0x9000004C  }
0xb2: {  	s29 =	simm.s32 $0x9;
	_ =	strace $0x8000004E  }
0xb3: {  	_ =	swait.ge [sflag:s29], $0x1  }
0xb4: {  	[sflag:s29] =	ssyncadd.s32 $0xFFFFFFFF  }
0xb5: {  	_ =	strace $0x9000004E  }
0xb6: {  	_ =	sfence  }
0xb7: {  	s30 =	sld [smem:$0x0];
	_ =	sdelay $0x2  }
0xb8: {  	s31 =	sshll.u32 s1, $0xD;
	s1 =	sshrl.u32 s1, $0x2  }
0xb9: {  	s3 =	sand.u32 $0x4000, s31;
	s1 =	sadd.s32 s1, s30  }
0xba: {  	s0 =	sor.u32 s3, s0;
	s1 =	sshll.u32 s1, $0x11  }
0xbb: {  	s0 =	sor.u32 s1, s0  }
0xbc: {  	s0 =	sadd.s32 $0x8F2B, s0  }
0xbd: {  	[sflag:s0] =	ssyncadd.remote.s32 $0x1  }
0xbe: {  	_ =	sfence.sel $0xFFFF  }
0xbf: {  	[dreg:$0x0] =	wrdreg $0xFFFFFFFF;
	(pc) =	sbr.abs _section_cstart, $3  }
0xc0: {  	[dreg:$0x1] =	wrdreg $0xFFFFFFFF  }
0xc1: {  	_ =	task.clear_ibuf [dreg:s6], $0x2FFFF;
	_ =	strace $0x9FFFFFFF  }
0xc2: {  	(tm) =	ssettm $0x7FFFFFFF  }
0xc3: {  	_ =	shalt  }
tec
execute0_lowered:
.L_overlay_start_1:
0x0: {  	(tag) =	ssettag $0x1  }
0x1: {  	s0 =	rddreg [dreg:$0x0]  }
0x2: {  	s1 =	rddreg [dreg:$0x1];
	s2 =	simm.s32 $0x0  }
0x3: {  	s3 =	srdreg.scid;
	s21 =	stileid.u32;
	s28 =	simm.s32 $0x3  }
0x4: {  	s29 =	simm.s32 $0x14000;
	s30 =	simm.s32 $0x15400;
	s31 =	simm.s32 $0x80  }
0x5: {  	[smem:$0x7FF] =	sst s2;
	s4 =	sadd.s32 $0x5BF600, s0;
	s2 =	sadd.s32 $0xB5600, s0  }
0x6: {  	s8 =	sadd.s32 $0x2F600, s0;
	s3 =	sand.u32 $0x1, s3;
	s6 =	smul.u32 $0x50000, s21  }
0x7: {  	s5 =	sadd.s32 $0x34600, s0;
	s0 =	sadd.s32 $0x6F7E00, s0;
	s12 =	smul.u32 $0x2800, s21  }
0x8: {  	s20 =	sshll.u32 s21, $0x6;
	_ =	strace $0x8000004D;
	s7 =	ssub.s32 $0x2, s3  }
0x9: {  	s9 =	smul.u32 $0xA0000, s3;
	s11 =	sshll.u32 s3, $0x2;
	s18 =	sshllo.u32 s3, $0x2  }
0xa: {  	s3 =	smul.u32 $0x500000, s3;
	s10 =	sshrl.u32 s7, $0x1;
	s6 =	sshrl.u32 s6, $0x2  }
0xb: {  	s14 =	sadd.s32 $0x1400, s12;
	s22 =	sshrl.u32 s12, $0x3;
	s19 =	smul.u32 $0x28000, s18  }
0xc: {  	s16 =	sor.u32 $0x2, s11;
	s18 =	smul.u32 $0x140000, s18;
	s10 =	ssub.s32 s7, s10  }
0xd: {  	s6 =	sadd.s32 s6, s1;
	s13 =	sadd.s32 s12, s9;
	s7 =	sor.u32 $0x1C03, s20  }
0xe: {  	s15 =	sadd.s32 s9, s14;
	s9 =	sadd.s32 s8, s22;
	s17 =	smul.u32 $0x28000, s16  }
0xf: {  	s22 =	smul.u32 $0x14000, s21;
	s23 =	sshrl.u32 s15, $0x3;
	s15 =	sor.u32 $0x1, s11  }
0x10: {  	s25 =	sshrl.u32 s14, $0x3;
	s13 =	sshrl.u32 s13, $0x3;
	s24 =	smul.u32 $0x28000, s15  }
0x11: {  	s11 =	sadd.s32 s8, s25;
	s13 =	sadd.s32 s2, s13;
	s25 =	smul.u32 $0x140000, s15  }
0x12: {  	s15 =	smul.u32 $0x140000, s16;
	s16 =	sadd.s32 $0x4000, s6;
	[dreg:$0x3] =	wrdreg s13  }
0x13: {  	s20 =	sadd.s32 s12, s17;
	s13 =	sadd.s32 s2, s23;
	[dreg:$0xb] =	wrdreg s16  }
0x14: {  	s17 =	sadd.s32 s14, s17;
	[dreg:$0x4] =	wrdreg s13;
	s26 =	sadd.s32 s12, s24  }
0x15: {  	s13 =	sadd.s32 s14, s24;
	s12 =	sadd.s32 s12, s19;
	s14 =	sadd.s32 s14, s19  }
0x16: {  	s24 =	sshrl.u32 s20, $0x3;
	s20 =	sadd.s32 s22, s25;
	s21 =	sadd.s32 s22, s15  }
0x17: {  	s8 =	sshrl.u32 s26, $0x3;
	s13 =	sshrl.u32 s13, $0x3;
	s26 =	sshrl.u32 s17, $0x3  }
0x18: {  	s17 =	sadd.s32 s22, s3;
	s3 =	sadd.s32 s22, s18;
	s22 =	sadd.s32 $0x8000, s6  }
0x19: {  	s12 =	sshrl.u32 s12, $0x3;
	s8 =	sadd.s32 s2, s8;
	[dreg:$0xc] =	wrdreg s22  }
0x1a: {  	s14 =	sshrl.u32 s14, $0x3;
	s23 =	sadd.s32 s2, s13;
	[dreg:$0x5] =	wrdreg s8  }
0x1b: {  	s3 =	sshrl.u32 s3, $0x3;
	[dreg:$0x6] =	wrdreg s23;
	s8 =	sadd.s32 s2, s24  }
0x1c: {  	s24 =	sshrl.u32 s21, $0x3;
	[dreg:$0x7] =	wrdreg s8;
	s8 =	sadd.s32 s2, s26  }
0x1d: {  	s13 =	simm.s32 $0x16780;
	s25 =	sadd.s32 s0, s24;
	[dreg:$0x8] =	wrdreg s8  }
0x1e: {  	s23 =	sshrl.u32 s20, $0x3;
	s26 =	sadd.s32 $0xC000, s6;
	[dreg:$0xf] =	wrdreg s25  }
0x1f: {  	s8 =	sadd.s32 s2, s12;
	s2 =	sadd.s32 s2, s14;
	[dreg:$0x11] =	wrdreg s26  }
0x20: {  	s25 =	smax.u32 s10, $0x1;
	s26 =	sadd.s32 $0x10000, s6;
	s10 =	simm.s32 $0x15380  }
0x21: {  	s12 =	simm.s32 $0x16700;
	[dreg:$0xa] =	wrdreg s2;
	s2 =	sshrl.u32 s17, $0x3  }
0x22: {  	s14 =	simm.s32 $0x0;
	[dreg:$0x9] =	wrdreg s8;
	s2 =	sadd.s32 s0, s2  }
0x23: {  	s8 =	simm.s32 $0x2;
	[dreg:$0xd] =	wrdreg s2;
	s2 =	sadd.s32 s0, s23  }
0x24: {  	s0 =	sadd.s32 s0, s3;
	s3 =	simm.s32 $0x1A800;
	[dreg:$0xe] =	wrdreg s2  }
0x25: {  	[dreg:$0x10] =	wrdreg s0;
	s0 =	simm.s32 $0x16800;
	s2 =	simm.s32 $0x1  }
.LBB2_1:
0x26: {  	s15 =	sshrl.u32 s6, $0x3  }
0x27: {  	[spmem:s15], [sflag:s7] =	dma.local [hbm:s5], $0x800  }
0x28: {  	_ =	swait.ge [sflag:s28], $0x800  }
0x29: {  	[sflag:s28] =	ssyncset.done $0x0;
	s16 =	rddreg [dreg:$0xb]  }
0x2a: {  	[sflag:s28] =	ssyncadd.s32 $0xFFFFF800;
	s16 =	sshrl.u32 s16, $0x3  }
0x2b: {  	[spmem:s16], [sflag:s7] =	dma.local [hbm:s5], $0x800  }
0x2c: {  	_ =	swait.ge [sflag:s28], $0x800  }
0x2d: {  	[sflag:s28] =	ssyncset.done $0x0;
	s17 =	rddreg [dreg:$0xc]  }
0x2e: {  	[sflag:s28] =	ssyncadd.s32 $0xFFFFF800;
	s17 =	sshrl.u32 s17, $0x3  }
0x2f: {  	[spmem:s17], [sflag:s7] =	dma.local [hbm:s5], $0x800  }
0x30: {  	_ =	swait.ge [sflag:s28], $0x800  }
0x31: {  	[sflag:s28] =	ssyncset.done $0x0;
	s18 =	rddreg [dreg:$0x11]  }
0x32: {  	[sflag:s28] =	ssyncadd.s32 $0xFFFFF800;
	s18 =	sshrl.u32 s18, $0x3  }
0x33: {  	[spmem:s18], [sflag:s7] =	dma.local [hbm:s5], $0x800  }
0x34: {  	_ =	swait.ge [sflag:s28], $0x800  }
0x35: {  	[sflag:s28] =	ssyncset.done $0x0  }
0x36: {  	s19 =	sshrl.u32 s26, $0x3;
	[sflag:s28] =	ssyncadd.s32 $0xFFFFF800  }
0x37: {  	[spmem:s19], [sflag:s7] =	dma.local [hbm:s5], $0x800  }
0x38: {  	_ =	swait.ge [sflag:s28], $0x800  }
0x39: {  	[sflag:s28] =	ssyncset.done $0x0  }
0x3a: {  	[sflag:s28] =	ssyncadd.s32 $0xFFFFF800  }
0x3b: {  	[bflag:$0x0] =	sbarrier.arrive $0xFFFF  }
0x3c: {  	s20 =	simm.s32 $0x0;
	s21 =	rddreg [dreg:$0x3]  }
0x3d: {  	[tilespmem:s29], [sflag:$0x3] =	stream.linear.gather [hbm4b:s21+s20], $0x1400, $0x38;
	[tilespmem:$0x1E800] =	vst v63  }
0x3e: {  	_ =	swait.ge [sflag:s28], $0x1400  }
0x3f: {  	[sflag:s28] =	ssyncset.done $0x0  }
0x40: {  	[sflag:s28] =	ssyncadd.s32 $0xFFFFEC00  }
0x41: {  	[tilespmem:s30], [sflag:$0x3] =	stream.linear.gather [hbm4b:s9+s20], $0x1400, $0x38;
	[tilespmem:$0x1E800] =	vst v63  }
0x42: {  	_ =	swait.ge [sflag:s28], $0x1400  }
0x43: {  	[sflag:s28] =	ssyncset.done $0x0  }
0x44: {  	[sflag:s28] =	ssyncadd.s32 $0xFFFFEC00  }
0x45: {  	[tilespmem:s0], [sflag:$0x1] =	stream.indirect.gather [hbm4b:s4+s31], $0x80, s29, s31, $0xb8;
	[tilespmem:$0x1E800] =	vst v63  }
0x46: {  	s21 =	simm.s32 $0x14080  }
0x47: {  	[tilespmem:s3], [sflag:$0x2] =	stream.indirect.gather [hbm4b:s4+s31], $0x80, s21, s31, $0xb8;
	[tilespmem:$0x1E800] =	vst v63  }
0x48: {  	_ =	swait.ge [sflag:s2], $0x4000  }
0x49: {  	[sflag:s2] =	ssyncset.done $0x0  }
0x4a: {  	s22 =	simm.s32 $0x15400;
	[sflag:s2] =	ssyncadd.s32 $0xFFFFC000  }
0x4b: {  	[spmem:s1] =	stream.indirect.scatter.add.f32 [tilespmem:s0], [sflag:$0x3], $0x80, s22, s31, $0xb8;
	[tilespmem:$0x1E800] =	vst v63  }
0x4c: {  	_ =	swait.ge [sflag:s28], $0x4000  }
0x4d: {  	[sflag:s28] =	ssyncset.done $0x0  }
0x4e: {  	s23 =	simm.s32 $0x14100;
	[sflag:s28] =	ssyncadd.s32 $0xFFFFC000  }
0x4f: {  	[tilespmem:s0], [sflag:$0x1] =	stream.indirect.gather [hbm4b:s4+s31], $0x80, s23, s31, $0xb8;
	[tilespmem:$0x1E800] =	vst v63  }
0x50: {  	_ =	swait.ge [sflag:s8], $0x4000  }
0x51: {  	[sflag:s8] =	ssyncset.done $0x0  }
0x52: {  	s24 =	simm.s32 $0x15480;
	[sflag:s8] =	ssyncadd.s32 $0xFFFFC000  }
0x53: {  	[spmem:s1] =	stream.indirect.scatter.add.f32 [tilespmem:s3], [sflag:$0x3], $0x80, s24, s31, $0xb8;
	[tilespmem:$0x1E800] =	vst v63  }
0x54: {  	_ =	swait.ge [sflag:s28], $0x4000  }
0x55: {  	s20 =	simm.s32 $0x100;
	s21 =	simm.s32 $0x800;
	[sflag:s28] =	ssyncset.done $0x0  }
.LBB2_2:
0x56: {  	s22 =	sadd.s32 $0x14080, s20  }
0x57: {  	[sflag:s28] =	ssyncadd.s32 $0xFFFFC000;
	s23 =	smov.u32 s21;
	s24 =	sadd.s32 $0x400, s21  }
0x58: {  	[tilespmem:s3], [sflag:$0x2] =	stream.indirect.gather [hbm4b:s4+s31], $0x80, s22, s31, $0xb8;
	[tilespmem:$0x1E800] =	vst v63  }
0x59: {  	p0 =	sne.s32 s21, $0x4800;
	_ =	swait.ge [sflag:s2], $0x4000  }
0x5a: {  	[sflag:s2] =	ssyncset.done $0x0  }
0x5b: {  	s21 =	sadd.s32 $0x15400, s20;
	[sflag:s2] =	ssyncadd.s32 $0xFFFFC000  }
0x5c: {  	[spmem:s1] =	stream.indirect.scatter.add.f32 [tilespmem:s0], [sflag:$0x3], $0x80, s21, s31, $0xb8;
	[tilespmem:$0x1E800] =	vst v63  }
0x5d: {  	_ =	swait.ge [sflag:s28], $0x4000  }
0x5e: {  	[sflag:s28] =	ssyncset.done $0x0  }
0x5f: {  	s21 =	sadd.s32 $0x14100, s20;
	[sflag:s28] =	ssyncadd.s32 $0xFFFFC000  }
0x60: {  	[tilespmem:s0], [sflag:$0x1] =	stream.indirect.gather [hbm4b:s4+s31], $0x80, s21, s31, $0xb8;
	[tilespmem:$0x1E800] =	vst v63  }
0x61: {  	_ =	swait.ge [sflag:s8], $0x4000  }
.Ltmp0:
0x62: {  	[sflag:s8] =	ssyncset.done $0x0;
	(pc) =	sbr.rel @p0 .LBB2_2-.Ltmp0, $4  }
0x63: {  	s20 =	sadd.s32 $0x15480, s20;
	[sflag:s8] =	ssyncadd.s32 $0xFFFFC000  }
0x64: {  	[spmem:s1] =	stream.indirect.scatter.add.f32 [tilespmem:s3], [sflag:$0x3], $0x80, s20, s31, $0xb8;
	[tilespmem:$0x1E800] =	vst v63  }
0x65: {  	_ =	swait.ge [sflag:s28], $0x4000  }
0x66: {  	s21 =	smov.u32 s24;
	s20 =	sshra.s32 s23, $0x2;
	[sflag:s28] =	ssyncset.done $0x0  }
0x67: {  	s21 =	sadd.s32 $0x14080, s20;
	[sflag:s28] =	ssyncadd.s32 $0xFFFFC000  }
0x68: {  	[tilespmem:s3], [sflag:$0x2] =	stream.indirect.gather [hbm4b:s4+s31], $0x80, s21, s31, $0xb8;
	[tilespmem:$0x1E800] =	vst v63  }
0x69: {  	_ =	swait.ge [sflag:s2], $0x4000  }
0x6a: {  	[sflag:s2] =	ssyncset.done $0x0  }
0x6b: {  	s23 =	sadd.s32 $0x15400, s20;
	[sflag:s2] =	ssyncadd.s32 $0xFFFFC000  }
0x6c: {  	[spmem:s1] =	stream.indirect.scatter.add.f32 [tilespmem:s0], [sflag:$0x3], $0x80, s23, s31, $0xb8;
	[tilespmem:$0x1E800] =	vst v63  }
0x6d: {  	_ =	swait.ge [sflag:s28], $0x4000  }
0x6e: {  	[sflag:s28] =	ssyncset.done $0x0  }
0x6f: {  	s24 =	sadd.s32 $0x14100, s20;
	[sflag:s28] =	ssyncadd.s32 $0xFFFFC000  }
0x70: {  	[tilespmem:s0], [sflag:$0x1] =	stream.indirect.gather [hbm4b:s4+s31], $0x80, s24, s31, $0xb8;
	[tilespmem:$0x1E800] =	vst v63  }
0x71: {  	_ =	swait.ge [sflag:s8], $0x4000  }
0x72: {  	[sflag:s8] =	ssyncset.done $0x0  }
0x73: {  	s22 =	sadd.s32 $0x15480, s20;
	[sflag:s8] =	ssyncadd.s32 $0xFFFFC000  }
0x74: {  	[spmem:s1] =	stream.indirect.scatter.add.f32 [tilespmem:s3], [sflag:$0x3], $0x80, s22, s31, $0xb8;
	[tilespmem:$0x1E800] =	vst v63  }
0x75: {  	_ =	swait.ge [sflag:s28], $0x4000  }
0x76: {  	[sflag:s28] =	ssyncset.done $0x0  }
0x77: {  	[sflag:s28] =	ssyncadd.s32 $0xFFFFC000  }
0x78: {  	[tilespmem:s3], [sflag:$0x2] =	stream.indirect.gather [hbm4b:s4+s31], $0x80, s10, s31, $0xb8;
	[tilespmem:$0x1E800] =	vst v63  }
0x79: {  	_ =	swait.ge [sflag:s2], $0x4000  }
0x7a: {  	[sflag:s2] =	ssyncset.done $0x0  }
0x7b: {  	[sflag:s2] =	ssyncadd.s32 $0xFFFFC000  }
0x7c: {  	[spmem:s1] =	stream.indirect.scatter.add.f32 [tilespmem:s0], [sflag:$0x3], $0x80, s12, s31, $0xb8;
	[tilespmem:$0x1E800] =	vst v63  }
0x7d: {  	_ =	swait.ge [sflag:s28], $0x4000  }
0x7e: {  	[sflag:s28] =	ssyncset.done $0x0  }
0x7f: {  	[sflag:s28] =	ssyncadd.s32 $0xFFFFC000  }
0x80: {  	_ =	swait.ge [sflag:s8], $0x4000  }
0x81: {  	[sflag:s8] =	ssyncset.done $0x0  }
0x82: {  	[sflag:s8] =	ssyncadd.s32 $0xFFFFC000  }
0x83: {  	[spmem:s1] =	stream.indirect.scatter.add.f32 [tilespmem:s3], [sflag:$0x3], $0x80, s13, s31, $0xb8;
	[tilespmem:$0x1E800] =	vst v63  }
0x84: {  	_ =	swait.ge [sflag:s28], $0x4000  }
0x85: {  	[sflag:s28] =	ssyncset.done $0x0  }
0x86: {  	s23 =	simm.s32 $0x0;
	s24 =	rddreg [dreg:$0x4];
	[sflag:s28] =	ssyncadd.s32 $0xFFFFC000  }
0x87: {  	[tilespmem:s29], [sflag:$0x3] =	stream.linear.gather [hbm4b:s24+s23], $0x1400, $0x38;
	[tilespmem:$0x1E800] =	vst v63  }
0x88: {  	_ =	swait.ge [sflag:s28], $0x1400  }
0x89: {  	[sflag:s28] =	ssyncset.done $0x0  }
0x8a: {  	[sflag:s28] =	ssyncadd.s32 $0xFFFFEC00  }
0x8b: {  	[tilespmem:s30], [sflag:$0x3] =	stream.linear.gather [hbm4b:s11+s23], $0x1400, $0x38;
	[tilespmem:$0x1E800] =	vst v63  }
0x8c: {  	_ =	swait.ge [sflag:s28], $0x1400  }
0x8d: {  	[sflag:s28] =	ssyncset.done $0x0  }
0x8e: {  	[sflag:s28] =	ssyncadd.s32 $0xFFFFEC00  }
0x8f: {  	[tilespmem:s0], [sflag:$0x1] =	stream.indirect.gather [hbm4b:s4+s31], $0x80, s29, s31, $0xb8;
	[tilespmem:$0x1E800] =	vst v63  }
0x90: {  	s21 =	simm.s32 $0x14080  }
0x91: {  	[tilespmem:s3], [sflag:$0x2] =	stream.indirect.gather [hbm4b:s4+s31], $0x80, s21, s31, $0xb8;
	[tilespmem:$0x1E800] =	vst v63  }
0x92: {  	_ =	swait.ge [sflag:s2], $0x4000  }
0x93: {  	[sflag:s2] =	ssyncset.done $0x0  }
0x94: {  	s22 =	simm.s32 $0x15400;
	[sflag:s2] =	ssyncadd.s32 $0xFFFFC000  }
0x95: {  	[spmem:s1] =	stream.indirect.scatter.add.f32 [tilespmem:s0], [sflag:$0x3], $0x80, s22, s31, $0xb8;
	[tilespmem:$0x1E800] =	vst v63  }
0x96: {  	_ =	swait.ge [sflag:s28], $0x4000  }
0x97: {  	[sflag:s28] =	ssyncset.done $0x0  }
0x98: {  	s23 =	simm.s32 $0x14100;
	[sflag:s28] =	ssyncadd.s32 $0xFFFFC000  }
0x99: {  	[tilespmem:s0], [sflag:$0x1] =	stream.indirect.gather [hbm4b:s4+s31], $0x80, s23, s31, $0xb8;
	[tilespmem:$0x1E800] =	vst v63  }
0x9a: {  	_ =	swait.ge [sflag:s8], $0x4000  }
0x9b: {  	[sflag:s8] =	ssyncset.done $0x0  }
0x9c: {  	s24 =	simm.s32 $0x15480;
	[sflag:s8] =	ssyncadd.s32 $0xFFFFC000  }
0x9d: {  	[spmem:s1] =	stream.indirect.scatter.add.f32 [tilespmem:s3], [sflag:$0x3], $0x80, s24, s31, $0xb8;
	[tilespmem:$0x1E800] =	vst v63  }
0x9e: {  	_ =	swait.ge [sflag:s28], $0x4000  }
0x9f: {  	s20 =	simm.s32 $0x100;
	s21 =	simm.s32 $0x800;
	[sflag:s28] =	ssyncset.done $0x0  }
.LBB2_4:
0xa0: {  	s22 =	sadd.s32 $0x14080, s20  }
0xa1: {  	[sflag:s28] =	ssyncadd.s32 $0xFFFFC000;
	s23 =	smov.u32 s21;
	s24 =	sadd.s32 $0x400, s21  }
0xa2: {  	[tilespmem:s3], [sflag:$0x2] =	stream.indirect.gather [hbm4b:s4+s31], $0x80, s22, s31, $0xb8;
	[tilespmem:$0x1E800] =	vst v63  }
0xa3: {  	p0 =	sne.s32 s21, $0x4800;
	_ =	swait.ge [sflag:s2], $0x4000  }
0xa4: {  	[sflag:s2] =	ssyncset.done $0x0  }
0xa5: {  	s21 =	sadd.s32 $0x15400, s20;
	[sflag:s2] =	ssyncadd.s32 $0xFFFFC000  }
0xa6: {  	[spmem:s1] =	stream.indirect.scatter.add.f32 [tilespmem:s0], [sflag:$0x3], $0x80, s21, s31, $0xb8;
	[tilespmem:$0x1E800] =	vst v63  }
0xa7: {  	_ =	swait.ge [sflag:s28], $0x4000  }
0xa8: {  	[sflag:s28] =	ssyncset.done $0x0  }
0xa9: {  	s21 =	sadd.s32 $0x14100, s20;
	[sflag:s28] =	ssyncadd.s32 $0xFFFFC000  }
0xaa: {  	[tilespmem:s0], [sflag:$0x1] =	stream.indirect.gather [hbm4b:s4+s31], $0x80, s21, s31, $0xb8;
	[tilespmem:$0x1E800] =	vst v63  }
0xab: {  	_ =	swait.ge [sflag:s8], $0x4000  }
.Ltmp1:
0xac: {  	[sflag:s8] =	ssyncset.done $0x0;
	(pc) =	sbr.rel @p0 .LBB2_4-.Ltmp1, $4  }
0xad: {  	s20 =	sadd.s32 $0x15480, s20;
	[sflag:s8] =	ssyncadd.s32 $0xFFFFC000  }
0xae: {  	[spmem:s1] =	stream.indirect.scatter.add.f32 [tilespmem:s3], [sflag:$0x3], $0x80, s20, s31, $0xb8;
	[tilespmem:$0x1E800] =	vst v63  }
0xaf: {  	_ =	swait.ge [sflag:s28], $0x4000  }
0xb0: {  	s21 =	smov.u32 s24;
	s20 =	sshra.s32 s23, $0x2;
	[sflag:s28] =	ssyncset.done $0x0  }
0xb1: {  	s21 =	sadd.s32 $0x14080, s20;
	[sflag:s28] =	ssyncadd.s32 $0xFFFFC000  }
0xb2: {  	[tilespmem:s3], [sflag:$0x2] =	stream.indirect.gather [hbm4b:s4+s31], $0x80, s21, s31, $0xb8;
	[tilespmem:$0x1E800] =	vst v63  }
0xb3: {  	_ =	swait.ge [sflag:s2], $0x4000  }
0xb4: {  	[sflag:s2] =	ssyncset.done $0x0  }
0xb5: {  	s23 =	sadd.s32 $0x15400, s20;
	[sflag:s2] =	ssyncadd.s32 $0xFFFFC000  }
0xb6: {  	[spmem:s1] =	stream.indirect.scatter.add.f32 [tilespmem:s0], [sflag:$0x3], $0x80, s23, s31, $0xb8;
	[tilespmem:$0x1E800] =	vst v63  }
0xb7: {  	_ =	swait.ge [sflag:s28], $0x4000  }
0xb8: {  	[sflag:s28] =	ssyncset.done $0x0  }
0xb9: {  	s24 =	sadd.s32 $0x14100, s20;
	[sflag:s28] =	ssyncadd.s32 $0xFFFFC000  }
0xba: {  	[tilespmem:s0], [sflag:$0x1] =	stream.indirect.gather [hbm4b:s4+s31], $0x80, s24, s31, $0xb8;
	[tilespmem:$0x1E800] =	vst v63  }
0xbb: {  	_ =	swait.ge [sflag:s8], $0x4000  }
0xbc: {  	[sflag:s8] =	ssyncset.done $0x0  }
0xbd: {  	s21 =	sadd.s32 $0x15480, s20;
	[sflag:s8] =	ssyncadd.s32 $0xFFFFC000  }
0xbe: {  	[spmem:s1] =	stream.indirect.scatter.add.f32 [tilespmem:s3], [sflag:$0x3], $0x80, s21, s31, $0xb8;
	[tilespmem:$0x1E800] =	vst v63  }
0xbf: {  	_ =	swait.ge [sflag:s28], $0x4000  }
0xc0: {  	[sflag:s28] =	ssyncset.done $0x0  }
0xc1: {  	[sflag:s28] =	ssyncadd.s32 $0xFFFFC000  }
0xc2: {  	[tilespmem:s3], [sflag:$0x2] =	stream.indirect.gather [hbm4b:s4+s31], $0x80, s10, s31, $0xb8;
	[tilespmem:$0x1E800] =	vst v63  }
0xc3: {  	_ =	swait.ge [sflag:s2], $0x4000  }
0xc4: {  	[sflag:s2] =	ssyncset.done $0x0  }
0xc5: {  	[sflag:s2] =	ssyncadd.s32 $0xFFFFC000  }
0xc6: {  	[spmem:s1] =	stream.indirect.scatter.add.f32 [tilespmem:s0], [sflag:$0x3], $0x80, s12, s31, $0xb8;
	[tilespmem:$0x1E800] =	vst v63  }
0xc7: {  	_ =	swait.ge [sflag:s28], $0x4000  }
0xc8: {  	[sflag:s28] =	ssyncset.done $0x0  }
0xc9: {  	[sflag:s28] =	ssyncadd.s32 $0xFFFFC000  }
0xca: {  	_ =	swait.ge [sflag:s8], $0x4000  }
0xcb: {  	[sflag:s8] =	ssyncset.done $0x0  }
0xcc: {  	[sflag:s8] =	ssyncadd.s32 $0xFFFFC000  }
0xcd: {  	[spmem:s1] =	stream.indirect.scatter.add.f32 [tilespmem:s3], [sflag:$0x3], $0x80, s13, s31, $0xb8;
	[tilespmem:$0x1E800] =	vst v63  }
0xce: {  	_ =	swait.ge [sflag:s28], $0x4000  }
0xcf: {  	[sflag:s28] =	ssyncset.done $0x0  }
0xd0: {  	[sflag:s28] =	ssyncadd.s32 $0xFFFFC000  }
0xd1: {  	[bflag:$0x0] =	sbarrier.arrive $0xFFFF  }
0xd2: {  	s22 =	rddreg [dreg:$0xd]  }
0xd3: {  	[hbm:s22], [sflag:s7] =	dma.local [spmem:s15], $0x2800  }
0xd4: {  	_ =	swait.ge [sflag:s28], $0x2800  }
0xd5: {  	[sflag:s28] =	ssyncset.done $0x0  }
0xd6: {  	[sflag:s28] =	ssyncadd.s32 $0xFFFFD800  }
0xd7: {  	[bflag:$0x0] =	sbarrier.arrive $0xFFFF  }
0xd8: {  	[spmem:s15], [sflag:s7] =	dma.local [hbm:s5], $0x800  }
0xd9: {  	_ =	swait.ge [sflag:s28], $0x800  }
0xda: {  	[sflag:s28] =	ssyncset.done $0x0  }
0xdb: {  	[sflag:s28] =	ssyncadd.s32 $0xFFFFF800  }
0xdc: {  	[spmem:s16], [sflag:s7] =	dma.local [hbm:s5], $0x800  }
0xdd: {  	_ =	swait.ge [sflag:s28], $0x800  }
0xde: {  	[sflag:s28] =	ssyncset.done $0x0  }
0xdf: {  	[sflag:s28] =	ssyncadd.s32 $0xFFFFF800  }
0xe0: {  	[spmem:s17], [sflag:s7] =	dma.local [hbm:s5], $0x800  }
0xe1: {  	_ =	swait.ge [sflag:s28], $0x800  }
0xe2: {  	[sflag:s28] =	ssyncset.done $0x0  }
0xe3: {  	[sflag:s28] =	ssyncadd.s32 $0xFFFFF800  }
0xe4: {  	[spmem:s18], [sflag:s7] =	dma.local [hbm:s5], $0x800  }
0xe5: {  	_ =	swait.ge [sflag:s28], $0x800  }
0xe6: {  	[sflag:s28] =	ssyncset.done $0x0  }
0xe7: {  	[sflag:s28] =	ssyncadd.s32 $0xFFFFF800  }
0xe8: {  	[spmem:s19], [sflag:s7] =	dma.local [hbm:s5], $0x800  }
0xe9: {  	_ =	swait.ge [sflag:s28], $0x800  }
0xea: {  	[sflag:s28] =	ssyncset.done $0x0  }
0xeb: {  	[sflag:s28] =	ssyncadd.s32 $0xFFFFF800  }
0xec: {  	[bflag:$0x0] =	sbarrier.arrive $0xFFFF  }
0xed: {  	s23 =	simm.s32 $0x0;
	s24 =	rddreg [dreg:$0x5]  }
0xee: {  	[tilespmem:s29], [sflag:$0x3] =	stream.linear.gather [hbm4b:s24+s23], $0x1400, $0x38;
	[tilespmem:$0x1E800] =	vst v63  }
0xef: {  	_ =	swait.ge [sflag:s28], $0x1400  }
0xf0: {  	[sflag:s28] =	ssyncset.done $0x0  }
0xf1: {  	[sflag:s28] =	ssyncadd.s32 $0xFFFFEC00  }
0xf2: {  	[tilespmem:s30], [sflag:$0x3] =	stream.linear.gather [hbm4b:s9+s23], $0x1400, $0x38;
	[tilespmem:$0x1E800] =	vst v63  }
0xf3: {  	_ =	swait.ge [sflag:s28], $0x1400  }
0xf4: {  	[sflag:s28] =	ssyncset.done $0x0  }
0xf5: {  	[sflag:s28] =	ssyncadd.s32 $0xFFFFEC00  }
0xf6: {  	[tilespmem:s0], [sflag:$0x1] =	stream.indirect.gather [hbm4b:s4+s31], $0x80, s29, s31, $0xb8;
	[tilespmem:$0x1E800] =	vst v63  }
0xf7: {  	s21 =	simm.s32 $0x14080  }
0xf8: {  	[tilespmem:s3], [sflag:$0x2] =	stream.indirect.gather [hbm4b:s4+s31], $0x80, s21, s31, $0xb8;
	[tilespmem:$0x1E800] =	vst v63  }
0xf9: {  	_ =	swait.ge [sflag:s2], $0x4000  }
0xfa: {  	[sflag:s2] =	ssyncset.done $0x0  }
0xfb: {  	s22 =	simm.s32 $0x15400;
	[sflag:s2] =	ssyncadd.s32 $0xFFFFC000  }
0xfc: {  	[spmem:s1] =	stream.indirect.scatter.add.f32 [tilespmem:s0], [sflag:$0x3], $0x80, s22, s31, $0xb8;
	[tilespmem:$0x1E800] =	vst v63  }
0xfd: {  	_ =	swait.ge [sflag:s28], $0x4000  }
0xfe: {  	[sflag:s28] =	ssyncset.done $0x0  }
0xff: {  	s23 =	simm.s32 $0x14100;
	[sflag:s28] =	ssyncadd.s32 $0xFFFFC000  }
0x100: {  	[tilespmem:s0], [sflag:$0x1] =	stream.indirect.gather [hbm4b:s4+s31], $0x80, s23, s31, $0xb8;
	[tilespmem:$0x1E800] =	vst v63  }
0x101: {  	_ =	swait.ge [sflag:s8], $0x4000  }
0x102: {  	[sflag:s8] =	ssyncset.done $0x0  }
0x103: {  	s24 =	simm.s32 $0x15480;
	[sflag:s8] =	ssyncadd.s32 $0xFFFFC000  }
0x104: {  	[spmem:s1] =	stream.indirect.scatter.add.f32 [tilespmem:s3], [sflag:$0x3], $0x80, s24, s31, $0xb8;
	[tilespmem:$0x1E800] =	vst v63  }
0x105: {  	_ =	swait.ge [sflag:s28], $0x4000  }
0x106: {  	s20 =	simm.s32 $0x100;
	s21 =	simm.s32 $0x800;
	[sflag:s28] =	ssyncset.done $0x0  }
.LBB2_6:
0x107: {  	s22 =	sadd.s32 $0x14080, s20  }
0x108: {  	[sflag:s28] =	ssyncadd.s32 $0xFFFFC000;
	s23 =	smov.u32 s21;
	s24 =	sadd.s32 $0x400, s21  }
0x109: {  	[tilespmem:s3], [sflag:$0x2] =	stream.indirect.gather [hbm4b:s4+s31], $0x80, s22, s31, $0xb8;
	[tilespmem:$0x1E800] =	vst v63  }
0x10a: {  	p0 =	sne.s32 s21, $0x4800;
	_ =	swait.ge [sflag:s2], $0x4000  }
0x10b: {  	[sflag:s2] =	ssyncset.done $0x0  }
0x10c: {  	s21 =	sadd.s32 $0x15400, s20;
	[sflag:s2] =	ssyncadd.s32 $0xFFFFC000  }
0x10d: {  	[spmem:s1] =	stream.indirect.scatter.add.f32 [tilespmem:s0], [sflag:$0x3], $0x80, s21, s31, $0xb8;
	[tilespmem:$0x1E800] =	vst v63  }
0x10e: {  	_ =	swait.ge [sflag:s28], $0x4000  }
0x10f: {  	[sflag:s28] =	ssyncset.done $0x0  }
0x110: {  	s21 =	sadd.s32 $0x14100, s20;
	[sflag:s28] =	ssyncadd.s32 $0xFFFFC000  }
0x111: {  	[tilespmem:s0], [sflag:$0x1] =	stream.indirect.gather [hbm4b:s4+s31], $0x80, s21, s31, $0xb8;
	[tilespmem:$0x1E800] =	vst v63  }
0x112: {  	_ =	swait.ge [sflag:s8], $0x4000  }
.Ltmp2:
0x113: {  	[sflag:s8] =	ssyncset.done $0x0;
	(pc) =	sbr.rel @p0 .LBB2_6-.Ltmp2, $4  }
0x114: {  	s20 =	sadd.s32 $0x15480, s20;
	[sflag:s8] =	ssyncadd.s32 $0xFFFFC000  }
0x115: {  	[spmem:s1] =	stream.indirect.scatter.add.f32 [tilespmem:s3], [sflag:$0x3], $0x80, s20, s31, $0xb8;
	[tilespmem:$0x1E800] =	vst v63  }
0x116: {  	_ =	swait.ge [sflag:s28], $0x4000  }
0x117: {  	s21 =	smov.u32 s24;
	s20 =	sshra.s32 s23, $0x2;
	[sflag:s28] =	ssyncset.done $0x0  }
0x118: {  	s21 =	sadd.s32 $0x14080, s20;
	[sflag:s28] =	ssyncadd.s32 $0xFFFFC000  }
0x119: {  	[tilespmem:s3], [sflag:$0x2] =	stream.indirect.gather [hbm4b:s4+s31], $0x80, s21, s31, $0xb8;
	[tilespmem:$0x1E800] =	vst v63  }
0x11a: {  	_ =	swait.ge [sflag:s2], $0x4000  }
0x11b: {  	[sflag:s2] =	ssyncset.done $0x0  }
0x11c: {  	s23 =	sadd.s32 $0x15400, s20;
	[sflag:s2] =	ssyncadd.s32 $0xFFFFC000  }
0x11d: {  	[spmem:s1] =	stream.indirect.scatter.add.f32 [tilespmem:s0], [sflag:$0x3], $0x80, s23, s31, $0xb8;
	[tilespmem:$0x1E800] =	vst v63  }
0x11e: {  	_ =	swait.ge [sflag:s28], $0x4000  }
0x11f: {  	[sflag:s28] =	ssyncset.done $0x0  }
0x120: {  	s24 =	sadd.s32 $0x14100, s20;
	[sflag:s28] =	ssyncadd.s32 $0xFFFFC000  }
0x121: {  	[tilespmem:s0], [sflag:$0x1] =	stream.indirect.gather [hbm4b:s4+s31], $0x80, s24, s31, $0xb8;
	[tilespmem:$0x1E800] =	vst v63  }
0x122: {  	_ =	swait.ge [sflag:s8], $0x4000  }
0x123: {  	[sflag:s8] =	ssyncset.done $0x0  }
0x124: {  	s22 =	sadd.s32 $0x15480, s20;
	[sflag:s8] =	ssyncadd.s32 $0xFFFFC000  }
0x125: {  	[spmem:s1] =	stream.indirect.scatter.add.f32 [tilespmem:s3], [sflag:$0x3], $0x80, s22, s31, $0xb8;
	[tilespmem:$0x1E800] =	vst v63  }
0x126: {  	_ =	swait.ge [sflag:s28], $0x4000  }
0x127: {  	[sflag:s28] =	ssyncset.done $0x0  }
0x128: {  	[sflag:s28] =	ssyncadd.s32 $0xFFFFC000  }
0x129: {  	[tilespmem:s3], [sflag:$0x2] =	stream.indirect.gather [hbm4b:s4+s31], $0x80, s10, s31, $0xb8;
	[tilespmem:$0x1E800] =	vst v63  }
0x12a: {  	_ =	swait.ge [sflag:s2], $0x4000  }
0x12b: {  	[sflag:s2] =	ssyncset.done $0x0  }
0x12c: {  	[sflag:s2] =	ssyncadd.s32 $0xFFFFC000  }
0x12d: {  	[spmem:s1] =	stream.indirect.scatter.add.f32 [tilespmem:s0], [sflag:$0x3], $0x80, s12, s31, $0xb8;
	[tilespmem:$0x1E800] =	vst v63  }
0x12e: {  	_ =	swait.ge [sflag:s28], $0x4000  }
0x12f: {  	[sflag:s28] =	ssyncset.done $0x0  }
0x130: {  	[sflag:s28] =	ssyncadd.s32 $0xFFFFC000  }
0x131: {  	_ =	swait.ge [sflag:s8], $0x4000  }
0x132: {  	[sflag:s8] =	ssyncset.done $0x0  }
0x133: {  	[sflag:s8] =	ssyncadd.s32 $0xFFFFC000  }
0x134: {  	[spmem:s1] =	stream.indirect.scatter.add.f32 [tilespmem:s3], [sflag:$0x3], $0x80, s13, s31, $0xb8;
	[tilespmem:$0x1E800] =	vst v63  }
0x135: {  	_ =	swait.ge [sflag:s28], $0x4000  }
0x136: {  	[sflag:s28] =	ssyncset.done $0x0  }
0x137: {  	s23 =	simm.s32 $0x0;
	s24 =	rddreg [dreg:$0x6];
	[sflag:s28] =	ssyncadd.s32 $0xFFFFC000  }
0x138: {  	[tilespmem:s29], [sflag:$0x3] =	stream.linear.gather [hbm4b:s24+s23], $0x1400, $0x38;
	[tilespmem:$0x1E800] =	vst v63  }
0x139: {  	_ =	swait.ge [sflag:s28], $0x1400  }
0x13a: {  	[sflag:s28] =	ssyncset.done $0x0  }
0x13b: {  	[sflag:s28] =	ssyncadd.s32 $0xFFFFEC00  }
0x13c: {  	[tilespmem:s30], [sflag:$0x3] =	stream.linear.gather [hbm4b:s11+s23], $0x1400, $0x38;
	[tilespmem:$0x1E800] =	vst v63  }
0x13d: {  	_ =	swait.ge [sflag:s28], $0x1400  }
0x13e: {  	[sflag:s28] =	ssyncset.done $0x0  }
0x13f: {  	[sflag:s28] =	ssyncadd.s32 $0xFFFFEC00  }
0x140: {  	[tilespmem:s0], [sflag:$0x1] =	stream.indirect.gather [hbm4b:s4+s31], $0x80, s29, s31, $0xb8;
	[tilespmem:$0x1E800] =	vst v63  }
0x141: {  	s21 =	simm.s32 $0x14080  }
0x142: {  	[tilespmem:s3], [sflag:$0x2] =	stream.indirect.gather [hbm4b:s4+s31], $0x80, s21, s31, $0xb8;
	[tilespmem:$0x1E800] =	vst v63  }
0x143: {  	_ =	swait.ge [sflag:s2], $0x4000  }
0x144: {  	[sflag:s2] =	ssyncset.done $0x0  }
0x145: {  	s22 =	simm.s32 $0x15400;
	[sflag:s2] =	ssyncadd.s32 $0xFFFFC000  }
0x146: {  	[spmem:s1] =	stream.indirect.scatter.add.f32 [tilespmem:s0], [sflag:$0x3], $0x80, s22, s31, $0xb8;
	[tilespmem:$0x1E800] =	vst v63  }
0x147: {  	_ =	swait.ge [sflag:s28], $0x4000  }
0x148: {  	[sflag:s28] =	ssyncset.done $0x0  }
0x149: {  	s23 =	simm.s32 $0x14100;
	[sflag:s28] =	ssyncadd.s32 $0xFFFFC000  }
0x14a: {  	[tilespmem:s0], [sflag:$0x1] =	stream.indirect.gather [hbm4b:s4+s31], $0x80, s23, s31, $0xb8;
	[tilespmem:$0x1E800] =	vst v63  }
0x14b: {  	_ =	swait.ge [sflag:s8], $0x4000  }
0x14c: {  	[sflag:s8] =	ssyncset.done $0x0  }
0x14d: {  	s24 =	simm.s32 $0x15480;
	[sflag:s8] =	ssyncadd.s32 $0xFFFFC000  }
0x14e: {  	[spmem:s1] =	stream.indirect.scatter.add.f32 [tilespmem:s3], [sflag:$0x3], $0x80, s24, s31, $0xb8;
	[tilespmem:$0x1E800] =	vst v63  }
0x14f: {  	_ =	swait.ge [sflag:s28], $0x4000  }
0x150: {  	s20 =	simm.s32 $0x100;
	s21 =	simm.s32 $0x800;
	[sflag:s28] =	ssyncset.done $0x0  }
.LBB2_8:
0x151: {  	s22 =	sadd.s32 $0x14080, s20  }
0x152: {  	[sflag:s28] =	ssyncadd.s32 $0xFFFFC000;
	s23 =	smov.u32 s21;
	s24 =	sadd.s32 $0x400, s21  }
0x153: {  	[tilespmem:s3], [sflag:$0x2] =	stream.indirect.gather [hbm4b:s4+s31], $0x80, s22, s31, $0xb8;
	[tilespmem:$0x1E800] =	vst v63  }
0x154: {  	p0 =	sne.s32 s21, $0x4800;
	_ =	swait.ge [sflag:s2], $0x4000  }
0x155: {  	[sflag:s2] =	ssyncset.done $0x0  }
0x156: {  	s21 =	sadd.s32 $0x15400, s20;
	[sflag:s2] =	ssyncadd.s32 $0xFFFFC000  }
0x157: {  	[spmem:s1] =	stream.indirect.scatter.add.f32 [tilespmem:s0], [sflag:$0x3], $0x80, s21, s31, $0xb8;
	[tilespmem:$0x1E800] =	vst v63  }
0x158: {  	_ =	swait.ge [sflag:s28], $0x4000  }
0x159: {  	[sflag:s28] =	ssyncset.done $0x0  }
0x15a: {  	s21 =	sadd.s32 $0x14100, s20;
	[sflag:s28] =	ssyncadd.s32 $0xFFFFC000  }
0x15b: {  	[tilespmem:s0], [sflag:$0x1] =	stream.indirect.gather [hbm4b:s4+s31], $0x80, s21, s31, $0xb8;
	[tilespmem:$0x1E800] =	vst v63  }
0x15c: {  	_ =	swait.ge [sflag:s8], $0x4000  }
.Ltmp3:
0x15d: {  	[sflag:s8] =	ssyncset.done $0x0;
	(pc) =	sbr.rel @p0 .LBB2_8-.Ltmp3, $4  }
0x15e: {  	s20 =	sadd.s32 $0x15480, s20;
	[sflag:s8] =	ssyncadd.s32 $0xFFFFC000  }
0x15f: {  	[spmem:s1] =	stream.indirect.scatter.add.f32 [tilespmem:s3], [sflag:$0x3], $0x80, s20, s31, $0xb8;
	[tilespmem:$0x1E800] =	vst v63  }
0x160: {  	_ =	swait.ge [sflag:s28], $0x4000  }
0x161: {  	s21 =	smov.u32 s24;
	s20 =	sshra.s32 s23, $0x2;
	[sflag:s28] =	ssyncset.done $0x0  }
0x162: {  	s21 =	sadd.s32 $0x14080, s20;
	[sflag:s28] =	ssyncadd.s32 $0xFFFFC000  }
0x163: {  	[tilespmem:s3], [sflag:$0x2] =	stream.indirect.gather [hbm4b:s4+s31], $0x80, s21, s31, $0xb8;
	[tilespmem:$0x1E800] =	vst v63  }
0x164: {  	_ =	swait.ge [sflag:s2], $0x4000  }
0x165: {  	[sflag:s2] =	ssyncset.done $0x0  }
0x166: {  	s23 =	sadd.s32 $0x15400, s20;
	[sflag:s2] =	ssyncadd.s32 $0xFFFFC000  }
0x167: {  	[spmem:s1] =	stream.indirect.scatter.add.f32 [tilespmem:s0], [sflag:$0x3], $0x80, s23, s31, $0xb8;
	[tilespmem:$0x1E800] =	vst v63  }
0x168: {  	_ =	swait.ge [sflag:s28], $0x4000  }
0x169: {  	[sflag:s28] =	ssyncset.done $0x0  }
0x16a: {  	s24 =	sadd.s32 $0x14100, s20;
	[sflag:s28] =	ssyncadd.s32 $0xFFFFC000  }
0x16b: {  	[tilespmem:s0], [sflag:$0x1] =	stream.indirect.gather [hbm4b:s4+s31], $0x80, s24, s31, $0xb8;
	[tilespmem:$0x1E800] =	vst v63  }
0x16c: {  	_ =	swait.ge [sflag:s8], $0x4000  }
0x16d: {  	[sflag:s8] =	ssyncset.done $0x0  }
0x16e: {  	s21 =	sadd.s32 $0x15480, s20;
	[sflag:s8] =	ssyncadd.s32 $0xFFFFC000  }
0x16f: {  	[spmem:s1] =	stream.indirect.scatter.add.f32 [tilespmem:s3], [sflag:$0x3], $0x80, s21, s31, $0xb8;
	[tilespmem:$0x1E800] =	vst v63  }
0x170: {  	_ =	swait.ge [sflag:s28], $0x4000  }
0x171: {  	[sflag:s28] =	ssyncset.done $0x0  }
0x172: {  	[sflag:s28] =	ssyncadd.s32 $0xFFFFC000  }
0x173: {  	[tilespmem:s3], [sflag:$0x2] =	stream.indirect.gather [hbm4b:s4+s31], $0x80, s10, s31, $0xb8;
	[tilespmem:$0x1E800] =	vst v63  }
0x174: {  	_ =	swait.ge [sflag:s2], $0x4000  }
0x175: {  	[sflag:s2] =	ssyncset.done $0x0  }
0x176: {  	[sflag:s2] =	ssyncadd.s32 $0xFFFFC000  }
0x177: {  	[spmem:s1] =	stream.indirect.scatter.add.f32 [tilespmem:s0], [sflag:$0x3], $0x80, s12, s31, $0xb8;
	[tilespmem:$0x1E800] =	vst v63  }
0x178: {  	_ =	swait.ge [sflag:s28], $0x4000  }
0x179: {  	[sflag:s28] =	ssyncset.done $0x0  }
0x17a: {  	[sflag:s28] =	ssyncadd.s32 $0xFFFFC000  }
0x17b: {  	_ =	swait.ge [sflag:s8], $0x4000  }
0x17c: {  	[sflag:s8] =	ssyncset.done $0x0  }
0x17d: {  	[sflag:s8] =	ssyncadd.s32 $0xFFFFC000  }
0x17e: {  	[spmem:s1] =	stream.indirect.scatter.add.f32 [tilespmem:s3], [sflag:$0x3], $0x80, s13, s31, $0xb8;
	[tilespmem:$0x1E800] =	vst v63  }
0x17f: {  	_ =	swait.ge [sflag:s28], $0x4000  }
0x180: {  	[sflag:s28] =	ssyncset.done $0x0  }
0x181: {  	[sflag:s28] =	ssyncadd.s32 $0xFFFFC000  }
0x182: {  	[bflag:$0x0] =	sbarrier.arrive $0xFFFF  }
0x183: {  	s22 =	rddreg [dreg:$0xe]  }
0x184: {  	[hbm:s22], [sflag:s7] =	dma.local [spmem:s15], $0x2800  }
0x185: {  	_ =	swait.ge [sflag:s28], $0x2800  }
0x186: {  	[sflag:s28] =	ssyncset.done $0x0  }
0x187: {  	[sflag:s28] =	ssyncadd.s32 $0xFFFFD800  }
0x188: {  	[bflag:$0x0] =	sbarrier.arrive $0xFFFF  }
0x189: {  	[spmem:s15], [sflag:s7] =	dma.local [hbm:s5], $0x800  }
0x18a: {  	_ =	swait.ge [sflag:s28], $0x800  }
0x18b: {  	[sflag:s28] =	ssyncset.done $0x0  }
0x18c: {  	[sflag:s28] =	ssyncadd.s32 $0xFFFFF800  }
0x18d: {  	[spmem:s16], [sflag:s7] =	dma.local [hbm:s5], $0x800  }
0x18e: {  	_ =	swait.ge [sflag:s28], $0x800  }
0x18f: {  	[sflag:s28] =	ssyncset.done $0x0  }
0x190: {  	[sflag:s28] =	ssyncadd.s32 $0xFFFFF800  }
0x191: {  	[spmem:s17], [sflag:s7] =	dma.local [hbm:s5], $0x800  }
0x192: {  	_ =	swait.ge [sflag:s28], $0x800  }
0x193: {  	[sflag:s28] =	ssyncset.done $0x0  }
0x194: {  	[sflag:s28] =	ssyncadd.s32 $0xFFFFF800  }
0x195: {  	[spmem:s18], [sflag:s7] =	dma.local [hbm:s5], $0x800  }
0x196: {  	_ =	swait.ge [sflag:s28], $0x800  }
0x197: {  	[sflag:s28] =	ssyncset.done $0x0  }
0x198: {  	[sflag:s28] =	ssyncadd.s32 $0xFFFFF800  }
0x199: {  	[spmem:s19], [sflag:s7] =	dma.local [hbm:s5], $0x800  }
0x19a: {  	_ =	swait.ge [sflag:s28], $0x800  }
0x19b: {  	[sflag:s28] =	ssyncset.done $0x0  }
0x19c: {  	[sflag:s28] =	ssyncadd.s32 $0xFFFFF800  }
0x19d: {  	[bflag:$0x0] =	sbarrier.arrive $0xFFFF  }
0x19e: {  	s23 =	simm.s32 $0x0;
	s24 =	rddreg [dreg:$0x7]  }
0x19f: {  	[tilespmem:s29], [sflag:$0x3] =	stream.linear.gather [hbm4b:s24+s23], $0x1400, $0x38;
	[tilespmem:$0x1E800] =	vst v63  }
0x1a0: {  	_ =	swait.ge [sflag:s28], $0x1400  }
0x1a1: {  	[sflag:s28] =	ssyncset.done $0x0  }
0x1a2: {  	[sflag:s28] =	ssyncadd.s32 $0xFFFFEC00  }
0x1a3: {  	[tilespmem:s30], [sflag:$0x3] =	stream.linear.gather [hbm4b:s9+s23], $0x1400, $0x38;
	[tilespmem:$0x1E800] =	vst v63  }
0x1a4: {  	_ =	swait.ge [sflag:s28], $0x1400  }
0x1a5: {  	[sflag:s28] =	ssyncset.done $0x0  }
0x1a6: {  	[sflag:s28] =	ssyncadd.s32 $0xFFFFEC00  }
0x1a7: {  	[tilespmem:s0], [sflag:$0x1] =	stream.indirect.gather [hbm4b:s4+s31], $0x80, s29, s31, $0xb8;
	[tilespmem:$0x1E800] =	vst v63  }
0x1a8: {  	s21 =	simm.s32 $0x14080  }
0x1a9: {  	[tilespmem:s3], [sflag:$0x2] =	stream.indirect.gather [hbm4b:s4+s31], $0x80, s21, s31, $0xb8;
	[tilespmem:$0x1E800] =	vst v63  }
0x1aa: {  	_ =	swait.ge [sflag:s2], $0x4000  }
0x1ab: {  	[sflag:s2] =	ssyncset.done $0x0  }
0x1ac: {  	s22 =	simm.s32 $0x15400;
	[sflag:s2] =	ssyncadd.s32 $0xFFFFC000  }
0x1ad: {  	[spmem:s1] =	stream.indirect.scatter.add.f32 [tilespmem:s0], [sflag:$0x3], $0x80, s22, s31, $0xb8;
	[tilespmem:$0x1E800] =	vst v63  }
0x1ae: {  	_ =	swait.ge [sflag:s28], $0x4000  }
0x1af: {  	[sflag:s28] =	ssyncset.done $0x0  }
0x1b0: {  	s23 =	simm.s32 $0x14100;
	[sflag:s28] =	ssyncadd.s32 $0xFFFFC000  }
0x1b1: {  	[tilespmem:s0], [sflag:$0x1] =	stream.indirect.gather [hbm4b:s4+s31], $0x80, s23, s31, $0xb8;
	[tilespmem:$0x1E800] =	vst v63  }
0x1b2: {  	_ =	swait.ge [sflag:s8], $0x4000  }
0x1b3: {  	[sflag:s8] =	ssyncset.done $0x0  }
0x1b4: {  	s24 =	simm.s32 $0x15480;
	[sflag:s8] =	ssyncadd.s32 $0xFFFFC000  }
0x1b5: {  	[spmem:s1] =	stream.indirect.scatter.add.f32 [tilespmem:s3], [sflag:$0x3], $0x80, s24, s31, $0xb8;
	[tilespmem:$0x1E800] =	vst v63  }
0x1b6: {  	_ =	swait.ge [sflag:s28], $0x4000  }
0x1b7: {  	s20 =	simm.s32 $0x100;
	s21 =	simm.s32 $0x800;
	[sflag:s28] =	ssyncset.done $0x0  }
.LBB2_10:
0x1b8: {  	s22 =	sadd.s32 $0x14080, s20  }
0x1b9: {  	[sflag:s28] =	ssyncadd.s32 $0xFFFFC000;
	s23 =	smov.u32 s21;
	s24 =	sadd.s32 $0x400, s21  }
0x1ba: {  	[tilespmem:s3], [sflag:$0x2] =	stream.indirect.gather [hbm4b:s4+s31], $0x80, s22, s31, $0xb8;
	[tilespmem:$0x1E800] =	vst v63  }
0x1bb: {  	p0 =	sne.s32 s21, $0x4800;
	_ =	swait.ge [sflag:s2], $0x4000  }
0x1bc: {  	[sflag:s2] =	ssyncset.done $0x0  }
0x1bd: {  	s21 =	sadd.s32 $0x15400, s20;
	[sflag:s2] =	ssyncadd.s32 $0xFFFFC000  }
0x1be: {  	[spmem:s1] =	stream.indirect.scatter.add.f32 [tilespmem:s0], [sflag:$0x3], $0x80, s21, s31, $0xb8;
	[tilespmem:$0x1E800] =	vst v63  }
0x1bf: {  	_ =	swait.ge [sflag:s28], $0x4000  }
0x1c0: {  	[sflag:s28] =	ssyncset.done $0x0  }
0x1c1: {  	s21 =	sadd.s32 $0x14100, s20;
	[sflag:s28] =	ssyncadd.s32 $0xFFFFC000  }
0x1c2: {  	[tilespmem:s0], [sflag:$0x1] =	stream.indirect.gather [hbm4b:s4+s31], $0x80, s21, s31, $0xb8;
	[tilespmem:$0x1E800] =	vst v63  }
0x1c3: {  	_ =	swait.ge [sflag:s8], $0x4000  }
.Ltmp4:
0x1c4: {  	[sflag:s8] =	ssyncset.done $0x0;
	(pc) =	sbr.rel @p0 .LBB2_10-.Ltmp4, $4  }
0x1c5: {  	s20 =	sadd.s32 $0x15480, s20;
	[sflag:s8] =	ssyncadd.s32 $0xFFFFC000  }
0x1c6: {  	[spmem:s1] =	stream.indirect.scatter.add.f32 [tilespmem:s3], [sflag:$0x3], $0x80, s20, s31, $0xb8;
	[tilespmem:$0x1E800] =	vst v63  }
0x1c7: {  	_ =	swait.ge [sflag:s28], $0x4000  }
0x1c8: {  	s21 =	smov.u32 s24;
	s20 =	sshra.s32 s23, $0x2;
	[sflag:s28] =	ssyncset.done $0x0  }
0x1c9: {  	s21 =	sadd.s32 $0x14080, s20;
	[sflag:s28] =	ssyncadd.s32 $0xFFFFC000  }
0x1ca: {  	[tilespmem:s3], [sflag:$0x2] =	stream.indirect.gather [hbm4b:s4+s31], $0x80, s21, s31, $0xb8;
	[tilespmem:$0x1E800] =	vst v63  }
0x1cb: {  	_ =	swait.ge [sflag:s2], $0x4000  }
0x1cc: {  	[sflag:s2] =	ssyncset.done $0x0  }
0x1cd: {  	s23 =	sadd.s32 $0x15400, s20;
	[sflag:s2] =	ssyncadd.s32 $0xFFFFC000  }
0x1ce: {  	[spmem:s1] =	stream.indirect.scatter.add.f32 [tilespmem:s0], [sflag:$0x3], $0x80, s23, s31, $0xb8;
	[tilespmem:$0x1E800] =	vst v63  }
0x1cf: {  	_ =	swait.ge [sflag:s28], $0x4000  }
0x1d0: {  	[sflag:s28] =	ssyncset.done $0x0  }
0x1d1: {  	s24 =	sadd.s32 $0x14100, s20;
	[sflag:s28] =	ssyncadd.s32 $0xFFFFC000  }
0x1d2: {  	[tilespmem:s0], [sflag:$0x1] =	stream.indirect.gather [hbm4b:s4+s31], $0x80, s24, s31, $0xb8;
	[tilespmem:$0x1E800] =	vst v63  }
0x1d3: {  	_ =	swait.ge [sflag:s8], $0x4000  }
0x1d4: {  	[sflag:s8] =	ssyncset.done $0x0  }
0x1d5: {  	s22 =	sadd.s32 $0x15480, s20;
	[sflag:s8] =	ssyncadd.s32 $0xFFFFC000  }
0x1d6: {  	[spmem:s1] =	stream.indirect.scatter.add.f32 [tilespmem:s3], [sflag:$0x3], $0x80, s22, s31, $0xb8;
	[tilespmem:$0x1E800] =	vst v63  }
0x1d7: {  	_ =	swait.ge [sflag:s28], $0x4000  }
0x1d8: {  	[sflag:s28] =	ssyncset.done $0x0  }
0x1d9: {  	[sflag:s28] =	ssyncadd.s32 $0xFFFFC000  }
0x1da: {  	[tilespmem:s3], [sflag:$0x2] =	stream.indirect.gather [hbm4b:s4+s31], $0x80, s10, s31, $0xb8;
	[tilespmem:$0x1E800] =	vst v63  }
0x1db: {  	_ =	swait.ge [sflag:s2], $0x4000  }
0x1dc: {  	[sflag:s2] =	ssyncset.done $0x0  }
0x1dd: {  	[sflag:s2] =	ssyncadd.s32 $0xFFFFC000  }
0x1de: {  	[spmem:s1] =	stream.indirect.scatter.add.f32 [tilespmem:s0], [sflag:$0x3], $0x80, s12, s31, $0xb8;
	[tilespmem:$0x1E800] =	vst v63  }
0x1df: {  	_ =	swait.ge [sflag:s28], $0x4000  }
0x1e0: {  	[sflag:s28] =	ssyncset.done $0x0  }
0x1e1: {  	[sflag:s28] =	ssyncadd.s32 $0xFFFFC000  }
0x1e2: {  	_ =	swait.ge [sflag:s8], $0x4000  }
0x1e3: {  	[sflag:s8] =	ssyncset.done $0x0  }
0x1e4: {  	[sflag:s8] =	ssyncadd.s32 $0xFFFFC000  }
0x1e5: {  	[spmem:s1] =	stream.indirect.scatter.add.f32 [tilespmem:s3], [sflag:$0x3], $0x80, s13, s31, $0xb8;
	[tilespmem:$0x1E800] =	vst v63  }
0x1e6: {  	_ =	swait.ge [sflag:s28], $0x4000  }
0x1e7: {  	[sflag:s28] =	ssyncset.done $0x0  }
0x1e8: {  	s23 =	simm.s32 $0x0;
	s24 =	rddreg [dreg:$0x8];
	[sflag:s28] =	ssyncadd.s32 $0xFFFFC000  }
0x1e9: {  	[tilespmem:s29], [sflag:$0x3] =	stream.linear.gather [hbm4b:s24+s23], $0x1400, $0x38;
	[tilespmem:$0x1E800] =	vst v63  }
0x1ea: {  	_ =	swait.ge [sflag:s28], $0x1400  }
0x1eb: {  	[sflag:s28] =	ssyncset.done $0x0  }
0x1ec: {  	[sflag:s28] =	ssyncadd.s32 $0xFFFFEC00  }
0x1ed: {  	[tilespmem:s30], [sflag:$0x3] =	stream.linear.gather [hbm4b:s11+s23], $0x1400, $0x38;
	[tilespmem:$0x1E800] =	vst v63  }
0x1ee: {  	_ =	swait.ge [sflag:s28], $0x1400  }
0x1ef: {  	[sflag:s28] =	ssyncset.done $0x0  }
0x1f0: {  	[sflag:s28] =	ssyncadd.s32 $0xFFFFEC00  }
0x1f1: {  	[tilespmem:s0], [sflag:$0x1] =	stream.indirect.gather [hbm4b:s4+s31], $0x80, s29, s31, $0xb8;
	[tilespmem:$0x1E800] =	vst v63  }
0x1f2: {  	s21 =	simm.s32 $0x14080  }
0x1f3: {  	[tilespmem:s3], [sflag:$0x2] =	stream.indirect.gather [hbm4b:s4+s31], $0x80, s21, s31, $0xb8;
	[tilespmem:$0x1E800] =	vst v63  }
0x1f4: {  	_ =	swait.ge [sflag:s2], $0x4000  }
0x1f5: {  	[sflag:s2] =	ssyncset.done $0x0  }
0x1f6: {  	s22 =	simm.s32 $0x15400;
	[sflag:s2] =	ssyncadd.s32 $0xFFFFC000  }
0x1f7: {  	[spmem:s1] =	stream.indirect.scatter.add.f32 [tilespmem:s0], [sflag:$0x3], $0x80, s22, s31, $0xb8;
	[tilespmem:$0x1E800] =	vst v63  }
0x1f8: {  	_ =	swait.ge [sflag:s28], $0x4000  }
0x1f9: {  	[sflag:s28] =	ssyncset.done $0x0  }
0x1fa: {  	s23 =	simm.s32 $0x14100;
	[sflag:s28] =	ssyncadd.s32 $0xFFFFC000  }
0x1fb: {  	[tilespmem:s0], [sflag:$0x1] =	stream.indirect.gather [hbm4b:s4+s31], $0x80, s23, s31, $0xb8;
	[tilespmem:$0x1E800] =	vst v63  }
0x1fc: {  	_ =	swait.ge [sflag:s8], $0x4000  }
0x1fd: {  	[sflag:s8] =	ssyncset.done $0x0  }
0x1fe: {  	s24 =	simm.s32 $0x15480;
	[sflag:s8] =	ssyncadd.s32 $0xFFFFC000  }
0x1ff: {  	[spmem:s1] =	stream.indirect.scatter.add.f32 [tilespmem:s3], [sflag:$0x3], $0x80, s24, s31, $0xb8;
	[tilespmem:$0x1E800] =	vst v63  }
0x200: {  	_ =	swait.ge [sflag:s28], $0x4000  }
0x201: {  	s20 =	simm.s32 $0x100;
	s21 =	simm.s32 $0x800;
	[sflag:s28] =	ssyncset.done $0x0  }
.LBB2_12:
0x202: {  	s22 =	sadd.s32 $0x14080, s20  }
0x203: {  	[sflag:s28] =	ssyncadd.s32 $0xFFFFC000;
	s23 =	smov.u32 s21;
	s24 =	sadd.s32 $0x400, s21  }
0x204: {  	[tilespmem:s3], [sflag:$0x2] =	stream.indirect.gather [hbm4b:s4+s31], $0x80, s22, s31, $0xb8;
	[tilespmem:$0x1E800] =	vst v63  }
0x205: {  	p0 =	sne.s32 s21, $0x4800;
	_ =	swait.ge [sflag:s2], $0x4000  }
0x206: {  	[sflag:s2] =	ssyncset.done $0x0  }
0x207: {  	s21 =	sadd.s32 $0x15400, s20;
	[sflag:s2] =	ssyncadd.s32 $0xFFFFC000  }
0x208: {  	[spmem:s1] =	stream.indirect.scatter.add.f32 [tilespmem:s0], [sflag:$0x3], $0x80, s21, s31, $0xb8;
	[tilespmem:$0x1E800] =	vst v63  }
0x209: {  	_ =	swait.ge [sflag:s28], $0x4000  }
0x20a: {  	[sflag:s28] =	ssyncset.done $0x0  }
0x20b: {  	s21 =	sadd.s32 $0x14100, s20;
	[sflag:s28] =	ssyncadd.s32 $0xFFFFC000  }
0x20c: {  	[tilespmem:s0], [sflag:$0x1] =	stream.indirect.gather [hbm4b:s4+s31], $0x80, s21, s31, $0xb8;
	[tilespmem:$0x1E800] =	vst v63  }
0x20d: {  	_ =	swait.ge [sflag:s8], $0x4000  }
.Ltmp5:
0x20e: {  	[sflag:s8] =	ssyncset.done $0x0;
	(pc) =	sbr.rel @p0 .LBB2_12-.Ltmp5, $4  }
0x20f: {  	s20 =	sadd.s32 $0x15480, s20;
	[sflag:s8] =	ssyncadd.s32 $0xFFFFC000  }
0x210: {  	[spmem:s1] =	stream.indirect.scatter.add.f32 [tilespmem:s3], [sflag:$0x3], $0x80, s20, s31, $0xb8;
	[tilespmem:$0x1E800] =	vst v63  }
0x211: {  	_ =	swait.ge [sflag:s28], $0x4000  }
0x212: {  	s21 =	smov.u32 s24;
	s20 =	sshra.s32 s23, $0x2;
	[sflag:s28] =	ssyncset.done $0x0  }
0x213: {  	s21 =	sadd.s32 $0x14080, s20;
	[sflag:s28] =	ssyncadd.s32 $0xFFFFC000  }
0x214: {  	[tilespmem:s3], [sflag:$0x2] =	stream.indirect.gather [hbm4b:s4+s31], $0x80, s21, s31, $0xb8;
	[tilespmem:$0x1E800] =	vst v63  }
0x215: {  	_ =	swait.ge [sflag:s2], $0x4000  }
0x216: {  	[sflag:s2] =	ssyncset.done $0x0  }
0x217: {  	s24 =	sadd.s32 $0x15400, s20;
	[sflag:s2] =	ssyncadd.s32 $0xFFFFC000  }
0x218: {  	[spmem:s1] =	stream.indirect.scatter.add.f32 [tilespmem:s0], [sflag:$0x3], $0x80, s24, s31, $0xb8;
	[tilespmem:$0x1E800] =	vst v63  }
0x219: {  	_ =	swait.ge [sflag:s28], $0x4000  }
0x21a: {  	[sflag:s28] =	ssyncset.done $0x0  }
0x21b: {  	s22 =	sadd.s32 $0x14100, s20;
	[sflag:s28] =	ssyncadd.s32 $0xFFFFC000  }
0x21c: {  	[tilespmem:s0], [sflag:$0x1] =	stream.indirect.gather [hbm4b:s4+s31], $0x80, s22, s31, $0xb8;
	[tilespmem:$0x1E800] =	vst v63  }
0x21d: {  	_ =	swait.ge [sflag:s8], $0x4000  }
0x21e: {  	[sflag:s8] =	ssyncset.done $0x0  }
0x21f: {  	s23 =	sadd.s32 $0x15480, s20;
	[sflag:s8] =	ssyncadd.s32 $0xFFFFC000  }
0x220: {  	[spmem:s1] =	stream.indirect.scatter.add.f32 [tilespmem:s3], [sflag:$0x3], $0x80, s23, s31, $0xb8;
	[tilespmem:$0x1E800] =	vst v63  }
0x221: {  	_ =	swait.ge [sflag:s28], $0x4000  }
0x222: {  	[sflag:s28] =	ssyncset.done $0x0  }
0x223: {  	[sflag:s28] =	ssyncadd.s32 $0xFFFFC000  }
0x224: {  	[tilespmem:s3], [sflag:$0x2] =	stream.indirect.gather [hbm4b:s4+s31], $0x80, s10, s31, $0xb8;
	[tilespmem:$0x1E800] =	vst v63  }
0x225: {  	_ =	swait.ge [sflag:s2], $0x4000  }
0x226: {  	[sflag:s2] =	ssyncset.done $0x0  }
0x227: {  	[sflag:s2] =	ssyncadd.s32 $0xFFFFC000  }
0x228: {  	[spmem:s1] =	stream.indirect.scatter.add.f32 [tilespmem:s0], [sflag:$0x3], $0x80, s12, s31, $0xb8;
	[tilespmem:$0x1E800] =	vst v63  }
0x229: {  	_ =	swait.ge [sflag:s28], $0x4000  }
0x22a: {  	[sflag:s28] =	ssyncset.done $0x0  }
0x22b: {  	[sflag:s28] =	ssyncadd.s32 $0xFFFFC000  }
0x22c: {  	_ =	swait.ge [sflag:s8], $0x4000  }
0x22d: {  	[sflag:s8] =	ssyncset.done $0x0  }
0x22e: {  	[sflag:s8] =	ssyncadd.s32 $0xFFFFC000  }
0x22f: {  	[spmem:s1] =	stream.indirect.scatter.add.f32 [tilespmem:s3], [sflag:$0x3], $0x80, s13, s31, $0xb8;
	[tilespmem:$0x1E800] =	vst v63  }
0x230: {  	_ =	swait.ge [sflag:s28], $0x4000  }
0x231: {  	[sflag:s28] =	ssyncset.done $0x0  }
0x232: {  	[sflag:s28] =	ssyncadd.s32 $0xFFFFC000  }
0x233: {  	[bflag:$0x0] =	sbarrier.arrive $0xFFFF  }
0x234: {  	s24 =	rddreg [dreg:$0xf]  }
0x235: {  	[hbm:s24], [sflag:s7] =	dma.local [spmem:s15], $0x2800  }
0x236: {  	_ =	swait.ge [sflag:s28], $0x2800  }
0x237: {  	[sflag:s28] =	ssyncset.done $0x0  }
0x238: {  	[sflag:s28] =	ssyncadd.s32 $0xFFFFD800  }
0x239: {  	[bflag:$0x0] =	sbarrier.arrive $0xFFFF  }
0x23a: {  	[spmem:s15], [sflag:s7] =	dma.local [hbm:s5], $0x800  }
0x23b: {  	_ =	swait.ge [sflag:s28], $0x800  }
0x23c: {  	[sflag:s28] =	ssyncset.done $0x0  }
0x23d: {  	[sflag:s28] =	ssyncadd.s32 $0xFFFFF800  }
0x23e: {  	[spmem:s16], [sflag:s7] =	dma.local [hbm:s5], $0x800  }
0x23f: {  	_ =	swait.ge [sflag:s28], $0x800  }
0x240: {  	[sflag:s28] =	ssyncset.done $0x0  }
0x241: {  	[sflag:s28] =	ssyncadd.s32 $0xFFFFF800  }
0x242: {  	[spmem:s17], [sflag:s7] =	dma.local [hbm:s5], $0x800  }
0x243: {  	_ =	swait.ge [sflag:s28], $0x800  }
0x244: {  	[sflag:s28] =	ssyncset.done $0x0  }
0x245: {  	[sflag:s28] =	ssyncadd.s32 $0xFFFFF800  }
0x246: {  	[spmem:s18], [sflag:s7] =	dma.local [hbm:s5], $0x800  }
0x247: {  	_ =	swait.ge [sflag:s28], $0x800  }
0x248: {  	[sflag:s28] =	ssyncset.done $0x0  }
0x249: {  	[sflag:s28] =	ssyncadd.s32 $0xFFFFF800  }
0x24a: {  	[spmem:s19], [sflag:s7] =	dma.local [hbm:s5], $0x800  }
0x24b: {  	_ =	swait.ge [sflag:s28], $0x800  }
0x24c: {  	[sflag:s28] =	ssyncset.done $0x0  }
0x24d: {  	[sflag:s28] =	ssyncadd.s32 $0xFFFFF800  }
0x24e: {  	[bflag:$0x0] =	sbarrier.arrive $0xFFFF  }
0x24f: {  	s19 =	simm.s32 $0x0;
	s20 =	rddreg [dreg:$0x9]  }
0x250: {  	[tilespmem:s29], [sflag:$0x3] =	stream.linear.gather [hbm4b:s20+s19], $0x1400, $0x38;
	[tilespmem:$0x1E800] =	vst v63  }
0x251: {  	_ =	swait.ge [sflag:s28], $0x1400  }
0x252: {  	[sflag:s28] =	ssyncset.done $0x0  }
0x253: {  	[sflag:s28] =	ssyncadd.s32 $0xFFFFEC00  }
0x254: {  	[tilespmem:s30], [sflag:$0x3] =	stream.linear.gather [hbm4b:s9+s19], $0x1400, $0x38;
	[tilespmem:$0x1E800] =	vst v63  }
0x255: {  	_ =	swait.ge [sflag:s28], $0x1400  }
0x256: {  	[sflag:s28] =	ssyncset.done $0x0  }
0x257: {  	[sflag:s28] =	ssyncadd.s32 $0xFFFFEC00  }
0x258: {  	[tilespmem:s0], [sflag:$0x1] =	stream.indirect.gather [hbm4b:s4+s31], $0x80, s29, s31, $0xb8;
	[tilespmem:$0x1E800] =	vst v63  }
0x259: {  	s21 =	simm.s32 $0x14080  }
0x25a: {  	[tilespmem:s3], [sflag:$0x2] =	stream.indirect.gather [hbm4b:s4+s31], $0x80, s21, s31, $0xb8;
	[tilespmem:$0x1E800] =	vst v63  }
0x25b: {  	_ =	swait.ge [sflag:s2], $0x4000  }
0x25c: {  	[sflag:s2] =	ssyncset.done $0x0  }
0x25d: {  	s22 =	simm.s32 $0x15400;
	[sflag:s2] =	ssyncadd.s32 $0xFFFFC000  }
0x25e: {  	[spmem:s1] =	stream.indirect.scatter.add.f32 [tilespmem:s0], [sflag:$0x3], $0x80, s22, s31, $0xb8;
	[tilespmem:$0x1E800] =	vst v63  }
0x25f: {  	_ =	swait.ge [sflag:s28], $0x4000  }
0x260: {  	[sflag:s28] =	ssyncset.done $0x0  }
0x261: {  	s23 =	simm.s32 $0x14100;
	[sflag:s28] =	ssyncadd.s32 $0xFFFFC000  }
0x262: {  	[tilespmem:s0], [sflag:$0x1] =	stream.indirect.gather [hbm4b:s4+s31], $0x80, s23, s31, $0xb8;
	[tilespmem:$0x1E800] =	vst v63  }
0x263: {  	_ =	swait.ge [sflag:s8], $0x4000  }
0x264: {  	[sflag:s8] =	ssyncset.done $0x0  }
0x265: {  	s24 =	simm.s32 $0x15480;
	[sflag:s8] =	ssyncadd.s32 $0xFFFFC000  }
0x266: {  	[spmem:s1] =	stream.indirect.scatter.add.f32 [tilespmem:s3], [sflag:$0x3], $0x80, s24, s31, $0xb8;
	[tilespmem:$0x1E800] =	vst v63  }
0x267: {  	_ =	swait.ge [sflag:s28], $0x4000  }
0x268: {  	s16 =	simm.s32 $0x100;
	s17 =	simm.s32 $0x800;
	[sflag:s28] =	ssyncset.done $0x0  }
.LBB2_14:
0x269: {  	s18 =	sadd.s32 $0x14080, s16  }
0x26a: {  	[sflag:s28] =	ssyncadd.s32 $0xFFFFC000;
	s19 =	smov.u32 s17;
	s20 =	sadd.s32 $0x400, s17  }
0x26b: {  	[tilespmem:s3], [sflag:$0x2] =	stream.indirect.gather [hbm4b:s4+s31], $0x80, s18, s31, $0xb8;
	[tilespmem:$0x1E800] =	vst v63  }
0x26c: {  	p0 =	sne.s32 s17, $0x4800;
	_ =	swait.ge [sflag:s2], $0x4000  }
0x26d: {  	[sflag:s2] =	ssyncset.done $0x0  }
0x26e: {  	s17 =	sadd.s32 $0x15400, s16;
	[sflag:s2] =	ssyncadd.s32 $0xFFFFC000  }
0x26f: {  	[spmem:s1] =	stream.indirect.scatter.add.f32 [tilespmem:s0], [sflag:$0x3], $0x80, s17, s31, $0xb8;
	[tilespmem:$0x1E800] =	vst v63  }
0x270: {  	_ =	swait.ge [sflag:s28], $0x4000  }
0x271: {  	[sflag:s28] =	ssyncset.done $0x0  }
0x272: {  	s17 =	sadd.s32 $0x14100, s16;
	[sflag:s28] =	ssyncadd.s32 $0xFFFFC000  }
0x273: {  	[tilespmem:s0], [sflag:$0x1] =	stream.indirect.gather [hbm4b:s4+s31], $0x80, s17, s31, $0xb8;
	[tilespmem:$0x1E800] =	vst v63  }
0x274: {  	_ =	swait.ge [sflag:s8], $0x4000  }
.Ltmp6:
0x275: {  	[sflag:s8] =	ssyncset.done $0x0;
	(pc) =	sbr.rel @p0 .LBB2_14-.Ltmp6, $4  }
0x276: {  	s16 =	sadd.s32 $0x15480, s16;
	[sflag:s8] =	ssyncadd.s32 $0xFFFFC000  }
0x277: {  	[spmem:s1] =	stream.indirect.scatter.add.f32 [tilespmem:s3], [sflag:$0x3], $0x80, s16, s31, $0xb8;
	[tilespmem:$0x1E800] =	vst v63  }
0x278: {  	_ =	swait.ge [sflag:s28], $0x4000  }
0x279: {  	s17 =	smov.u32 s20;
	s16 =	sshra.s32 s19, $0x2;
	[sflag:s28] =	ssyncset.done $0x0  }
0x27a: {  	s17 =	sadd.s32 $0x14080, s16;
	[sflag:s28] =	ssyncadd.s32 $0xFFFFC000  }
0x27b: {  	[tilespmem:s3], [sflag:$0x2] =	stream.indirect.gather [hbm4b:s4+s31], $0x80, s17, s31, $0xb8;
	[tilespmem:$0x1E800] =	vst v63  }
0x27c: {  	_ =	swait.ge [sflag:s2], $0x4000  }
0x27d: {  	[sflag:s2] =	ssyncset.done $0x0  }
0x27e: {  	s23 =	sadd.s32 $0x15400, s16;
	[sflag:s2] =	ssyncadd.s32 $0xFFFFC000  }
0x27f: {  	[spmem:s1] =	stream.indirect.scatter.add.f32 [tilespmem:s0], [sflag:$0x3], $0x80, s23, s31, $0xb8;
	[tilespmem:$0x1E800] =	vst v63  }
0x280: {  	_ =	swait.ge [sflag:s28], $0x4000  }
0x281: {  	[sflag:s28] =	ssyncset.done $0x0  }
0x282: {  	s24 =	sadd.s32 $0x14100, s16;
	[sflag:s28] =	ssyncadd.s32 $0xFFFFC000  }
0x283: {  	[tilespmem:s0], [sflag:$0x1] =	stream.indirect.gather [hbm4b:s4+s31], $0x80, s24, s31, $0xb8;
	[tilespmem:$0x1E800] =	vst v63  }
0x284: {  	_ =	swait.ge [sflag:s8], $0x4000  }
0x285: {  	[sflag:s8] =	ssyncset.done $0x0  }
0x286: {  	s18 =	sadd.s32 $0x15480, s16;
	[sflag:s8] =	ssyncadd.s32 $0xFFFFC000  }
0x287: {  	[spmem:s1] =	stream.indirect.scatter.add.f32 [tilespmem:s3], [sflag:$0x3], $0x80, s18, s31, $0xb8;
	[tilespmem:$0x1E800] =	vst v63  }
0x288: {  	_ =	swait.ge [sflag:s28], $0x4000  }
0x289: {  	[sflag:s28] =	ssyncset.done $0x0  }
0x28a: {  	[sflag:s28] =	ssyncadd.s32 $0xFFFFC000  }
0x28b: {  	[tilespmem:s3], [sflag:$0x2] =	stream.indirect.gather [hbm4b:s4+s31], $0x80, s10, s31, $0xb8;
	[tilespmem:$0x1E800] =	vst v63  }
0x28c: {  	_ =	swait.ge [sflag:s2], $0x4000  }
0x28d: {  	[sflag:s2] =	ssyncset.done $0x0  }
0x28e: {  	[sflag:s2] =	ssyncadd.s32 $0xFFFFC000  }
0x28f: {  	[spmem:s1] =	stream.indirect.scatter.add.f32 [tilespmem:s0], [sflag:$0x3], $0x80, s12, s31, $0xb8;
	[tilespmem:$0x1E800] =	vst v63  }
0x290: {  	_ =	swait.ge [sflag:s28], $0x4000  }
0x291: {  	[sflag:s28] =	ssyncset.done $0x0  }
0x292: {  	[sflag:s28] =	ssyncadd.s32 $0xFFFFC000  }
0x293: {  	_ =	swait.ge [sflag:s8], $0x4000  }
0x294: {  	[sflag:s8] =	ssyncset.done $0x0  }
0x295: {  	[sflag:s8] =	ssyncadd.s32 $0xFFFFC000  }
0x296: {  	[spmem:s1] =	stream.indirect.scatter.add.f32 [tilespmem:s3], [sflag:$0x3], $0x80, s13, s31, $0xb8;
	[tilespmem:$0x1E800] =	vst v63  }
0x297: {  	_ =	swait.ge [sflag:s28], $0x4000  }
0x298: {  	[sflag:s28] =	ssyncset.done $0x0  }
0x299: {  	s19 =	simm.s32 $0x0;
	s20 =	rddreg [dreg:$0xa];
	[sflag:s28] =	ssyncadd.s32 $0xFFFFC000  }
0x29a: {  	[tilespmem:s29], [sflag:$0x3] =	stream.linear.gather [hbm4b:s20+s19], $0x1400, $0x38;
	[tilespmem:$0x1E800] =	vst v63  }
0x29b: {  	_ =	swait.ge [sflag:s28], $0x1400  }
0x29c: {  	[sflag:s28] =	ssyncset.done $0x0  }
0x29d: {  	[sflag:s28] =	ssyncadd.s32 $0xFFFFEC00  }
0x29e: {  	[tilespmem:s30], [sflag:$0x3] =	stream.linear.gather [hbm4b:s11+s19], $0x1400, $0x38;
	[tilespmem:$0x1E800] =	vst v63  }
0x29f: {  	_ =	swait.ge [sflag:s28], $0x1400  }
0x2a0: {  	[sflag:s28] =	ssyncset.done $0x0  }
0x2a1: {  	[sflag:s28] =	ssyncadd.s32 $0xFFFFEC00  }
0x2a2: {  	[tilespmem:s0], [sflag:$0x1] =	stream.indirect.gather [hbm4b:s4+s31], $0x80, s29, s31, $0xb8;
	[tilespmem:$0x1E800] =	vst v63  }
0x2a3: {  	s21 =	simm.s32 $0x14080  }
0x2a4: {  	[tilespmem:s3], [sflag:$0x2] =	stream.indirect.gather [hbm4b:s4+s31], $0x80, s21, s31, $0xb8;
	[tilespmem:$0x1E800] =	vst v63  }
0x2a5: {  	_ =	swait.ge [sflag:s2], $0x4000  }
0x2a6: {  	[sflag:s2] =	ssyncset.done $0x0  }
0x2a7: {  	s22 =	simm.s32 $0x15400;
	[sflag:s2] =	ssyncadd.s32 $0xFFFFC000  }
0x2a8: {  	[spmem:s1] =	stream.indirect.scatter.add.f32 [tilespmem:s0], [sflag:$0x3], $0x80, s22, s31, $0xb8;
	[tilespmem:$0x1E800] =	vst v63  }
0x2a9: {  	_ =	swait.ge [sflag:s28], $0x4000  }
0x2aa: {  	[sflag:s28] =	ssyncset.done $0x0  }
0x2ab: {  	s23 =	simm.s32 $0x14100;
	[sflag:s28] =	ssyncadd.s32 $0xFFFFC000  }
0x2ac: {  	[tilespmem:s0], [sflag:$0x1] =	stream.indirect.gather [hbm4b:s4+s31], $0x80, s23, s31, $0xb8;
	[tilespmem:$0x1E800] =	vst v63  }
0x2ad: {  	_ =	swait.ge [sflag:s8], $0x4000  }
0x2ae: {  	[sflag:s8] =	ssyncset.done $0x0  }
0x2af: {  	s24 =	simm.s32 $0x15480;
	[sflag:s8] =	ssyncadd.s32 $0xFFFFC000  }
0x2b0: {  	[spmem:s1] =	stream.indirect.scatter.add.f32 [tilespmem:s3], [sflag:$0x3], $0x80, s24, s31, $0xb8;
	[tilespmem:$0x1E800] =	vst v63  }
0x2b1: {  	_ =	swait.ge [sflag:s28], $0x4000  }
0x2b2: {  	s16 =	simm.s32 $0x100;
	s17 =	simm.s32 $0x800;
	[sflag:s28] =	ssyncset.done $0x0  }
.LBB2_16:
0x2b3: {  	s18 =	sadd.s32 $0x14080, s16  }
0x2b4: {  	[sflag:s28] =	ssyncadd.s32 $0xFFFFC000;
	s19 =	smov.u32 s17;
	s20 =	sadd.s32 $0x400, s17  }
0x2b5: {  	[tilespmem:s3], [sflag:$0x2] =	stream.indirect.gather [hbm4b:s4+s31], $0x80, s18, s31, $0xb8;
	[tilespmem:$0x1E800] =	vst v63  }
0x2b6: {  	p0 =	sne.s32 s17, $0x4800;
	_ =	swait.ge [sflag:s2], $0x4000  }
0x2b7: {  	[sflag:s2] =	ssyncset.done $0x0  }
0x2b8: {  	s17 =	sadd.s32 $0x15400, s16;
	[sflag:s2] =	ssyncadd.s32 $0xFFFFC000  }
0x2b9: {  	[spmem:s1] =	stream.indirect.scatter.add.f32 [tilespmem:s0], [sflag:$0x3], $0x80, s17, s31, $0xb8;
	[tilespmem:$0x1E800] =	vst v63  }
0x2ba: {  	_ =	swait.ge [sflag:s28], $0x4000  }
0x2bb: {  	[sflag:s28] =	ssyncset.done $0x0  }
0x2bc: {  	s17 =	sadd.s32 $0x14100, s16;
	[sflag:s28] =	ssyncadd.s32 $0xFFFFC000  }
0x2bd: {  	[tilespmem:s0], [sflag:$0x1] =	stream.indirect.gather [hbm4b:s4+s31], $0x80, s17, s31, $0xb8;
	[tilespmem:$0x1E800] =	vst v63  }
0x2be: {  	_ =	swait.ge [sflag:s8], $0x4000  }
.Ltmp7:
0x2bf: {  	[sflag:s8] =	ssyncset.done $0x0;
	(pc) =	sbr.rel @p0 .LBB2_16-.Ltmp7, $4  }
0x2c0: {  	s16 =	sadd.s32 $0x15480, s16;
	[sflag:s8] =	ssyncadd.s32 $0xFFFFC000  }
0x2c1: {  	[spmem:s1] =	stream.indirect.scatter.add.f32 [tilespmem:s3], [sflag:$0x3], $0x80, s16, s31, $0xb8;
	[tilespmem:$0x1E800] =	vst v63  }
0x2c2: {  	_ =	swait.ge [sflag:s28], $0x4000  }
0x2c3: {  	s17 =	smov.u32 s20;
	s16 =	sshra.s32 s19, $0x2;
	[sflag:s28] =	ssyncset.done $0x0  }
0x2c4: {  	s17 =	sadd.s32 $0x14080, s16;
	[sflag:s28] =	ssyncadd.s32 $0xFFFFC000  }
0x2c5: {  	[tilespmem:s3], [sflag:$0x2] =	stream.indirect.gather [hbm4b:s4+s31], $0x80, s17, s31, $0xb8;
	[tilespmem:$0x1E800] =	vst v63  }
0x2c6: {  	_ =	swait.ge [sflag:s2], $0x4000  }
0x2c7: {  	[sflag:s2] =	ssyncset.done $0x0  }
0x2c8: {  	s21 =	sadd.s32 $0x15400, s16;
	[sflag:s2] =	ssyncadd.s32 $0xFFFFC000  }
0x2c9: {  	[spmem:s1] =	stream.indirect.scatter.add.f32 [tilespmem:s0], [sflag:$0x3], $0x80, s21, s31, $0xb8;
	[tilespmem:$0x1E800] =	vst v63  }
0x2ca: {  	_ =	swait.ge [sflag:s28], $0x4000  }
0x2cb: {  	[sflag:s28] =	ssyncset.done $0x0  }
0x2cc: {  	s22 =	sadd.s32 $0x14100, s16;
	[sflag:s28] =	ssyncadd.s32 $0xFFFFC000  }
0x2cd: {  	[tilespmem:s0], [sflag:$0x1] =	stream.indirect.gather [hbm4b:s4+s31], $0x80, s22, s31, $0xb8;
	[tilespmem:$0x1E800] =	vst v63  }
0x2ce: {  	_ =	swait.ge [sflag:s8], $0x4000  }
0x2cf: {  	[sflag:s8] =	ssyncset.done $0x0  }
0x2d0: {  	s23 =	sadd.s32 $0x15480, s16;
	[sflag:s8] =	ssyncadd.s32 $0xFFFFC000  }
0x2d1: {  	[spmem:s1] =	stream.indirect.scatter.add.f32 [tilespmem:s3], [sflag:$0x3], $0x80, s23, s31, $0xb8;
	[tilespmem:$0x1E800] =	vst v63  }
0x2d2: {  	_ =	swait.ge [sflag:s28], $0x4000  }
0x2d3: {  	[sflag:s28] =	ssyncset.done $0x0  }
0x2d4: {  	[sflag:s28] =	ssyncadd.s32 $0xFFFFC000  }
0x2d5: {  	[tilespmem:s3], [sflag:$0x2] =	stream.indirect.gather [hbm4b:s4+s31], $0x80, s10, s31, $0xb8;
	[tilespmem:$0x1E800] =	vst v63  }
0x2d6: {  	_ =	swait.ge [sflag:s2], $0x4000  }
0x2d7: {  	[sflag:s2] =	ssyncset.done $0x0  }
0x2d8: {  	[sflag:s2] =	ssyncadd.s32 $0xFFFFC000  }
0x2d9: {  	[spmem:s1] =	stream.indirect.scatter.add.f32 [tilespmem:s0], [sflag:$0x3], $0x80, s12, s31, $0xb8;
	[tilespmem:$0x1E800] =	vst v63  }
0x2da: {  	_ =	swait.ge [sflag:s28], $0x4000  }
0x2db: {  	[sflag:s28] =	ssyncset.done $0x0  }
0x2dc: {  	[sflag:s28] =	ssyncadd.s32 $0xFFFFC000  }
0x2dd: {  	_ =	swait.ge [sflag:s8], $0x4000  }
0x2de: {  	[sflag:s8] =	ssyncset.done $0x0  }
0x2df: {  	[sflag:s8] =	ssyncadd.s32 $0xFFFFC000  }
0x2e0: {  	[spmem:s1] =	stream.indirect.scatter.add.f32 [tilespmem:s3], [sflag:$0x3], $0x80, s13, s31, $0xb8;
	[tilespmem:$0x1E800] =	vst v63  }
0x2e1: {  	_ =	swait.ge [sflag:s28], $0x4000  }
0x2e2: {  	[sflag:s28] =	ssyncset.done $0x0  }
0x2e3: {  	[sflag:s28] =	ssyncadd.s32 $0xFFFFC000  }
0x2e4: {  	s14 =	sadd.s32 $0x1, s14;
	[bflag:$0x0] =	sbarrier.arrive $0xFFFF  }
0x2e5: {  	p0 =	sne.s32 s14, s25;
	s24 =	rddreg [dreg:$0x10]  }
0x2e6: {  	[hbm:s24], [sflag:s7] =	dma.local [spmem:s15], $0x2800  }
.Ltmp8:
0x2e7: {  	_ =	swait.ge [sflag:s28], $0x2800;
	(pc) =	sbr.rel @p0 .LBB2_1-.Ltmp8, $3  }
0x2e8: {  	[sflag:s28] =	ssyncset.done $0x0  }
0x2e9: {  	[sflag:s28] =	ssyncadd.s32 $0xFFFFD800  }
0x2ea: {  	[bflag:$0x0] =	sbarrier.arrive $0xFFFF;
	_ =	sdelay $0x1  }
0x2eb: {  	_ =	sfence.sel $0x180000  }
0x2ec: {  	[bflag:$0x0] =	sbarrier.arrive $0xFFFF  }
0x2ed: {  	_ =	strace $0x9000004D  }
0x2ee: {  	s0 =	stileid.u32;
	[bflag:$0x2] =	sbarrier.arrive $0xFFFF  }
0x2ef: {  	p0 =	sne.s32 s0, $0x0;
	s0 =	rddreg [dreg:$0x2]  }
0x2f0: {  	s0 =	sadd.s32 @!p0 $0x100000, s0  }
0x2f1: {  	[sflag:s0] =	ssyncadd.tile.s32 @!p0 $0x1;
	_ =	shalt  }
.Lfunc_end2:
_tile_overlayer_lowered:
.L_overlay_start_2:
0x2f2: {  	(tag) =	ssettag $0x2  }
0x2f3: {  	s0 =	rddreg [dreg:$0x0];
	s2 =	stileid.u32  }
0x2f4: {  	s1 =	rddreg [dreg:$0x1];
	p0 =	sne.s32 s2, $0x0  }
0x2f5: {  	s3 =	rddreg [dreg:$0x2];
	[bflag:$0x3] =	sbarrier.arrive $0xFFFF;
	s2 =	simm.s32 @!p0 $0x1C03  }
0x2f6: {  	[timem:s3], [sflag:s2] =	dma.local @!p0 [hbm:s0], s1  }
0x2f7: {  	s0 =	simm.s32 @!p0 $0x3  }
0x2f8: {  	_ =	swait.ge @!p0 [sflag:s0], s1  }
0x2f9: {  	s1 =	ssub.s32 @!p0 $0x0, s1;
	[sflag:s0] =	ssyncset.done @!p0 $0x0  }
0x2fa: {  	[sflag:s0] =	ssyncadd.s32 @!p0 s1  }
0x2fb: {  	[bflag:$0x3] =	sbarrier.arrive $0xFFFF  }
0x2fc: {  	_ =	shalt  }

</sc_bundles>
